<compile_context>
chip_gen: v7x
topology: tpu7x:2x2x1
jax: 0.10.2.dev20260603
libtpu: 0.0.44.dev20260713+nightly
codegen_flags: <defaults>
</compile_context>

<pallas_src>
import functools

import jax
import jax.numpy as jnp
from jax import lax
from jax.experimental import pallas as pl
from jax.experimental.pallas import tpu as pltpu
from jax.experimental.pallas import tpu_sc as plsc


def _make_gather(BATCH: int, HIST: int, D: int, num_workers: int, RB: int):
    b_per_w = BATCH // num_workers
    nchunks = b_per_w // RB
    assert nchunks % 2 == 0
    mesh = plsc.VectorSubcoreMesh(core_axis_name="c", subcore_axis_name="s")
    NC = 2

    @functools.partial(
        pl.kernel,
        mesh=mesh,
        compiler_params=pltpu.CompilerParams(use_tc_tiling_on_sc=False),
        out_type=jax.ShapeDtypeStruct((BATCH, HIST, D), jnp.float32),
        scratch_types=[
            pltpu.VMEM((b_per_w, HIST), jnp.int32),
            pltpu.VMEM((RB, HIST, D), jnp.float32),
            pltpu.VMEM((RB, HIST, D), jnp.float32),
            pltpu.SemaphoreType.DMA,
            pltpu.SemaphoreType.DMA,
            pltpu.SemaphoreType.DMA,
        ],
    )
    def gather_kernel(
        idx_hbm, table_hbm, out_hbm, idx_v, rows0, rows1, gsem, ssem0, ssem1
    ):
        wid = lax.axis_index("s") * NC + lax.axis_index("c")
        batch_base = wid * b_per_w
        pltpu.sync_copy(idx_hbm.at[pl.ds(batch_base, b_per_w)], idx_v)

        bufs = (rows0, rows1)
        ssems = (ssem0, ssem1)

        def chunk(c, rows_v, ssem):
            @pl.when(c >= 2)
            def _():
                pltpu.make_async_copy(
                    rows_v,
                    out_hbm.at[pl.ds(batch_base + (c - 2) * RB, RB)],
                    ssem,
                ).wait()

            for j in range(RB):
                pltpu.async_copy(
                    table_hbm.at[idx_v.at[c * RB + j]], rows_v.at[j], gsem
                )
            for j in range(RB):
                pltpu.make_async_copy(
                    table_hbm.at[idx_v.at[c * RB + j]], rows_v.at[j], gsem
                ).wait()
            pltpu.async_copy(
                rows_v, out_hbm.at[pl.ds(batch_base + c * RB, RB)], ssem
            )

        def body(i, carry):
            chunk(i * 2, rows0, ssem0)
            chunk(i * 2 + 1, rows1, ssem1)
            return carry

        lax.fori_loop(0, nchunks // 2, body, 0)
        for p in range(2):
            c = nchunks - 2 + p
            pltpu.make_async_copy(
                bufs[p], out_hbm.at[pl.ds(batch_base + c * RB, RB)], ssems[p]
            ).wait()

    return gather_kernel


def kernel(ticker_indices, table):
    batch, hist = ticker_indices.shape
    _, d = table.shape
    out = _make_gather(batch, hist, d, num_workers=32, RB=32)(
        ticker_indices.astype(jnp.int32), table
    )
    return out

# --- scband reference (transcript-rebuilt; emitter-appended) ---
"""Pipeline reference for scband-ticker-embedding-58617713656124 (READ-ONLY COPY).

The authoritative reference and input builder live on the scoring server;
editing this copy changes nothing except your own understanding.
"""

import jax, jax.numpy as jnp
import numpy as np

NUM_TICKERS = 1000000
EMBED_DIM = 32
BATCH = 16384
HIST = 50


def setup_inputs(seed: int = 0) -> dict:
    key = jax.random.key(seed)
    k_idx, k_w = jax.random.split(key)
    ticker_indices = jax.random.randint(k_idx, (BATCH, HIST), 0, NUM_TICKERS, dtype=jnp.int64 if jax.config.jax_enable_x64 else jnp.int32)
    # Xavier uniform init for embedding table [num_tickers, embed_dim]
    fan_in, fan_out = NUM_TICKERS, EMBED_DIM
    limit = float(np.sqrt(6.0 / (fan_in + fan_out)))
    table = jax.random.uniform(k_w, (NUM_TICKERS, EMBED_DIM), dtype=jnp.float32, minval=-limit, maxval=limit)
    return {"ticker_indices": ticker_indices, "table": table}


def reference(ticker_indices, table):
    # nn.Embedding forward: gather rows of the table
    return jnp.take(table, ticker_indices, axis=0)

if __name__ == "__main__":
    import jax
    _d = setup_inputs()
    print(jax.jit(kernel)(*tuple(_d.values())))

</pallas_src>

<mosaic_0001>
#map = affine_map<(d0, d1) -> (0, 0)>
#map1 = affine_map<(d0, d1) -> (0, 0, 0)>
module attributes {stable_mosaic.version = 14 : i64} {
  func.func @gather_kernel(%arg0: i32, %arg1: i32, %arg2: memref<16384x50xi32, #tpu.memory_space<hbm>>, %arg3: memref<1000000x32xf32, #tpu.memory_space<hbm>>, %arg4: memref<16384x50x32xf32, #tpu.memory_space<hbm>>, %arg5: memref<512x50xi32, #tpu.memory_space<vmem>>, %arg6: memref<32x50x32xf32, #tpu.memory_space<vmem>>, %arg7: memref<32x50x32xf32, #tpu.memory_space<vmem>>, %arg8: memref<!tpu.dma_semaphore, #tpu.memory_space<semaphore_mem>>, %arg9: memref<!tpu.dma_semaphore, #tpu.memory_space<semaphore_mem>>, %arg10: memref<!tpu.dma_semaphore, #tpu.memory_space<semaphore_mem>>) attributes {dimension_semantics = [#tpu.dimension_semantics<core_parallel>, #tpu.dimension_semantics<subcore_parallel>], iteration_bounds = array<i64: 2, 16>, scalar_prefetch = 0 : i64, scratch_operands = 6 : i64, tpu.core_type = #tpu.core_type<sc_vector_subcore>, window_params = [{transform_indices = #map}, {transform_indices = #map}, {transform_indices = #map1}]} {
    %mul3A = arith.constant 2 : i32
    %mul3A_0 = arith.muli %arg1, %mul3A : i32
    %add3A = arith.addi %mul3A_0, %arg0 : i32
    %mul3A_1 = arith.constant 512 : i32
    %mul3A_2 = arith.muli %add3A, %mul3A_1 : i32
    "tpu.region"() ({
      %run_scoped3A = tpu.sem_alloc : memref<!tpu.dma_semaphore, #tpu.memory_space<semaphore_mem>>
      %dma_start3A = arith.constant 0 : i32
      %dma_start3A_23 = tpu.memref_slice %arg2[%mul3A_2, %dma_start3A] : memref<16384x50xi32, #tpu.memory_space<hbm>> -> memref<512x50xi32, #tpu.memory_space<hbm>>
      %dma_start3A_24 = arith.constant 0 : i32
      %dma_start3A_25 = tpu.memref_slice %arg2[%mul3A_2, %dma_start3A_24] : memref<16384x50xi32, #tpu.memory_space<hbm>> -> memref<512x50xi32, #tpu.memory_space<hbm>>
      tpu.enqueue_dma source(%dma_start3A_25 : memref<512x50xi32, #tpu.memory_space<hbm>>) target(%arg5 : memref<512x50xi32, #tpu.memory_space<vmem>>) target_semaphore(%run_scoped3A : memref<!tpu.dma_semaphore, #tpu.memory_space<semaphore_mem>>)
      %dma_wait3A_26 = arith.constant 0 : i32
      %dma_wait3A_27 = tpu.memref_slice %arg2[%mul3A_2, %dma_wait3A_26] : memref<16384x50xi32, #tpu.memory_space<hbm>> -> memref<512x50xi32, #tpu.memory_space<hbm>>
      %dma_wait3A_28 = arith.constant 0 : i32
      %dma_wait3A_29 = tpu.memref_slice %arg2[%mul3A_2, %dma_wait3A_28] : memref<16384x50xi32, #tpu.memory_space<hbm>> -> memref<512x50xi32, #tpu.memory_space<hbm>>
      tpu.wait_dma2 semaphore(%run_scoped3A : memref<!tpu.dma_semaphore, #tpu.memory_space<semaphore_mem>>) src(%dma_wait3A_29 : memref<512x50xi32, #tpu.memory_space<hbm>>) dst(%arg5 : memref<512x50xi32, #tpu.memory_space<vmem>>)
      tpu.yield
    }) : () -> ()
    %scan3A = arith.constant 0 : i32
    %scan3A_3 = arith.constant 0 : i32
    %scan3A_4 = arith.constant 8 : i32
    %scan3A_5 = arith.addi %scan3A_3, %scan3A_4 : i32
    %scan3A_6 = arith.constant 1 : i32
    scf.for %scan3A_23 = %scan3A_3 to %scan3A_5 step %scan3A_6  : i32 {
      %mul3A_24 = arith.constant 2 : i32
      %mul3A_25 = arith.muli %scan3A_23, %mul3A_24 : i32
      %ge3A = arith.constant 2 : i32
      %ge3A_26 = arith.cmpi sge, %mul3A_25, %ge3A : i32
      %convert_element_type3A = arith.extui %ge3A_26 : i1 to i32
      %cond3A = arith.constant 0 : i32
      %cond3A_27 = arith.cmpi ne, %convert_element_type3A, %cond3A : i32
      scf.if %cond3A_27 {
        %sub3A = arith.constant 2 : i32
        %sub3A_1974 = arith.subi %mul3A_25, %sub3A : i32
        %mul3A_1975 = arith.constant 32 : i32
        %mul3A_1976 = arith.muli %sub3A_1974, %mul3A_1975 : i32
        %add3A_1977 = arith.addi %mul3A_2, %mul3A_1976 : i32
        %dma_wait3A_1978 = arith.constant 0 : i32
        %dma_wait3A_1979 = arith.constant 0 : i32
        %dma_wait3A_1980 = tpu.memref_slice %arg4[%add3A_1977, %dma_wait3A_1978, %dma_wait3A_1979] : memref<16384x50x32xf32, #tpu.memory_space<hbm>> -> memref<32x50x32xf32, #tpu.memory_space<hbm>>
        %dma_wait3A_1981 = arith.constant 0 : i32
        %dma_wait3A_1982 = arith.constant 0 : i32
        %dma_wait3A_1983 = tpu.memref_slice %arg4[%add3A_1977, %dma_wait3A_1981, %dma_wait3A_1982] : memref<16384x50x32xf32, #tpu.memory_space<hbm>> -> memref<32x50x32xf32, #tpu.memory_space<hbm>>
        tpu.wait_dma2 semaphore(%arg9 : memref<!tpu.dma_semaphore, #tpu.memory_space<semaphore_mem>>) src(%arg6 : memref<32x50x32xf32, #tpu.memory_space<vmem>>) dst(%dma_wait3A_1983 : memref<32x50x32xf32, #tpu.memory_space<hbm>>)
      } else {
      }
      %mul3A_28 = arith.constant 32 : i32
      %mul3A_29 = arith.muli %mul3A_25, %mul3A_28 : i32
      %add3A_30 = arith.constant 0 : i32
      %add3A_31 = arith.addi %mul3A_29, %add3A_30 : i32
      %dma_start3A = arith.constant 0 : i32
      %dma_start3A_32 = arith.constant 0 : i32
      %dma_start3A_33 = arith.constant 0 : i32
      %dma_start3A_34 = tpu.memref_slice %arg6[%dma_start3A, %dma_start3A_32, %dma_start3A_33] : memref<32x50x32xf32, #tpu.memory_space<vmem>> -> memref<1x50x32xf32, #tpu.memory_space<vmem>>
      %dma_start3A_35 = tpu.memref_squeeze %dma_start3A_34 : memref<1x50x32xf32, #tpu.memory_space<vmem>> -> memref<50x32xf32, #tpu.memory_space<vmem>>
      %dma_start3A_36 = arith.constant 0 : i32
      %dma_start3A_37 = tpu.memref_slice %arg5[%add3A_31, %dma_start3A_36] : memref<512x50xi32, #tpu.memory_space<vmem>> -> memref<1x50xi32, #tpu.memory_space<vmem>>
      %dma_start3A_38 = tpu.memref_squeeze %dma_start3A_37 : memref<1x50xi32, #tpu.memory_space<vmem>> -> memref<50xi32, #tpu.memory_space<vmem>>
      %dma_start3A_39 = arith.constant 0 : i32
      %dma_start3A_40 = arith.constant 0 : i32
      %dma_start3A_41 = tpu.memref_slice %arg3[%dma_start3A_39, %dma_start3A_40] : memref<1000000x32xf32, #tpu.memory_space<hbm>> -> memref<1000000x32xf32, #tpu.memory_space<hbm>>
      tpu.enqueue_indirect_dma source(%dma_start3A_41 : memref<1000000x32xf32, #tpu.memory_space<hbm>>) target(%dma_start3A_35 : memref<50x32xf32, #tpu.memory_space<vmem>>) offsets(%dma_start3A_38 : memref<50xi32, #tpu.memory_space<vmem>>) semaphore(%arg8 : memref<!tpu.dma_semaphore, #tpu.memory_space<semaphore_mem>>)
      %mul3A_42 = arith.constant 32 : i32
      %mul3A_43 = arith.muli %mul3A_25, %mul3A_42 : i32
      %add3A_44 = arith.constant 1 : i32
      %add3A_45 = arith.addi %mul3A_43, %add3A_44 : i32
      %dma_start3A_46 = arith.constant 1 : i32
      %dma_start3A_47 = arith.constant 0 : i32
      %dma_start3A_48 = arith.constant 0 : i32
      %dma_start3A_49 = tpu.memref_slice %arg6[%dma_start3A_46, %dma_start3A_47, %dma_start3A_48] : memref<32x50x32xf32, #tpu.memory_space<vmem>> -> memref<1x50x32xf32, #tpu.memory_space<vmem>>
      %dma_start3A_50 = tpu.memref_squeeze %dma_start3A_49 : memref<1x50x32xf32, #tpu.memory_space<vmem>> -> memref<50x32xf32, #tpu.memory_space<vmem>>
      %dma_start3A_51 = arith.constant 0 : i32
      %dma_start3A_52 = tpu.memref_slice %arg5[%add3A_45, %dma_start3A_51] : memref<512x50xi32, #tpu.memory_space<vmem>> -> memref<1x50xi32, #tpu.memory_space<vmem>>
      %dma_start3A_53 = tpu.memref_squeeze %dma_start3A_52 : memref<1x50xi32, #tpu.memory_space<vmem>> -> memref<50xi32, #tpu.memory_space<vmem>>
      %dma_start3A_54 = arith.constant 0 : i32
      %dma_start3A_55 = arith.constant 0 : i32
      %dma_start3A_56 = tpu.memref_slice %arg3[%dma_start3A_54, %dma_start3A_55] : memref<1000000x32xf32, #tpu.memory_space<hbm>> -> memref<1000000x32xf32, #tpu.memory_space<hbm>>
      tpu.enqueue_indirect_dma source(%dma_start3A_56 : memref<1000000x32xf32, #tpu.memory_space<hbm>>) target(%dma_start3A_50 : memref<50x32xf32, #tpu.memory_space<vmem>>) offsets(%dma_start3A_53 : memref<50xi32, #tpu.memory_space<vmem>>) semaphore(%arg8 : memref<!tpu.dma_semaphore, #tpu.memory_space<semaphore_mem>>)
      %mul3A_57 = arith.constant 32 : i32
      %mul3A_58 = arith.muli %mul3A_25, %mul3A_57 : i32
      %add3A_59 = arith.constant 2 : i32
      %add3A_60 = arith.addi %mul3A_58, %add3A_59 : i32
      %dma_start3A_61 = arith.constant 2 : i32
      %dma_start3A_62 = arith.constant 0 : i32
      %dma_start3A_63 = arith.constant 0 : i32
      %dma_start3A_64 = tpu.memref_slice %arg6[%dma_start3A_61, %dma_start3A_62, %dma_start3A_63] : memref<32x50x32xf32, #tpu.memory_space<vmem>> -> memref<1x50x32xf32, #tpu.memory_space<vmem>>
      %dma_start3A_65 = tpu.memref_squeeze %dma_start3A_64 : memref<1x50x32xf32, #tpu.memory_space<vmem>> -> memref<50x32xf32, #tpu.memory_space<vmem>>
      %dma_start3A_66 = arith.constant 0 : i32
      %dma_start3A_67 = tpu.memref_slice %arg5[%add3A_60, %dma_start3A_66] : memref<512x50xi32, #tpu.memory_space<vmem>> -> memref<1x50xi32, #tpu.memory_space<vmem>>
      %dma_start3A_68 = tpu.memref_squeeze %dma_start3A_67 : memref<1x50xi32, #tpu.memory_space<vmem>> -> memref<50xi32, #tpu.memory_space<vmem>>
      %dma_start3A_69 = arith.constant 0 : i32
      %dma_start3A_70 = arith.constant 0 : i32
      %dma_start3A_71 = tpu.memref_slice %arg3[%dma_start3A_69, %dma_start3A_70] : memref<1000000x32xf32, #tpu.memory_space<hbm>> -> memref<1000000x32xf32, #tpu.memory_space<hbm>>
      tpu.enqueue_indirect_dma source(%dma_start3A_71 : memref<1000000x32xf32, #tpu.memory_space<hbm>>) target(%dma_start3A_65 : memref<50x32xf32, #tpu.memory_space<vmem>>) offsets(%dma_start3A_68 : memref<50xi32, #tpu.memory_space<vmem>>) semaphore(%arg8 : memref<!tpu.dma_semaphore, #tpu.memory_space<semaphore_mem>>)
      %mul3A_72 = arith.constant 32 : i32
      %mul3A_73 = arith.muli %mul3A_25, %mul3A_72 : i32
      %add3A_74 = arith.constant 3 : i32
      %add3A_75 = arith.addi %mul3A_73, %add3A_74 : i32
      %dma_start3A_76 = arith.constant 3 : i32
      %dma_start3A_77 = arith.constant 0 : i32
      %dma_start3A_78 = arith.constant 0 : i32
      %dma_start3A_79 = tpu.memref_slice %arg6[%dma_start3A_76, %dma_start3A_77, %dma_start3A_78] : memref<32x50x32xf32, #tpu.memory_space<vmem>> -> memref<1x50x32xf32, #tpu.memory_space<vmem>>
      %dma_start3A_80 = tpu.memref_squeeze %dma_start3A_79 : memref<1x50x32xf32, #tpu.memory_space<vmem>> -> memref<50x32xf32, #tpu.memory_space<vmem>>
      %dma_start3A_81 = arith.constant 0 : i32
      %dma_start3A_82 = tpu.memref_slice %arg5[%add3A_75, %dma_start3A_81] : memref<512x50xi32, #tpu.memory_space<vmem>> -> memref<1x50xi32, #tpu.memory_space<vmem>>
      %dma_start3A_83 = tpu.memref_squeeze %dma_start3A_82 : memref<1x50xi32, #tpu.memory_space<vmem>> -> memref<50xi32, #tpu.memory_space<vmem>>
      %dma_start3A_84 = arith.constant 0 : i32
      %dma_start3A_85 = arith.constant 0 : i32
      %dma_start3A_86 = tpu.memref_slice %arg3[%dma_start3A_84, %dma_start3A_85] : memref<1000000x32xf32, #tpu.memory_space<hbm>> -> memref<1000000x32xf32, #tpu.memory_space<hbm>>
      tpu.enqueue_indirect_dma source(%dma_start3A_86 : memref<1000000x32xf32, #tpu.memory_space<hbm>>) target(%dma_start3A_80 : memref<50x32xf32, #tpu.memory_space<vmem>>) offsets(%dma_start3A_83 : memref<50xi32, #tpu.memory_space<vmem>>) semaphore(%arg8 : memref<!tpu.dma_semaphore, #tpu.memory_space<semaphore_mem>>)
      %mul3A_87 = arith.constant 32 : i32
      %mul3A_88 = arith.muli %mul3A_25, %mul3A_87 : i32
      %add3A_89 = arith.constant 4 : i32
      %add3A_90 = arith.addi %mul3A_88, %add3A_89 : i32
      %dma_start3A_91 = arith.constant 4 : i32
      %dma_start3A_92 = arith.constant 0 : i32
      %dma_start3A_93 = arith.constant 0 : i32
      %dma_start3A_94 = tpu.memref_slice %arg6[%dma_start3A_91, %dma_start3A_92, %dma_start3A_93] : memref<32x50x32xf32, #tpu.memory_space<vmem>> -> memref<1x50x32xf32, #tpu.memory_space<vmem>>
      %dma_start3A_95 = tpu.memref_squeeze %dma_start3A_94 : memref<1x50x32xf32, #tpu.memory_space<vmem>> -> memref<50x32xf32, #tpu.memory_space<vmem>>
      %dma_start3A_96 = arith.constant 0 : i32
      %dma_start3A_97 = tpu.memref_slice %arg5[%add3A_90, %dma_start3A_96] : memref<512x50xi32, #tpu.memory_space<vmem>> -> memref<1x50xi32, #tpu.memory_space<vmem>>
      %dma_start3A_98 = tpu.memref_squeeze %dma_start3A_97 : memref<1x50xi32, #tpu.memory_space<vmem>> -> memref<50xi32, #tpu.memory_space<vmem>>
      %dma_start3A_99 = arith.constant 0 : i32
      %dma_start3A_100 = arith.constant 0 : i32
      %dma_start3A_101 = tpu.memref_slice %arg3[%dma_start3A_99, %dma_start3A_100] : memref<1000000x32xf32, #tpu.memory_space<hbm>> -> memref<1000000x32xf32, #tpu.memory_space<hbm>>
      tpu.enqueue_indirect_dma source(%dma_start3A_101 : memref<1000000x32xf32, #tpu.memory_space<hbm>>) target(%dma_start3A_95 : memref<50x32xf32, #tpu.memory_space<vmem>>) offsets(%dma_start3A_98 : memref<50xi32, #tpu.memory_space<vmem>>) semaphore(%arg8 : memref<!tpu.dma_semaphore, #tpu.memory_space<semaphore_mem>>)
      %mul3A_102 = arith.constant 32 : i32
      %mul3A_103 = arith.muli %mul3A_25, %mul3A_102 : i32
      %add3A_104 = arith.constant 5 : i32
      %add3A_105 = arith.addi %mul3A_103, %add3A_104 : i32
      %dma_start3A_106 = arith.constant 5 : i32
      %dma_start3A_107 = arith.constant 0 : i32
      %dma_start3A_108 = arith.constant 0 : i32
      %dma_start3A_109 = tpu.memref_slice %arg6[%dma_start3A_106, %dma_start3A_107, %dma_start3A_108] : memref<32x50x32xf32, #tpu.memory_space<vmem>> -> memref<1x50x32xf32, #tpu.memory_space<vmem>>
      %dma_start3A_110 = tpu.memref_squeeze %dma_start3A_109 : memref<1x50x32xf32, #tpu.memory_space<vmem>> -> memref<50x32xf32, #tpu.memory_space<vmem>>
      %dma_start3A_111 = arith.constant 0 : i32
      %dma_start3A_112 = tpu.memref_slice %arg5[%add3A_105, %dma_start3A_111] : memref<512x50xi32, #tpu.memory_space<vmem>> -> memref<1x50xi32, #tpu.memory_space<vmem>>
      %dma_start3A_113 = tpu.memref_squeeze %dma_start3A_112 : memref<1x50xi32, #tpu.memory_space<vmem>> -> memref<50xi32, #tpu.memory_space<vmem>>
      %dma_start3A_114 = arith.constant 0 : i32
      %dma_start3A_115 = arith.constant 0 : i32
      %dma_start3A_116 = tpu.memref_slice %arg3[%dma_start3A_114, %dma_start3A_115] : memref<1000000x32xf32, #tpu.memory_space<hbm>> -> memref<1000000x32xf32, #tpu.memory_space<hbm>>
      tpu.enqueue_indirect_dma source(%dma_start3A_116 : memref<1000000x32xf32, #tpu.memory_space<hbm>>) target(%dma_start3A_110 : memref<50x32xf32, #tpu.memory_space<vmem>>) offsets(%dma_start3A_113 : memref<50xi32, #tpu.memory_space<vmem>>) semaphore(%arg8 : memref<!tpu.dma_semaphore, #tpu.memory_space<semaphore_mem>>)
      %mul3A_117 = arith.constant 32 : i32
      %mul3A_118 = arith.muli %mul3A_25, %mul3A_117 : i32
      %add3A_119 = arith.constant 6 : i32
      %add3A_120 = arith.addi %mul3A_118, %add3A_119 : i32
      %dma_start3A_121 = arith.constant 6 : i32
      %dma_start3A_122 = arith.constant 0 : i32
      %dma_start3A_123 = arith.constant 0 : i32
      %dma_start3A_124 = tpu.memref_slice %arg6[%dma_start3A_121, %dma_start3A_122, %dma_start3A_123] : memref<32x50x32xf32, #tpu.memory_space<vmem>> -> memref<1x50x32xf32, #tpu.memory_space<vmem>>
      %dma_start3A_125 = tpu.memref_squeeze %dma_start3A_124 : memref<1x50x32xf32, #tpu.memory_space<vmem>> -> memref<50x32xf32, #tpu.memory_space<vmem>>
      %dma_start3A_126 = arith.constant 0 : i32
      %dma_start3A_127 = tpu.memref_slice %arg5[%add3A_120, %dma_start3A_126] : memref<512x50xi32, #tpu.memory_space<vmem>> -> memref<1x50xi32, #tpu.memory_space<vmem>>
      %dma_start3A_128 = tpu.memref_squeeze %dma_start3A_127 : memref<1x50xi32, #tpu.memory_space<vmem>> -> memref<50xi32, #tpu.memory_space<vmem>>
      %dma_start3A_129 = arith.constant 0 : i32
      %dma_start3A_130 = arith.constant 0 : i32
      %dma_start3A_131 = tpu.memref_slice %arg3[%dma_start3A_129, %dma_start3A_130] : memref<1000000x32xf32, #tpu.memory_space<hbm>> -> memref<1000000x32xf32, #tpu.memory_space<hbm>>
      tpu.enqueue_indirect_dma source(%dma_start3A_131 : memref<1000000x32xf32, #tpu.memory_space<hbm>>) target(%dma_start3A_125 : memref<50x32xf32, #tpu.memory_space<vmem>>) offsets(%dma_start3A_128 : memref<50xi32, #tpu.memory_space<vmem>>) semaphore(%arg8 : memref<!tpu.dma_semaphore, #tpu.memory_space<semaphore_mem>>)
      %mul3A_132 = arith.constant 32 : i32
      %mul3A_133 = arith.muli %mul3A_25, %mul3A_132 : i32
      %add3A_134 = arith.constant 7 : i32
      %add3A_135 = arith.addi %mul3A_133, %add3A_134 : i32
      %dma_start3A_136 = arith.constant 7 : i32
      %dma_start3A_137 = arith.constant 0 : i32
      %dma_start3A_138 = arith.constant 0 : i32
      %dma_start3A_139 = tpu.memref_slice %arg6[%dma_start3A_136, %dma_start3A_137, %dma_start3A_138] : memref<32x50x32xf32, #tpu.memory_space<vmem>> -> memref<1x50x32xf32, #tpu.memory_space<vmem>>
      %dma_start3A_140 = tpu.memref_squeeze %dma_start3A_139 : memref<1x50x32xf32, #tpu.memory_space<vmem>> -> memref<50x32xf32, #tpu.memory_space<vmem>>
      %dma_start3A_141 = arith.constant 0 : i32
      %dma_start3A_142 = tpu.memref_slice %arg5[%add3A_135, %dma_start3A_141] : memref<512x50xi32, #tpu.memory_space<vmem>> -> memref<1x50xi32, #tpu.memory_space<vmem>>
      %dma_start3A_143 = tpu.memref_squeeze %dma_start3A_142 : memref<1x50xi32, #tpu.memory_space<vmem>> -> memref<50xi32, #tpu.memory_space<vmem>>
      %dma_start3A_144 = arith.constant 0 : i32
      %dma_start3A_145 = arith.constant 0 : i32
      %dma_start3A_146 = tpu.memref_slice %arg3[%dma_start3A_144, %dma_start3A_145] : memref<1000000x32xf32, #tpu.memory_space<hbm>> -> memref<1000000x32xf32, #tpu.memory_space<hbm>>
      tpu.enqueue_indirect_dma source(%dma_start3A_146 : memref<1000000x32xf32, #tpu.memory_space<hbm>>) target(%dma_start3A_140 : memref<50x32xf32, #tpu.memory_space<vmem>>) offsets(%dma_start3A_143 : memref<50xi32, #tpu.memory_space<vmem>>) semaphore(%arg8 : memref<!tpu.dma_semaphore, #tpu.memory_space<semaphore_mem>>)
      %mul3A_147 = arith.constant 32 : i32
      %mul3A_148 = arith.muli %mul3A_25, %mul3A_147 : i32
      %add3A_149 = arith.constant 8 : i32
      %add3A_150 = arith.addi %mul3A_148, %add3A_149 : i32
      %dma_start3A_151 = arith.constant 8 : i32
      %dma_start3A_152 = arith.constant 0 : i32
      %dma_start3A_153 = arith.constant 0 : i32
      %dma_start3A_154 = tpu.memref_slice %arg6[%dma_start3A_151, %dma_start3A_152, %dma_start3A_153] : memref<32x50x32xf32, #tpu.memory_space<vmem>> -> memref<1x50x32xf32, #tpu.memory_space<vmem>>
      %dma_start3A_155 = tpu.memref_squeeze %dma_start3A_154 : memref<1x50x32xf32, #tpu.memory_space<vmem>> -> memref<50x32xf32, #tpu.memory_space<vmem>>
      %dma_start3A_156 = arith.constant 0 : i32
      %dma_start3A_157 = tpu.memref_slice %arg5[%add3A_150, %dma_start3A_156] : memref<512x50xi32, #tpu.memory_space<vmem>> -> memref<1x50xi32, #tpu.memory_space<vmem>>
      %dma_start3A_158 = tpu.memref_squeeze %dma_start3A_157 : memref<1x50xi32, #tpu.memory_space<vmem>> -> memref<50xi32, #tpu.memory_space<vmem>>
      %dma_start3A_159 = arith.constant 0 : i32
      %dma_start3A_160 = arith.constant 0 : i32
      %dma_start3A_161 = tpu.memref_slice %arg3[%dma_start3A_159, %dma_start3A_160] : memref<1000000x32xf32, #tpu.memory_space<hbm>> -> memref<1000000x32xf32, #tpu.memory_space<hbm>>
      tpu.enqueue_indirect_dma source(%dma_start3A_161 : memref<1000000x32xf32, #tpu.memory_space<hbm>>) target(%dma_start3A_155 : memref<50x32xf32, #tpu.memory_space<vmem>>) offsets(%dma_start3A_158 : memref<50xi32, #tpu.memory_space<vmem>>) semaphore(%arg8 : memref<!tpu.dma_semaphore, #tpu.memory_space<semaphore_mem>>)
      %mul3A_162 = arith.constant 32 : i32
      %mul3A_163 = arith.muli %mul3A_25, %mul3A_162 : i32
      %add3A_164 = arith.constant 9 : i32
      %add3A_165 = arith.addi %mul3A_163, %add3A_164 : i32
      %dma_start3A_166 = arith.constant 9 : i32
      %dma_start3A_167 = arith.constant 0 : i32
      %dma_start3A_168 = arith.constant 0 : i32
      %dma_start3A_169 = tpu.memref_slice %arg6[%dma_start3A_166, %dma_start3A_167, %dma_start3A_168] : memref<32x50x32xf32, #tpu.memory_space<vmem>> -> memref<1x50x32xf32, #tpu.memory_space<vmem>>
      %dma_start3A_170 = tpu.memref_squeeze %dma_start3A_169 : memref<1x50x32xf32, #tpu.memory_space<vmem>> -> memref<50x32xf32, #tpu.memory_space<vmem>>
      %dma_start3A_171 = arith.constant 0 : i32
      %dma_start3A_172 = tpu.memref_slice %arg5[%add3A_165, %dma_start3A_171] : memref<512x50xi32, #tpu.memory_space<vmem>> -> memref<1x50xi32, #tpu.memory_space<vmem>>
      %dma_start3A_173 = tpu.memref_squeeze %dma_start3A_172 : memref<1x50xi32, #tpu.memory_space<vmem>> -> memref<50xi32, #tpu.memory_space<vmem>>
      %dma_start3A_174 = arith.constant 0 : i32
      %dma_start3A_175 = arith.constant 0 : i32
      %dma_start3A_176 = tpu.memref_slice %arg3[%dma_start3A_174, %dma_start3A_175] : memref<1000000x32xf32, #tpu.memory_space<hbm>> -> memref<1000000x32xf32, #tpu.memory_space<hbm>>
      tpu.enqueue_indirect_dma source(%dma_start3A_176 : memref<1000000x32xf32, #tpu.memory_space<hbm>>) target(%dma_start3A_170 : memref<50x32xf32, #tpu.memory_space<vmem>>) offsets(%dma_start3A_173 : memref<50xi32, #tpu.memory_space<vmem>>) semaphore(%arg8 : memref<!tpu.dma_semaphore, #tpu.memory_space<semaphore_mem>>)
      %mul3A_177 = arith.constant 32 : i32
      %mul3A_178 = arith.muli %mul3A_25, %mul3A_177 : i32
      %add3A_179 = arith.constant 10 : i32
      %add3A_180 = arith.addi %mul3A_178, %add3A_179 : i32
      %dma_start3A_181 = arith.constant 10 : i32
      %dma_start3A_182 = arith.constant 0 : i32
      %dma_start3A_183 = arith.constant 0 : i32
      %dma_start3A_184 = tpu.memref_slice %arg6[%dma_start3A_181, %dma_start3A_182, %dma_start3A_183] : memref<32x50x32xf32, #tpu.memory_space<vmem>> -> memref<1x50x32xf32, #tpu.memory_space<vmem>>
      %dma_start3A_185 = tpu.memref_squeeze %dma_start3A_184 : memref<1x50x32xf32, #tpu.memory_space<vmem>> -> memref<50x32xf32, #tpu.memory_space<vmem>>
      %dma_start3A_186 = arith.constant 0 : i32
      %dma_start3A_187 = tpu.memref_slice %arg5[%add3A_180, %dma_start3A_186] : memref<512x50xi32, #tpu.memory_space<vmem>> -> memref<1x50xi32, #tpu.memory_space<vmem>>
      %dma_start3A_188 = tpu.memref_squeeze %dma_start3A_187 : memref<1x50xi32, #tpu.memory_space<vmem>> -> memref<50xi32, #tpu.memory_space<vmem>>
      %dma_start3A_189 = arith.constant 0 : i32
      %dma_start3A_190 = arith.constant 0 : i32
      %dma_start3A_191 = tpu.memref_slice %arg3[%dma_start3A_189, %dma_start3A_190] : memref<1000000x32xf32, #tpu.memory_space<hbm>> -> memref<1000000x32xf32, #tpu.memory_space<hbm>>
      tpu.enqueue_indirect_dma source(%dma_start3A_191 : memref<1000000x32xf32, #tpu.memory_space<hbm>>) target(%dma_start3A_185 : memref<50x32xf32, #tpu.memory_space<vmem>>) offsets(%dma_start3A_188 : memref<50xi32, #tpu.memory_space<vmem>>) semaphore(%arg8 : memref<!tpu.dma_semaphore, #tpu.memory_space<semaphore_mem>>)
      %mul3A_192 = arith.constant 32 : i32
      %mul3A_193 = arith.muli %mul3A_25, %mul3A_192 : i32
      %add3A_194 = arith.constant 11 : i32
      %add3A_195 = arith.addi %mul3A_193, %add3A_194 : i32
      %dma_start3A_196 = arith.constant 11 : i32
      %dma_start3A_197 = arith.constant 0 : i32
      %dma_start3A_198 = arith.constant 0 : i32
      %dma_start3A_199 = tpu.memref_slice %arg6[%dma_start3A_196, %dma_start3A_197, %dma_start3A_198] : memref<32x50x32xf32, #tpu.memory_space<vmem>> -> memref<1x50x32xf32, #tpu.memory_space<vmem>>
      %dma_start3A_200 = tpu.memref_squeeze %dma_start3A_199 : memref<1x50x32xf32, #tpu.memory_space<vmem>> -> memref<50x32xf32, #tpu.memory_space<vmem>>
      %dma_start3A_201 = arith.constant 0 : i32
      %dma_start3A_202 = tpu.memref_slice %arg5[%add3A_195, %dma_start3A_201] : memref<512x50xi32, #tpu.memory_space<vmem>> -> memref<1x50xi32, #tpu.memory_space<vmem>>
      %dma_start3A_203 = tpu.memref_squeeze %dma_start3A_202 : memref<1x50xi32, #tpu.memory_space<vmem>> -> memref<50xi32, #tpu.memory_space<vmem>>
      %dma_start3A_204 = arith.constant 0 : i32
      %dma_start3A_205 = arith.constant 0 : i32
      %dma_start3A_206 = tpu.memref_slice %arg3[%dma_start3A_204, %dma_start3A_205] : memref<1000000x32xf32, #tpu.memory_space<hbm>> -> memref<1000000x32xf32, #tpu.memory_space<hbm>>
      tpu.enqueue_indirect_dma source(%dma_start3A_206 : memref<1000000x32xf32, #tpu.memory_space<hbm>>) target(%dma_start3A_200 : memref<50x32xf32, #tpu.memory_space<vmem>>) offsets(%dma_start3A_203 : memref<50xi32, #tpu.memory_space<vmem>>) semaphore(%arg8 : memref<!tpu.dma_semaphore, #tpu.memory_space<semaphore_mem>>)
      %mul3A_207 = arith.constant 32 : i32
      %mul3A_208 = arith.muli %mul3A_25, %mul3A_207 : i32
      %add3A_209 = arith.constant 12 : i32
      %add3A_210 = arith.addi %mul3A_208, %add3A_209 : i32
      %dma_start3A_211 = arith.constant 12 : i32
      %dma_start3A_212 = arith.constant 0 : i32
      %dma_start3A_213 = arith.constant 0 : i32
      %dma_start3A_214 = tpu.memref_slice %arg6[%dma_start3A_211, %dma_start3A_212, %dma_start3A_213] : memref<32x50x32xf32, #tpu.memory_space<vmem>> -> memref<1x50x32xf32, #tpu.memory_space<vmem>>
      %dma_start3A_215 = tpu.memref_squeeze %dma_start3A_214 : memref<1x50x32xf32, #tpu.memory_space<vmem>> -> memref<50x32xf32, #tpu.memory_space<vmem>>
      %dma_start3A_216 = arith.constant 0 : i32
      %dma_start3A_217 = tpu.memref_slice %arg5[%add3A_210, %dma_start3A_216] : memref<512x50xi32, #tpu.memory_space<vmem>> -> memref<1x50xi32, #tpu.memory_space<vmem>>
      %dma_start3A_218 = tpu.memref_squeeze %dma_start3A_217 : memref<1x50xi32, #tpu.memory_space<vmem>> -> memref<50xi32, #tpu.memory_space<vmem>>
      %dma_start3A_219 = arith.constant 0 : i32
      %dma_start3A_220 = arith.constant 0 : i32
      %dma_start3A_221 = tpu.memref_slice %arg3[%dma_start3A_219, %dma_start3A_220] : memref<1000000x32xf32, #tpu.memory_space<hbm>> -> memref<1000000x32xf32, #tpu.memory_space<hbm>>
      tpu.enqueue_indirect_dma source(%dma_start3A_221 : memref<1000000x32xf32, #tpu.memory_space<hbm>>) target(%dma_start3A_215 : memref<50x32xf32, #tpu.memory_space<vmem>>) offsets(%dma_start3A_218 : memref<50xi32, #tpu.memory_space<vmem>>) semaphore(%arg8 : memref<!tpu.dma_semaphore, #tpu.memory_space<semaphore_mem>>)
      %mul3A_222 = arith.constant 32 : i32
      %mul3A_223 = arith.muli %mul3A_25, %mul3A_222 : i32
      %add3A_224 = arith.constant 13 : i32
      %add3A_225 = arith.addi %mul3A_223, %add3A_224 : i32
      %dma_start3A_226 = arith.constant 13 : i32
      %dma_start3A_227 = arith.constant 0 : i32
      %dma_start3A_228 = arith.constant 0 : i32
      %dma_start3A_229 = tpu.memref_slice %arg6[%dma_start3A_226, %dma_start3A_227, %dma_start3A_228] : memref<32x50x32xf32, #tpu.memory_space<vmem>> -> memref<1x50x32xf32, #tpu.memory_space<vmem>>
      %dma_start3A_230 = tpu.memref_squeeze %dma_start3A_229 : memref<1x50x32xf32, #tpu.memory_space<vmem>> -> memref<50x32xf32, #tpu.memory_space<vmem>>
      %dma_start3A_231 = arith.constant 0 : i32
      %dma_start3A_232 = tpu.memref_slice %arg5[%add3A_225, %dma_start3A_231] : memref<512x50xi32, #tpu.memory_space<vmem>> -> memref<1x50xi32, #tpu.memory_space<vmem>>
      %dma_start3A_233 = tpu.memref_squeeze %dma_start3A_232 : memref<1x50xi32, #tpu.memory_space<vmem>> -> memref<50xi32, #tpu.memory_space<vmem>>
      %dma_start3A_234 = arith.constant 0 : i32
      %dma_start3A_235 = arith.constant 0 : i32
      %dma_start3A_236 = tpu.memref_slice %arg3[%dma_start3A_234, %dma_start3A_235] : memref<1000000x32xf32, #tpu.memory_space<hbm>> -> memref<1000000x32xf32, #tpu.memory_space<hbm>>
      tpu.enqueue_indirect_dma source(%dma_start3A_236 : memref<1000000x32xf32, #tpu.memory_space<hbm>>) target(%dma_start3A_230 : memref<50x32xf32, #tpu.memory_space<vmem>>) offsets(%dma_start3A_233 : memref<50xi32, #tpu.memory_space<vmem>>) semaphore(%arg8 : memref<!tpu.dma_semaphore, #tpu.memory_space<semaphore_mem>>)
      %mul3A_237 = arith.constant 32 : i32
      %mul3A_238 = arith.muli %mul3A_25, %mul3A_237 : i32
      %add3A_239 = arith.constant 14 : i32
      %add3A_240 = arith.addi %mul3A_238, %add3A_239 : i32
      %dma_start3A_241 = arith.constant 14 : i32
      %dma_start3A_242 = arith.constant 0 : i32
      %dma_start3A_243 = arith.constant 0 : i32
      %dma_start3A_244 = tpu.memref_slice %arg6[%dma_start3A_241, %dma_start3A_242, %dma_start3A_243] : memref<32x50x32xf32, #tpu.memory_space<vmem>> -> memref<1x50x32xf32, #tpu.memory_space<vmem>>
      %dma_start3A_245 = tpu.memref_squeeze %dma_start3A_244 : memref<1x50x32xf32, #tpu.memory_space<vmem>> -> memref<50x32xf32, #tpu.memory_space<vmem>>
      %dma_start3A_246 = arith.constant 0 : i32
      %dma_start3A_247 = tpu.memref_slice %arg5[%add3A_240, %dma_start3A_246] : memref<512x50xi32, #tpu.memory_space<vmem>> -> memref<1x50xi32, #tpu.memory_space<vmem>>
      %dma_start3A_248 = tpu.memref_squeeze %dma_start3A_247 : memref<1x50xi32, #tpu.memory_space<vmem>> -> memref<50xi32, #tpu.memory_space<vmem>>
      %dma_start3A_249 = arith.constant 0 : i32
      %dma_start3A_250 = arith.constant 0 : i32
      %dma_start3A_251 = tpu.memref_slice %arg3[%dma_start3A_249, %dma_start3A_250] : memref<1000000x32xf32, #tpu.memory_space<hbm>> -> memref<1000000x32xf32, #tpu.memory_space<hbm>>
      tpu.enqueue_indirect_dma source(%dma_start3A_251 : memref<1000000x32xf32, #tpu.memory_space<hbm>>) target(%dma_start3A_245 : memref<50x32xf32, #tpu.memory_space<vmem>>) offsets(%dma_start3A_248 : memref<50xi32, #tpu.memory_space<vmem>>) semaphore(%arg8 : memref<!tpu.dma_semaphore, #tpu.memory_space<semaphore_mem>>)
      %mul3A_252 = arith.constant 32 : i32
      %mul3A_253 = arith.muli %mul3A_25, %mul3A_252 : i32
      %add3A_254 = arith.constant 15 : i32
      %add3A_255 = arith.addi %mul3A_253, %add3A_254 : i32
      %dma_start3A_256 = arith.constant 15 : i32
      %dma_start3A_257 = arith.constant 0 : i32
      %dma_start3A_258 = arith.constant 0 : i32
      %dma_start3A_259 = tpu.memref_slice %arg6[%dma_start3A_256, %dma_start3A_257, %dma_start3A_258] : memref<32x50x32xf32, #tpu.memory_space<vmem>> -> memref<1x50x32xf32, #tpu.memory_space<vmem>>
      %dma_start3A_260 = tpu.memref_squeeze %dma_start3A_259 : memref<1x50x32xf32, #tpu.memory_space<vmem>> -> memref<50x32xf32, #tpu.memory_space<vmem>>
      %dma_start3A_261 = arith.constant 0 : i32
      %dma_start3A_262 = tpu.memref_slice %arg5[%add3A_255, %dma_start3A_261] : memref<512x50xi32, #tpu.memory_space<vmem>> -> memref<1x50xi32, #tpu.memory_space<vmem>>
      %dma_start3A_263 = tpu.memref_squeeze %dma_start3A_262 : memref<1x50xi32, #tpu.memory_space<vmem>> -> memref<50xi32, #tpu.memory_space<vmem>>
      %dma_start3A_264 = arith.constant 0 : i32
      %dma_start3A_265 = arith.constant 0 : i32
      %dma_start3A_266 = tpu.memref_slice %arg3[%dma_start3A_264, %dma_start3A_265] : memref<1000000x32xf32, #tpu.memory_space<hbm>> -> memref<1000000x32xf32, #tpu.memory_space<hbm>>
      tpu.enqueue_indirect_dma source(%dma_start3A_266 : memref<1000000x32xf32, #tpu.memory_space<hbm>>) target(%dma_start3A_260 : memref<50x32xf32, #tpu.memory_space<vmem>>) offsets(%dma_start3A_263 : memref<50xi32, #tpu.memory_space<vmem>>) semaphore(%arg8 : memref<!tpu.dma_semaphore, #tpu.memory_space<semaphore_mem>>)
      %mul3A_267 = arith.constant 32 : i32
      %mul3A_268 = arith.muli %mul3A_25, %mul3A_267 : i32
      %add3A_269 = arith.constant 16 : i32
      %add3A_270 = arith.addi %mul3A_268, %add3A_269 : i32
      %dma_start3A_271 = arith.constant 16 : i32
      %dma_start3A_272 = arith.constant 0 : i32
      %dma_start3A_273 = arith.constant 0 : i32
      %dma_start3A_274 = tpu.memref_slice %arg6[%dma_start3A_271, %dma_start3A_272, %dma_start3A_273] : memref<32x50x32xf32, #tpu.memory_space<vmem>> -> memref<1x50x32xf32, #tpu.memory_space<vmem>>
      %dma_start3A_275 = tpu.memref_squeeze %dma_start3A_274 : memref<1x50x32xf32, #tpu.memory_space<vmem>> -> memref<50x32xf32, #tpu.memory_space<vmem>>
      %dma_start3A_276 = arith.constant 0 : i32
      %dma_start3A_277 = tpu.memref_slice %arg5[%add3A_270, %dma_start3A_276] : memref<512x50xi32, #tpu.memory_space<vmem>> -> memref<1x50xi32, #tpu.memory_space<vmem>>
      %dma_start3A_278 = tpu.memref_squeeze %dma_start3A_277 : memref<1x50xi32, #tpu.memory_space<vmem>> -> memref<50xi32, #tpu.memory_space<vmem>>
      %dma_start3A_279 = arith.constant 0 : i32
      %dma_start3A_280 = arith.constant 0 : i32
      %dma_start3A_281 = tpu.memref_slice %arg3[%dma_start3A_279, %dma_start3A_280] : memref<1000000x32xf32, #tpu.memory_space<hbm>> -> memref<1000000x32xf32, #tpu.memory_space<hbm>>
      tpu.enqueue_indirect_dma source(%dma_start3A_281 : memref<1000000x32xf32, #tpu.memory_space<hbm>>) target(%dma_start3A_275 : memref<50x32xf32, #tpu.memory_space<vmem>>) offsets(%dma_start3A_278 : memref<50xi32, #tpu.memory_space<vmem>>) semaphore(%arg8 : memref<!tpu.dma_semaphore, #tpu.memory_space<semaphore_mem>>)
      %mul3A_282 = arith.constant 32 : i32
      %mul3A_283 = arith.muli %mul3A_25, %mul3A_282 : i32
      %add3A_284 = arith.constant 17 : i32
      %add3A_285 = arith.addi %mul3A_283, %add3A_284 : i32
      %dma_start3A_286 = arith.constant 17 : i32
      %dma_start3A_287 = arith.constant 0 : i32
      %dma_start3A_288 = arith.constant 0 : i32
      %dma_start3A_289 = tpu.memref_slice %arg6[%dma_start3A_286, %dma_start3A_287, %dma_start3A_288] : memref<32x50x32xf32, #tpu.memory_space<vmem>> -> memref<1x50x32xf32, #tpu.memory_space<vmem>>
      %dma_start3A_290 = tpu.memref_squeeze %dma_start3A_289 : memref<1x50x32xf32, #tpu.memory_space<vmem>> -> memref<50x32xf32, #tpu.memory_space<vmem>>
      %dma_start3A_291 = arith.constant 0 : i32
      %dma_start3A_292 = tpu.memref_slice %arg5[%add3A_285, %dma_start3A_291] : memref<512x50xi32, #tpu.memory_space<vmem>> -> memref<1x50xi32, #tpu.memory_space<vmem>>
      %dma_start3A_293 = tpu.memref_squeeze %dma_start3A_292 : memref<1x50xi32, #tpu.memory_space<vmem>> -> memref<50xi32, #tpu.memory_space<vmem>>
      %dma_start3A_294 = arith.constant 0 : i32
      %dma_start3A_295 = arith.constant 0 : i32
      %dma_start3A_296 = tpu.memref_slice %arg3[%dma_start3A_294, %dma_start3A_295] : memref<1000000x32xf32, #tpu.memory_space<hbm>> -> memref<1000000x32xf32, #tpu.memory_space<hbm>>
      tpu.enqueue_indirect_dma source(%dma_start3A_296 : memref<1000000x32xf32, #tpu.memory_space<hbm>>) target(%dma_start3A_290 : memref<50x32xf32, #tpu.memory_space<vmem>>) offsets(%dma_start3A_293 : memref<50xi32, #tpu.memory_space<vmem>>) semaphore(%arg8 : memref<!tpu.dma_semaphore, #tpu.memory_space<semaphore_mem>>)
      %mul3A_297 = arith.constant 32 : i32
      %mul3A_298 = arith.muli %mul3A_25, %mul3A_297 : i32
      %add3A_299 = arith.constant 18 : i32
      %add3A_300 = arith.addi %mul3A_298, %add3A_299 : i32
      %dma_start3A_301 = arith.constant 18 : i32
      %dma_start3A_302 = arith.constant 0 : i32
      %dma_start3A_303 = arith.constant 0 : i32
      %dma_start3A_304 = tpu.memref_slice %arg6[%dma_start3A_301, %dma_start3A_302, %dma_start3A_303] : memref<32x50x32xf32, #tpu.memory_space<vmem>> -> memref<1x50x32xf32, #tpu.memory_space<vmem>>
      %dma_start3A_305 = tpu.memref_squeeze %dma_start3A_304 : memref<1x50x32xf32, #tpu.memory_space<vmem>> -> memref<50x32xf32, #tpu.memory_space<vmem>>
      %dma_start3A_306 = arith.constant 0 : i32
      %dma_start3A_307 = tpu.memref_slice %arg5[%add3A_300, %dma_start3A_306] : memref<512x50xi32, #tpu.memory_space<vmem>> -> memref<1x50xi32, #tpu.memory_space<vmem>>
      %dma_start3A_308 = tpu.memref_squeeze %dma_start3A_307 : memref<1x50xi32, #tpu.memory_space<vmem>> -> memref<50xi32, #tpu.memory_space<vmem>>
      %dma_start3A_309 = arith.constant 0 : i32
      %dma_start3A_310 = arith.constant 0 : i32
      %dma_start3A_311 = tpu.memref_slice %arg3[%dma_start3A_309, %dma_start3A_310] : memref<1000000x32xf32, #tpu.memory_space<hbm>> -> memref<1000000x32xf32, #tpu.memory_space<hbm>>
      tpu.enqueue_indirect_dma source(%dma_start3A_311 : memref<1000000x32xf32, #tpu.memory_space<hbm>>) target(%dma_start3A_305 : memref<50x32xf32, #tpu.memory_space<vmem>>) offsets(%dma_start3A_308 : memref<50xi32, #tpu.memory_space<vmem>>) semaphore(%arg8 : memref<!tpu.dma_semaphore, #tpu.memory_space<semaphore_mem>>)
      %mul3A_312 = arith.constant 32 : i32
      %mul3A_313 = arith.muli %mul3A_25, %mul3A_312 : i32
      %add3A_314 = arith.constant 19 : i32
      %add3A_315 = arith.addi %mul3A_313, %add3A_314 : i32
      %dma_start3A_316 = arith.constant 19 : i32
      %dma_start3A_317 = arith.constant 0 : i32
      %dma_start3A_318 = arith.constant 0 : i32
      %dma_start3A_319 = tpu.memref_slice %arg6[%dma_start3A_316, %dma_start3A_317, %dma_start3A_318] : memref<32x50x32xf32, #tpu.memory_space<vmem>> -> memref<1x50x32xf32, #tpu.memory_space<vmem>>
      %dma_start3A_320 = tpu.memref_squeeze %dma_start3A_319 : memref<1x50x32xf32, #tpu.memory_space<vmem>> -> memref<50x32xf32, #tpu.memory_space<vmem>>
      %dma_start3A_321 = arith.constant 0 : i32
      %dma_start3A_322 = tpu.memref_slice %arg5[%add3A_315, %dma_start3A_321] : memref<512x50xi32, #tpu.memory_space<vmem>> -> memref<1x50xi32, #tpu.memory_space<vmem>>
      %dma_start3A_323 = tpu.memref_squeeze %dma_start3A_322 : memref<1x50xi32, #tpu.memory_space<vmem>> -> memref<50xi32, #tpu.memory_space<vmem>>
      %dma_start3A_324 = arith.constant 0 : i32
      %dma_start3A_325 = arith.constant 0 : i32
      %dma_start3A_326 = tpu.memref_slice %arg3[%dma_start3A_324, %dma_start3A_325] : memref<1000000x32xf32, #tpu.memory_space<hbm>> -> memref<1000000x32xf32, #tpu.memory_space<hbm>>
      tpu.enqueue_indirect_dma source(%dma_start3A_326 : memref<1000000x32xf32, #tpu.memory_space<hbm>>) target(%dma_start3A_320 : memref<50x32xf32, #tpu.memory_space<vmem>>) offsets(%dma_start3A_323 : memref<50xi32, #tpu.memory_space<vmem>>) semaphore(%arg8 : memref<!tpu.dma_semaphore, #tpu.memory_space<semaphore_mem>>)
      %mul3A_327 = arith.constant 32 : i32
      %mul3A_328 = arith.muli %mul3A_25, %mul3A_327 : i32
      %add3A_329 = arith.constant 20 : i32
      %add3A_330 = arith.addi %mul3A_328, %add3A_329 : i32
      %dma_start3A_331 = arith.constant 20 : i32
      %dma_start3A_332 = arith.constant 0 : i32
      %dma_start3A_333 = arith.constant 0 : i32
      %dma_start3A_334 = tpu.memref_slice %arg6[%dma_start3A_331, %dma_start3A_332, %dma_start3A_333] : memref<32x50x32xf32, #tpu.memory_space<vmem>> -> memref<1x50x32xf32, #tpu.memory_space<vmem>>
      %dma_start3A_335 = tpu.memref_squeeze %dma_start3A_334 : memref<1x50x32xf32, #tpu.memory_space<vmem>> -> memref<50x32xf32, #tpu.memory_space<vmem>>
      %dma_start3A_336 = arith.constant 0 : i32
      %dma_start3A_337 = tpu.memref_slice %arg5[%add3A_330, %dma_start3A_336] : memref<512x50xi32, #tpu.memory_space<vmem>> -> memref<1x50xi32, #tpu.memory_space<vmem>>
      %dma_start3A_338 = tpu.memref_squeeze %dma_start3A_337 : memref<1x50xi32, #tpu.memory_space<vmem>> -> memref<50xi32, #tpu.memory_space<vmem>>
      %dma_start3A_339 = arith.constant 0 : i32
      %dma_start3A_340 = arith.constant 0 : i32
      %dma_start3A_341 = tpu.memref_slice %arg3[%dma_start3A_339, %dma_start3A_340] : memref<1000000x32xf32, #tpu.memory_space<hbm>> -> memref<1000000x32xf32, #tpu.memory_space<hbm>>
      tpu.enqueue_indirect_dma source(%dma_start3A_341 : memref<1000000x32xf32, #tpu.memory_space<hbm>>) target(%dma_start3A_335 : memref<50x32xf32, #tpu.memory_space<vmem>>) offsets(%dma_start3A_338 : memref<50xi32, #tpu.memory_space<vmem>>) semaphore(%arg8 : memref<!tpu.dma_semaphore, #tpu.memory_space<semaphore_mem>>)
      %mul3A_342 = arith.constant 32 : i32
      %mul3A_343 = arith.muli %mul3A_25, %mul3A_342 : i32
      %add3A_344 = arith.constant 21 : i32
      %add3A_345 = arith.addi %mul3A_343, %add3A_344 : i32
      %dma_start3A_346 = arith.constant 21 : i32
      %dma_start3A_347 = arith.constant 0 : i32
      %dma_start3A_348 = arith.constant 0 : i32
      %dma_start3A_349 = tpu.memref_slice %arg6[%dma_start3A_346, %dma_start3A_347, %dma_start3A_348] : memref<32x50x32xf32, #tpu.memory_space<vmem>> -> memref<1x50x32xf32, #tpu.memory_space<vmem>>
      %dma_start3A_350 = tpu.memref_squeeze %dma_start3A_349 : memref<1x50x32xf32, #tpu.memory_space<vmem>> -> memref<50x32xf32, #tpu.memory_space<vmem>>
      %dma_start3A_351 = arith.constant 0 : i32
      %dma_start3A_352 = tpu.memref_slice %arg5[%add3A_345, %dma_start3A_351] : memref<512x50xi32, #tpu.memory_space<vmem>> -> memref<1x50xi32, #tpu.memory_space<vmem>>
      %dma_start3A_353 = tpu.memref_squeeze %dma_start3A_352 : memref<1x50xi32, #tpu.memory_space<vmem>> -> memref<50xi32, #tpu.memory_space<vmem>>
      %dma_start3A_354 = arith.constant 0 : i32
      %dma_start3A_355 = arith.constant 0 : i32
      %dma_start3A_356 = tpu.memref_slice %arg3[%dma_start3A_354, %dma_start3A_355] : memref<1000000x32xf32, #tpu.memory_space<hbm>> -> memref<1000000x32xf32, #tpu.memory_space<hbm>>
      tpu.enqueue_indirect_dma source(%dma_start3A_356 : memref<1000000x32xf32, #tpu.memory_space<hbm>>) target(%dma_start3A_350 : memref<50x32xf32, #tpu.memory_space<vmem>>) offsets(%dma_start3A_353 : memref<50xi32, #tpu.memory_space<vmem>>) semaphore(%arg8 : memref<!tpu.dma_semaphore, #tpu.memory_space<semaphore_mem>>)
      %mul3A_357 = arith.constant 32 : i32
      %mul3A_358 = arith.muli %mul3A_25, %mul3A_357 : i32
      %add3A_359 = arith.constant 22 : i32
      %add3A_360 = arith.addi %mul3A_358, %add3A_359 : i32
      %dma_start3A_361 = arith.constant 22 : i32
      %dma_start3A_362 = arith.constant 0 : i32
      %dma_start3A_363 = arith.constant 0 : i32
      %dma_start3A_364 = tpu.memref_slice %arg6[%dma_start3A_361, %dma_start3A_362, %dma_start3A_363] : memref<32x50x32xf32, #tpu.memory_space<vmem>> -> memref<1x50x32xf32, #tpu.memory_space<vmem>>
      %dma_start3A_365 = tpu.memref_squeeze %dma_start3A_364 : memref<1x50x32xf32, #tpu.memory_space<vmem>> -> memref<50x32xf32, #tpu.memory_space<vmem>>
      %dma_start3A_366 = arith.constant 0 : i32
      %dma_start3A_367 = tpu.memref_slice %arg5[%add3A_360, %dma_start3A_366] : memref<512x50xi32, #tpu.memory_space<vmem>> -> memref<1x50xi32, #tpu.memory_space<vmem>>
      %dma_start3A_368 = tpu.memref_squeeze %dma_start3A_367 : memref<1x50xi32, #tpu.memory_space<vmem>> -> memref<50xi32, #tpu.memory_space<vmem>>
      %dma_start3A_369 = arith.constant 0 : i32
      %dma_start3A_370 = arith.constant 0 : i32
      %dma_start3A_371 = tpu.memref_slice %arg3[%dma_start3A_369, %dma_start3A_370] : memref<1000000x32xf32, #tpu.memory_space<hbm>> -> memref<1000000x32xf32, #tpu.memory_space<hbm>>
      tpu.enqueue_indirect_dma source(%dma_start3A_371 : memref<1000000x32xf32, #tpu.memory_space<hbm>>) target(%dma_start3A_365 : memref<50x32xf32, #tpu.memory_space<vmem>>) offsets(%dma_start3A_368 : memref<50xi32, #tpu.memory_space<vmem>>) semaphore(%arg8 : memref<!tpu.dma_semaphore, #tpu.memory_space<semaphore_mem>>)
      %mul3A_372 = arith.constant 32 : i32
      %mul3A_373 = arith.muli %mul3A_25, %mul3A_372 : i32
      %add3A_374 = arith.constant 23 : i32
      %add3A_375 = arith.addi %mul3A_373, %add3A_374 : i32
      %dma_start3A_376 = arith.constant 23 : i32
      %dma_start3A_377 = arith.constant 0 : i32
      %dma_start3A_378 = arith.constant 0 : i32
      %dma_start3A_379 = tpu.memref_slice %arg6[%dma_start3A_376, %dma_start3A_377, %dma_start3A_378] : memref<32x50x32xf32, #tpu.memory_space<vmem>> -> memref<1x50x32xf32, #tpu.memory_space<vmem>>
      %dma_start3A_380 = tpu.memref_squeeze %dma_start3A_379 : memref<1x50x32xf32, #tpu.memory_space<vmem>> -> memref<50x32xf32, #tpu.memory_space<vmem>>
      %dma_start3A_381 = arith.constant 0 : i32
      %dma_start3A_382 = tpu.memref_slice %arg5[%add3A_375, %dma_start3A_381] : memref<512x50xi32, #tpu.memory_space<vmem>> -> memref<1x50xi32, #tpu.memory_space<vmem>>
      %dma_start3A_383 = tpu.memref_squeeze %dma_start3A_382 : memref<1x50xi32, #tpu.memory_space<vmem>> -> memref<50xi32, #tpu.memory_space<vmem>>
      %dma_start3A_384 = arith.constant 0 : i32
      %dma_start3A_385 = arith.constant 0 : i32
      %dma_start3A_386 = tpu.memref_slice %arg3[%dma_start3A_384, %dma_start3A_385] : memref<1000000x32xf32, #tpu.memory_space<hbm>> -> memref<1000000x32xf32, #tpu.memory_space<hbm>>
      tpu.enqueue_indirect_dma source(%dma_start3A_386 : memref<1000000x32xf32, #tpu.memory_space<hbm>>) target(%dma_start3A_380 : memref<50x32xf32, #tpu.memory_space<vmem>>) offsets(%dma_start3A_383 : memref<50xi32, #tpu.memory_space<vmem>>) semaphore(%arg8 : memref<!tpu.dma_semaphore, #tpu.memory_space<semaphore_mem>>)
      %mul3A_387 = arith.constant 32 : i32
      %mul3A_388 = arith.muli %mul3A_25, %mul3A_387 : i32
      %add3A_389 = arith.constant 24 : i32
      %add3A_390 = arith.addi %mul3A_388, %add3A_389 : i32
      %dma_start3A_391 = arith.constant 24 : i32
      %dma_start3A_392 = arith.constant 0 : i32
      %dma_start3A_393 = arith.constant 0 : i32
      %dma_start3A_394 = tpu.memref_slice %arg6[%dma_start3A_391, %dma_start3A_392, %dma_start3A_393] : memref<32x50x32xf32, #tpu.memory_space<vmem>> -> memref<1x50x32xf32, #tpu.memory_space<vmem>>
      %dma_start3A_395 = tpu.memref_squeeze %dma_start3A_394 : memref<1x50x32xf32, #tpu.memory_space<vmem>> -> memref<50x32xf32, #tpu.memory_space<vmem>>
      %dma_start3A_396 = arith.constant 0 : i32
      %dma_start3A_397 = tpu.memref_slice %arg5[%add3A_390, %dma_start3A_396] : memref<512x50xi32, #tpu.memory_space<vmem>> -> memref<1x50xi32, #tpu.memory_space<vmem>>
      %dma_start3A_398 = tpu.memref_squeeze %dma_start3A_397 : memref<1x50xi32, #tpu.memory_space<vmem>> -> memref<50xi32, #tpu.memory_space<vmem>>
      %dma_start3A_399 = arith.constant 0 : i32
      %dma_start3A_400 = arith.constant 0 : i32
      %dma_start3A_401 = tpu.memref_slice %arg3[%dma_start3A_399, %dma_start3A_400] : memref<1000000x32xf32, #tpu.memory_space<hbm>> -> memref<1000000x32xf32, #tpu.memory_space<hbm>>
      tpu.enqueue_indirect_dma source(%dma_start3A_401 : memref<1000000x32xf32, #tpu.memory_space<hbm>>) target(%dma_start3A_395 : memref<50x32xf32, #tpu.memory_space<vmem>>) offsets(%dma_start3A_398 : memref<50xi32, #tpu.memory_space<vmem>>) semaphore(%arg8 : memref<!tpu.dma_semaphore, #tpu.memory_space<semaphore_mem>>)
      %mul3A_402 = arith.constant 32 : i32
      %mul3A_403 = arith.muli %mul3A_25, %mul3A_402 : i32
      %add3A_404 = arith.constant 25 : i32
      %add3A_405 = arith.addi %mul3A_403, %add3A_404 : i32
      %dma_start3A_406 = arith.constant 25 : i32
      %dma_start3A_407 = arith.constant 0 : i32
      %dma_start3A_408 = arith.constant 0 : i32
      %dma_start3A_409 = tpu.memref_slice %arg6[%dma_start3A_406, %dma_start3A_407, %dma_start3A_408] : memref<32x50x32xf32, #tpu.memory_space<vmem>> -> memref<1x50x32xf32, #tpu.memory_space<vmem>>
      %dma_start3A_410 = tpu.memref_squeeze %dma_start3A_409 : memref<1x50x32xf32, #tpu.memory_space<vmem>> -> memref<50x32xf32, #tpu.memory_space<vmem>>
      %dma_start3A_411 = arith.constant 0 : i32
      %dma_start3A_412 = tpu.memref_slice %arg5[%add3A_405, %dma_start3A_411] : memref<512x50xi32, #tpu.memory_space<vmem>> -> memref<1x50xi32, #tpu.memory_space<vmem>>
      %dma_start3A_413 = tpu.memref_squeeze %dma_start3A_412 : memref<1x50xi32, #tpu.memory_space<vmem>> -> memref<50xi32, #tpu.memory_space<vmem>>
      %dma_start3A_414 = arith.constant 0 : i32
      %dma_start3A_415 = arith.constant 0 : i32
      %dma_start3A_416 = tpu.memref_slice %arg3[%dma_start3A_414, %dma_start3A_415] : memref<1000000x32xf32, #tpu.memory_space<hbm>> -> memref<1000000x32xf32, #tpu.memory_space<hbm>>
      tpu.enqueue_indirect_dma source(%dma_start3A_416 : memref<1000000x32xf32, #tpu.memory_space<hbm>>) target(%dma_start3A_410 : memref<50x32xf32, #tpu.memory_space<vmem>>) offsets(%dma_start3A_413 : memref<50xi32, #tpu.memory_space<vmem>>) semaphore(%arg8 : memref<!tpu.dma_semaphore, #tpu.memory_space<semaphore_mem>>)
      %mul3A_417 = arith.constant 32 : i32
      %mul3A_418 = arith.muli %mul3A_25, %mul3A_417 : i32
      %add3A_419 = arith.constant 26 : i32
      %add3A_420 = arith.addi %mul3A_418, %add3A_419 : i32
      %dma_start3A_421 = arith.constant 26 : i32
      %dma_start3A_422 = arith.constant 0 : i32
      %dma_start3A_423 = arith.constant 0 : i32
      %dma_start3A_424 = tpu.memref_slice %arg6[%dma_start3A_421, %dma_start3A_422, %dma_start3A_423] : memref<32x50x32xf32, #tpu.memory_space<vmem>> -> memref<1x50x32xf32, #tpu.memory_space<vmem>>
      %dma_start3A_425 = tpu.memref_squeeze %dma_start3A_424 : memref<1x50x32xf32, #tpu.memory_space<vmem>> -> memref<50x32xf32, #tpu.memory_space<vmem>>
      %dma_start3A_426 = arith.constant 0 : i32
      %dma_start3A_427 = tpu.memref_slice %arg5[%add3A_420, %dma_start3A_426] : memref<512x50xi32, #tpu.memory_space<vmem>> -> memref<1x50xi32, #tpu.memory_space<vmem>>
      %dma_start3A_428 = tpu.memref_squeeze %dma_start3A_427 : memref<1x50xi32, #tpu.memory_space<vmem>> -> memref<50xi32, #tpu.memory_space<vmem>>
      %dma_start3A_429 = arith.constant 0 : i32
      %dma_start3A_430 = arith.constant 0 : i32
      %dma_start3A_431 = tpu.memref_slice %arg3[%dma_start3A_429, %dma_start3A_430] : memref<1000000x32xf32, #tpu.memory_space<hbm>> -> memref<1000000x32xf32, #tpu.memory_space<hbm>>
      tpu.enqueue_indirect_dma source(%dma_start3A_431 : memref<1000000x32xf32, #tpu.memory_space<hbm>>) target(%dma_start3A_425 : memref<50x32xf32, #tpu.memory_space<vmem>>) offsets(%dma_start3A_428 : memref<50xi32, #tpu.memory_space<vmem>>) semaphore(%arg8 : memref<!tpu.dma_semaphore, #tpu.memory_space<semaphore_mem>>)
      %mul3A_432 = arith.constant 32 : i32
      %mul3A_433 = arith.muli %mul3A_25, %mul3A_432 : i32
      %add3A_434 = arith.constant 27 : i32
      %add3A_435 = arith.addi %mul3A_433, %add3A_434 : i32
      %dma_start3A_436 = arith.constant 27 : i32
      %dma_start3A_437 = arith.constant 0 : i32
      %dma_start3A_438 = arith.constant 0 : i32
      %dma_start3A_439 = tpu.memref_slice %arg6[%dma_start3A_436, %dma_start3A_437, %dma_start3A_438] : memref<32x50x32xf32, #tpu.memory_space<vmem>> -> memref<1x50x32xf32, #tpu.memory_space<vmem>>
      %dma_start3A_440 = tpu.memref_squeeze %dma_start3A_439 : memref<1x50x32xf32, #tpu.memory_space<vmem>> -> memref<50x32xf32, #tpu.memory_space<vmem>>
      %dma_start3A_441 = arith.constant 0 : i32
      %dma_start3A_442 = tpu.memref_slice %arg5[%add3A_435, %dma_start3A_441] : memref<512x50xi32, #tpu.memory_space<vmem>> -> memref<1x50xi32, #tpu.memory_space<vmem>>
      %dma_start3A_443 = tpu.memref_squeeze %dma_start3A_442 : memref<1x50xi32, #tpu.memory_space<vmem>> -> memref<50xi32, #tpu.memory_space<vmem>>
      %dma_start3A_444 = arith.constant 0 : i32
      %dma_start3A_445 = arith.constant 0 : i32
      %dma_start3A_446 = tpu.memref_slice %arg3[%dma_start3A_444, %dma_start3A_445] : memref<1000000x32xf32, #tpu.memory_space<hbm>> -> memref<1000000x32xf32, #tpu.memory_space<hbm>>
      tpu.enqueue_indirect_dma source(%dma_start3A_446 : memref<1000000x32xf32, #tpu.memory_space<hbm>>) target(%dma_start3A_440 : memref<50x32xf32, #tpu.memory_space<vmem>>) offsets(%dma_start3A_443 : memref<50xi32, #tpu.memory_space<vmem>>) semaphore(%arg8 : memref<!tpu.dma_semaphore, #tpu.memory_space<semaphore_mem>>)
      %mul3A_447 = arith.constant 32 : i32
      %mul3A_448 = arith.muli %mul3A_25, %mul3A_447 : i32
      %add3A_449 = arith.constant 28 : i32
      %add3A_450 = arith.addi %mul3A_448, %add3A_449 : i32
      %dma_start3A_451 = arith.constant 28 : i32
      %dma_start3A_452 = arith.constant 0 : i32
      %dma_start3A_453 = arith.constant 0 : i32
      %dma_start3A_454 = tpu.memref_slice %arg6[%dma_start3A_451, %dma_start3A_452, %dma_start3A_453] : memref<32x50x32xf32, #tpu.memory_space<vmem>> -> memref<1x50x32xf32, #tpu.memory_space<vmem>>
      %dma_start3A_455 = tpu.memref_squeeze %dma_start3A_454 : memref<1x50x32xf32, #tpu.memory_space<vmem>> -> memref<50x32xf32, #tpu.memory_space<vmem>>
      %dma_start3A_456 = arith.constant 0 : i32
      %dma_start3A_457 = tpu.memref_slice %arg5[%add3A_450, %dma_start3A_456] : memref<512x50xi32, #tpu.memory_space<vmem>> -> memref<1x50xi32, #tpu.memory_space<vmem>>
      %dma_start3A_458 = tpu.memref_squeeze %dma_start3A_457 : memref<1x50xi32, #tpu.memory_space<vmem>> -> memref<50xi32, #tpu.memory_space<vmem>>
      %dma_start3A_459 = arith.constant 0 : i32
      %dma_start3A_460 = arith.constant 0 : i32
      %dma_start3A_461 = tpu.memref_slice %arg3[%dma_start3A_459, %dma_start3A_460] : memref<1000000x32xf32, #tpu.memory_space<hbm>> -> memref<1000000x32xf32, #tpu.memory_space<hbm>>
      tpu.enqueue_indirect_dma source(%dma_start3A_461 : memref<1000000x32xf32, #tpu.memory_space<hbm>>) target(%dma_start3A_455 : memref<50x32xf32, #tpu.memory_space<vmem>>) offsets(%dma_start3A_458 : memref<50xi32, #tpu.memory_space<vmem>>) semaphore(%arg8 : memref<!tpu.dma_semaphore, #tpu.memory_space<semaphore_mem>>)
      %mul3A_462 = arith.constant 32 : i32
      %mul3A_463 = arith.muli %mul3A_25, %mul3A_462 : i32
      %add3A_464 = arith.constant 29 : i32
      %add3A_465 = arith.addi %mul3A_463, %add3A_464 : i32
      %dma_start3A_466 = arith.constant 29 : i32
      %dma_start3A_467 = arith.constant 0 : i32
      %dma_start3A_468 = arith.constant 0 : i32
      %dma_start3A_469 = tpu.memref_slice %arg6[%dma_start3A_466, %dma_start3A_467, %dma_start3A_468] : memref<32x50x32xf32, #tpu.memory_space<vmem>> -> memref<1x50x32xf32, #tpu.memory_space<vmem>>
      %dma_start3A_470 = tpu.memref_squeeze %dma_start3A_469 : memref<1x50x32xf32, #tpu.memory_space<vmem>> -> memref<50x32xf32, #tpu.memory_space<vmem>>
      %dma_start3A_471 = arith.constant 0 : i32
      %dma_start3A_472 = tpu.memref_slice %arg5[%add3A_465, %dma_start3A_471] : memref<512x50xi32, #tpu.memory_space<vmem>> -> memref<1x50xi32, #tpu.memory_space<vmem>>
      %dma_start3A_473 = tpu.memref_squeeze %dma_start3A_472 : memref<1x50xi32, #tpu.memory_space<vmem>> -> memref<50xi32, #tpu.memory_space<vmem>>
      %dma_start3A_474 = arith.constant 0 : i32
      %dma_start3A_475 = arith.constant 0 : i32
      %dma_start3A_476 = tpu.memref_slice %arg3[%dma_start3A_474, %dma_start3A_475] : memref<1000000x32xf32, #tpu.memory_space<hbm>> -> memref<1000000x32xf32, #tpu.memory_space<hbm>>
      tpu.enqueue_indirect_dma source(%dma_start3A_476 : memref<1000000x32xf32, #tpu.memory_space<hbm>>) target(%dma_start3A_470 : memref<50x32xf32, #tpu.memory_space<vmem>>) offsets(%dma_start3A_473 : memref<50xi32, #tpu.memory_space<vmem>>) semaphore(%arg8 : memref<!tpu.dma_semaphore, #tpu.memory_space<semaphore_mem>>)
      %mul3A_477 = arith.constant 32 : i32
      %mul3A_478 = arith.muli %mul3A_25, %mul3A_477 : i32
      %add3A_479 = arith.constant 30 : i32
      %add3A_480 = arith.addi %mul3A_478, %add3A_479 : i32
      %dma_start3A_481 = arith.constant 30 : i32
      %dma_start3A_482 = arith.constant 0 : i32
      %dma_start3A_483 = arith.constant 0 : i32
      %dma_start3A_484 = tpu.memref_slice %arg6[%dma_start3A_481, %dma_start3A_482, %dma_start3A_483] : memref<32x50x32xf32, #tpu.memory_space<vmem>> -> memref<1x50x32xf32, #tpu.memory_space<vmem>>
      %dma_start3A_485 = tpu.memref_squeeze %dma_start3A_484 : memref<1x50x32xf32, #tpu.memory_space<vmem>> -> memref<50x32xf32, #tpu.memory_space<vmem>>
      %dma_start3A_486 = arith.constant 0 : i32
      %dma_start3A_487 = tpu.memref_slice %arg5[%add3A_480, %dma_start3A_486] : memref<512x50xi32, #tpu.memory_space<vmem>> -> memref<1x50xi32, #tpu.memory_space<vmem>>
      %dma_start3A_488 = tpu.memref_squeeze %dma_start3A_487 : memref<1x50xi32, #tpu.memory_space<vmem>> -> memref<50xi32, #tpu.memory_space<vmem>>
      %dma_start3A_489 = arith.constant 0 : i32
      %dma_start3A_490 = arith.constant 0 : i32
      %dma_start3A_491 = tpu.memref_slice %arg3[%dma_start3A_489, %dma_start3A_490] : memref<1000000x32xf32, #tpu.memory_space<hbm>> -> memref<1000000x32xf32, #tpu.memory_space<hbm>>
      tpu.enqueue_indirect_dma source(%dma_start3A_491 : memref<1000000x32xf32, #tpu.memory_space<hbm>>) target(%dma_start3A_485 : memref<50x32xf32, #tpu.memory_space<vmem>>) offsets(%dma_start3A_488 : memref<50xi32, #tpu.memory_space<vmem>>) semaphore(%arg8 : memref<!tpu.dma_semaphore, #tpu.memory_space<semaphore_mem>>)
      %mul3A_492 = arith.constant 32 : i32
      %mul3A_493 = arith.muli %mul3A_25, %mul3A_492 : i32
      %add3A_494 = arith.constant 31 : i32
      %add3A_495 = arith.addi %mul3A_493, %add3A_494 : i32
      %dma_start3A_496 = arith.constant 31 : i32
      %dma_start3A_497 = arith.constant 0 : i32
      %dma_start3A_498 = arith.constant 0 : i32
      %dma_start3A_499 = tpu.memref_slice %arg6[%dma_start3A_496, %dma_start3A_497, %dma_start3A_498] : memref<32x50x32xf32, #tpu.memory_space<vmem>> -> memref<1x50x32xf32, #tpu.memory_space<vmem>>
      %dma_start3A_500 = tpu.memref_squeeze %dma_start3A_499 : memref<1x50x32xf32, #tpu.memory_space<vmem>> -> memref<50x32xf32, #tpu.memory_space<vmem>>
      %dma_start3A_501 = arith.constant 0 : i32
      %dma_start3A_502 = tpu.memref_slice %arg5[%add3A_495, %dma_start3A_501] : memref<512x50xi32, #tpu.memory_space<vmem>> -> memref<1x50xi32, #tpu.memory_space<vmem>>
      %dma_start3A_503 = tpu.memref_squeeze %dma_start3A_502 : memref<1x50xi32, #tpu.memory_space<vmem>> -> memref<50xi32, #tpu.memory_space<vmem>>
      %dma_start3A_504 = arith.constant 0 : i32
      %dma_start3A_505 = arith.constant 0 : i32
      %dma_start3A_506 = tpu.memref_slice %arg3[%dma_start3A_504, %dma_start3A_505] : memref<1000000x32xf32, #tpu.memory_space<hbm>> -> memref<1000000x32xf32, #tpu.memory_space<hbm>>
      tpu.enqueue_indirect_dma source(%dma_start3A_506 : memref<1000000x32xf32, #tpu.memory_space<hbm>>) target(%dma_start3A_500 : memref<50x32xf32, #tpu.memory_space<vmem>>) offsets(%dma_start3A_503 : memref<50xi32, #tpu.memory_space<vmem>>) semaphore(%arg8 : memref<!tpu.dma_semaphore, #tpu.memory_space<semaphore_mem>>)
      %mul3A_507 = arith.constant 32 : i32
      %mul3A_508 = arith.muli %mul3A_25, %mul3A_507 : i32
      %add3A_509 = arith.constant 0 : i32
      %add3A_510 = arith.addi %mul3A_508, %add3A_509 : i32
      %dma_wait3A_511 = arith.constant 0 : i32
      %dma_wait3A_512 = arith.constant 0 : i32
      %dma_wait3A_513 = arith.constant 0 : i32
      %dma_wait3A_514 = tpu.memref_slice %arg6[%dma_wait3A_511, %dma_wait3A_512, %dma_wait3A_513] : memref<32x50x32xf32, #tpu.memory_space<vmem>> -> memref<1x50x32xf32, #tpu.memory_space<vmem>>
      %dma_wait3A_515 = tpu.memref_squeeze %dma_wait3A_514 : memref<1x50x32xf32, #tpu.memory_space<vmem>> -> memref<50x32xf32, #tpu.memory_space<vmem>>
      %dma_wait3A_516 = arith.constant 0 : i32
      %dma_wait3A_517 = tpu.memref_slice %arg5[%add3A_510, %dma_wait3A_516] : memref<512x50xi32, #tpu.memory_space<vmem>> -> memref<1x50xi32, #tpu.memory_space<vmem>>
      %dma_wait3A_518 = tpu.memref_squeeze %dma_wait3A_517 : memref<1x50xi32, #tpu.memory_space<vmem>> -> memref<50xi32, #tpu.memory_space<vmem>>
      %dma_wait3A_519 = arith.constant 0 : i32
      %dma_wait3A_520 = arith.constant 0 : i32
      %dma_wait3A_521 = tpu.memref_slice %arg3[%dma_wait3A_519, %dma_wait3A_520] : memref<1000000x32xf32, #tpu.memory_space<hbm>> -> memref<1000000x32xf32, #tpu.memory_space<hbm>>
      tpu.wait_indirect_dma semaphore(%arg8 : memref<!tpu.dma_semaphore, #tpu.memory_space<semaphore_mem>>) src(%dma_wait3A_521 : memref<1000000x32xf32, #tpu.memory_space<hbm>>) dst(%dma_wait3A_515 : memref<50x32xf32, #tpu.memory_space<vmem>>)
      %mul3A_522 = arith.constant 32 : i32
      %mul3A_523 = arith.muli %mul3A_25, %mul3A_522 : i32
      %add3A_524 = arith.constant 1 : i32
      %add3A_525 = arith.addi %mul3A_523, %add3A_524 : i32
      %dma_wait3A_526 = arith.constant 1 : i32
      %dma_wait3A_527 = arith.constant 0 : i32
      %dma_wait3A_528 = arith.constant 0 : i32
      %dma_wait3A_529 = tpu.memref_slice %arg6[%dma_wait3A_526, %dma_wait3A_527, %dma_wait3A_528] : memref<32x50x32xf32, #tpu.memory_space<vmem>> -> memref<1x50x32xf32, #tpu.memory_space<vmem>>
      %dma_wait3A_530 = tpu.memref_squeeze %dma_wait3A_529 : memref<1x50x32xf32, #tpu.memory_space<vmem>> -> memref<50x32xf32, #tpu.memory_space<vmem>>
      %dma_wait3A_531 = arith.constant 0 : i32
      %dma_wait3A_532 = tpu.memref_slice %arg5[%add3A_525, %dma_wait3A_531] : memref<512x50xi32, #tpu.memory_space<vmem>> -> memref<1x50xi32, #tpu.memory_space<vmem>>
      %dma_wait3A_533 = tpu.memref_squeeze %dma_wait3A_532 : memref<1x50xi32, #tpu.memory_space<vmem>> -> memref<50xi32, #tpu.memory_space<vmem>>
      %dma_wait3A_534 = arith.constant 0 : i32
      %dma_wait3A_535 = arith.constant 0 : i32
      %dma_wait3A_536 = tpu.memref_slice %arg3[%dma_wait3A_534, %dma_wait3A_535] : memref<1000000x32xf32, #tpu.memory_space<hbm>> -> memref<1000000x32xf32, #tpu.memory_space<hbm>>
      tpu.wait_indirect_dma semaphore(%arg8 : memref<!tpu.dma_semaphore, #tpu.memory_space<semaphore_mem>>) src(%dma_wait3A_536 : memref<1000000x32xf32, #tpu.memory_space<hbm>>) dst(%dma_wait3A_530 : memref<50x32xf32, #tpu.memory_space<vmem>>)
      %mul3A_537 = arith.constant 32 : i32
      %mul3A_538 = arith.muli %mul3A_25, %mul3A_537 : i32
      %add3A_539 = arith.constant 2 : i32
      %add3A_540 = arith.addi %mul3A_538, %add3A_539 : i32
      %dma_wait3A_541 = arith.constant 2 : i32
      %dma_wait3A_542 = arith.constant 0 : i32
      %dma_wait3A_543 = arith.constant 0 : i32
      %dma_wait3A_544 = tpu.memref_slice %arg6[%dma_wait3A_541, %dma_wait3A_542, %dma_wait3A_543] : memref<32x50x32xf32, #tpu.memory_space<vmem>> -> memref<1x50x32xf32, #tpu.memory_space<vmem>>
      %dma_wait3A_545 = tpu.memref_squeeze %dma_wait3A_544 : memref<1x50x32xf32, #tpu.memory_space<vmem>> -> memref<50x32xf32, #tpu.memory_space<vmem>>
      %dma_wait3A_546 = arith.constant 0 : i32
      %dma_wait3A_547 = tpu.memref_slice %arg5[%add3A_540, %dma_wait3A_546] : memref<512x50xi32, #tpu.memory_space<vmem>> -> memref<1x50xi32, #tpu.memory_space<vmem>>
      %dma_wait3A_548 = tpu.memref_squeeze %dma_wait3A_547 : memref<1x50xi32, #tpu.memory_space<vmem>> -> memref<50xi32, #tpu.memory_space<vmem>>
      %dma_wait3A_549 = arith.constant 0 : i32
      %dma_wait3A_550 = arith.constant 0 : i32
      %dma_wait3A_551 = tpu.memref_slice %arg3[%dma_wait3A_549, %dma_wait3A_550] : memref<1000000x32xf32, #tpu.memory_space<hbm>> -> memref<1000000x32xf32, #tpu.memory_space<hbm>>
      tpu.wait_indirect_dma semaphore(%arg8 : memref<!tpu.dma_semaphore, #tpu.memory_space<semaphore_mem>>) src(%dma_wait3A_551 : memref<1000000x32xf32, #tpu.memory_space<hbm>>) dst(%dma_wait3A_545 : memref<50x32xf32, #tpu.memory_space<vmem>>)
      %mul3A_552 = arith.constant 32 : i32
      %mul3A_553 = arith.muli %mul3A_25, %mul3A_552 : i32
      %add3A_554 = arith.constant 3 : i32
      %add3A_555 = arith.addi %mul3A_553, %add3A_554 : i32
      %dma_wait3A_556 = arith.constant 3 : i32
      %dma_wait3A_557 = arith.constant 0 : i32
      %dma_wait3A_558 = arith.constant 0 : i32
      %dma_wait3A_559 = tpu.memref_slice %arg6[%dma_wait3A_556, %dma_wait3A_557, %dma_wait3A_558] : memref<32x50x32xf32, #tpu.memory_space<vmem>> -> memref<1x50x32xf32, #tpu.memory_space<vmem>>
      %dma_wait3A_560 = tpu.memref_squeeze %dma_wait3A_559 : memref<1x50x32xf32, #tpu.memory_space<vmem>> -> memref<50x32xf32, #tpu.memory_space<vmem>>
      %dma_wait3A_561 = arith.constant 0 : i32
      %dma_wait3A_562 = tpu.memref_slice %arg5[%add3A_555, %dma_wait3A_561] : memref<512x50xi32, #tpu.memory_space<vmem>> -> memref<1x50xi32, #tpu.memory_space<vmem>>
      %dma_wait3A_563 = tpu.memref_squeeze %dma_wait3A_562 : memref<1x50xi32, #tpu.memory_space<vmem>> -> memref<50xi32, #tpu.memory_space<vmem>>
      %dma_wait3A_564 = arith.constant 0 : i32
      %dma_wait3A_565 = arith.constant 0 : i32
      %dma_wait3A_566 = tpu.memref_slice %arg3[%dma_wait3A_564, %dma_wait3A_565] : memref<1000000x32xf32, #tpu.memory_space<hbm>> -> memref<1000000x32xf32, #tpu.memory_space<hbm>>
      tpu.wait_indirect_dma semaphore(%arg8 : memref<!tpu.dma_semaphore, #tpu.memory_space<semaphore_mem>>) src(%dma_wait3A_566 : memref<1000000x32xf32, #tpu.memory_space<hbm>>) dst(%dma_wait3A_560 : memref<50x32xf32, #tpu.memory_space<vmem>>)
      %mul3A_567 = arith.constant 32 : i32
      %mul3A_568 = arith.muli %mul3A_25, %mul3A_567 : i32
      %add3A_569 = arith.constant 4 : i32
      %add3A_570 = arith.addi %mul3A_568, %add3A_569 : i32
      %dma_wait3A_571 = arith.constant 4 : i32
      %dma_wait3A_572 = arith.constant 0 : i32
      %dma_wait3A_573 = arith.constant 0 : i32
      %dma_wait3A_574 = tpu.memref_slice %arg6[%dma_wait3A_571, %dma_wait3A_572, %dma_wait3A_573] : memref<32x50x32xf32, #tpu.memory_space<vmem>> -> memref<1x50x32xf32, #tpu.memory_space<vmem>>
      %dma_wait3A_575 = tpu.memref_squeeze %dma_wait3A_574 : memref<1x50x32xf32, #tpu.memory_space<vmem>> -> memref<50x32xf32, #tpu.memory_space<vmem>>
      %dma_wait3A_576 = arith.constant 0 : i32
      %dma_wait3A_577 = tpu.memref_slice %arg5[%add3A_570, %dma_wait3A_576] : memref<512x50xi32, #tpu.memory_space<vmem>> -> memref<1x50xi32, #tpu.memory_space<vmem>>
      %dma_wait3A_578 = tpu.memref_squeeze %dma_wait3A_577 : memref<1x50xi32, #tpu.memory_space<vmem>> -> memref<50xi32, #tpu.memory_space<vmem>>
      %dma_wait3A_579 = arith.constant 0 : i32
      %dma_wait3A_580 = arith.constant 0 : i32
      %dma_wait3A_581 = tpu.memref_slice %arg3[%dma_wait3A_579, %dma_wait3A_580] : memref<1000000x32xf32, #tpu.memory_space<hbm>> -> memref<1000000x32xf32, #tpu.memory_space<hbm>>
      tpu.wait_indirect_dma semaphore(%arg8 : memref<!tpu.dma_semaphore, #tpu.memory_space<semaphore_mem>>) src(%dma_wait3A_581 : memref<1000000x32xf32, #tpu.memory_space<hbm>>) dst(%dma_wait3A_575 : memref<50x32xf32, #tpu.memory_space<vmem>>)
      %mul3A_582 = arith.constant 32 : i32
      %mul3A_583 = arith.muli %mul3A_25, %mul3A_582 : i32
      %add3A_584 = arith.constant 5 : i32
      %add3A_585 = arith.addi %mul3A_583, %add3A_584 : i32
      %dma_wait3A_586 = arith.constant 5 : i32
      %dma_wait3A_587 = arith.constant 0 : i32
      %dma_wait3A_588 = arith.constant 0 : i32
      %dma_wait3A_589 = tpu.memref_slice %arg6[%dma_wait3A_586, %dma_wait3A_587, %dma_wait3A_588] : memref<32x50x32xf32, #tpu.memory_space<vmem>> -> memref<1x50x32xf32, #tpu.memory_space<vmem>>
      %dma_wait3A_590 = tpu.memref_squeeze %dma_wait3A_589 : memref<1x50x32xf32, #tpu.memory_space<vmem>> -> memref<50x32xf32, #tpu.memory_space<vmem>>
      %dma_wait3A_591 = arith.constant 0 : i32
      %dma_wait3A_592 = tpu.memref_slice %arg5[%add3A_585, %dma_wait3A_591] : memref<512x50xi32, #tpu.memory_space<vmem>> -> memref<1x50xi32, #tpu.memory_space<vmem>>
      %dma_wait3A_593 = tpu.memref_squeeze %dma_wait3A_592 : memref<1x50xi32, #tpu.memory_space<vmem>> -> memref<50xi32, #tpu.memory_space<vmem>>
      %dma_wait3A_594 = arith.constant 0 : i32
      %dma_wait3A_595 = arith.constant 0 : i32
      %dma_wait3A_596 = tpu.memref_slice %arg3[%dma_wait3A_594, %dma_wait3A_595] : memref<1000000x32xf32, #tpu.memory_space<hbm>> -> memref<1000000x32xf32, #tpu.memory_space<hbm>>
      tpu.wait_indirect_dma semaphore(%arg8 : memref<!tpu.dma_semaphore, #tpu.memory_space<semaphore_mem>>) src(%dma_wait3A_596 : memref<1000000x32xf32, #tpu.memory_space<hbm>>) dst(%dma_wait3A_590 : memref<50x32xf32, #tpu.memory_space<vmem>>)
      %mul3A_597 = arith.constant 32 : i32
      %mul3A_598 = arith.muli %mul3A_25, %mul3A_597 : i32
      %add3A_599 = arith.constant 6 : i32
      %add3A_600 = arith.addi %mul3A_598, %add3A_599 : i32
      %dma_wait3A_601 = arith.constant 6 : i32
      %dma_wait3A_602 = arith.constant 0 : i32
      %dma_wait3A_603 = arith.constant 0 : i32
      %dma_wait3A_604 = tpu.memref_slice %arg6[%dma_wait3A_601, %dma_wait3A_602, %dma_wait3A_603] : memref<32x50x32xf32, #tpu.memory_space<vmem>> -> memref<1x50x32xf32, #tpu.memory_space<vmem>>
      %dma_wait3A_605 = tpu.memref_squeeze %dma_wait3A_604 : memref<1x50x32xf32, #tpu.memory_space<vmem>> -> memref<50x32xf32, #tpu.memory_space<vmem>>
      %dma_wait3A_606 = arith.constant 0 : i32
      %dma_wait3A_607 = tpu.memref_slice %arg5[%add3A_600, %dma_wait3A_606] : memref<512x50xi32, #tpu.memory_space<vmem>> -> memref<1x50xi32, #tpu.memory_space<vmem>>
      %dma_wait3A_608 = tpu.memref_squeeze %dma_wait3A_607 : memref<1x50xi32, #tpu.memory_space<vmem>> -> memref<50xi32, #tpu.memory_space<vmem>>
      %dma_wait3A_609 = arith.constant 0 : i32
      %dma_wait3A_610 = arith.constant 0 : i32
      %dma_wait3A_611 = tpu.memref_slice %arg3[%dma_wait3A_609, %dma_wait3A_610] : memref<1000000x32xf32, #tpu.memory_space<hbm>> -> memref<1000000x32xf32, #tpu.memory_space<hbm>>
      tpu.wait_indirect_dma semaphore(%arg8 : memref<!tpu.dma_semaphore, #tpu.memory_space<semaphore_mem>>) src(%dma_wait3A_611 : memref<1000000x32xf32, #tpu.memory_space<hbm>>) dst(%dma_wait3A_605 : memref<50x32xf32, #tpu.memory_space<vmem>>)
      %mul3A_612 = arith.constant 32 : i32
      %mul3A_613 = arith.muli %mul3A_25, %mul3A_612 : i32
      %add3A_614 = arith.constant 7 : i32
      %add3A_615 = arith.addi %mul3A_613, %add3A_614 : i32
      %dma_wait3A_616 = arith.constant 7 : i32
      %dma_wait3A_617 = arith.constant 0 : i32
      %dma_wait3A_618 = arith.constant 0 : i32
      %dma_wait3A_619 = tpu.memref_slice %arg6[%dma_wait3A_616, %dma_wait3A_617, %dma_wait3A_618] : memref<32x50x32xf32, #tpu.memory_space<vmem>> -> memref<1x50x32xf32, #tpu.memory_space<vmem>>
      %dma_wait3A_620 = tpu.memref_squeeze %dma_wait3A_619 : memref<1x50x32xf32, #tpu.memory_space<vmem>> -> memref<50x32xf32, #tpu.memory_space<vmem>>
      %dma_wait3A_621 = arith.constant 0 : i32
      %dma_wait3A_622 = tpu.memref_slice %arg5[%add3A_615, %dma_wait3A_621] : memref<512x50xi32, #tpu.memory_space<vmem>> -> memref<1x50xi32, #tpu.memory_space<vmem>>
      %dma_wait3A_623 = tpu.memref_squeeze %dma_wait3A_622 : memref<1x50xi32, #tpu.memory_space<vmem>> -> memref<50xi32, #tpu.memory_space<vmem>>
      %dma_wait3A_624 = arith.constant 0 : i32
      %dma_wait3A_625 = arith.constant 0 : i32
      %dma_wait3A_626 = tpu.memref_slice %arg3[%dma_wait3A_624, %dma_wait3A_625] : memref<1000000x32xf32, #tpu.memory_space<hbm>> -> memref<1000000x32xf32, #tpu.memory_space<hbm>>
      tpu.wait_indirect_dma semaphore(%arg8 : memref<!tpu.dma_semaphore, #tpu.memory_space<semaphore_mem>>) src(%dma_wait3A_626 : memref<1000000x32xf32, #tpu.memory_space<hbm>>) dst(%dma_wait3A_620 : memref<50x32xf32, #tpu.memory_space<vmem>>)
      %mul3A_627 = arith.constant 32 : i32
      %mul3A_628 = arith.muli %mul3A_25, %mul3A_627 : i32
      %add3A_629 = arith.constant 8 : i32
      %add3A_630 = arith.addi %mul3A_628, %add3A_629 : i32
      %dma_wait3A_631 = arith.constant 8 : i32
      %dma_wait3A_632 = arith.constant 0 : i32
      %dma_wait3A_633 = arith.constant 0 : i32
      %dma_wait3A_634 = tpu.memref_slice %arg6[%dma_wait3A_631, %dma_wait3A_632, %dma_wait3A_633] : memref<32x50x32xf32, #tpu.memory_space<vmem>> -> memref<1x50x32xf32, #tpu.memory_space<vmem>>
      %dma_wait3A_635 = tpu.memref_squeeze %dma_wait3A_634 : memref<1x50x32xf32, #tpu.memory_space<vmem>> -> memref<50x32xf32, #tpu.memory_space<vmem>>
      %dma_wait3A_636 = arith.constant 0 : i32
      %dma_wait3A_637 = tpu.memref_slice %arg5[%add3A_630, %dma_wait3A_636] : memref<512x50xi32, #tpu.memory_space<vmem>> -> memref<1x50xi32, #tpu.memory_space<vmem>>
      %dma_wait3A_638 = tpu.memref_squeeze %dma_wait3A_637 : memref<1x50xi32, #tpu.memory_space<vmem>> -> memref<50xi32, #tpu.memory_space<vmem>>
      %dma_wait3A_639 = arith.constant 0 : i32
      %dma_wait3A_640 = arith.constant 0 : i32
      %dma_wait3A_641 = tpu.memref_slice %arg3[%dma_wait3A_639, %dma_wait3A_640] : memref<1000000x32xf32, #tpu.memory_space<hbm>> -> memref<1000000x32xf32, #tpu.memory_space<hbm>>
      tpu.wait_indirect_dma semaphore(%arg8 : memref<!tpu.dma_semaphore, #tpu.memory_space<semaphore_mem>>) src(%dma_wait3A_641 : memref<1000000x32xf32, #tpu.memory_space<hbm>>) dst(%dma_wait3A_635 : memref<50x32xf32, #tpu.memory_space<vmem>>)
      %mul3A_642 = arith.constant 32 : i32
      %mul3A_643 = arith.muli %mul3A_25, %mul3A_642 : i32
      %add3A_644 = arith.constant 9 : i32
      %add3A_645 = arith.addi %mul3A_643, %add3A_644 : i32
      %dma_wait3A_646 = arith.constant 9 : i32
      %dma_wait3A_647 = arith.constant 0 : i32
      %dma_wait3A_648 = arith.constant 0 : i32
      %dma_wait3A_649 = tpu.memref_slice %arg6[%dma_wait3A_646, %dma_wait3A_647, %dma_wait3A_648] : memref<32x50x32xf32, #tpu.memory_space<vmem>> -> memref<1x50x32xf32, #tpu.memory_space<vmem>>
      %dma_wait3A_650 = tpu.memref_squeeze %dma_wait3A_649 : memref<1x50x32xf32, #tpu.memory_space<vmem>> -> memref<50x32xf32, #tpu.memory_space<vmem>>
      %dma_wait3A_651 = arith.constant 0 : i32
      %dma_wait3A_652 = tpu.memref_slice %arg5[%add3A_645, %dma_wait3A_651] : memref<512x50xi32, #tpu.memory_space<vmem>> -> memref<1x50xi32, #tpu.memory_space<vmem>>
      %dma_wait3A_653 = tpu.memref_squeeze %dma_wait3A_652 : memref<1x50xi32, #tpu.memory_space<vmem>> -> memref<50xi32, #tpu.memory_space<vmem>>
      %dma_wait3A_654 = arith.constant 0 : i32
      %dma_wait3A_655 = arith.constant 0 : i32
      %dma_wait3A_656 = tpu.memref_slice %arg3[%dma_wait3A_654, %dma_wait3A_655] : memref<1000000x32xf32, #tpu.memory_space<hbm>> -> memref<1000000x32xf32, #tpu.memory_space<hbm>>
      tpu.wait_indirect_dma semaphore(%arg8 : memref<!tpu.dma_semaphore, #tpu.memory_space<semaphore_mem>>) src(%dma_wait3A_656 : memref<1000000x32xf32, #tpu.memory_space<hbm>>) dst(%dma_wait3A_650 : memref<50x32xf32, #tpu.memory_space<vmem>>)
      %mul3A_657 = arith.constant 32 : i32
      %mul3A_658 = arith.muli %mul3A_25, %mul3A_657 : i32
      %add3A_659 = arith.constant 10 : i32
      %add3A_660 = arith.addi %mul3A_658, %add3A_659 : i32
      %dma_wait3A_661 = arith.constant 10 : i32
      %dma_wait3A_662 = arith.constant 0 : i32
      %dma_wait3A_663 = arith.constant 0 : i32
      %dma_wait3A_664 = tpu.memref_slice %arg6[%dma_wait3A_661, %dma_wait3A_662, %dma_wait3A_663] : memref<32x50x32xf32, #tpu.memory_space<vmem>> -> memref<1x50x32xf32, #tpu.memory_space<vmem>>
      %dma_wait3A_665 = tpu.memref_squeeze %dma_wait3A_664 : memref<1x50x32xf32, #tpu.memory_space<vmem>> -> memref<50x32xf32, #tpu.memory_space<vmem>>
      %dma_wait3A_666 = arith.constant 0 : i32
      %dma_wait3A_667 = tpu.memref_slice %arg5[%add3A_660, %dma_wait3A_666] : memref<512x50xi32, #tpu.memory_space<vmem>> -> memref<1x50xi32, #tpu.memory_space<vmem>>
      %dma_wait3A_668 = tpu.memref_squeeze %dma_wait3A_667 : memref<1x50xi32, #tpu.memory_space<vmem>> -> memref<50xi32, #tpu.memory_space<vmem>>
      %dma_wait3A_669 = arith.constant 0 : i32
      %dma_wait3A_670 = arith.constant 0 : i32
      %dma_wait3A_671 = tpu.memref_slice %arg3[%dma_wait3A_669, %dma_wait3A_670] : memref<1000000x32xf32, #tpu.memory_space<hbm>> -> memref<1000000x32xf32, #tpu.memory_space<hbm>>
      tpu.wait_indirect_dma semaphore(%arg8 : memref<!tpu.dma_semaphore, #tpu.memory_space<semaphore_mem>>) src(%dma_wait3A_671 : memref<1000000x32xf32, #tpu.memory_space<hbm>>) dst(%dma_wait3A_665 : memref<50x32xf32, #tpu.memory_space<vmem>>)
      %mul3A_672 = arith.constant 32 : i32
      %mul3A_673 = arith.muli %mul3A_25, %mul3A_672 : i32
      %add3A_674 = arith.constant 11 : i32
      %add3A_675 = arith.addi %mul3A_673, %add3A_674 : i32
      %dma_wait3A_676 = arith.constant 11 : i32
      %dma_wait3A_677 = arith.constant 0 : i32
      %dma_wait3A_678 = arith.constant 0 : i32
      %dma_wait3A_679 = tpu.memref_slice %arg6[%dma_wait3A_676, %dma_wait3A_677, %dma_wait3A_678] : memref<32x50x32xf32, #tpu.memory_space<vmem>> -> memref<1x50x32xf32, #tpu.memory_space<vmem>>
      %dma_wait3A_680 = tpu.memref_squeeze %dma_wait3A_679 : memref<1x50x32xf32, #tpu.memory_space<vmem>> -> memref<50x32xf32, #tpu.memory_space<vmem>>
      %dma_wait3A_681 = arith.constant 0 : i32
      %dma_wait3A_682 = tpu.memref_slice %arg5[%add3A_675, %dma_wait3A_681] : memref<512x50xi32, #tpu.memory_space<vmem>> -> memref<1x50xi32, #tpu.memory_space<vmem>>
      %dma_wait3A_683 = tpu.memref_squeeze %dma_wait3A_682 : memref<1x50xi32, #tpu.memory_space<vmem>> -> memref<50xi32, #tpu.memory_space<vmem>>
      %dma_wait3A_684 = arith.constant 0 : i32
      %dma_wait3A_685 = arith.constant 0 : i32
      %dma_wait3A_686 = tpu.memref_slice %arg3[%dma_wait3A_684, %dma_wait3A_685] : memref<1000000x32xf32, #tpu.memory_space<hbm>> -> memref<1000000x32xf32, #tpu.memory_space<hbm>>
      tpu.wait_indirect_dma semaphore(%arg8 : memref<!tpu.dma_semaphore, #tpu.memory_space<semaphore_mem>>) src(%dma_wait3A_686 : memref<1000000x32xf32, #tpu.memory_space<hbm>>) dst(%dma_wait3A_680 : memref<50x32xf32, #tpu.memory_space<vmem>>)
      %mul3A_687 = arith.constant 32 : i32
      %mul3A_688 = arith.muli %mul3A_25, %mul3A_687 : i32
      %add3A_689 = arith.constant 12 : i32
      %add3A_690 = arith.addi %mul3A_688, %add3A_689 : i32
      %dma_wait3A_691 = arith.constant 12 : i32
      %dma_wait3A_692 = arith.constant 0 : i32
      %dma_wait3A_693 = arith.constant 0 : i32
      %dma_wait3A_694 = tpu.memref_slice %arg6[%dma_wait3A_691, %dma_wait3A_692, %dma_wait3A_693] : memref<32x50x32xf32, #tpu.memory_space<vmem>> -> memref<1x50x32xf32, #tpu.memory_space<vmem>>
      %dma_wait3A_695 = tpu.memref_squeeze %dma_wait3A_694 : memref<1x50x32xf32, #tpu.memory_space<vmem>> -> memref<50x32xf32, #tpu.memory_space<vmem>>
      %dma_wait3A_696 = arith.constant 0 : i32
      %dma_wait3A_697 = tpu.memref_slice %arg5[%add3A_690, %dma_wait3A_696] : memref<512x50xi32, #tpu.memory_space<vmem>> -> memref<1x50xi32, #tpu.memory_space<vmem>>
      %dma_wait3A_698 = tpu.memref_squeeze %dma_wait3A_697 : memref<1x50xi32, #tpu.memory_space<vmem>> -> memref<50xi32, #tpu.memory_space<vmem>>
      %dma_wait3A_699 = arith.constant 0 : i32
      %dma_wait3A_700 = arith.constant 0 : i32
      %dma_wait3A_701 = tpu.memref_slice %arg3[%dma_wait3A_699, %dma_wait3A_700] : memref<1000000x32xf32, #tpu.memory_space<hbm>> -> memref<1000000x32xf32, #tpu.memory_space<hbm>>
      tpu.wait_indirect_dma semaphore(%arg8 : memref<!tpu.dma_semaphore, #tpu.memory_space<semaphore_mem>>) src(%dma_wait3A_701 : memref<1000000x32xf32, #tpu.memory_space<hbm>>) dst(%dma_wait3A_695 : memref<50x32xf32, #tpu.memory_space<vmem>>)
      %mul3A_702 = arith.constant 32 : i32
      %mul3A_703 = arith.muli %mul3A_25, %mul3A_702 : i32
      %add3A_704 = arith.constant 13 : i32
      %add3A_705 = arith.addi %mul3A_703, %add3A_704 : i32
      %dma_wait3A_706 = arith.constant 13 : i32
      %dma_wait3A_707 = arith.constant 0 : i32
      %dma_wait3A_708 = arith.constant 0 : i32
      %dma_wait3A_709 = tpu.memref_slice %arg6[%dma_wait3A_706, %dma_wait3A_707, %dma_wait3A_708] : memref<32x50x32xf32, #tpu.memory_space<vmem>> -> memref<1x50x32xf32, #tpu.memory_space<vmem>>
      %dma_wait3A_710 = tpu.memref_squeeze %dma_wait3A_709 : memref<1x50x32xf32, #tpu.memory_space<vmem>> -> memref<50x32xf32, #tpu.memory_space<vmem>>
      %dma_wait3A_711 = arith.constant 0 : i32
      %dma_wait3A_712 = tpu.memref_slice %arg5[%add3A_705, %dma_wait3A_711] : memref<512x50xi32, #tpu.memory_space<vmem>> -> memref<1x50xi32, #tpu.memory_space<vmem>>
      %dma_wait3A_713 = tpu.memref_squeeze %dma_wait3A_712 : memref<1x50xi32, #tpu.memory_space<vmem>> -> memref<50xi32, #tpu.memory_space<vmem>>
      %dma_wait3A_714 = arith.constant 0 : i32
      %dma_wait3A_715 = arith.constant 0 : i32
      %dma_wait3A_716 = tpu.memref_slice %arg3[%dma_wait3A_714, %dma_wait3A_715] : memref<1000000x32xf32, #tpu.memory_space<hbm>> -> memref<1000000x32xf32, #tpu.memory_space<hbm>>
      tpu.wait_indirect_dma semaphore(%arg8 : memref<!tpu.dma_semaphore, #tpu.memory_space<semaphore_mem>>) src(%dma_wait3A_716 : memref<1000000x32xf32, #tpu.memory_space<hbm>>) dst(%dma_wait3A_710 : memref<50x32xf32, #tpu.memory_space<vmem>>)
      %mul3A_717 = arith.constant 32 : i32
      %mul3A_718 = arith.muli %mul3A_25, %mul3A_717 : i32
      %add3A_719 = arith.constant 14 : i32
      %add3A_720 = arith.addi %mul3A_718, %add3A_719 : i32
      %dma_wait3A_721 = arith.constant 14 : i32
      %dma_wait3A_722 = arith.constant 0 : i32
      %dma_wait3A_723 = arith.constant 0 : i32
      %dma_wait3A_724 = tpu.memref_slice %arg6[%dma_wait3A_721, %dma_wait3A_722, %dma_wait3A_723] : memref<32x50x32xf32, #tpu.memory_space<vmem>> -> memref<1x50x32xf32, #tpu.memory_space<vmem>>
      %dma_wait3A_725 = tpu.memref_squeeze %dma_wait3A_724 : memref<1x50x32xf32, #tpu.memory_space<vmem>> -> memref<50x32xf32, #tpu.memory_space<vmem>>
      %dma_wait3A_726 = arith.constant 0 : i32
      %dma_wait3A_727 = tpu.memref_slice %arg5[%add3A_720, %dma_wait3A_726] : memref<512x50xi32, #tpu.memory_space<vmem>> -> memref<1x50xi32, #tpu.memory_space<vmem>>
      %dma_wait3A_728 = tpu.memref_squeeze %dma_wait3A_727 : memref<1x50xi32, #tpu.memory_space<vmem>> -> memref<50xi32, #tpu.memory_space<vmem>>
      %dma_wait3A_729 = arith.constant 0 : i32
      %dma_wait3A_730 = arith.constant 0 : i32
      %dma_wait3A_731 = tpu.memref_slice %arg3[%dma_wait3A_729, %dma_wait3A_730] : memref<1000000x32xf32, #tpu.memory_space<hbm>> -> memref<1000000x32xf32, #tpu.memory_space<hbm>>
      tpu.wait_indirect_dma semaphore(%arg8 : memref<!tpu.dma_semaphore, #tpu.memory_space<semaphore_mem>>) src(%dma_wait3A_731 : memref<1000000x32xf32, #tpu.memory_space<hbm>>) dst(%dma_wait3A_725 : memref<50x32xf32, #tpu.memory_space<vmem>>)
      %mul3A_732 = arith.constant 32 : i32
      %mul3A_733 = arith.muli %mul3A_25, %mul3A_732 : i32
      %add3A_734 = arith.constant 15 : i32
      %add3A_735 = arith.addi %mul3A_733, %add3A_734 : i32
      %dma_wait3A_736 = arith.constant 15 : i32
      %dma_wait3A_737 = arith.constant 0 : i32
      %dma_wait3A_738 = arith.constant 0 : i32
      %dma_wait3A_739 = tpu.memref_slice %arg6[%dma_wait3A_736, %dma_wait3A_737, %dma_wait3A_738] : memref<32x50x32xf32, #tpu.memory_space<vmem>> -> memref<1x50x32xf32, #tpu.memory_space<vmem>>
      %dma_wait3A_740 = tpu.memref_squeeze %dma_wait3A_739 : memref<1x50x32xf32, #tpu.memory_space<vmem>> -> memref<50x32xf32, #tpu.memory_space<vmem>>
      %dma_wait3A_741 = arith.constant 0 : i32
      %dma_wait3A_742 = tpu.memref_slice %arg5[%add3A_735, %dma_wait3A_741] : memref<512x50xi32, #tpu.memory_space<vmem>> -> memref<1x50xi32, #tpu.memory_space<vmem>>
      %dma_wait3A_743 = tpu.memref_squeeze %dma_wait3A_742 : memref<1x50xi32, #tpu.memory_space<vmem>> -> memref<50xi32, #tpu.memory_space<vmem>>
      %dma_wait3A_744 = arith.constant 0 : i32
      %dma_wait3A_745 = arith.constant 0 : i32
      %dma_wait3A_746 = tpu.memref_slice %arg3[%dma_wait3A_744, %dma_wait3A_745] : memref<1000000x32xf32, #tpu.memory_space<hbm>> -> memref<1000000x32xf32, #tpu.memory_space<hbm>>
      tpu.wait_indirect_dma semaphore(%arg8 : memref<!tpu.dma_semaphore, #tpu.memory_space<semaphore_mem>>) src(%dma_wait3A_746 : memref<1000000x32xf32, #tpu.memory_space<hbm>>) dst(%dma_wait3A_740 : memref<50x32xf32, #tpu.memory_space<vmem>>)
      %mul3A_747 = arith.constant 32 : i32
      %mul3A_748 = arith.muli %mul3A_25, %mul3A_747 : i32
      %add3A_749 = arith.constant 16 : i32
      %add3A_750 = arith.addi %mul3A_748, %add3A_749 : i32
      %dma_wait3A_751 = arith.constant 16 : i32
      %dma_wait3A_752 = arith.constant 0 : i32
      %dma_wait3A_753 = arith.constant 0 : i32
      %dma_wait3A_754 = tpu.memref_slice %arg6[%dma_wait3A_751, %dma_wait3A_752, %dma_wait3A_753] : memref<32x50x32xf32, #tpu.memory_space<vmem>> -> memref<1x50x32xf32, #tpu.memory_space<vmem>>
      %dma_wait3A_755 = tpu.memref_squeeze %dma_wait3A_754 : memref<1x50x32xf32, #tpu.memory_space<vmem>> -> memref<50x32xf32, #tpu.memory_space<vmem>>
      %dma_wait3A_756 = arith.constant 0 : i32
      %dma_wait3A_757 = tpu.memref_slice %arg5[%add3A_750, %dma_wait3A_756] : memref<512x50xi32, #tpu.memory_space<vmem>> -> memref<1x50xi32, #tpu.memory_space<vmem>>
      %dma_wait3A_758 = tpu.memref_squeeze %dma_wait3A_757 : memref<1x50xi32, #tpu.memory_space<vmem>> -> memref<50xi32, #tpu.memory_space<vmem>>
      %dma_wait3A_759 = arith.constant 0 : i32
      %dma_wait3A_760 = arith.constant 0 : i32
      %dma_wait3A_761 = tpu.memref_slice %arg3[%dma_wait3A_759, %dma_wait3A_760] : memref<1000000x32xf32, #tpu.memory_space<hbm>> -> memref<1000000x32xf32, #tpu.memory_space<hbm>>
      tpu.wait_indirect_dma semaphore(%arg8 : memref<!tpu.dma_semaphore, #tpu.memory_space<semaphore_mem>>) src(%dma_wait3A_761 : memref<1000000x32xf32, #tpu.memory_space<hbm>>) dst(%dma_wait3A_755 : memref<50x32xf32, #tpu.memory_space<vmem>>)
      %mul3A_762 = arith.constant 32 : i32
      %mul3A_763 = arith.muli %mul3A_25, %mul3A_762 : i32
      %add3A_764 = arith.constant 17 : i32
      %add3A_765 = arith.addi %mul3A_763, %add3A_764 : i32
      %dma_wait3A_766 = arith.constant 17 : i32
      %dma_wait3A_767 = arith.constant 0 : i32
      %dma_wait3A_768 = arith.constant 0 : i32
      %dma_wait3A_769 = tpu.memref_slice %arg6[%dma_wait3A_766, %dma_wait3A_767, %dma_wait3A_768] : memref<32x50x32xf32, #tpu.memory_space<vmem>> -> memref<1x50x32xf32, #tpu.memory_space<vmem>>
      %dma_wait3A_770 = tpu.memref_squeeze %dma_wait3A_769 : memref<1x50x32xf32, #tpu.memory_space<vmem>> -> memref<50x32xf32, #tpu.memory_space<vmem>>
      %dma_wait3A_771 = arith.constant 0 : i32
      %dma_wait3A_772 = tpu.memref_slice %arg5[%add3A_765, %dma_wait3A_771] : memref<512x50xi32, #tpu.memory_space<vmem>> -> memref<1x50xi32, #tpu.memory_space<vmem>>
      %dma_wait3A_773 = tpu.memref_squeeze %dma_wait3A_772 : memref<1x50xi32, #tpu.memory_space<vmem>> -> memref<50xi32, #tpu.memory_space<vmem>>
      %dma_wait3A_774 = arith.constant 0 : i32
      %dma_wait3A_775 = arith.constant 0 : i32
      %dma_wait3A_776 = tpu.memref_slice %arg3[%dma_wait3A_774, %dma_wait3A_775] : memref<1000000x32xf32, #tpu.memory_space<hbm>> -> memref<1000000x32xf32, #tpu.memory_space<hbm>>
      tpu.wait_indirect_dma semaphore(%arg8 : memref<!tpu.dma_semaphore, #tpu.memory_space<semaphore_mem>>) src(%dma_wait3A_776 : memref<1000000x32xf32, #tpu.memory_space<hbm>>) dst(%dma_wait3A_770 : memref<50x32xf32, #tpu.memory_space<vmem>>)
      %mul3A_777 = arith.constant 32 : i32
      %mul3A_778 = arith.muli %mul3A_25, %mul3A_777 : i32
      %add3A_779 = arith.constant 18 : i32
      %add3A_780 = arith.addi %mul3A_778, %add3A_779 : i32
      %dma_wait3A_781 = arith.constant 18 : i32
      %dma_wait3A_782 = arith.constant 0 : i32
      %dma_wait3A_783 = arith.constant 0 : i32
      %dma_wait3A_784 = tpu.memref_slice %arg6[%dma_wait3A_781, %dma_wait3A_782, %dma_wait3A_783] : memref<32x50x32xf32, #tpu.memory_space<vmem>> -> memref<1x50x32xf32, #tpu.memory_space<vmem>>
      %dma_wait3A_785 = tpu.memref_squeeze %dma_wait3A_784 : memref<1x50x32xf32, #tpu.memory_space<vmem>> -> memref<50x32xf32, #tpu.memory_space<vmem>>
      %dma_wait3A_786 = arith.constant 0 : i32
      %dma_wait3A_787 = tpu.memref_slice %arg5[%add3A_780, %dma_wait3A_786] : memref<512x50xi32, #tpu.memory_space<vmem>> -> memref<1x50xi32, #tpu.memory_space<vmem>>
      %dma_wait3A_788 = tpu.memref_squeeze %dma_wait3A_787 : memref<1x50xi32, #tpu.memory_space<vmem>> -> memref<50xi32, #tpu.memory_space<vmem>>
      %dma_wait3A_789 = arith.constant 0 : i32
      %dma_wait3A_790 = arith.constant 0 : i32
      %dma_wait3A_791 = tpu.memref_slice %arg3[%dma_wait3A_789, %dma_wait3A_790] : memref<1000000x32xf32, #tpu.memory_space<hbm>> -> memref<1000000x32xf32, #tpu.memory_space<hbm>>
      tpu.wait_indirect_dma semaphore(%arg8 : memref<!tpu.dma_semaphore, #tpu.memory_space<semaphore_mem>>) src(%dma_wait3A_791 : memref<1000000x32xf32, #tpu.memory_space<hbm>>) dst(%dma_wait3A_785 : memref<50x32xf32, #tpu.memory_space<vmem>>)
      %mul3A_792 = arith.constant 32 : i32
      %mul3A_793 = arith.muli %mul3A_25, %mul3A_792 : i32
      %add3A_794 = arith.constant 19 : i32
      %add3A_795 = arith.addi %mul3A_793, %add3A_794 : i32
      %dma_wait3A_796 = arith.constant 19 : i32
      %dma_wait3A_797 = arith.constant 0 : i32
      %dma_wait3A_798 = arith.constant 0 : i32
      %dma_wait3A_799 = tpu.memref_slice %arg6[%dma_wait3A_796, %dma_wait3A_797, %dma_wait3A_798] : memref<32x50x32xf32, #tpu.memory_space<vmem>> -> memref<1x50x32xf32, #tpu.memory_space<vmem>>
      %dma_wait3A_800 = tpu.memref_squeeze %dma_wait3A_799 : memref<1x50x32xf32, #tpu.memory_space<vmem>> -> memref<50x32xf32, #tpu.memory_space<vmem>>
      %dma_wait3A_801 = arith.constant 0 : i32
      %dma_wait3A_802 = tpu.memref_slice %arg5[%add3A_795, %dma_wait3A_801] : memref<512x50xi32, #tpu.memory_space<vmem>> -> memref<1x50xi32, #tpu.memory_space<vmem>>
      %dma_wait3A_803 = tpu.memref_squeeze %dma_wait3A_802 : memref<1x50xi32, #tpu.memory_space<vmem>> -> memref<50xi32, #tpu.memory_space<vmem>>
      %dma_wait3A_804 = arith.constant 0 : i32
      %dma_wait3A_805 = arith.constant 0 : i32
      %dma_wait3A_806 = tpu.memref_slice %arg3[%dma_wait3A_804, %dma_wait3A_805] : memref<1000000x32xf32, #tpu.memory_space<hbm>> -> memref<1000000x32xf32, #tpu.memory_space<hbm>>
      tpu.wait_indirect_dma semaphore(%arg8 : memref<!tpu.dma_semaphore, #tpu.memory_space<semaphore_mem>>) src(%dma_wait3A_806 : memref<1000000x32xf32, #tpu.memory_space<hbm>>) dst(%dma_wait3A_800 : memref<50x32xf32, #tpu.memory_space<vmem>>)
      %mul3A_807 = arith.constant 32 : i32
      %mul3A_808 = arith.muli %mul3A_25, %mul3A_807 : i32
      %add3A_809 = arith.constant 20 : i32
      %add3A_810 = arith.addi %mul3A_808, %add3A_809 : i32
      %dma_wait3A_811 = arith.constant 20 : i32
      %dma_wait3A_812 = arith.constant 0 : i32
      %dma_wait3A_813 = arith.constant 0 : i32
      %dma_wait3A_814 = tpu.memref_slice %arg6[%dma_wait3A_811, %dma_wait3A_812, %dma_wait3A_813] : memref<32x50x32xf32, #tpu.memory_space<vmem>> -> memref<1x50x32xf32, #tpu.memory_space<vmem>>
      %dma_wait3A_815 = tpu.memref_squeeze %dma_wait3A_814 : memref<1x50x32xf32, #tpu.memory_space<vmem>> -> memref<50x32xf32, #tpu.memory_space<vmem>>
      %dma_wait3A_816 = arith.constant 0 : i32
      %dma_wait3A_817 = tpu.memref_slice %arg5[%add3A_810, %dma_wait3A_816] : memref<512x50xi32, #tpu.memory_space<vmem>> -> memref<1x50xi32, #tpu.memory_space<vmem>>
      %dma_wait3A_818 = tpu.memref_squeeze %dma_wait3A_817 : memref<1x50xi32, #tpu.memory_space<vmem>> -> memref<50xi32, #tpu.memory_space<vmem>>
      %dma_wait3A_819 = arith.constant 0 : i32
      %dma_wait3A_820 = arith.constant 0 : i32
      %dma_wait3A_821 = tpu.memref_slice %arg3[%dma_wait3A_819, %dma_wait3A_820] : memref<1000000x32xf32, #tpu.memory_space<hbm>> -> memref<1000000x32xf32, #tpu.memory_space<hbm>>
      tpu.wait_indirect_dma semaphore(%arg8 : memref<!tpu.dma_semaphore, #tpu.memory_space<semaphore_mem>>) src(%dma_wait3A_821 : memref<1000000x32xf32, #tpu.memory_space<hbm>>) dst(%dma_wait3A_815 : memref<50x32xf32, #tpu.memory_space<vmem>>)
      %mul3A_822 = arith.constant 32 : i32
      %mul3A_823 = arith.muli %mul3A_25, %mul3A_822 : i32
      %add3A_824 = arith.constant 21 : i32
      %add3A_825 = arith.addi %mul3A_823, %add3A_824 : i32
      %dma_wait3A_826 = arith.constant 21 : i32
      %dma_wait3A_827 = arith.constant 0 : i32
      %dma_wait3A_828 = arith.constant 0 : i32
      %dma_wait3A_829 = tpu.memref_slice %arg6[%dma_wait3A_826, %dma_wait3A_827, %dma_wait3A_828] : memref<32x50x32xf32, #tpu.memory_space<vmem>> -> memref<1x50x32xf32, #tpu.memory_space<vmem>>
      %dma_wait3A_830 = tpu.memref_squeeze %dma_wait3A_829 : memref<1x50x32xf32, #tpu.memory_space<vmem>> -> memref<50x32xf32, #tpu.memory_space<vmem>>
      %dma_wait3A_831 = arith.constant 0 : i32
      %dma_wait3A_832 = tpu.memref_slice %arg5[%add3A_825, %dma_wait3A_831] : memref<512x50xi32, #tpu.memory_space<vmem>> -> memref<1x50xi32, #tpu.memory_space<vmem>>
      %dma_wait3A_833 = tpu.memref_squeeze %dma_wait3A_832 : memref<1x50xi32, #tpu.memory_space<vmem>> -> memref<50xi32, #tpu.memory_space<vmem>>
      %dma_wait3A_834 = arith.constant 0 : i32
      %dma_wait3A_835 = arith.constant 0 : i32
      %dma_wait3A_836 = tpu.memref_slice %arg3[%dma_wait3A_834, %dma_wait3A_835] : memref<1000000x32xf32, #tpu.memory_space<hbm>> -> memref<1000000x32xf32, #tpu.memory_space<hbm>>
      tpu.wait_indirect_dma semaphore(%arg8 : memref<!tpu.dma_semaphore, #tpu.memory_space<semaphore_mem>>) src(%dma_wait3A_836 : memref<1000000x32xf32, #tpu.memory_space<hbm>>) dst(%dma_wait3A_830 : memref<50x32xf32, #tpu.memory_space<vmem>>)
      %mul3A_837 = arith.constant 32 : i32
      %mul3A_838 = arith.muli %mul3A_25, %mul3A_837 : i32
      %add3A_839 = arith.constant 22 : i32
      %add3A_840 = arith.addi %mul3A_838, %add3A_839 : i32
      %dma_wait3A_841 = arith.constant 22 : i32
      %dma_wait3A_842 = arith.constant 0 : i32
      %dma_wait3A_843 = arith.constant 0 : i32
      %dma_wait3A_844 = tpu.memref_slice %arg6[%dma_wait3A_841, %dma_wait3A_842, %dma_wait3A_843] : memref<32x50x32xf32, #tpu.memory_space<vmem>> -> memref<1x50x32xf32, #tpu.memory_space<vmem>>
      %dma_wait3A_845 = tpu.memref_squeeze %dma_wait3A_844 : memref<1x50x32xf32, #tpu.memory_space<vmem>> -> memref<50x32xf32, #tpu.memory_space<vmem>>
      %dma_wait3A_846 = arith.constant 0 : i32
      %dma_wait3A_847 = tpu.memref_slice %arg5[%add3A_840, %dma_wait3A_846] : memref<512x50xi32, #tpu.memory_space<vmem>> -> memref<1x50xi32, #tpu.memory_space<vmem>>
      %dma_wait3A_848 = tpu.memref_squeeze %dma_wait3A_847 : memref<1x50xi32, #tpu.memory_space<vmem>> -> memref<50xi32, #tpu.memory_space<vmem>>
      %dma_wait3A_849 = arith.constant 0 : i32
      %dma_wait3A_850 = arith.constant 0 : i32
      %dma_wait3A_851 = tpu.memref_slice %arg3[%dma_wait3A_849, %dma_wait3A_850] : memref<1000000x32xf32, #tpu.memory_space<hbm>> -> memref<1000000x32xf32, #tpu.memory_space<hbm>>
      tpu.wait_indirect_dma semaphore(%arg8 : memref<!tpu.dma_semaphore, #tpu.memory_space<semaphore_mem>>) src(%dma_wait3A_851 : memref<1000000x32xf32, #tpu.memory_space<hbm>>) dst(%dma_wait3A_845 : memref<50x32xf32, #tpu.memory_space<vmem>>)
      %mul3A_852 = arith.constant 32 : i32
      %mul3A_853 = arith.muli %mul3A_25, %mul3A_852 : i32
      %add3A_854 = arith.constant 23 : i32
      %add3A_855 = arith.addi %mul3A_853, %add3A_854 : i32
      %dma_wait3A_856 = arith.constant 23 : i32
      %dma_wait3A_857 = arith.constant 0 : i32
      %dma_wait3A_858 = arith.constant 0 : i32
      %dma_wait3A_859 = tpu.memref_slice %arg6[%dma_wait3A_856, %dma_wait3A_857, %dma_wait3A_858] : memref<32x50x32xf32, #tpu.memory_space<vmem>> -> memref<1x50x32xf32, #tpu.memory_space<vmem>>
      %dma_wait3A_860 = tpu.memref_squeeze %dma_wait3A_859 : memref<1x50x32xf32, #tpu.memory_space<vmem>> -> memref<50x32xf32, #tpu.memory_space<vmem>>
      %dma_wait3A_861 = arith.constant 0 : i32
      %dma_wait3A_862 = tpu.memref_slice %arg5[%add3A_855, %dma_wait3A_861] : memref<512x50xi32, #tpu.memory_space<vmem>> -> memref<1x50xi32, #tpu.memory_space<vmem>>
      %dma_wait3A_863 = tpu.memref_squeeze %dma_wait3A_862 : memref<1x50xi32, #tpu.memory_space<vmem>> -> memref<50xi32, #tpu.memory_space<vmem>>
      %dma_wait3A_864 = arith.constant 0 : i32
      %dma_wait3A_865 = arith.constant 0 : i32
      %dma_wait3A_866 = tpu.memref_slice %arg3[%dma_wait3A_864, %dma_wait3A_865] : memref<1000000x32xf32, #tpu.memory_space<hbm>> -> memref<1000000x32xf32, #tpu.memory_space<hbm>>
      tpu.wait_indirect_dma semaphore(%arg8 : memref<!tpu.dma_semaphore, #tpu.memory_space<semaphore_mem>>) src(%dma_wait3A_866 : memref<1000000x32xf32, #tpu.memory_space<hbm>>) dst(%dma_wait3A_860 : memref<50x32xf32, #tpu.memory_space<vmem>>)
      %mul3A_867 = arith.constant 32 : i32
      %mul3A_868 = arith.muli %mul3A_25, %mul3A_867 : i32
      %add3A_869 = arith.constant 24 : i32
      %add3A_870 = arith.addi %mul3A_868, %add3A_869 : i32
      %dma_wait3A_871 = arith.constant 24 : i32
      %dma_wait3A_872 = arith.constant 0 : i32
      %dma_wait3A_873 = arith.constant 0 : i32
      %dma_wait3A_874 = tpu.memref_slice %arg6[%dma_wait3A_871, %dma_wait3A_872, %dma_wait3A_873] : memref<32x50x32xf32, #tpu.memory_space<vmem>> -> memref<1x50x32xf32, #tpu.memory_space<vmem>>
      %dma_wait3A_875 = tpu.memref_squeeze %dma_wait3A_874 : memref<1x50x32xf32, #tpu.memory_space<vmem>> -> memref<50x32xf32, #tpu.memory_space<vmem>>
      %dma_wait3A_876 = arith.constant 0 : i32
      %dma_wait3A_877 = tpu.memref_slice %arg5[%add3A_870, %dma_wait3A_876] : memref<512x50xi32, #tpu.memory_space<vmem>> -> memref<1x50xi32, #tpu.memory_space<vmem>>
      %dma_wait3A_878 = tpu.memref_squeeze %dma_wait3A_877 : memref<1x50xi32, #tpu.memory_space<vmem>> -> memref<50xi32, #tpu.memory_space<vmem>>
      %dma_wait3A_879 = arith.constant 0 : i32
      %dma_wait3A_880 = arith.constant 0 : i32
      %dma_wait3A_881 = tpu.memref_slice %arg3[%dma_wait3A_879, %dma_wait3A_880] : memref<1000000x32xf32, #tpu.memory_space<hbm>> -> memref<1000000x32xf32, #tpu.memory_space<hbm>>
      tpu.wait_indirect_dma semaphore(%arg8 : memref<!tpu.dma_semaphore, #tpu.memory_space<semaphore_mem>>) src(%dma_wait3A_881 : memref<1000000x32xf32, #tpu.memory_space<hbm>>) dst(%dma_wait3A_875 : memref<50x32xf32, #tpu.memory_space<vmem>>)
      %mul3A_882 = arith.constant 32 : i32
      %mul3A_883 = arith.muli %mul3A_25, %mul3A_882 : i32
      %add3A_884 = arith.constant 25 : i32
      %add3A_885 = arith.addi %mul3A_883, %add3A_884 : i32
      %dma_wait3A_886 = arith.constant 25 : i32
      %dma_wait3A_887 = arith.constant 0 : i32
      %dma_wait3A_888 = arith.constant 0 : i32
      %dma_wait3A_889 = tpu.memref_slice %arg6[%dma_wait3A_886, %dma_wait3A_887, %dma_wait3A_888] : memref<32x50x32xf32, #tpu.memory_space<vmem>> -> memref<1x50x32xf32, #tpu.memory_space<vmem>>
      %dma_wait3A_890 = tpu.memref_squeeze %dma_wait3A_889 : memref<1x50x32xf32, #tpu.memory_space<vmem>> -> memref<50x32xf32, #tpu.memory_space<vmem>>
      %dma_wait3A_891 = arith.constant 0 : i32
      %dma_wait3A_892 = tpu.memref_slice %arg5[%add3A_885, %dma_wait3A_891] : memref<512x50xi32, #tpu.memory_space<vmem>> -> memref<1x50xi32, #tpu.memory_space<vmem>>
      %dma_wait3A_893 = tpu.memref_squeeze %dma_wait3A_892 : memref<1x50xi32, #tpu.memory_space<vmem>> -> memref<50xi32, #tpu.memory_space<vmem>>
      %dma_wait3A_894 = arith.constant 0 : i32
      %dma_wait3A_895 = arith.constant 0 : i32
      %dma_wait3A_896 = tpu.memref_slice %arg3[%dma_wait3A_894, %dma_wait3A_895] : memref<1000000x32xf32, #tpu.memory_space<hbm>> -> memref<1000000x32xf32, #tpu.memory_space<hbm>>
      tpu.wait_indirect_dma semaphore(%arg8 : memref<!tpu.dma_semaphore, #tpu.memory_space<semaphore_mem>>) src(%dma_wait3A_896 : memref<1000000x32xf32, #tpu.memory_space<hbm>>) dst(%dma_wait3A_890 : memref<50x32xf32, #tpu.memory_space<vmem>>)
      %mul3A_897 = arith.constant 32 : i32
      %mul3A_898 = arith.muli %mul3A_25, %mul3A_897 : i32
      %add3A_899 = arith.constant 26 : i32
      %add3A_900 = arith.addi %mul3A_898, %add3A_899 : i32
      %dma_wait3A_901 = arith.constant 26 : i32
      %dma_wait3A_902 = arith.constant 0 : i32
      %dma_wait3A_903 = arith.constant 0 : i32
      %dma_wait3A_904 = tpu.memref_slice %arg6[%dma_wait3A_901, %dma_wait3A_902, %dma_wait3A_903] : memref<32x50x32xf32, #tpu.memory_space<vmem>> -> memref<1x50x32xf32, #tpu.memory_space<vmem>>
      %dma_wait3A_905 = tpu.memref_squeeze %dma_wait3A_904 : memref<1x50x32xf32, #tpu.memory_space<vmem>> -> memref<50x32xf32, #tpu.memory_space<vmem>>
      %dma_wait3A_906 = arith.constant 0 : i32
      %dma_wait3A_907 = tpu.memref_slice %arg5[%add3A_900, %dma_wait3A_906] : memref<512x50xi32, #tpu.memory_space<vmem>> -> memref<1x50xi32, #tpu.memory_space<vmem>>
      %dma_wait3A_908 = tpu.memref_squeeze %dma_wait3A_907 : memref<1x50xi32, #tpu.memory_space<vmem>> -> memref<50xi32, #tpu.memory_space<vmem>>
      %dma_wait3A_909 = arith.constant 0 : i32
      %dma_wait3A_910 = arith.constant 0 : i32
      %dma_wait3A_911 = tpu.memref_slice %arg3[%dma_wait3A_909, %dma_wait3A_910] : memref<1000000x32xf32, #tpu.memory_space<hbm>> -> memref<1000000x32xf32, #tpu.memory_space<hbm>>
      tpu.wait_indirect_dma semaphore(%arg8 : memref<!tpu.dma_semaphore, #tpu.memory_space<semaphore_mem>>) src(%dma_wait3A_911 : memref<1000000x32xf32, #tpu.memory_space<hbm>>) dst(%dma_wait3A_905 : memref<50x32xf32, #tpu.memory_space<vmem>>)
      %mul3A_912 = arith.constant 32 : i32
      %mul3A_913 = arith.muli %mul3A_25, %mul3A_912 : i32
      %add3A_914 = arith.constant 27 : i32
      %add3A_915 = arith.addi %mul3A_913, %add3A_914 : i32
      %dma_wait3A_916 = arith.constant 27 : i32
      %dma_wait3A_917 = arith.constant 0 : i32
      %dma_wait3A_918 = arith.constant 0 : i32
      %dma_wait3A_919 = tpu.memref_slice %arg6[%dma_wait3A_916, %dma_wait3A_917, %dma_wait3A_918] : memref<32x50x32xf32, #tpu.memory_space<vmem>> -> memref<1x50x32xf32, #tpu.memory_space<vmem>>
      %dma_wait3A_920 = tpu.memref_squeeze %dma_wait3A_919 : memref<1x50x32xf32, #tpu.memory_space<vmem>> -> memref<50x32xf32, #tpu.memory_space<vmem>>
      %dma_wait3A_921 = arith.constant 0 : i32
      %dma_wait3A_922 = tpu.memref_slice %arg5[%add3A_915, %dma_wait3A_921] : memref<512x50xi32, #tpu.memory_space<vmem>> -> memref<1x50xi32, #tpu.memory_space<vmem>>
      %dma_wait3A_923 = tpu.memref_squeeze %dma_wait3A_922 : memref<1x50xi32, #tpu.memory_space<vmem>> -> memref<50xi32, #tpu.memory_space<vmem>>
      %dma_wait3A_924 = arith.constant 0 : i32
      %dma_wait3A_925 = arith.constant 0 : i32
      %dma_wait3A_926 = tpu.memref_slice %arg3[%dma_wait3A_924, %dma_wait3A_925] : memref<1000000x32xf32, #tpu.memory_space<hbm>> -> memref<1000000x32xf32, #tpu.memory_space<hbm>>
      tpu.wait_indirect_dma semaphore(%arg8 : memref<!tpu.dma_semaphore, #tpu.memory_space<semaphore_mem>>) src(%dma_wait3A_926 : memref<1000000x32xf32, #tpu.memory_space<hbm>>) dst(%dma_wait3A_920 : memref<50x32xf32, #tpu.memory_space<vmem>>)
      %mul3A_927 = arith.constant 32 : i32
      %mul3A_928 = arith.muli %mul3A_25, %mul3A_927 : i32
      %add3A_929 = arith.constant 28 : i32
      %add3A_930 = arith.addi %mul3A_928, %add3A_929 : i32
      %dma_wait3A_931 = arith.constant 28 : i32
      %dma_wait3A_932 = arith.constant 0 : i32
      %dma_wait3A_933 = arith.constant 0 : i32
      %dma_wait3A_934 = tpu.memref_slice %arg6[%dma_wait3A_931, %dma_wait3A_932, %dma_wait3A_933] : memref<32x50x32xf32, #tpu.memory_space<vmem>> -> memref<1x50x32xf32, #tpu.memory_space<vmem>>
      %dma_wait3A_935 = tpu.memref_squeeze %dma_wait3A_934 : memref<1x50x32xf32, #tpu.memory_space<vmem>> -> memref<50x32xf32, #tpu.memory_space<vmem>>
      %dma_wait3A_936 = arith.constant 0 : i32
      %dma_wait3A_937 = tpu.memref_slice %arg5[%add3A_930, %dma_wait3A_936] : memref<512x50xi32, #tpu.memory_space<vmem>> -> memref<1x50xi32, #tpu.memory_space<vmem>>
      %dma_wait3A_938 = tpu.memref_squeeze %dma_wait3A_937 : memref<1x50xi32, #tpu.memory_space<vmem>> -> memref<50xi32, #tpu.memory_space<vmem>>
      %dma_wait3A_939 = arith.constant 0 : i32
      %dma_wait3A_940 = arith.constant 0 : i32
      %dma_wait3A_941 = tpu.memref_slice %arg3[%dma_wait3A_939, %dma_wait3A_940] : memref<1000000x32xf32, #tpu.memory_space<hbm>> -> memref<1000000x32xf32, #tpu.memory_space<hbm>>
      tpu.wait_indirect_dma semaphore(%arg8 : memref<!tpu.dma_semaphore, #tpu.memory_space<semaphore_mem>>) src(%dma_wait3A_941 : memref<1000000x32xf32, #tpu.memory_space<hbm>>) dst(%dma_wait3A_935 : memref<50x32xf32, #tpu.memory_space<vmem>>)
      %mul3A_942 = arith.constant 32 : i32
      %mul3A_943 = arith.muli %mul3A_25, %mul3A_942 : i32
      %add3A_944 = arith.constant 29 : i32
      %add3A_945 = arith.addi %mul3A_943, %add3A_944 : i32
      %dma_wait3A_946 = arith.constant 29 : i32
      %dma_wait3A_947 = arith.constant 0 : i32
      %dma_wait3A_948 = arith.constant 0 : i32
      %dma_wait3A_949 = tpu.memref_slice %arg6[%dma_wait3A_946, %dma_wait3A_947, %dma_wait3A_948] : memref<32x50x32xf32, #tpu.memory_space<vmem>> -> memref<1x50x32xf32, #tpu.memory_space<vmem>>
      %dma_wait3A_950 = tpu.memref_squeeze %dma_wait3A_949 : memref<1x50x32xf32, #tpu.memory_space<vmem>> -> memref<50x32xf32, #tpu.memory_space<vmem>>
      %dma_wait3A_951 = arith.constant 0 : i32
      %dma_wait3A_952 = tpu.memref_slice %arg5[%add3A_945, %dma_wait3A_951] : memref<512x50xi32, #tpu.memory_space<vmem>> -> memref<1x50xi32, #tpu.memory_space<vmem>>
      %dma_wait3A_953 = tpu.memref_squeeze %dma_wait3A_952 : memref<1x50xi32, #tpu.memory_space<vmem>> -> memref<50xi32, #tpu.memory_space<vmem>>
      %dma_wait3A_954 = arith.constant 0 : i32
      %dma_wait3A_955 = arith.constant 0 : i32
      %dma_wait3A_956 = tpu.memref_slice %arg3[%dma_wait3A_954, %dma_wait3A_955] : memref<1000000x32xf32, #tpu.memory_space<hbm>> -> memref<1000000x32xf32, #tpu.memory_space<hbm>>
      tpu.wait_indirect_dma semaphore(%arg8 : memref<!tpu.dma_semaphore, #tpu.memory_space<semaphore_mem>>) src(%dma_wait3A_956 : memref<1000000x32xf32, #tpu.memory_space<hbm>>) dst(%dma_wait3A_950 : memref<50x32xf32, #tpu.memory_space<vmem>>)
      %mul3A_957 = arith.constant 32 : i32
      %mul3A_958 = arith.muli %mul3A_25, %mul3A_957 : i32
      %add3A_959 = arith.constant 30 : i32
      %add3A_960 = arith.addi %mul3A_958, %add3A_959 : i32
      %dma_wait3A_961 = arith.constant 30 : i32
      %dma_wait3A_962 = arith.constant 0 : i32
      %dma_wait3A_963 = arith.constant 0 : i32
      %dma_wait3A_964 = tpu.memref_slice %arg6[%dma_wait3A_961, %dma_wait3A_962, %dma_wait3A_963] : memref<32x50x32xf32, #tpu.memory_space<vmem>> -> memref<1x50x32xf32, #tpu.memory_space<vmem>>
      %dma_wait3A_965 = tpu.memref_squeeze %dma_wait3A_964 : memref<1x50x32xf32, #tpu.memory_space<vmem>> -> memref<50x32xf32, #tpu.memory_space<vmem>>
      %dma_wait3A_966 = arith.constant 0 : i32
      %dma_wait3A_967 = tpu.memref_slice %arg5[%add3A_960, %dma_wait3A_966] : memref<512x50xi32, #tpu.memory_space<vmem>> -> memref<1x50xi32, #tpu.memory_space<vmem>>
      %dma_wait3A_968 = tpu.memref_squeeze %dma_wait3A_967 : memref<1x50xi32, #tpu.memory_space<vmem>> -> memref<50xi32, #tpu.memory_space<vmem>>
      %dma_wait3A_969 = arith.constant 0 : i32
      %dma_wait3A_970 = arith.constant 0 : i32
      %dma_wait3A_971 = tpu.memref_slice %arg3[%dma_wait3A_969, %dma_wait3A_970] : memref<1000000x32xf32, #tpu.memory_space<hbm>> -> memref<1000000x32xf32, #tpu.memory_space<hbm>>
      tpu.wait_indirect_dma semaphore(%arg8 : memref<!tpu.dma_semaphore, #tpu.memory_space<semaphore_mem>>) src(%dma_wait3A_971 : memref<1000000x32xf32, #tpu.memory_space<hbm>>) dst(%dma_wait3A_965 : memref<50x32xf32, #tpu.memory_space<vmem>>)
      %mul3A_972 = arith.constant 32 : i32
      %mul3A_973 = arith.muli %mul3A_25, %mul3A_972 : i32
      %add3A_974 = arith.constant 31 : i32
      %add3A_975 = arith.addi %mul3A_973, %add3A_974 : i32
      %dma_wait3A_976 = arith.constant 31 : i32
      %dma_wait3A_977 = arith.constant 0 : i32
      %dma_wait3A_978 = arith.constant 0 : i32
      %dma_wait3A_979 = tpu.memref_slice %arg6[%dma_wait3A_976, %dma_wait3A_977, %dma_wait3A_978] : memref<32x50x32xf32, #tpu.memory_space<vmem>> -> memref<1x50x32xf32, #tpu.memory_space<vmem>>
      %dma_wait3A_980 = tpu.memref_squeeze %dma_wait3A_979 : memref<1x50x32xf32, #tpu.memory_space<vmem>> -> memref<50x32xf32, #tpu.memory_space<vmem>>
      %dma_wait3A_981 = arith.constant 0 : i32
      %dma_wait3A_982 = tpu.memref_slice %arg5[%add3A_975, %dma_wait3A_981] : memref<512x50xi32, #tpu.memory_space<vmem>> -> memref<1x50xi32, #tpu.memory_space<vmem>>
      %dma_wait3A_983 = tpu.memref_squeeze %dma_wait3A_982 : memref<1x50xi32, #tpu.memory_space<vmem>> -> memref<50xi32, #tpu.memory_space<vmem>>
      %dma_wait3A_984 = arith.constant 0 : i32
      %dma_wait3A_985 = arith.constant 0 : i32
      %dma_wait3A_986 = tpu.memref_slice %arg3[%dma_wait3A_984, %dma_wait3A_985] : memref<1000000x32xf32, #tpu.memory_space<hbm>> -> memref<1000000x32xf32, #tpu.memory_space<hbm>>
      tpu.wait_indirect_dma semaphore(%arg8 : memref<!tpu.dma_semaphore, #tpu.memory_space<semaphore_mem>>) src(%dma_wait3A_986 : memref<1000000x32xf32, #tpu.memory_space<hbm>>) dst(%dma_wait3A_980 : memref<50x32xf32, #tpu.memory_space<vmem>>)
      %mul3A_987 = arith.constant 32 : i32
      %mul3A_988 = arith.muli %mul3A_25, %mul3A_987 : i32
      %add3A_989 = arith.addi %mul3A_2, %mul3A_988 : i32
      %dma_start3A_990 = arith.constant 0 : i32
      %dma_start3A_991 = arith.constant 0 : i32
      %dma_start3A_992 = tpu.memref_slice %arg4[%add3A_989, %dma_start3A_990, %dma_start3A_991] : memref<16384x50x32xf32, #tpu.memory_space<hbm>> -> memref<32x50x32xf32, #tpu.memory_space<hbm>>
      %dma_start3A_993 = arith.constant 0 : i32
      %dma_start3A_994 = arith.constant 0 : i32
      %dma_start3A_995 = tpu.memref_slice %arg4[%add3A_989, %dma_start3A_993, %dma_start3A_994] : memref<16384x50x32xf32, #tpu.memory_space<hbm>> -> memref<32x50x32xf32, #tpu.memory_space<hbm>>
      tpu.enqueue_dma source(%arg6 : memref<32x50x32xf32, #tpu.memory_space<vmem>>) target(%dma_start3A_995 : memref<32x50x32xf32, #tpu.memory_space<hbm>>) target_semaphore(%arg9 : memref<!tpu.dma_semaphore, #tpu.memory_space<semaphore_mem>>)
      %mul3A_996 = arith.constant 2 : i32
      %mul3A_997 = arith.muli %scan3A_23, %mul3A_996 : i32
      %add3A_998 = arith.constant 1 : i32
      %add3A_999 = arith.addi %mul3A_997, %add3A_998 : i32
      %ge3A_1000 = arith.constant 2 : i32
      %ge3A_1001 = arith.cmpi sge, %add3A_999, %ge3A_1000 : i32
      %convert_element_type3A_1002 = arith.extui %ge3A_1001 : i1 to i32
      %cond3A_1003 = arith.constant 0 : i32
      %cond3A_1004 = arith.cmpi ne, %convert_element_type3A_1002, %cond3A_1003 : i32
      scf.if %cond3A_1004 {
        %sub3A = arith.constant 2 : i32
        %sub3A_1974 = arith.subi %add3A_999, %sub3A : i32
        %mul3A_1975 = arith.constant 32 : i32
        %mul3A_1976 = arith.muli %sub3A_1974, %mul3A_1975 : i32
        %add3A_1977 = arith.addi %mul3A_2, %mul3A_1976 : i32
        %dma_wait3A_1978 = arith.constant 0 : i32
        %dma_wait3A_1979 = arith.constant 0 : i32
        %dma_wait3A_1980 = tpu.memref_slice %arg4[%add3A_1977, %dma_wait3A_1978, %dma_wait3A_1979] : memref<16384x50x32xf32, #tpu.memory_space<hbm>> -> memref<32x50x32xf32, #tpu.memory_space<hbm>>
        %dma_wait3A_1981 = arith.constant 0 : i32
        %dma_wait3A_1982 = arith.constant 0 : i32
        %dma_wait3A_1983 = tpu.memref_slice %arg4[%add3A_1977, %dma_wait3A_1981, %dma_wait3A_1982] : memref<16384x50x32xf32, #tpu.memory_space<hbm>> -> memref<32x50x32xf32, #tpu.memory_space<hbm>>
        tpu.wait_dma2 semaphore(%arg10 : memref<!tpu.dma_semaphore, #tpu.memory_space<semaphore_mem>>) src(%arg7 : memref<32x50x32xf32, #tpu.memory_space<vmem>>) dst(%dma_wait3A_1983 : memref<32x50x32xf32, #tpu.memory_space<hbm>>)
      } else {
      }
      %mul3A_1005 = arith.constant 32 : i32
      %mul3A_1006 = arith.muli %add3A_999, %mul3A_1005 : i32
      %add3A_1007 = arith.constant 0 : i32
      %add3A_1008 = arith.addi %mul3A_1006, %add3A_1007 : i32
      %dma_start3A_1009 = arith.constant 0 : i32
      %dma_start3A_1010 = arith.constant 0 : i32
      %dma_start3A_1011 = arith.constant 0 : i32
      %dma_start3A_1012 = tpu.memref_slice %arg7[%dma_start3A_1009, %dma_start3A_1010, %dma_start3A_1011] : memref<32x50x32xf32, #tpu.memory_space<vmem>> -> memref<1x50x32xf32, #tpu.memory_space<vmem>>
      %dma_start3A_1013 = tpu.memref_squeeze %dma_start3A_1012 : memref<1x50x32xf32, #tpu.memory_space<vmem>> -> memref<50x32xf32, #tpu.memory_space<vmem>>
      %dma_start3A_1014 = arith.constant 0 : i32
      %dma_start3A_1015 = tpu.memref_slice %arg5[%add3A_1008, %dma_start3A_1014] : memref<512x50xi32, #tpu.memory_space<vmem>> -> memref<1x50xi32, #tpu.memory_space<vmem>>
      %dma_start3A_1016 = tpu.memref_squeeze %dma_start3A_1015 : memref<1x50xi32, #tpu.memory_space<vmem>> -> memref<50xi32, #tpu.memory_space<vmem>>
      %dma_start3A_1017 = arith.constant 0 : i32
      %dma_start3A_1018 = arith.constant 0 : i32
      %dma_start3A_1019 = tpu.memref_slice %arg3[%dma_start3A_1017, %dma_start3A_1018] : memref<1000000x32xf32, #tpu.memory_space<hbm>> -> memref<1000000x32xf32, #tpu.memory_space<hbm>>
      tpu.enqueue_indirect_dma source(%dma_start3A_1019 : memref<1000000x32xf32, #tpu.memory_space<hbm>>) target(%dma_start3A_1013 : memref<50x32xf32, #tpu.memory_space<vmem>>) offsets(%dma_start3A_1016 : memref<50xi32, #tpu.memory_space<vmem>>) semaphore(%arg8 : memref<!tpu.dma_semaphore, #tpu.memory_space<semaphore_mem>>)
      %mul3A_1020 = arith.constant 32 : i32
      %mul3A_1021 = arith.muli %add3A_999, %mul3A_1020 : i32
      %add3A_1022 = arith.constant 1 : i32
      %add3A_1023 = arith.addi %mul3A_1021, %add3A_1022 : i32
      %dma_start3A_1024 = arith.constant 1 : i32
      %dma_start3A_1025 = arith.constant 0 : i32
      %dma_start3A_1026 = arith.constant 0 : i32
      %dma_start3A_1027 = tpu.memref_slice %arg7[%dma_start3A_1024, %dma_start3A_1025, %dma_start3A_1026] : memref<32x50x32xf32, #tpu.memory_space<vmem>> -> memref<1x50x32xf32, #tpu.memory_space<vmem>>
      %dma_start3A_1028 = tpu.memref_squeeze %dma_start3A_1027 : memref<1x50x32xf32, #tpu.memory_space<vmem>> -> memref<50x32xf32, #tpu.memory_space<vmem>>
      %dma_start3A_1029 = arith.constant 0 : i32
      %dma_start3A_1030 = tpu.memref_slice %arg5[%add3A_1023, %dma_start3A_1029] : memref<512x50xi32, #tpu.memory_space<vmem>> -> memref<1x50xi32, #tpu.memory_space<vmem>>
      %dma_start3A_1031 = tpu.memref_squeeze %dma_start3A_1030 : memref<1x50xi32, #tpu.memory_space<vmem>> -> memref<50xi32, #tpu.memory_space<vmem>>
      %dma_start3A_1032 = arith.constant 0 : i32
      %dma_start3A_1033 = arith.constant 0 : i32
      %dma_start3A_1034 = tpu.memref_slice %arg3[%dma_start3A_1032, %dma_start3A_1033] : memref<1000000x32xf32, #tpu.memory_space<hbm>> -> memref<1000000x32xf32, #tpu.memory_space<hbm>>
      tpu.enqueue_indirect_dma source(%dma_start3A_1034 : memref<1000000x32xf32, #tpu.memory_space<hbm>>) target(%dma_start3A_1028 : memref<50x32xf32, #tpu.memory_space<vmem>>) offsets(%dma_start3A_1031 : memref<50xi32, #tpu.memory_space<vmem>>) semaphore(%arg8 : memref<!tpu.dma_semaphore, #tpu.memory_space<semaphore_mem>>)
      %mul3A_1035 = arith.constant 32 : i32
      %mul3A_1036 = arith.muli %add3A_999, %mul3A_1035 : i32
      %add3A_1037 = arith.constant 2 : i32
      %add3A_1038 = arith.addi %mul3A_1036, %add3A_1037 : i32
      %dma_start3A_1039 = arith.constant 2 : i32
      %dma_start3A_1040 = arith.constant 0 : i32
      %dma_start3A_1041 = arith.constant 0 : i32
      %dma_start3A_1042 = tpu.memref_slice %arg7[%dma_start3A_1039, %dma_start3A_1040, %dma_start3A_1041] : memref<32x50x32xf32, #tpu.memory_space<vmem>> -> memref<1x50x32xf32, #tpu.memory_space<vmem>>
      %dma_start3A_1043 = tpu.memref_squeeze %dma_start3A_1042 : memref<1x50x32xf32, #tpu.memory_space<vmem>> -> memref<50x32xf32, #tpu.memory_space<vmem>>
      %dma_start3A_1044 = arith.constant 0 : i32
      %dma_start3A_1045 = tpu.memref_slice %arg5[%add3A_1038, %dma_start3A_1044] : memref<512x50xi32, #tpu.memory_space<vmem>> -> memref<1x50xi32, #tpu.memory_space<vmem>>
      %dma_start3A_1046 = tpu.memref_squeeze %dma_start3A_1045 : memref<1x50xi32, #tpu.memory_space<vmem>> -> memref<50xi32, #tpu.memory_space<vmem>>
      %dma_start3A_1047 = arith.constant 0 : i32
      %dma_start3A_1048 = arith.constant 0 : i32
      %dma_start3A_1049 = tpu.memref_slice %arg3[%dma_start3A_1047, %dma_start3A_1048] : memref<1000000x32xf32, #tpu.memory_space<hbm>> -> memref<1000000x32xf32, #tpu.memory_space<hbm>>
      tpu.enqueue_indirect_dma source(%dma_start3A_1049 : memref<1000000x32xf32, #tpu.memory_space<hbm>>) target(%dma_start3A_1043 : memref<50x32xf32, #tpu.memory_space<vmem>>) offsets(%dma_start3A_1046 : memref<50xi32, #tpu.memory_space<vmem>>) semaphore(%arg8 : memref<!tpu.dma_semaphore, #tpu.memory_space<semaphore_mem>>)
      %mul3A_1050 = arith.constant 32 : i32
      %mul3A_1051 = arith.muli %add3A_999, %mul3A_1050 : i32
      %add3A_1052 = arith.constant 3 : i32
      %add3A_1053 = arith.addi %mul3A_1051, %add3A_1052 : i32
      %dma_start3A_1054 = arith.constant 3 : i32
      %dma_start3A_1055 = arith.constant 0 : i32
      %dma_start3A_1056 = arith.constant 0 : i32
      %dma_start3A_1057 = tpu.memref_slice %arg7[%dma_start3A_1054, %dma_start3A_1055, %dma_start3A_1056] : memref<32x50x32xf32, #tpu.memory_space<vmem>> -> memref<1x50x32xf32, #tpu.memory_space<vmem>>
      %dma_start3A_1058 = tpu.memref_squeeze %dma_start3A_1057 : memref<1x50x32xf32, #tpu.memory_space<vmem>> -> memref<50x32xf32, #tpu.memory_space<vmem>>
      %dma_start3A_1059 = arith.constant 0 : i32
      %dma_start3A_1060 = tpu.memref_slice %arg5[%add3A_1053, %dma_start3A_1059] : memref<512x50xi32, #tpu.memory_space<vmem>> -> memref<1x50xi32, #tpu.memory_space<vmem>>
      %dma_start3A_1061 = tpu.memref_squeeze %dma_start3A_1060 : memref<1x50xi32, #tpu.memory_space<vmem>> -> memref<50xi32, #tpu.memory_space<vmem>>
      %dma_start3A_1062 = arith.constant 0 : i32
      %dma_start3A_1063 = arith.constant 0 : i32
      %dma_start3A_1064 = tpu.memref_slice %arg3[%dma_start3A_1062, %dma_start3A_1063] : memref<1000000x32xf32, #tpu.memory_space<hbm>> -> memref<1000000x32xf32, #tpu.memory_space<hbm>>
      tpu.enqueue_indirect_dma source(%dma_start3A_1064 : memref<1000000x32xf32, #tpu.memory_space<hbm>>) target(%dma_start3A_1058 : memref<50x32xf32, #tpu.memory_space<vmem>>) offsets(%dma_start3A_1061 : memref<50xi32, #tpu.memory_space<vmem>>) semaphore(%arg8 : memref<!tpu.dma_semaphore, #tpu.memory_space<semaphore_mem>>)
      %mul3A_1065 = arith.constant 32 : i32
      %mul3A_1066 = arith.muli %add3A_999, %mul3A_1065 : i32
      %add3A_1067 = arith.constant 4 : i32
      %add3A_1068 = arith.addi %mul3A_1066, %add3A_1067 : i32
      %dma_start3A_1069 = arith.constant 4 : i32
      %dma_start3A_1070 = arith.constant 0 : i32
      %dma_start3A_1071 = arith.constant 0 : i32
      %dma_start3A_1072 = tpu.memref_slice %arg7[%dma_start3A_1069, %dma_start3A_1070, %dma_start3A_1071] : memref<32x50x32xf32, #tpu.memory_space<vmem>> -> memref<1x50x32xf32, #tpu.memory_space<vmem>>
      %dma_start3A_1073 = tpu.memref_squeeze %dma_start3A_1072 : memref<1x50x32xf32, #tpu.memory_space<vmem>> -> memref<50x32xf32, #tpu.memory_space<vmem>>
      %dma_start3A_1074 = arith.constant 0 : i32
      %dma_start3A_1075 = tpu.memref_slice %arg5[%add3A_1068, %dma_start3A_1074] : memref<512x50xi32, #tpu.memory_space<vmem>> -> memref<1x50xi32, #tpu.memory_space<vmem>>
      %dma_start3A_1076 = tpu.memref_squeeze %dma_start3A_1075 : memref<1x50xi32, #tpu.memory_space<vmem>> -> memref<50xi32, #tpu.memory_space<vmem>>
      %dma_start3A_1077 = arith.constant 0 : i32
      %dma_start3A_1078 = arith.constant 0 : i32
      %dma_start3A_1079 = tpu.memref_slice %arg3[%dma_start3A_1077, %dma_start3A_1078] : memref<1000000x32xf32, #tpu.memory_space<hbm>> -> memref<1000000x32xf32, #tpu.memory_space<hbm>>
      tpu.enqueue_indirect_dma source(%dma_start3A_1079 : memref<1000000x32xf32, #tpu.memory_space<hbm>>) target(%dma_start3A_1073 : memref<50x32xf32, #tpu.memory_space<vmem>>) offsets(%dma_start3A_1076 : memref<50xi32, #tpu.memory_space<vmem>>) semaphore(%arg8 : memref<!tpu.dma_semaphore, #tpu.memory_space<semaphore_mem>>)
      %mul3A_1080 = arith.constant 32 : i32
      %mul3A_1081 = arith.muli %add3A_999, %mul3A_1080 : i32
      %add3A_1082 = arith.constant 5 : i32
      %add3A_1083 = arith.addi %mul3A_1081, %add3A_1082 : i32
      %dma_start3A_1084 = arith.constant 5 : i32
      %dma_start3A_1085 = arith.constant 0 : i32
      %dma_start3A_1086 = arith.constant 0 : i32
      %dma_start3A_1087 = tpu.memref_slice %arg7[%dma_start3A_1084, %dma_start3A_1085, %dma_start3A_1086] : memref<32x50x32xf32, #tpu.memory_space<vmem>> -> memref<1x50x32xf32, #tpu.memory_space<vmem>>
      %dma_start3A_1088 = tpu.memref_squeeze %dma_start3A_1087 : memref<1x50x32xf32, #tpu.memory_space<vmem>> -> memref<50x32xf32, #tpu.memory_space<vmem>>
      %dma_start3A_1089 = arith.constant 0 : i32
      %dma_start3A_1090 = tpu.memref_slice %arg5[%add3A_1083, %dma_start3A_1089] : memref<512x50xi32, #tpu.memory_space<vmem>> -> memref<1x50xi32, #tpu.memory_space<vmem>>
      %dma_start3A_1091 = tpu.memref_squeeze %dma_start3A_1090 : memref<1x50xi32, #tpu.memory_space<vmem>> -> memref<50xi32, #tpu.memory_space<vmem>>
      %dma_start3A_1092 = arith.constant 0 : i32
      %dma_start3A_1093 = arith.constant 0 : i32
      %dma_start3A_1094 = tpu.memref_slice %arg3[%dma_start3A_1092, %dma_start3A_1093] : memref<1000000x32xf32, #tpu.memory_space<hbm>> -> memref<1000000x32xf32, #tpu.memory_space<hbm>>
      tpu.enqueue_indirect_dma source(%dma_start3A_1094 : memref<1000000x32xf32, #tpu.memory_space<hbm>>) target(%dma_start3A_1088 : memref<50x32xf32, #tpu.memory_space<vmem>>) offsets(%dma_start3A_1091 : memref<50xi32, #tpu.memory_space<vmem>>) semaphore(%arg8 : memref<!tpu.dma_semaphore, #tpu.memory_space<semaphore_mem>>)
      %mul3A_1095 = arith.constant 32 : i32
      %mul3A_1096 = arith.muli %add3A_999, %mul3A_1095 : i32
      %add3A_1097 = arith.constant 6 : i32
      %add3A_1098 = arith.addi %mul3A_1096, %add3A_1097 : i32
      %dma_start3A_1099 = arith.constant 6 : i32
      %dma_start3A_1100 = arith.constant 0 : i32
      %dma_start3A_1101 = arith.constant 0 : i32
      %dma_start3A_1102 = tpu.memref_slice %arg7[%dma_start3A_1099, %dma_start3A_1100, %dma_start3A_1101] : memref<32x50x32xf32, #tpu.memory_space<vmem>> -> memref<1x50x32xf32, #tpu.memory_space<vmem>>
      %dma_start3A_1103 = tpu.memref_squeeze %dma_start3A_1102 : memref<1x50x32xf32, #tpu.memory_space<vmem>> -> memref<50x32xf32, #tpu.memory_space<vmem>>
      %dma_start3A_1104 = arith.constant 0 : i32
      %dma_start3A_1105 = tpu.memref_slice %arg5[%add3A_1098, %dma_start3A_1104] : memref<512x50xi32, #tpu.memory_space<vmem>> -> memref<1x50xi32, #tpu.memory_space<vmem>>
      %dma_start3A_1106 = tpu.memref_squeeze %dma_start3A_1105 : memref<1x50xi32, #tpu.memory_space<vmem>> -> memref<50xi32, #tpu.memory_space<vmem>>
      %dma_start3A_1107 = arith.constant 0 : i32
      %dma_start3A_1108 = arith.constant 0 : i32
      %dma_start3A_1109 = tpu.memref_slice %arg3[%dma_start3A_1107, %dma_start3A_1108] : memref<1000000x32xf32, #tpu.memory_space<hbm>> -> memref<1000000x32xf32, #tpu.memory_space<hbm>>
      tpu.enqueue_indirect_dma source(%dma_start3A_1109 : memref<1000000x32xf32, #tpu.memory_space<hbm>>) target(%dma_start3A_1103 : memref<50x32xf32, #tpu.memory_space<vmem>>) offsets(%dma_start3A_1106 : memref<50xi32, #tpu.memory_space<vmem>>) semaphore(%arg8 : memref<!tpu.dma_semaphore, #tpu.memory_space<semaphore_mem>>)
      %mul3A_1110 = arith.constant 32 : i32
      %mul3A_1111 = arith.muli %add3A_999, %mul3A_1110 : i32
      %add3A_1112 = arith.constant 7 : i32
      %add3A_1113 = arith.addi %mul3A_1111, %add3A_1112 : i32
      %dma_start3A_1114 = arith.constant 7 : i32
      %dma_start3A_1115 = arith.constant 0 : i32
      %dma_start3A_1116 = arith.constant 0 : i32
      %dma_start3A_1117 = tpu.memref_slice %arg7[%dma_start3A_1114, %dma_start3A_1115, %dma_start3A_1116] : memref<32x50x32xf32, #tpu.memory_space<vmem>> -> memref<1x50x32xf32, #tpu.memory_space<vmem>>
      %dma_start3A_1118 = tpu.memref_squeeze %dma_start3A_1117 : memref<1x50x32xf32, #tpu.memory_space<vmem>> -> memref<50x32xf32, #tpu.memory_space<vmem>>
      %dma_start3A_1119 = arith.constant 0 : i32
      %dma_start3A_1120 = tpu.memref_slice %arg5[%add3A_1113, %dma_start3A_1119] : memref<512x50xi32, #tpu.memory_space<vmem>> -> memref<1x50xi32, #tpu.memory_space<vmem>>
      %dma_start3A_1121 = tpu.memref_squeeze %dma_start3A_1120 : memref<1x50xi32, #tpu.memory_space<vmem>> -> memref<50xi32, #tpu.memory_space<vmem>>
      %dma_start3A_1122 = arith.constant 0 : i32
      %dma_start3A_1123 = arith.constant 0 : i32
      %dma_start3A_1124 = tpu.memref_slice %arg3[%dma_start3A_1122, %dma_start3A_1123] : memref<1000000x32xf32, #tpu.memory_space<hbm>> -> memref<1000000x32xf32, #tpu.memory_space<hbm>>
      tpu.enqueue_indirect_dma source(%dma_start3A_1124 : memref<1000000x32xf32, #tpu.memory_space<hbm>>) target(%dma_start3A_1118 : memref<50x32xf32, #tpu.memory_space<vmem>>) offsets(%dma_start3A_1121 : memref<50xi32, #tpu.memory_space<vmem>>) semaphore(%arg8 : memref<!tpu.dma_semaphore, #tpu.memory_space<semaphore_mem>>)
      %mul3A_1125 = arith.constant 32 : i32
      %mul3A_1126 = arith.muli %add3A_999, %mul3A_1125 : i32
      %add3A_1127 = arith.constant 8 : i32
      %add3A_1128 = arith.addi %mul3A_1126, %add3A_1127 : i32
      %dma_start3A_1129 = arith.constant 8 : i32
      %dma_start3A_1130 = arith.constant 0 : i32
      %dma_start3A_1131 = arith.constant 0 : i32
      %dma_start3A_1132 = tpu.memref_slice %arg7[%dma_start3A_1129, %dma_start3A_1130, %dma_start3A_1131] : memref<32x50x32xf32, #tpu.memory_space<vmem>> -> memref<1x50x32xf32, #tpu.memory_space<vmem>>
      %dma_start3A_1133 = tpu.memref_squeeze %dma_start3A_1132 : memref<1x50x32xf32, #tpu.memory_space<vmem>> -> memref<50x32xf32, #tpu.memory_space<vmem>>
      %dma_start3A_1134 = arith.constant 0 : i32
      %dma_start3A_1135 = tpu.memref_slice %arg5[%add3A_1128, %dma_start3A_1134] : memref<512x50xi32, #tpu.memory_space<vmem>> -> memref<1x50xi32, #tpu.memory_space<vmem>>
      %dma_start3A_1136 = tpu.memref_squeeze %dma_start3A_1135 : memref<1x50xi32, #tpu.memory_space<vmem>> -> memref<50xi32, #tpu.memory_space<vmem>>
      %dma_start3A_1137 = arith.constant 0 : i32
      %dma_start3A_1138 = arith.constant 0 : i32
      %dma_start3A_1139 = tpu.memref_slice %arg3[%dma_start3A_1137, %dma_start3A_1138] : memref<1000000x32xf32, #tpu.memory_space<hbm>> -> memref<1000000x32xf32, #tpu.memory_space<hbm>>
      tpu.enqueue_indirect_dma source(%dma_start3A_1139 : memref<1000000x32xf32, #tpu.memory_space<hbm>>) target(%dma_start3A_1133 : memref<50x32xf32, #tpu.memory_space<vmem>>) offsets(%dma_start3A_1136 : memref<50xi32, #tpu.memory_space<vmem>>) semaphore(%arg8 : memref<!tpu.dma_semaphore, #tpu.memory_space<semaphore_mem>>)
      %mul3A_1140 = arith.constant 32 : i32
      %mul3A_1141 = arith.muli %add3A_999, %mul3A_1140 : i32
      %add3A_1142 = arith.constant 9 : i32
      %add3A_1143 = arith.addi %mul3A_1141, %add3A_1142 : i32
      %dma_start3A_1144 = arith.constant 9 : i32
      %dma_start3A_1145 = arith.constant 0 : i32
      %dma_start3A_1146 = arith.constant 0 : i32
      %dma_start3A_1147 = tpu.memref_slice %arg7[%dma_start3A_1144, %dma_start3A_1145, %dma_start3A_1146] : memref<32x50x32xf32, #tpu.memory_space<vmem>> -> memref<1x50x32xf32, #tpu.memory_space<vmem>>
      %dma_start3A_1148 = tpu.memref_squeeze %dma_start3A_1147 : memref<1x50x32xf32, #tpu.memory_space<vmem>> -> memref<50x32xf32, #tpu.memory_space<vmem>>
      %dma_start3A_1149 = arith.constant 0 : i32
      %dma_start3A_1150 = tpu.memref_slice %arg5[%add3A_1143, %dma_start3A_1149] : memref<512x50xi32, #tpu.memory_space<vmem>> -> memref<1x50xi32, #tpu.memory_space<vmem>>
      %dma_start3A_1151 = tpu.memref_squeeze %dma_start3A_1150 : memref<1x50xi32, #tpu.memory_space<vmem>> -> memref<50xi32, #tpu.memory_space<vmem>>
      %dma_start3A_1152 = arith.constant 0 : i32
      %dma_start3A_1153 = arith.constant 0 : i32
      %dma_start3A_1154 = tpu.memref_slice %arg3[%dma_start3A_1152, %dma_start3A_1153] : memref<1000000x32xf32, #tpu.memory_space<hbm>> -> memref<1000000x32xf32, #tpu.memory_space<hbm>>
      tpu.enqueue_indirect_dma source(%dma_start3A_1154 : memref<1000000x32xf32, #tpu.memory_space<hbm>>) target(%dma_start3A_1148 : memref<50x32xf32, #tpu.memory_space<vmem>>) offsets(%dma_start3A_1151 : memref<50xi32, #tpu.memory_space<vmem>>) semaphore(%arg8 : memref<!tpu.dma_semaphore, #tpu.memory_space<semaphore_mem>>)
      %mul3A_1155 = arith.constant 32 : i32
      %mul3A_1156 = arith.muli %add3A_999, %mul3A_1155 : i32
      %add3A_1157 = arith.constant 10 : i32
      %add3A_1158 = arith.addi %mul3A_1156, %add3A_1157 : i32
      %dma_start3A_1159 = arith.constant 10 : i32
      %dma_start3A_1160 = arith.constant 0 : i32
      %dma_start3A_1161 = arith.constant 0 : i32
      %dma_start3A_1162 = tpu.memref_slice %arg7[%dma_start3A_1159, %dma_start3A_1160, %dma_start3A_1161] : memref<32x50x32xf32, #tpu.memory_space<vmem>> -> memref<1x50x32xf32, #tpu.memory_space<vmem>>
      %dma_start3A_1163 = tpu.memref_squeeze %dma_start3A_1162 : memref<1x50x32xf32, #tpu.memory_space<vmem>> -> memref<50x32xf32, #tpu.memory_space<vmem>>
      %dma_start3A_1164 = arith.constant 0 : i32
      %dma_start3A_1165 = tpu.memref_slice %arg5[%add3A_1158, %dma_start3A_1164] : memref<512x50xi32, #tpu.memory_space<vmem>> -> memref<1x50xi32, #tpu.memory_space<vmem>>
      %dma_start3A_1166 = tpu.memref_squeeze %dma_start3A_1165 : memref<1x50xi32, #tpu.memory_space<vmem>> -> memref<50xi32, #tpu.memory_space<vmem>>
      %dma_start3A_1167 = arith.constant 0 : i32
      %dma_start3A_1168 = arith.constant 0 : i32
      %dma_start3A_1169 = tpu.memref_slice %arg3[%dma_start3A_1167, %dma_start3A_1168] : memref<1000000x32xf32, #tpu.memory_space<hbm>> -> memref<1000000x32xf32, #tpu.memory_space<hbm>>
      tpu.enqueue_indirect_dma source(%dma_start3A_1169 : memref<1000000x32xf32, #tpu.memory_space<hbm>>) target(%dma_start3A_1163 : memref<50x32xf32, #tpu.memory_space<vmem>>) offsets(%dma_start3A_1166 : memref<50xi32, #tpu.memory_space<vmem>>) semaphore(%arg8 : memref<!tpu.dma_semaphore, #tpu.memory_space<semaphore_mem>>)
      %mul3A_1170 = arith.constant 32 : i32
      %mul3A_1171 = arith.muli %add3A_999, %mul3A_1170 : i32
      %add3A_1172 = arith.constant 11 : i32
      %add3A_1173 = arith.addi %mul3A_1171, %add3A_1172 : i32
      %dma_start3A_1174 = arith.constant 11 : i32
      %dma_start3A_1175 = arith.constant 0 : i32
      %dma_start3A_1176 = arith.constant 0 : i32
      %dma_start3A_1177 = tpu.memref_slice %arg7[%dma_start3A_1174, %dma_start3A_1175, %dma_start3A_1176] : memref<32x50x32xf32, #tpu.memory_space<vmem>> -> memref<1x50x32xf32, #tpu.memory_space<vmem>>
      %dma_start3A_1178 = tpu.memref_squeeze %dma_start3A_1177 : memref<1x50x32xf32, #tpu.memory_space<vmem>> -> memref<50x32xf32, #tpu.memory_space<vmem>>
      %dma_start3A_1179 = arith.constant 0 : i32
      %dma_start3A_1180 = tpu.memref_slice %arg5[%add3A_1173, %dma_start3A_1179] : memref<512x50xi32, #tpu.memory_space<vmem>> -> memref<1x50xi32, #tpu.memory_space<vmem>>
      %dma_start3A_1181 = tpu.memref_squeeze %dma_start3A_1180 : memref<1x50xi32, #tpu.memory_space<vmem>> -> memref<50xi32, #tpu.memory_space<vmem>>
      %dma_start3A_1182 = arith.constant 0 : i32
      %dma_start3A_1183 = arith.constant 0 : i32
      %dma_start3A_1184 = tpu.memref_slice %arg3[%dma_start3A_1182, %dma_start3A_1183] : memref<1000000x32xf32, #tpu.memory_space<hbm>> -> memref<1000000x32xf32, #tpu.memory_space<hbm>>
      tpu.enqueue_indirect_dma source(%dma_start3A_1184 : memref<1000000x32xf32, #tpu.memory_space<hbm>>) target(%dma_start3A_1178 : memref<50x32xf32, #tpu.memory_space<vmem>>) offsets(%dma_start3A_1181 : memref<50xi32, #tpu.memory_space<vmem>>) semaphore(%arg8 : memref<!tpu.dma_semaphore, #tpu.memory_space<semaphore_mem>>)
      %mul3A_1185 = arith.constant 32 : i32
      %mul3A_1186 = arith.muli %add3A_999, %mul3A_1185 : i32
      %add3A_1187 = arith.constant 12 : i32
      %add3A_1188 = arith.addi %mul3A_1186, %add3A_1187 : i32
      %dma_start3A_1189 = arith.constant 12 : i32
      %dma_start3A_1190 = arith.constant 0 : i32
      %dma_start3A_1191 = arith.constant 0 : i32
      %dma_start3A_1192 = tpu.memref_slice %arg7[%dma_start3A_1189, %dma_start3A_1190, %dma_start3A_1191] : memref<32x50x32xf32, #tpu.memory_space<vmem>> -> memref<1x50x32xf32, #tpu.memory_space<vmem>>
      %dma_start3A_1193 = tpu.memref_squeeze %dma_start3A_1192 : memref<1x50x32xf32, #tpu.memory_space<vmem>> -> memref<50x32xf32, #tpu.memory_space<vmem>>
      %dma_start3A_1194 = arith.constant 0 : i32
      %dma_start3A_1195 = tpu.memref_slice %arg5[%add3A_1188, %dma_start3A_1194] : memref<512x50xi32, #tpu.memory_space<vmem>> -> memref<1x50xi32, #tpu.memory_space<vmem>>
      %dma_start3A_1196 = tpu.memref_squeeze %dma_start3A_1195 : memref<1x50xi32, #tpu.memory_space<vmem>> -> memref<50xi32, #tpu.memory_space<vmem>>
      %dma_start3A_1197 = arith.constant 0 : i32
      %dma_start3A_1198 = arith.constant 0 : i32
      %dma_start3A_1199 = tpu.memref_slice %arg3[%dma_start3A_1197, %dma_start3A_1198] : memref<1000000x32xf32, #tpu.memory_space<hbm>> -> memref<1000000x32xf32, #tpu.memory_space<hbm>>
      tpu.enqueue_indirect_dma source(%dma_start3A_1199 : memref<1000000x32xf32, #tpu.memory_space<hbm>>) target(%dma_start3A_1193 : memref<50x32xf32, #tpu.memory_space<vmem>>) offsets(%dma_start3A_1196 : memref<50xi32, #tpu.memory_space<vmem>>) semaphore(%arg8 : memref<!tpu.dma_semaphore, #tpu.memory_space<semaphore_mem>>)
      %mul3A_1200 = arith.constant 32 : i32
      %mul3A_1201 = arith.muli %add3A_999, %mul3A_1200 : i32
      %add3A_1202 = arith.constant 13 : i32
      %add3A_1203 = arith.addi %mul3A_1201, %add3A_1202 : i32
      %dma_start3A_1204 = arith.constant 13 : i32
      %dma_start3A_1205 = arith.constant 0 : i32
      %dma_start3A_1206 = arith.constant 0 : i32
      %dma_start3A_1207 = tpu.memref_slice %arg7[%dma_start3A_1204, %dma_start3A_1205, %dma_start3A_1206] : memref<32x50x32xf32, #tpu.memory_space<vmem>> -> memref<1x50x32xf32, #tpu.memory_space<vmem>>
      %dma_start3A_1208 = tpu.memref_squeeze %dma_start3A_1207 : memref<1x50x32xf32, #tpu.memory_space<vmem>> -> memref<50x32xf32, #tpu.memory_space<vmem>>
      %dma_start3A_1209 = arith.constant 0 : i32
      %dma_start3A_1210 = tpu.memref_slice %arg5[%add3A_1203, %dma_start3A_1209] : memref<512x50xi32, #tpu.memory_space<vmem>> -> memref<1x50xi32, #tpu.memory_space<vmem>>
      %dma_start3A_1211 = tpu.memref_squeeze %dma_start3A_1210 : memref<1x50xi32, #tpu.memory_space<vmem>> -> memref<50xi32, #tpu.memory_space<vmem>>
      %dma_start3A_1212 = arith.constant 0 : i32
      %dma_start3A_1213 = arith.constant 0 : i32
      %dma_start3A_1214 = tpu.memref_slice %arg3[%dma_start3A_1212, %dma_start3A_1213] : memref<1000000x32xf32, #tpu.memory_space<hbm>> -> memref<1000000x32xf32, #tpu.memory_space<hbm>>
      tpu.enqueue_indirect_dma source(%dma_start3A_1214 : memref<1000000x32xf32, #tpu.memory_space<hbm>>) target(%dma_start3A_1208 : memref<50x32xf32, #tpu.memory_space<vmem>>) offsets(%dma_start3A_1211 : memref<50xi32, #tpu.memory_space<vmem>>) semaphore(%arg8 : memref<!tpu.dma_semaphore, #tpu.memory_space<semaphore_mem>>)
      %mul3A_1215 = arith.constant 32 : i32
      %mul3A_1216 = arith.muli %add3A_999, %mul3A_1215 : i32
      %add3A_1217 = arith.constant 14 : i32
      %add3A_1218 = arith.addi %mul3A_1216, %add3A_1217 : i32
      %dma_start3A_1219 = arith.constant 14 : i32
      %dma_start3A_1220 = arith.constant 0 : i32
      %dma_start3A_1221 = arith.constant 0 : i32
      %dma_start3A_1222 = tpu.memref_slice %arg7[%dma_start3A_1219, %dma_start3A_1220, %dma_start3A_1221] : memref<32x50x32xf32, #tpu.memory_space<vmem>> -> memref<1x50x32xf32, #tpu.memory_space<vmem>>
      %dma_start3A_1223 = tpu.memref_squeeze %dma_start3A_1222 : memref<1x50x32xf32, #tpu.memory_space<vmem>> -> memref<50x32xf32, #tpu.memory_space<vmem>>
      %dma_start3A_1224 = arith.constant 0 : i32
      %dma_start3A_1225 = tpu.memref_slice %arg5[%add3A_1218, %dma_start3A_1224] : memref<512x50xi32, #tpu.memory_space<vmem>> -> memref<1x50xi32, #tpu.memory_space<vmem>>
      %dma_start3A_1226 = tpu.memref_squeeze %dma_start3A_1225 : memref<1x50xi32, #tpu.memory_space<vmem>> -> memref<50xi32, #tpu.memory_space<vmem>>
      %dma_start3A_1227 = arith.constant 0 : i32
      %dma_start3A_1228 = arith.constant 0 : i32
      %dma_start3A_1229 = tpu.memref_slice %arg3[%dma_start3A_1227, %dma_start3A_1228] : memref<1000000x32xf32, #tpu.memory_space<hbm>> -> memref<1000000x32xf32, #tpu.memory_space<hbm>>
      tpu.enqueue_indirect_dma source(%dma_start3A_1229 : memref<1000000x32xf32, #tpu.memory_space<hbm>>) target(%dma_start3A_1223 : memref<50x32xf32, #tpu.memory_space<vmem>>) offsets(%dma_start3A_1226 : memref<50xi32, #tpu.memory_space<vmem>>) semaphore(%arg8 : memref<!tpu.dma_semaphore, #tpu.memory_space<semaphore_mem>>)
      %mul3A_1230 = arith.constant 32 : i32
      %mul3A_1231 = arith.muli %add3A_999, %mul3A_1230 : i32
      %add3A_1232 = arith.constant 15 : i32
      %add3A_1233 = arith.addi %mul3A_1231, %add3A_1232 : i32
      %dma_start3A_1234 = arith.constant 15 : i32
      %dma_start3A_1235 = arith.constant 0 : i32
      %dma_start3A_1236 = arith.constant 0 : i32
      %dma_start3A_1237 = tpu.memref_slice %arg7[%dma_start3A_1234, %dma_start3A_1235, %dma_start3A_1236] : memref<32x50x32xf32, #tpu.memory_space<vmem>> -> memref<1x50x32xf32, #tpu.memory_space<vmem>>
      %dma_start3A_1238 = tpu.memref_squeeze %dma_start3A_1237 : memref<1x50x32xf32, #tpu.memory_space<vmem>> -> memref<50x32xf32, #tpu.memory_space<vmem>>
      %dma_start3A_1239 = arith.constant 0 : i32
      %dma_start3A_1240 = tpu.memref_slice %arg5[%add3A_1233, %dma_start3A_1239] : memref<512x50xi32, #tpu.memory_space<vmem>> -> memref<1x50xi32, #tpu.memory_space<vmem>>
      %dma_start3A_1241 = tpu.memref_squeeze %dma_start3A_1240 : memref<1x50xi32, #tpu.memory_space<vmem>> -> memref<50xi32, #tpu.memory_space<vmem>>
      %dma_start3A_1242 = arith.constant 0 : i32
      %dma_start3A_1243 = arith.constant 0 : i32
      %dma_start3A_1244 = tpu.memref_slice %arg3[%dma_start3A_1242, %dma_start3A_1243] : memref<1000000x32xf32, #tpu.memory_space<hbm>> -> memref<1000000x32xf32, #tpu.memory_space<hbm>>
      tpu.enqueue_indirect_dma source(%dma_start3A_1244 : memref<1000000x32xf32, #tpu.memory_space<hbm>>) target(%dma_start3A_1238 : memref<50x32xf32, #tpu.memory_space<vmem>>) offsets(%dma_start3A_1241 : memref<50xi32, #tpu.memory_space<vmem>>) semaphore(%arg8 : memref<!tpu.dma_semaphore, #tpu.memory_space<semaphore_mem>>)
      %mul3A_1245 = arith.constant 32 : i32
      %mul3A_1246 = arith.muli %add3A_999, %mul3A_1245 : i32
      %add3A_1247 = arith.constant 16 : i32
      %add3A_1248 = arith.addi %mul3A_1246, %add3A_1247 : i32
      %dma_start3A_1249 = arith.constant 16 : i32
      %dma_start3A_1250 = arith.constant 0 : i32
      %dma_start3A_1251 = arith.constant 0 : i32
      %dma_start3A_1252 = tpu.memref_slice %arg7[%dma_start3A_1249, %dma_start3A_1250, %dma_start3A_1251] : memref<32x50x32xf32, #tpu.memory_space<vmem>> -> memref<1x50x32xf32, #tpu.memory_space<vmem>>
      %dma_start3A_1253 = tpu.memref_squeeze %dma_start3A_1252 : memref<1x50x32xf32, #tpu.memory_space<vmem>> -> memref<50x32xf32, #tpu.memory_space<vmem>>
      %dma_start3A_1254 = arith.constant 0 : i32
      %dma_start3A_1255 = tpu.memref_slice %arg5[%add3A_1248, %dma_start3A_1254] : memref<512x50xi32, #tpu.memory_space<vmem>> -> memref<1x50xi32, #tpu.memory_space<vmem>>
      %dma_start3A_1256 = tpu.memref_squeeze %dma_start3A_1255 : memref<1x50xi32, #tpu.memory_space<vmem>> -> memref<50xi32, #tpu.memory_space<vmem>>
      %dma_start3A_1257 = arith.constant 0 : i32
      %dma_start3A_1258 = arith.constant 0 : i32
      %dma_start3A_1259 = tpu.memref_slice %arg3[%dma_start3A_1257, %dma_start3A_1258] : memref<1000000x32xf32, #tpu.memory_space<hbm>> -> memref<1000000x32xf32, #tpu.memory_space<hbm>>
      tpu.enqueue_indirect_dma source(%dma_start3A_1259 : memref<1000000x32xf32, #tpu.memory_space<hbm>>) target(%dma_start3A_1253 : memref<50x32xf32, #tpu.memory_space<vmem>>) offsets(%dma_start3A_1256 : memref<50xi32, #tpu.memory_space<vmem>>) semaphore(%arg8 : memref<!tpu.dma_semaphore, #tpu.memory_space<semaphore_mem>>)
      %mul3A_1260 = arith.constant 32 : i32
      %mul3A_1261 = arith.muli %add3A_999, %mul3A_1260 : i32
      %add3A_1262 = arith.constant 17 : i32
      %add3A_1263 = arith.addi %mul3A_1261, %add3A_1262 : i32
      %dma_start3A_1264 = arith.constant 17 : i32
      %dma_start3A_1265 = arith.constant 0 : i32
      %dma_start3A_1266 = arith.constant 0 : i32
      %dma_start3A_1267 = tpu.memref_slice %arg7[%dma_start3A_1264, %dma_start3A_1265, %dma_start3A_1266] : memref<32x50x32xf32, #tpu.memory_space<vmem>> -> memref<1x50x32xf32, #tpu.memory_space<vmem>>
      %dma_start3A_1268 = tpu.memref_squeeze %dma_start3A_1267 : memref<1x50x32xf32, #tpu.memory_space<vmem>> -> memref<50x32xf32, #tpu.memory_space<vmem>>
      %dma_start3A_1269 = arith.constant 0 : i32
      %dma_start3A_1270 = tpu.memref_slice %arg5[%add3A_1263, %dma_start3A_1269] : memref<512x50xi32, #tpu.memory_space<vmem>> -> memref<1x50xi32, #tpu.memory_space<vmem>>
      %dma_start3A_1271 = tpu.memref_squeeze %dma_start3A_1270 : memref<1x50xi32, #tpu.memory_space<vmem>> -> memref<50xi32, #tpu.memory_space<vmem>>
      %dma_start3A_1272 = arith.constant 0 : i32
      %dma_start3A_1273 = arith.constant 0 : i32
      %dma_start3A_1274 = tpu.memref_slice %arg3[%dma_start3A_1272, %dma_start3A_1273] : memref<1000000x32xf32, #tpu.memory_space<hbm>> -> memref<1000000x32xf32, #tpu.memory_space<hbm>>
      tpu.enqueue_indirect_dma source(%dma_start3A_1274 : memref<1000000x32xf32, #tpu.memory_space<hbm>>) target(%dma_start3A_1268 : memref<50x32xf32, #tpu.memory_space<vmem>>) offsets(%dma_start3A_1271 : memref<50xi32, #tpu.memory_space<vmem>>) semaphore(%arg8 : memref<!tpu.dma_semaphore, #tpu.memory_space<semaphore_mem>>)
      %mul3A_1275 = arith.constant 32 : i32
      %mul3A_1276 = arith.muli %add3A_999, %mul3A_1275 : i32
      %add3A_1277 = arith.constant 18 : i32
      %add3A_1278 = arith.addi %mul3A_1276, %add3A_1277 : i32
      %dma_start3A_1279 = arith.constant 18 : i32
      %dma_start3A_1280 = arith.constant 0 : i32
      %dma_start3A_1281 = arith.constant 0 : i32
      %dma_start3A_1282 = tpu.memref_slice %arg7[%dma_start3A_1279, %dma_start3A_1280, %dma_start3A_1281] : memref<32x50x32xf32, #tpu.memory_space<vmem>> -> memref<1x50x32xf32, #tpu.memory_space<vmem>>
      %dma_start3A_1283 = tpu.memref_squeeze %dma_start3A_1282 : memref<1x50x32xf32, #tpu.memory_space<vmem>> -> memref<50x32xf32, #tpu.memory_space<vmem>>
      %dma_start3A_1284 = arith.constant 0 : i32
      %dma_start3A_1285 = tpu.memref_slice %arg5[%add3A_1278, %dma_start3A_1284] : memref<512x50xi32, #tpu.memory_space<vmem>> -> memref<1x50xi32, #tpu.memory_space<vmem>>
      %dma_start3A_1286 = tpu.memref_squeeze %dma_start3A_1285 : memref<1x50xi32, #tpu.memory_space<vmem>> -> memref<50xi32, #tpu.memory_space<vmem>>
      %dma_start3A_1287 = arith.constant 0 : i32
      %dma_start3A_1288 = arith.constant 0 : i32
      %dma_start3A_1289 = tpu.memref_slice %arg3[%dma_start3A_1287, %dma_start3A_1288] : memref<1000000x32xf32, #tpu.memory_space<hbm>> -> memref<1000000x32xf32, #tpu.memory_space<hbm>>
      tpu.enqueue_indirect_dma source(%dma_start3A_1289 : memref<1000000x32xf32, #tpu.memory_space<hbm>>) target(%dma_start3A_1283 : memref<50x32xf32, #tpu.memory_space<vmem>>) offsets(%dma_start3A_1286 : memref<50xi32, #tpu.memory_space<vmem>>) semaphore(%arg8 : memref<!tpu.dma_semaphore, #tpu.memory_space<semaphore_mem>>)
      %mul3A_1290 = arith.constant 32 : i32
      %mul3A_1291 = arith.muli %add3A_999, %mul3A_1290 : i32
      %add3A_1292 = arith.constant 19 : i32
      %add3A_1293 = arith.addi %mul3A_1291, %add3A_1292 : i32
      %dma_start3A_1294 = arith.constant 19 : i32
      %dma_start3A_1295 = arith.constant 0 : i32
      %dma_start3A_1296 = arith.constant 0 : i32
      %dma_start3A_1297 = tpu.memref_slice %arg7[%dma_start3A_1294, %dma_start3A_1295, %dma_start3A_1296] : memref<32x50x32xf32, #tpu.memory_space<vmem>> -> memref<1x50x32xf32, #tpu.memory_space<vmem>>
      %dma_start3A_1298 = tpu.memref_squeeze %dma_start3A_1297 : memref<1x50x32xf32, #tpu.memory_space<vmem>> -> memref<50x32xf32, #tpu.memory_space<vmem>>
      %dma_start3A_1299 = arith.constant 0 : i32
      %dma_start3A_1300 = tpu.memref_slice %arg5[%add3A_1293, %dma_start3A_1299] : memref<512x50xi32, #tpu.memory_space<vmem>> -> memref<1x50xi32, #tpu.memory_space<vmem>>
      %dma_start3A_1301 = tpu.memref_squeeze %dma_start3A_1300 : memref<1x50xi32, #tpu.memory_space<vmem>> -> memref<50xi32, #tpu.memory_space<vmem>>
      %dma_start3A_1302 = arith.constant 0 : i32
      %dma_start3A_1303 = arith.constant 0 : i32
      %dma_start3A_1304 = tpu.memref_slice %arg3[%dma_start3A_1302, %dma_start3A_1303] : memref<1000000x32xf32, #tpu.memory_space<hbm>> -> memref<1000000x32xf32, #tpu.memory_space<hbm>>
      tpu.enqueue_indirect_dma source(%dma_start3A_1304 : memref<1000000x32xf32, #tpu.memory_space<hbm>>) target(%dma_start3A_1298 : memref<50x32xf32, #tpu.memory_space<vmem>>) offsets(%dma_start3A_1301 : memref<50xi32, #tpu.memory_space<vmem>>) semaphore(%arg8 : memref<!tpu.dma_semaphore, #tpu.memory_space<semaphore_mem>>)
      %mul3A_1305 = arith.constant 32 : i32
      %mul3A_1306 = arith.muli %add3A_999, %mul3A_1305 : i32
      %add3A_1307 = arith.constant 20 : i32
      %add3A_1308 = arith.addi %mul3A_1306, %add3A_1307 : i32
      %dma_start3A_1309 = arith.constant 20 : i32
      %dma_start3A_1310 = arith.constant 0 : i32
      %dma_start3A_1311 = arith.constant 0 : i32
      %dma_start3A_1312 = tpu.memref_slice %arg7[%dma_start3A_1309, %dma_start3A_1310, %dma_start3A_1311] : memref<32x50x32xf32, #tpu.memory_space<vmem>> -> memref<1x50x32xf32, #tpu.memory_space<vmem>>
      %dma_start3A_1313 = tpu.memref_squeeze %dma_start3A_1312 : memref<1x50x32xf32, #tpu.memory_space<vmem>> -> memref<50x32xf32, #tpu.memory_space<vmem>>
      %dma_start3A_1314 = arith.constant 0 : i32
      %dma_start3A_1315 = tpu.memref_slice %arg5[%add3A_1308, %dma_start3A_1314] : memref<512x50xi32, #tpu.memory_space<vmem>> -> memref<1x50xi32, #tpu.memory_space<vmem>>
      %dma_start3A_1316 = tpu.memref_squeeze %dma_start3A_1315 : memref<1x50xi32, #tpu.memory_space<vmem>> -> memref<50xi32, #tpu.memory_space<vmem>>
      %dma_start3A_1317 = arith.constant 0 : i32
      %dma_start3A_1318 = arith.constant 0 : i32
      %dma_start3A_1319 = tpu.memref_slice %arg3[%dma_start3A_1317, %dma_start3A_1318] : memref<1000000x32xf32, #tpu.memory_space<hbm>> -> memref<1000000x32xf32, #tpu.memory_space<hbm>>
      tpu.enqueue_indirect_dma source(%dma_start3A_1319 : memref<1000000x32xf32, #tpu.memory_space<hbm>>) target(%dma_start3A_1313 : memref<50x32xf32, #tpu.memory_space<vmem>>) offsets(%dma_start3A_1316 : memref<50xi32, #tpu.memory_space<vmem>>) semaphore(%arg8 : memref<!tpu.dma_semaphore, #tpu.memory_space<semaphore_mem>>)
      %mul3A_1320 = arith.constant 32 : i32
      %mul3A_1321 = arith.muli %add3A_999, %mul3A_1320 : i32
      %add3A_1322 = arith.constant 21 : i32
      %add3A_1323 = arith.addi %mul3A_1321, %add3A_1322 : i32
      %dma_start3A_1324 = arith.constant 21 : i32
      %dma_start3A_1325 = arith.constant 0 : i32
      %dma_start3A_1326 = arith.constant 0 : i32
      %dma_start3A_1327 = tpu.memref_slice %arg7[%dma_start3A_1324, %dma_start3A_1325, %dma_start3A_1326] : memref<32x50x32xf32, #tpu.memory_space<vmem>> -> memref<1x50x32xf32, #tpu.memory_space<vmem>>
      %dma_start3A_1328 = tpu.memref_squeeze %dma_start3A_1327 : memref<1x50x32xf32, #tpu.memory_space<vmem>> -> memref<50x32xf32, #tpu.memory_space<vmem>>
      %dma_start3A_1329 = arith.constant 0 : i32
      %dma_start3A_1330 = tpu.memref_slice %arg5[%add3A_1323, %dma_start3A_1329] : memref<512x50xi32, #tpu.memory_space<vmem>> -> memref<1x50xi32, #tpu.memory_space<vmem>>
      %dma_start3A_1331 = tpu.memref_squeeze %dma_start3A_1330 : memref<1x50xi32, #tpu.memory_space<vmem>> -> memref<50xi32, #tpu.memory_space<vmem>>
      %dma_start3A_1332 = arith.constant 0 : i32
      %dma_start3A_1333 = arith.constant 0 : i32
      %dma_start3A_1334 = tpu.memref_slice %arg3[%dma_start3A_1332, %dma_start3A_1333] : memref<1000000x32xf32, #tpu.memory_space<hbm>> -> memref<1000000x32xf32, #tpu.memory_space<hbm>>
      tpu.enqueue_indirect_dma source(%dma_start3A_1334 : memref<1000000x32xf32, #tpu.memory_space<hbm>>) target(%dma_start3A_1328 : memref<50x32xf32, #tpu.memory_space<vmem>>) offsets(%dma_start3A_1331 : memref<50xi32, #tpu.memory_space<vmem>>) semaphore(%arg8 : memref<!tpu.dma_semaphore, #tpu.memory_space<semaphore_mem>>)
      %mul3A_1335 = arith.constant 32 : i32
      %mul3A_1336 = arith.muli %add3A_999, %mul3A_1335 : i32
      %add3A_1337 = arith.constant 22 : i32
      %add3A_1338 = arith.addi %mul3A_1336, %add3A_1337 : i32
      %dma_start3A_1339 = arith.constant 22 : i32
      %dma_start3A_1340 = arith.constant 0 : i32
      %dma_start3A_1341 = arith.constant 0 : i32
      %dma_start3A_1342 = tpu.memref_slice %arg7[%dma_start3A_1339, %dma_start3A_1340, %dma_start3A_1341] : memref<32x50x32xf32, #tpu.memory_space<vmem>> -> memref<1x50x32xf32, #tpu.memory_space<vmem>>
      %dma_start3A_1343 = tpu.memref_squeeze %dma_start3A_1342 : memref<1x50x32xf32, #tpu.memory_space<vmem>> -> memref<50x32xf32, #tpu.memory_space<vmem>>
      %dma_start3A_1344 = arith.constant 0 : i32
      %dma_start3A_1345 = tpu.memref_slice %arg5[%add3A_1338, %dma_start3A_1344] : memref<512x50xi32, #tpu.memory_space<vmem>> -> memref<1x50xi32, #tpu.memory_space<vmem>>
      %dma_start3A_1346 = tpu.memref_squeeze %dma_start3A_1345 : memref<1x50xi32, #tpu.memory_space<vmem>> -> memref<50xi32, #tpu.memory_space<vmem>>
      %dma_start3A_1347 = arith.constant 0 : i32
      %dma_start3A_1348 = arith.constant 0 : i32
      %dma_start3A_1349 = tpu.memref_slice %arg3[%dma_start3A_1347, %dma_start3A_1348] : memref<1000000x32xf32, #tpu.memory_space<hbm>> -> memref<1000000x32xf32, #tpu.memory_space<hbm>>
      tpu.enqueue_indirect_dma source(%dma_start3A_1349 : memref<1000000x32xf32, #tpu.memory_space<hbm>>) target(%dma_start3A_1343 : memref<50x32xf32, #tpu.memory_space<vmem>>) offsets(%dma_start3A_1346 : memref<50xi32, #tpu.memory_space<vmem>>) semaphore(%arg8 : memref<!tpu.dma_semaphore, #tpu.memory_space<semaphore_mem>>)
      %mul3A_1350 = arith.constant 32 : i32
      %mul3A_1351 = arith.muli %add3A_999, %mul3A_1350 : i32
      %add3A_1352 = arith.constant 23 : i32
      %add3A_1353 = arith.addi %mul3A_1351, %add3A_1352 : i32
      %dma_start3A_1354 = arith.constant 23 : i32
      %dma_start3A_1355 = arith.constant 0 : i32
      %dma_start3A_1356 = arith.constant 0 : i32
      %dma_start3A_1357 = tpu.memref_slice %arg7[%dma_start3A_1354, %dma_start3A_1355, %dma_start3A_1356] : memref<32x50x32xf32, #tpu.memory_space<vmem>> -> memref<1x50x32xf32, #tpu.memory_space<vmem>>
      %dma_start3A_1358 = tpu.memref_squeeze %dma_start3A_1357 : memref<1x50x32xf32, #tpu.memory_space<vmem>> -> memref<50x32xf32, #tpu.memory_space<vmem>>
      %dma_start3A_1359 = arith.constant 0 : i32
      %dma_start3A_1360 = tpu.memref_slice %arg5[%add3A_1353, %dma_start3A_1359] : memref<512x50xi32, #tpu.memory_space<vmem>> -> memref<1x50xi32, #tpu.memory_space<vmem>>
      %dma_start3A_1361 = tpu.memref_squeeze %dma_start3A_1360 : memref<1x50xi32, #tpu.memory_space<vmem>> -> memref<50xi32, #tpu.memory_space<vmem>>
      %dma_start3A_1362 = arith.constant 0 : i32
      %dma_start3A_1363 = arith.constant 0 : i32
      %dma_start3A_1364 = tpu.memref_slice %arg3[%dma_start3A_1362, %dma_start3A_1363] : memref<1000000x32xf32, #tpu.memory_space<hbm>> -> memref<1000000x32xf32, #tpu.memory_space<hbm>>
      tpu.enqueue_indirect_dma source(%dma_start3A_1364 : memref<1000000x32xf32, #tpu.memory_space<hbm>>) target(%dma_start3A_1358 : memref<50x32xf32, #tpu.memory_space<vmem>>) offsets(%dma_start3A_1361 : memref<50xi32, #tpu.memory_space<vmem>>) semaphore(%arg8 : memref<!tpu.dma_semaphore, #tpu.memory_space<semaphore_mem>>)
      %mul3A_1365 = arith.constant 32 : i32
      %mul3A_1366 = arith.muli %add3A_999, %mul3A_1365 : i32
      %add3A_1367 = arith.constant 24 : i32
      %add3A_1368 = arith.addi %mul3A_1366, %add3A_1367 : i32
      %dma_start3A_1369 = arith.constant 24 : i32
      %dma_start3A_1370 = arith.constant 0 : i32
      %dma_start3A_1371 = arith.constant 0 : i32
      %dma_start3A_1372 = tpu.memref_slice %arg7[%dma_start3A_1369, %dma_start3A_1370, %dma_start3A_1371] : memref<32x50x32xf32, #tpu.memory_space<vmem>> -> memref<1x50x32xf32, #tpu.memory_space<vmem>>
      %dma_start3A_1373 = tpu.memref_squeeze %dma_start3A_1372 : memref<1x50x32xf32, #tpu.memory_space<vmem>> -> memref<50x32xf32, #tpu.memory_space<vmem>>
      %dma_start3A_1374 = arith.constant 0 : i32
      %dma_start3A_1375 = tpu.memref_slice %arg5[%add3A_1368, %dma_start3A_1374] : memref<512x50xi32, #tpu.memory_space<vmem>> -> memref<1x50xi32, #tpu.memory_space<vmem>>
      %dma_start3A_1376 = tpu.memref_squeeze %dma_start3A_1375 : memref<1x50xi32, #tpu.memory_space<vmem>> -> memref<50xi32, #tpu.memory_space<vmem>>
      %dma_start3A_1377 = arith.constant 0 : i32
      %dma_start3A_1378 = arith.constant 0 : i32
      %dma_start3A_1379 = tpu.memref_slice %arg3[%dma_start3A_1377, %dma_start3A_1378] : memref<1000000x32xf32, #tpu.memory_space<hbm>> -> memref<1000000x32xf32, #tpu.memory_space<hbm>>
      tpu.enqueue_indirect_dma source(%dma_start3A_1379 : memref<1000000x32xf32, #tpu.memory_space<hbm>>) target(%dma_start3A_1373 : memref<50x32xf32, #tpu.memory_space<vmem>>) offsets(%dma_start3A_1376 : memref<50xi32, #tpu.memory_space<vmem>>) semaphore(%arg8 : memref<!tpu.dma_semaphore, #tpu.memory_space<semaphore_mem>>)
      %mul3A_1380 = arith.constant 32 : i32
      %mul3A_1381 = arith.muli %add3A_999, %mul3A_1380 : i32
      %add3A_1382 = arith.constant 25 : i32
      %add3A_1383 = arith.addi %mul3A_1381, %add3A_1382 : i32
      %dma_start3A_1384 = arith.constant 25 : i32
      %dma_start3A_1385 = arith.constant 0 : i32
      %dma_start3A_1386 = arith.constant 0 : i32
      %dma_start3A_1387 = tpu.memref_slice %arg7[%dma_start3A_1384, %dma_start3A_1385, %dma_start3A_1386] : memref<32x50x32xf32, #tpu.memory_space<vmem>> -> memref<1x50x32xf32, #tpu.memory_space<vmem>>
      %dma_start3A_1388 = tpu.memref_squeeze %dma_start3A_1387 : memref<1x50x32xf32, #tpu.memory_space<vmem>> -> memref<50x32xf32, #tpu.memory_space<vmem>>
      %dma_start3A_1389 = arith.constant 0 : i32
      %dma_start3A_1390 = tpu.memref_slice %arg5[%add3A_1383, %dma_start3A_1389] : memref<512x50xi32, #tpu.memory_space<vmem>> -> memref<1x50xi32, #tpu.memory_space<vmem>>
      %dma_start3A_1391 = tpu.memref_squeeze %dma_start3A_1390 : memref<1x50xi32, #tpu.memory_space<vmem>> -> memref<50xi32, #tpu.memory_space<vmem>>
      %dma_start3A_1392 = arith.constant 0 : i32
      %dma_start3A_1393 = arith.constant 0 : i32
      %dma_start3A_1394 = tpu.memref_slice %arg3[%dma_start3A_1392, %dma_start3A_1393] : memref<1000000x32xf32, #tpu.memory_space<hbm>> -> memref<1000000x32xf32, #tpu.memory_space<hbm>>
      tpu.enqueue_indirect_dma source(%dma_start3A_1394 : memref<1000000x32xf32, #tpu.memory_space<hbm>>) target(%dma_start3A_1388 : memref<50x32xf32, #tpu.memory_space<vmem>>) offsets(%dma_start3A_1391 : memref<50xi32, #tpu.memory_space<vmem>>) semaphore(%arg8 : memref<!tpu.dma_semaphore, #tpu.memory_space<semaphore_mem>>)
      %mul3A_1395 = arith.constant 32 : i32
      %mul3A_1396 = arith.muli %add3A_999, %mul3A_1395 : i32
      %add3A_1397 = arith.constant 26 : i32
      %add3A_1398 = arith.addi %mul3A_1396, %add3A_1397 : i32
      %dma_start3A_1399 = arith.constant 26 : i32
      %dma_start3A_1400 = arith.constant 0 : i32
      %dma_start3A_1401 = arith.constant 0 : i32
      %dma_start3A_1402 = tpu.memref_slice %arg7[%dma_start3A_1399, %dma_start3A_1400, %dma_start3A_1401] : memref<32x50x32xf32, #tpu.memory_space<vmem>> -> memref<1x50x32xf32, #tpu.memory_space<vmem>>
      %dma_start3A_1403 = tpu.memref_squeeze %dma_start3A_1402 : memref<1x50x32xf32, #tpu.memory_space<vmem>> -> memref<50x32xf32, #tpu.memory_space<vmem>>
      %dma_start3A_1404 = arith.constant 0 : i32
      %dma_start3A_1405 = tpu.memref_slice %arg5[%add3A_1398, %dma_start3A_1404] : memref<512x50xi32, #tpu.memory_space<vmem>> -> memref<1x50xi32, #tpu.memory_space<vmem>>
      %dma_start3A_1406 = tpu.memref_squeeze %dma_start3A_1405 : memref<1x50xi32, #tpu.memory_space<vmem>> -> memref<50xi32, #tpu.memory_space<vmem>>
      %dma_start3A_1407 = arith.constant 0 : i32
      %dma_start3A_1408 = arith.constant 0 : i32
      %dma_start3A_1409 = tpu.memref_slice %arg3[%dma_start3A_1407, %dma_start3A_1408] : memref<1000000x32xf32, #tpu.memory_space<hbm>> -> memref<1000000x32xf32, #tpu.memory_space<hbm>>
      tpu.enqueue_indirect_dma source(%dma_start3A_1409 : memref<1000000x32xf32, #tpu.memory_space<hbm>>) target(%dma_start3A_1403 : memref<50x32xf32, #tpu.memory_space<vmem>>) offsets(%dma_start3A_1406 : memref<50xi32, #tpu.memory_space<vmem>>) semaphore(%arg8 : memref<!tpu.dma_semaphore, #tpu.memory_space<semaphore_mem>>)
      %mul3A_1410 = arith.constant 32 : i32
      %mul3A_1411 = arith.muli %add3A_999, %mul3A_1410 : i32
      %add3A_1412 = arith.constant 27 : i32
      %add3A_1413 = arith.addi %mul3A_1411, %add3A_1412 : i32
      %dma_start3A_1414 = arith.constant 27 : i32
      %dma_start3A_1415 = arith.constant 0 : i32
      %dma_start3A_1416 = arith.constant 0 : i32
      %dma_start3A_1417 = tpu.memref_slice %arg7[%dma_start3A_1414, %dma_start3A_1415, %dma_start3A_1416] : memref<32x50x32xf32, #tpu.memory_space<vmem>> -> memref<1x50x32xf32, #tpu.memory_space<vmem>>
      %dma_start3A_1418 = tpu.memref_squeeze %dma_start3A_1417 : memref<1x50x32xf32, #tpu.memory_space<vmem>> -> memref<50x32xf32, #tpu.memory_space<vmem>>
      %dma_start3A_1419 = arith.constant 0 : i32
      %dma_start3A_1420 = tpu.memref_slice %arg5[%add3A_1413, %dma_start3A_1419] : memref<512x50xi32, #tpu.memory_space<vmem>> -> memref<1x50xi32, #tpu.memory_space<vmem>>
      %dma_start3A_1421 = tpu.memref_squeeze %dma_start3A_1420 : memref<1x50xi32, #tpu.memory_space<vmem>> -> memref<50xi32, #tpu.memory_space<vmem>>
      %dma_start3A_1422 = arith.constant 0 : i32
      %dma_start3A_1423 = arith.constant 0 : i32
      %dma_start3A_1424 = tpu.memref_slice %arg3[%dma_start3A_1422, %dma_start3A_1423] : memref<1000000x32xf32, #tpu.memory_space<hbm>> -> memref<1000000x32xf32, #tpu.memory_space<hbm>>
      tpu.enqueue_indirect_dma source(%dma_start3A_1424 : memref<1000000x32xf32, #tpu.memory_space<hbm>>) target(%dma_start3A_1418 : memref<50x32xf32, #tpu.memory_space<vmem>>) offsets(%dma_start3A_1421 : memref<50xi32, #tpu.memory_space<vmem>>) semaphore(%arg8 : memref<!tpu.dma_semaphore, #tpu.memory_space<semaphore_mem>>)
      %mul3A_1425 = arith.constant 32 : i32
      %mul3A_1426 = arith.muli %add3A_999, %mul3A_1425 : i32
      %add3A_1427 = arith.constant 28 : i32
      %add3A_1428 = arith.addi %mul3A_1426, %add3A_1427 : i32
      %dma_start3A_1429 = arith.constant 28 : i32
      %dma_start3A_1430 = arith.constant 0 : i32
      %dma_start3A_1431 = arith.constant 0 : i32
      %dma_start3A_1432 = tpu.memref_slice %arg7[%dma_start3A_1429, %dma_start3A_1430, %dma_start3A_1431] : memref<32x50x32xf32, #tpu.memory_space<vmem>> -> memref<1x50x32xf32, #tpu.memory_space<vmem>>
      %dma_start3A_1433 = tpu.memref_squeeze %dma_start3A_1432 : memref<1x50x32xf32, #tpu.memory_space<vmem>> -> memref<50x32xf32, #tpu.memory_space<vmem>>
      %dma_start3A_1434 = arith.constant 0 : i32
      %dma_start3A_1435 = tpu.memref_slice %arg5[%add3A_1428, %dma_start3A_1434] : memref<512x50xi32, #tpu.memory_space<vmem>> -> memref<1x50xi32, #tpu.memory_space<vmem>>
      %dma_start3A_1436 = tpu.memref_squeeze %dma_start3A_1435 : memref<1x50xi32, #tpu.memory_space<vmem>> -> memref<50xi32, #tpu.memory_space<vmem>>
      %dma_start3A_1437 = arith.constant 0 : i32
      %dma_start3A_1438 = arith.constant 0 : i32
      %dma_start3A_1439 = tpu.memref_slice %arg3[%dma_start3A_1437, %dma_start3A_1438] : memref<1000000x32xf32, #tpu.memory_space<hbm>> -> memref<1000000x32xf32, #tpu.memory_space<hbm>>
      tpu.enqueue_indirect_dma source(%dma_start3A_1439 : memref<1000000x32xf32, #tpu.memory_space<hbm>>) target(%dma_start3A_1433 : memref<50x32xf32, #tpu.memory_space<vmem>>) offsets(%dma_start3A_1436 : memref<50xi32, #tpu.memory_space<vmem>>) semaphore(%arg8 : memref<!tpu.dma_semaphore, #tpu.memory_space<semaphore_mem>>)
      %mul3A_1440 = arith.constant 32 : i32
      %mul3A_1441 = arith.muli %add3A_999, %mul3A_1440 : i32
      %add3A_1442 = arith.constant 29 : i32
      %add3A_1443 = arith.addi %mul3A_1441, %add3A_1442 : i32
      %dma_start3A_1444 = arith.constant 29 : i32
      %dma_start3A_1445 = arith.constant 0 : i32
      %dma_start3A_1446 = arith.constant 0 : i32
      %dma_start3A_1447 = tpu.memref_slice %arg7[%dma_start3A_1444, %dma_start3A_1445, %dma_start3A_1446] : memref<32x50x32xf32, #tpu.memory_space<vmem>> -> memref<1x50x32xf32, #tpu.memory_space<vmem>>
      %dma_start3A_1448 = tpu.memref_squeeze %dma_start3A_1447 : memref<1x50x32xf32, #tpu.memory_space<vmem>> -> memref<50x32xf32, #tpu.memory_space<vmem>>
      %dma_start3A_1449 = arith.constant 0 : i32
      %dma_start3A_1450 = tpu.memref_slice %arg5[%add3A_1443, %dma_start3A_1449] : memref<512x50xi32, #tpu.memory_space<vmem>> -> memref<1x50xi32, #tpu.memory_space<vmem>>
      %dma_start3A_1451 = tpu.memref_squeeze %dma_start3A_1450 : memref<1x50xi32, #tpu.memory_space<vmem>> -> memref<50xi32, #tpu.memory_space<vmem>>
      %dma_start3A_1452 = arith.constant 0 : i32
      %dma_start3A_1453 = arith.constant 0 : i32
      %dma_start3A_1454 = tpu.memref_slice %arg3[%dma_start3A_1452, %dma_start3A_1453] : memref<1000000x32xf32, #tpu.memory_space<hbm>> -> memref<1000000x32xf32, #tpu.memory_space<hbm>>
      tpu.enqueue_indirect_dma source(%dma_start3A_1454 : memref<1000000x32xf32, #tpu.memory_space<hbm>>) target(%dma_start3A_1448 : memref<50x32xf32, #tpu.memory_space<vmem>>) offsets(%dma_start3A_1451 : memref<50xi32, #tpu.memory_space<vmem>>) semaphore(%arg8 : memref<!tpu.dma_semaphore, #tpu.memory_space<semaphore_mem>>)
      %mul3A_1455 = arith.constant 32 : i32
      %mul3A_1456 = arith.muli %add3A_999, %mul3A_1455 : i32
      %add3A_1457 = arith.constant 30 : i32
      %add3A_1458 = arith.addi %mul3A_1456, %add3A_1457 : i32
      %dma_start3A_1459 = arith.constant 30 : i32
      %dma_start3A_1460 = arith.constant 0 : i32
      %dma_start3A_1461 = arith.constant 0 : i32
      %dma_start3A_1462 = tpu.memref_slice %arg7[%dma_start3A_1459, %dma_start3A_1460, %dma_start3A_1461] : memref<32x50x32xf32, #tpu.memory_space<vmem>> -> memref<1x50x32xf32, #tpu.memory_space<vmem>>
      %dma_start3A_1463 = tpu.memref_squeeze %dma_start3A_1462 : memref<1x50x32xf32, #tpu.memory_space<vmem>> -> memref<50x32xf32, #tpu.memory_space<vmem>>
      %dma_start3A_1464 = arith.constant 0 : i32
      %dma_start3A_1465 = tpu.memref_slice %arg5[%add3A_1458, %dma_start3A_1464] : memref<512x50xi32, #tpu.memory_space<vmem>> -> memref<1x50xi32, #tpu.memory_space<vmem>>
      %dma_start3A_1466 = tpu.memref_squeeze %dma_start3A_1465 : memref<1x50xi32, #tpu.memory_space<vmem>> -> memref<50xi32, #tpu.memory_space<vmem>>
      %dma_start3A_1467 = arith.constant 0 : i32
      %dma_start3A_1468 = arith.constant 0 : i32
      %dma_start3A_1469 = tpu.memref_slice %arg3[%dma_start3A_1467, %dma_start3A_1468] : memref<1000000x32xf32, #tpu.memory_space<hbm>> -> memref<1000000x32xf32, #tpu.memory_space<hbm>>
      tpu.enqueue_indirect_dma source(%dma_start3A_1469 : memref<1000000x32xf32, #tpu.memory_space<hbm>>) target(%dma_start3A_1463 : memref<50x32xf32, #tpu.memory_space<vmem>>) offsets(%dma_start3A_1466 : memref<50xi32, #tpu.memory_space<vmem>>) semaphore(%arg8 : memref<!tpu.dma_semaphore, #tpu.memory_space<semaphore_mem>>)
      %mul3A_1470 = arith.constant 32 : i32
      %mul3A_1471 = arith.muli %add3A_999, %mul3A_1470 : i32
      %add3A_1472 = arith.constant 31 : i32
      %add3A_1473 = arith.addi %mul3A_1471, %add3A_1472 : i32
      %dma_start3A_1474 = arith.constant 31 : i32
      %dma_start3A_1475 = arith.constant 0 : i32
      %dma_start3A_1476 = arith.constant 0 : i32
      %dma_start3A_1477 = tpu.memref_slice %arg7[%dma_start3A_1474, %dma_start3A_1475, %dma_start3A_1476] : memref<32x50x32xf32, #tpu.memory_space<vmem>> -> memref<1x50x32xf32, #tpu.memory_space<vmem>>
      %dma_start3A_1478 = tpu.memref_squeeze %dma_start3A_1477 : memref<1x50x32xf32, #tpu.memory_space<vmem>> -> memref<50x32xf32, #tpu.memory_space<vmem>>
      %dma_start3A_1479 = arith.constant 0 : i32
      %dma_start3A_1480 = tpu.memref_slice %arg5[%add3A_1473, %dma_start3A_1479] : memref<512x50xi32, #tpu.memory_space<vmem>> -> memref<1x50xi32, #tpu.memory_space<vmem>>
      %dma_start3A_1481 = tpu.memref_squeeze %dma_start3A_1480 : memref<1x50xi32, #tpu.memory_space<vmem>> -> memref<50xi32, #tpu.memory_space<vmem>>
      %dma_start3A_1482 = arith.constant 0 : i32
      %dma_start3A_1483 = arith.constant 0 : i32
      %dma_start3A_1484 = tpu.memref_slice %arg3[%dma_start3A_1482, %dma_start3A_1483] : memref<1000000x32xf32, #tpu.memory_space<hbm>> -> memref<1000000x32xf32, #tpu.memory_space<hbm>>
      tpu.enqueue_indirect_dma source(%dma_start3A_1484 : memref<1000000x32xf32, #tpu.memory_space<hbm>>) target(%dma_start3A_1478 : memref<50x32xf32, #tpu.memory_space<vmem>>) offsets(%dma_start3A_1481 : memref<50xi32, #tpu.memory_space<vmem>>) semaphore(%arg8 : memref<!tpu.dma_semaphore, #tpu.memory_space<semaphore_mem>>)
      %mul3A_1485 = arith.constant 32 : i32
      %mul3A_1486 = arith.muli %add3A_999, %mul3A_1485 : i32
      %add3A_1487 = arith.constant 0 : i32
      %add3A_1488 = arith.addi %mul3A_1486, %add3A_1487 : i32
      %dma_wait3A_1489 = arith.constant 0 : i32
      %dma_wait3A_1490 = arith.constant 0 : i32
      %dma_wait3A_1491 = arith.constant 0 : i32
      %dma_wait3A_1492 = tpu.memref_slice %arg7[%dma_wait3A_1489, %dma_wait3A_1490, %dma_wait3A_1491] : memref<32x50x32xf32, #tpu.memory_space<vmem>> -> memref<1x50x32xf32, #tpu.memory_space<vmem>>
      %dma_wait3A_1493 = tpu.memref_squeeze %dma_wait3A_1492 : memref<1x50x32xf32, #tpu.memory_space<vmem>> -> memref<50x32xf32, #tpu.memory_space<vmem>>
      %dma_wait3A_1494 = arith.constant 0 : i32
      %dma_wait3A_1495 = tpu.memref_slice %arg5[%add3A_1488, %dma_wait3A_1494] : memref<512x50xi32, #tpu.memory_space<vmem>> -> memref<1x50xi32, #tpu.memory_space<vmem>>
      %dma_wait3A_1496 = tpu.memref_squeeze %dma_wait3A_1495 : memref<1x50xi32, #tpu.memory_space<vmem>> -> memref<50xi32, #tpu.memory_space<vmem>>
      %dma_wait3A_1497 = arith.constant 0 : i32
      %dma_wait3A_1498 = arith.constant 0 : i32
      %dma_wait3A_1499 = tpu.memref_slice %arg3[%dma_wait3A_1497, %dma_wait3A_1498] : memref<1000000x32xf32, #tpu.memory_space<hbm>> -> memref<1000000x32xf32, #tpu.memory_space<hbm>>
      tpu.wait_indirect_dma semaphore(%arg8 : memref<!tpu.dma_semaphore, #tpu.memory_space<semaphore_mem>>) src(%dma_wait3A_1499 : memref<1000000x32xf32, #tpu.memory_space<hbm>>) dst(%dma_wait3A_1493 : memref<50x32xf32, #tpu.memory_space<vmem>>)
      %mul3A_1500 = arith.constant 32 : i32
      %mul3A_1501 = arith.muli %add3A_999, %mul3A_1500 : i32
      %add3A_1502 = arith.constant 1 : i32
      %add3A_1503 = arith.addi %mul3A_1501, %add3A_1502 : i32
      %dma_wait3A_1504 = arith.constant 1 : i32
      %dma_wait3A_1505 = arith.constant 0 : i32
      %dma_wait3A_1506 = arith.constant 0 : i32
      %dma_wait3A_1507 = tpu.memref_slice %arg7[%dma_wait3A_1504, %dma_wait3A_1505, %dma_wait3A_1506] : memref<32x50x32xf32, #tpu.memory_space<vmem>> -> memref<1x50x32xf32, #tpu.memory_space<vmem>>
      %dma_wait3A_1508 = tpu.memref_squeeze %dma_wait3A_1507 : memref<1x50x32xf32, #tpu.memory_space<vmem>> -> memref<50x32xf32, #tpu.memory_space<vmem>>
      %dma_wait3A_1509 = arith.constant 0 : i32
      %dma_wait3A_1510 = tpu.memref_slice %arg5[%add3A_1503, %dma_wait3A_1509] : memref<512x50xi32, #tpu.memory_space<vmem>> -> memref<1x50xi32, #tpu.memory_space<vmem>>
      %dma_wait3A_1511 = tpu.memref_squeeze %dma_wait3A_1510 : memref<1x50xi32, #tpu.memory_space<vmem>> -> memref<50xi32, #tpu.memory_space<vmem>>
      %dma_wait3A_1512 = arith.constant 0 : i32
      %dma_wait3A_1513 = arith.constant 0 : i32
      %dma_wait3A_1514 = tpu.memref_slice %arg3[%dma_wait3A_1512, %dma_wait3A_1513] : memref<1000000x32xf32, #tpu.memory_space<hbm>> -> memref<1000000x32xf32, #tpu.memory_space<hbm>>
      tpu.wait_indirect_dma semaphore(%arg8 : memref<!tpu.dma_semaphore, #tpu.memory_space<semaphore_mem>>) src(%dma_wait3A_1514 : memref<1000000x32xf32, #tpu.memory_space<hbm>>) dst(%dma_wait3A_1508 : memref<50x32xf32, #tpu.memory_space<vmem>>)
      %mul3A_1515 = arith.constant 32 : i32
      %mul3A_1516 = arith.muli %add3A_999, %mul3A_1515 : i32
      %add3A_1517 = arith.constant 2 : i32
      %add3A_1518 = arith.addi %mul3A_1516, %add3A_1517 : i32
      %dma_wait3A_1519 = arith.constant 2 : i32
      %dma_wait3A_1520 = arith.constant 0 : i32
      %dma_wait3A_1521 = arith.constant 0 : i32
      %dma_wait3A_1522 = tpu.memref_slice %arg7[%dma_wait3A_1519, %dma_wait3A_1520, %dma_wait3A_1521] : memref<32x50x32xf32, #tpu.memory_space<vmem>> -> memref<1x50x32xf32, #tpu.memory_space<vmem>>
      %dma_wait3A_1523 = tpu.memref_squeeze %dma_wait3A_1522 : memref<1x50x32xf32, #tpu.memory_space<vmem>> -> memref<50x32xf32, #tpu.memory_space<vmem>>
      %dma_wait3A_1524 = arith.constant 0 : i32
      %dma_wait3A_1525 = tpu.memref_slice %arg5[%add3A_1518, %dma_wait3A_1524] : memref<512x50xi32, #tpu.memory_space<vmem>> -> memref<1x50xi32, #tpu.memory_space<vmem>>
      %dma_wait3A_1526 = tpu.memref_squeeze %dma_wait3A_1525 : memref<1x50xi32, #tpu.memory_space<vmem>> -> memref<50xi32, #tpu.memory_space<vmem>>
      %dma_wait3A_1527 = arith.constant 0 : i32
      %dma_wait3A_1528 = arith.constant 0 : i32
      %dma_wait3A_1529 = tpu.memref_slice %arg3[%dma_wait3A_1527, %dma_wait3A_1528] : memref<1000000x32xf32, #tpu.memory_space<hbm>> -> memref<1000000x32xf32, #tpu.memory_space<hbm>>
      tpu.wait_indirect_dma semaphore(%arg8 : memref<!tpu.dma_semaphore, #tpu.memory_space<semaphore_mem>>) src(%dma_wait3A_1529 : memref<1000000x32xf32, #tpu.memory_space<hbm>>) dst(%dma_wait3A_1523 : memref<50x32xf32, #tpu.memory_space<vmem>>)
      %mul3A_1530 = arith.constant 32 : i32
      %mul3A_1531 = arith.muli %add3A_999, %mul3A_1530 : i32
      %add3A_1532 = arith.constant 3 : i32
      %add3A_1533 = arith.addi %mul3A_1531, %add3A_1532 : i32
      %dma_wait3A_1534 = arith.constant 3 : i32
      %dma_wait3A_1535 = arith.constant 0 : i32
      %dma_wait3A_1536 = arith.constant 0 : i32
      %dma_wait3A_1537 = tpu.memref_slice %arg7[%dma_wait3A_1534, %dma_wait3A_1535, %dma_wait3A_1536] : memref<32x50x32xf32, #tpu.memory_space<vmem>> -> memref<1x50x32xf32, #tpu.memory_space<vmem>>
      %dma_wait3A_1538 = tpu.memref_squeeze %dma_wait3A_1537 : memref<1x50x32xf32, #tpu.memory_space<vmem>> -> memref<50x32xf32, #tpu.memory_space<vmem>>
      %dma_wait3A_1539 = arith.constant 0 : i32
      %dma_wait3A_1540 = tpu.memref_slice %arg5[%add3A_1533, %dma_wait3A_1539] : memref<512x50xi32, #tpu.memory_space<vmem>> -> memref<1x50xi32, #tpu.memory_space<vmem>>
      %dma_wait3A_1541 = tpu.memref_squeeze %dma_wait3A_1540 : memref<1x50xi32, #tpu.memory_space<vmem>> -> memref<50xi32, #tpu.memory_space<vmem>>
      %dma_wait3A_1542 = arith.constant 0 : i32
      %dma_wait3A_1543 = arith.constant 0 : i32
      %dma_wait3A_1544 = tpu.memref_slice %arg3[%dma_wait3A_1542, %dma_wait3A_1543] : memref<1000000x32xf32, #tpu.memory_space<hbm>> -> memref<1000000x32xf32, #tpu.memory_space<hbm>>
      tpu.wait_indirect_dma semaphore(%arg8 : memref<!tpu.dma_semaphore, #tpu.memory_space<semaphore_mem>>) src(%dma_wait3A_1544 : memref<1000000x32xf32, #tpu.memory_space<hbm>>) dst(%dma_wait3A_1538 : memref<50x32xf32, #tpu.memory_space<vmem>>)
      %mul3A_1545 = arith.constant 32 : i32
      %mul3A_1546 = arith.muli %add3A_999, %mul3A_1545 : i32
      %add3A_1547 = arith.constant 4 : i32
      %add3A_1548 = arith.addi %mul3A_1546, %add3A_1547 : i32
      %dma_wait3A_1549 = arith.constant 4 : i32
      %dma_wait3A_1550 = arith.constant 0 : i32
      %dma_wait3A_1551 = arith.constant 0 : i32
      %dma_wait3A_1552 = tpu.memref_slice %arg7[%dma_wait3A_1549, %dma_wait3A_1550, %dma_wait3A_1551] : memref<32x50x32xf32, #tpu.memory_space<vmem>> -> memref<1x50x32xf32, #tpu.memory_space<vmem>>
      %dma_wait3A_1553 = tpu.memref_squeeze %dma_wait3A_1552 : memref<1x50x32xf32, #tpu.memory_space<vmem>> -> memref<50x32xf32, #tpu.memory_space<vmem>>
      %dma_wait3A_1554 = arith.constant 0 : i32
      %dma_wait3A_1555 = tpu.memref_slice %arg5[%add3A_1548, %dma_wait3A_1554] : memref<512x50xi32, #tpu.memory_space<vmem>> -> memref<1x50xi32, #tpu.memory_space<vmem>>
      %dma_wait3A_1556 = tpu.memref_squeeze %dma_wait3A_1555 : memref<1x50xi32, #tpu.memory_space<vmem>> -> memref<50xi32, #tpu.memory_space<vmem>>
      %dma_wait3A_1557 = arith.constant 0 : i32
      %dma_wait3A_1558 = arith.constant 0 : i32
      %dma_wait3A_1559 = tpu.memref_slice %arg3[%dma_wait3A_1557, %dma_wait3A_1558] : memref<1000000x32xf32, #tpu.memory_space<hbm>> -> memref<1000000x32xf32, #tpu.memory_space<hbm>>
      tpu.wait_indirect_dma semaphore(%arg8 : memref<!tpu.dma_semaphore, #tpu.memory_space<semaphore_mem>>) src(%dma_wait3A_1559 : memref<1000000x32xf32, #tpu.memory_space<hbm>>) dst(%dma_wait3A_1553 : memref<50x32xf32, #tpu.memory_space<vmem>>)
      %mul3A_1560 = arith.constant 32 : i32
      %mul3A_1561 = arith.muli %add3A_999, %mul3A_1560 : i32
      %add3A_1562 = arith.constant 5 : i32
      %add3A_1563 = arith.addi %mul3A_1561, %add3A_1562 : i32
      %dma_wait3A_1564 = arith.constant 5 : i32
      %dma_wait3A_1565 = arith.constant 0 : i32
      %dma_wait3A_1566 = arith.constant 0 : i32
      %dma_wait3A_1567 = tpu.memref_slice %arg7[%dma_wait3A_1564, %dma_wait3A_1565, %dma_wait3A_1566] : memref<32x50x32xf32, #tpu.memory_space<vmem>> -> memref<1x50x32xf32, #tpu.memory_space<vmem>>
      %dma_wait3A_1568 = tpu.memref_squeeze %dma_wait3A_1567 : memref<1x50x32xf32, #tpu.memory_space<vmem>> -> memref<50x32xf32, #tpu.memory_space<vmem>>
      %dma_wait3A_1569 = arith.constant 0 : i32
      %dma_wait3A_1570 = tpu.memref_slice %arg5[%add3A_1563, %dma_wait3A_1569] : memref<512x50xi32, #tpu.memory_space<vmem>> -> memref<1x50xi32, #tpu.memory_space<vmem>>
      %dma_wait3A_1571 = tpu.memref_squeeze %dma_wait3A_1570 : memref<1x50xi32, #tpu.memory_space<vmem>> -> memref<50xi32, #tpu.memory_space<vmem>>
      %dma_wait3A_1572 = arith.constant 0 : i32
      %dma_wait3A_1573 = arith.constant 0 : i32
      %dma_wait3A_1574 = tpu.memref_slice %arg3[%dma_wait3A_1572, %dma_wait3A_1573] : memref<1000000x32xf32, #tpu.memory_space<hbm>> -> memref<1000000x32xf32, #tpu.memory_space<hbm>>
      tpu.wait_indirect_dma semaphore(%arg8 : memref<!tpu.dma_semaphore, #tpu.memory_space<semaphore_mem>>) src(%dma_wait3A_1574 : memref<1000000x32xf32, #tpu.memory_space<hbm>>) dst(%dma_wait3A_1568 : memref<50x32xf32, #tpu.memory_space<vmem>>)
      %mul3A_1575 = arith.constant 32 : i32
      %mul3A_1576 = arith.muli %add3A_999, %mul3A_1575 : i32
      %add3A_1577 = arith.constant 6 : i32
      %add3A_1578 = arith.addi %mul3A_1576, %add3A_1577 : i32
      %dma_wait3A_1579 = arith.constant 6 : i32
      %dma_wait3A_1580 = arith.constant 0 : i32
      %dma_wait3A_1581 = arith.constant 0 : i32
      %dma_wait3A_1582 = tpu.memref_slice %arg7[%dma_wait3A_1579, %dma_wait3A_1580, %dma_wait3A_1581] : memref<32x50x32xf32, #tpu.memory_space<vmem>> -> memref<1x50x32xf32, #tpu.memory_space<vmem>>
      %dma_wait3A_1583 = tpu.memref_squeeze %dma_wait3A_1582 : memref<1x50x32xf32, #tpu.memory_space<vmem>> -> memref<50x32xf32, #tpu.memory_space<vmem>>
      %dma_wait3A_1584 = arith.constant 0 : i32
      %dma_wait3A_1585 = tpu.memref_slice %arg5[%add3A_1578, %dma_wait3A_1584] : memref<512x50xi32, #tpu.memory_space<vmem>> -> memref<1x50xi32, #tpu.memory_space<vmem>>
      %dma_wait3A_1586 = tpu.memref_squeeze %dma_wait3A_1585 : memref<1x50xi32, #tpu.memory_space<vmem>> -> memref<50xi32, #tpu.memory_space<vmem>>
      %dma_wait3A_1587 = arith.constant 0 : i32
      %dma_wait3A_1588 = arith.constant 0 : i32
      %dma_wait3A_1589 = tpu.memref_slice %arg3[%dma_wait3A_1587, %dma_wait3A_1588] : memref<1000000x32xf32, #tpu.memory_space<hbm>> -> memref<1000000x32xf32, #tpu.memory_space<hbm>>
      tpu.wait_indirect_dma semaphore(%arg8 : memref<!tpu.dma_semaphore, #tpu.memory_space<semaphore_mem>>) src(%dma_wait3A_1589 : memref<1000000x32xf32, #tpu.memory_space<hbm>>) dst(%dma_wait3A_1583 : memref<50x32xf32, #tpu.memory_space<vmem>>)
      %mul3A_1590 = arith.constant 32 : i32
      %mul3A_1591 = arith.muli %add3A_999, %mul3A_1590 : i32
      %add3A_1592 = arith.constant 7 : i32
      %add3A_1593 = arith.addi %mul3A_1591, %add3A_1592 : i32
      %dma_wait3A_1594 = arith.constant 7 : i32
      %dma_wait3A_1595 = arith.constant 0 : i32
      %dma_wait3A_1596 = arith.constant 0 : i32
      %dma_wait3A_1597 = tpu.memref_slice %arg7[%dma_wait3A_1594, %dma_wait3A_1595, %dma_wait3A_1596] : memref<32x50x32xf32, #tpu.memory_space<vmem>> -> memref<1x50x32xf32, #tpu.memory_space<vmem>>
      %dma_wait3A_1598 = tpu.memref_squeeze %dma_wait3A_1597 : memref<1x50x32xf32, #tpu.memory_space<vmem>> -> memref<50x32xf32, #tpu.memory_space<vmem>>
      %dma_wait3A_1599 = arith.constant 0 : i32
      %dma_wait3A_1600 = tpu.memref_slice %arg5[%add3A_1593, %dma_wait3A_1599] : memref<512x50xi32, #tpu.memory_space<vmem>> -> memref<1x50xi32, #tpu.memory_space<vmem>>
      %dma_wait3A_1601 = tpu.memref_squeeze %dma_wait3A_1600 : memref<1x50xi32, #tpu.memory_space<vmem>> -> memref<50xi32, #tpu.memory_space<vmem>>
      %dma_wait3A_1602 = arith.constant 0 : i32
      %dma_wait3A_1603 = arith.constant 0 : i32
      %dma_wait3A_1604 = tpu.memref_slice %arg3[%dma_wait3A_1602, %dma_wait3A_1603] : memref<1000000x32xf32, #tpu.memory_space<hbm>> -> memref<1000000x32xf32, #tpu.memory_space<hbm>>
      tpu.wait_indirect_dma semaphore(%arg8 : memref<!tpu.dma_semaphore, #tpu.memory_space<semaphore_mem>>) src(%dma_wait3A_1604 : memref<1000000x32xf32, #tpu.memory_space<hbm>>) dst(%dma_wait3A_1598 : memref<50x32xf32, #tpu.memory_space<vmem>>)
      %mul3A_1605 = arith.constant 32 : i32
      %mul3A_1606 = arith.muli %add3A_999, %mul3A_1605 : i32
      %add3A_1607 = arith.constant 8 : i32
      %add3A_1608 = arith.addi %mul3A_1606, %add3A_1607 : i32
      %dma_wait3A_1609 = arith.constant 8 : i32
      %dma_wait3A_1610 = arith.constant 0 : i32
      %dma_wait3A_1611 = arith.constant 0 : i32
      %dma_wait3A_1612 = tpu.memref_slice %arg7[%dma_wait3A_1609, %dma_wait3A_1610, %dma_wait3A_1611] : memref<32x50x32xf32, #tpu.memory_space<vmem>> -> memref<1x50x32xf32, #tpu.memory_space<vmem>>
      %dma_wait3A_1613 = tpu.memref_squeeze %dma_wait3A_1612 : memref<1x50x32xf32, #tpu.memory_space<vmem>> -> memref<50x32xf32, #tpu.memory_space<vmem>>
      %dma_wait3A_1614 = arith.constant 0 : i32
      %dma_wait3A_1615 = tpu.memref_slice %arg5[%add3A_1608, %dma_wait3A_1614] : memref<512x50xi32, #tpu.memory_space<vmem>> -> memref<1x50xi32, #tpu.memory_space<vmem>>
      %dma_wait3A_1616 = tpu.memref_squeeze %dma_wait3A_1615 : memref<1x50xi32, #tpu.memory_space<vmem>> -> memref<50xi32, #tpu.memory_space<vmem>>
      %dma_wait3A_1617 = arith.constant 0 : i32
      %dma_wait3A_1618 = arith.constant 0 : i32
      %dma_wait3A_1619 = tpu.memref_slice %arg3[%dma_wait3A_1617, %dma_wait3A_1618] : memref<1000000x32xf32, #tpu.memory_space<hbm>> -> memref<1000000x32xf32, #tpu.memory_space<hbm>>
      tpu.wait_indirect_dma semaphore(%arg8 : memref<!tpu.dma_semaphore, #tpu.memory_space<semaphore_mem>>) src(%dma_wait3A_1619 : memref<1000000x32xf32, #tpu.memory_space<hbm>>) dst(%dma_wait3A_1613 : memref<50x32xf32, #tpu.memory_space<vmem>>)
      %mul3A_1620 = arith.constant 32 : i32
      %mul3A_1621 = arith.muli %add3A_999, %mul3A_1620 : i32
      %add3A_1622 = arith.constant 9 : i32
      %add3A_1623 = arith.addi %mul3A_1621, %add3A_1622 : i32
      %dma_wait3A_1624 = arith.constant 9 : i32
      %dma_wait3A_1625 = arith.constant 0 : i32
      %dma_wait3A_1626 = arith.constant 0 : i32
      %dma_wait3A_1627 = tpu.memref_slice %arg7[%dma_wait3A_1624, %dma_wait3A_1625, %dma_wait3A_1626] : memref<32x50x32xf32, #tpu.memory_space<vmem>> -> memref<1x50x32xf32, #tpu.memory_space<vmem>>
      %dma_wait3A_1628 = tpu.memref_squeeze %dma_wait3A_1627 : memref<1x50x32xf32, #tpu.memory_space<vmem>> -> memref<50x32xf32, #tpu.memory_space<vmem>>
      %dma_wait3A_1629 = arith.constant 0 : i32
      %dma_wait3A_1630 = tpu.memref_slice %arg5[%add3A_1623, %dma_wait3A_1629] : memref<512x50xi32, #tpu.memory_space<vmem>> -> memref<1x50xi32, #tpu.memory_space<vmem>>
      %dma_wait3A_1631 = tpu.memref_squeeze %dma_wait3A_1630 : memref<1x50xi32, #tpu.memory_space<vmem>> -> memref<50xi32, #tpu.memory_space<vmem>>
      %dma_wait3A_1632 = arith.constant 0 : i32
      %dma_wait3A_1633 = arith.constant 0 : i32
      %dma_wait3A_1634 = tpu.memref_slice %arg3[%dma_wait3A_1632, %dma_wait3A_1633] : memref<1000000x32xf32, #tpu.memory_space<hbm>> -> memref<1000000x32xf32, #tpu.memory_space<hbm>>
      tpu.wait_indirect_dma semaphore(%arg8 : memref<!tpu.dma_semaphore, #tpu.memory_space<semaphore_mem>>) src(%dma_wait3A_1634 : memref<1000000x32xf32, #tpu.memory_space<hbm>>) dst(%dma_wait3A_1628 : memref<50x32xf32, #tpu.memory_space<vmem>>)
      %mul3A_1635 = arith.constant 32 : i32
      %mul3A_1636 = arith.muli %add3A_999, %mul3A_1635 : i32
      %add3A_1637 = arith.constant 10 : i32
      %add3A_1638 = arith.addi %mul3A_1636, %add3A_1637 : i32
      %dma_wait3A_1639 = arith.constant 10 : i32
      %dma_wait3A_1640 = arith.constant 0 : i32
      %dma_wait3A_1641 = arith.constant 0 : i32
      %dma_wait3A_1642 = tpu.memref_slice %arg7[%dma_wait3A_1639, %dma_wait3A_1640, %dma_wait3A_1641] : memref<32x50x32xf32, #tpu.memory_space<vmem>> -> memref<1x50x32xf32, #tpu.memory_space<vmem>>
      %dma_wait3A_1643 = tpu.memref_squeeze %dma_wait3A_1642 : memref<1x50x32xf32, #tpu.memory_space<vmem>> -> memref<50x32xf32, #tpu.memory_space<vmem>>
      %dma_wait3A_1644 = arith.constant 0 : i32
      %dma_wait3A_1645 = tpu.memref_slice %arg5[%add3A_1638, %dma_wait3A_1644] : memref<512x50xi32, #tpu.memory_space<vmem>> -> memref<1x50xi32, #tpu.memory_space<vmem>>
      %dma_wait3A_1646 = tpu.memref_squeeze %dma_wait3A_1645 : memref<1x50xi32, #tpu.memory_space<vmem>> -> memref<50xi32, #tpu.memory_space<vmem>>
      %dma_wait3A_1647 = arith.constant 0 : i32
      %dma_wait3A_1648 = arith.constant 0 : i32
      %dma_wait3A_1649 = tpu.memref_slice %arg3[%dma_wait3A_1647, %dma_wait3A_1648] : memref<1000000x32xf32, #tpu.memory_space<hbm>> -> memref<1000000x32xf32, #tpu.memory_space<hbm>>
      tpu.wait_indirect_dma semaphore(%arg8 : memref<!tpu.dma_semaphore, #tpu.memory_space<semaphore_mem>>) src(%dma_wait3A_1649 : memref<1000000x32xf32, #tpu.memory_space<hbm>>) dst(%dma_wait3A_1643 : memref<50x32xf32, #tpu.memory_space<vmem>>)
      %mul3A_1650 = arith.constant 32 : i32
      %mul3A_1651 = arith.muli %add3A_999, %mul3A_1650 : i32
      %add3A_1652 = arith.constant 11 : i32
      %add3A_1653 = arith.addi %mul3A_1651, %add3A_1652 : i32
      %dma_wait3A_1654 = arith.constant 11 : i32
      %dma_wait3A_1655 = arith.constant 0 : i32
      %dma_wait3A_1656 = arith.constant 0 : i32
      %dma_wait3A_1657 = tpu.memref_slice %arg7[%dma_wait3A_1654, %dma_wait3A_1655, %dma_wait3A_1656] : memref<32x50x32xf32, #tpu.memory_space<vmem>> -> memref<1x50x32xf32, #tpu.memory_space<vmem>>
      %dma_wait3A_1658 = tpu.memref_squeeze %dma_wait3A_1657 : memref<1x50x32xf32, #tpu.memory_space<vmem>> -> memref<50x32xf32, #tpu.memory_space<vmem>>
      %dma_wait3A_1659 = arith.constant 0 : i32
      %dma_wait3A_1660 = tpu.memref_slice %arg5[%add3A_1653, %dma_wait3A_1659] : memref<512x50xi32, #tpu.memory_space<vmem>> -> memref<1x50xi32, #tpu.memory_space<vmem>>
      %dma_wait3A_1661 = tpu.memref_squeeze %dma_wait3A_1660 : memref<1x50xi32, #tpu.memory_space<vmem>> -> memref<50xi32, #tpu.memory_space<vmem>>
      %dma_wait3A_1662 = arith.constant 0 : i32
      %dma_wait3A_1663 = arith.constant 0 : i32
      %dma_wait3A_1664 = tpu.memref_slice %arg3[%dma_wait3A_1662, %dma_wait3A_1663] : memref<1000000x32xf32, #tpu.memory_space<hbm>> -> memref<1000000x32xf32, #tpu.memory_space<hbm>>
      tpu.wait_indirect_dma semaphore(%arg8 : memref<!tpu.dma_semaphore, #tpu.memory_space<semaphore_mem>>) src(%dma_wait3A_1664 : memref<1000000x32xf32, #tpu.memory_space<hbm>>) dst(%dma_wait3A_1658 : memref<50x32xf32, #tpu.memory_space<vmem>>)
      %mul3A_1665 = arith.constant 32 : i32
      %mul3A_1666 = arith.muli %add3A_999, %mul3A_1665 : i32
      %add3A_1667 = arith.constant 12 : i32
      %add3A_1668 = arith.addi %mul3A_1666, %add3A_1667 : i32
      %dma_wait3A_1669 = arith.constant 12 : i32
      %dma_wait3A_1670 = arith.constant 0 : i32
      %dma_wait3A_1671 = arith.constant 0 : i32
      %dma_wait3A_1672 = tpu.memref_slice %arg7[%dma_wait3A_1669, %dma_wait3A_1670, %dma_wait3A_1671] : memref<32x50x32xf32, #tpu.memory_space<vmem>> -> memref<1x50x32xf32, #tpu.memory_space<vmem>>
      %dma_wait3A_1673 = tpu.memref_squeeze %dma_wait3A_1672 : memref<1x50x32xf32, #tpu.memory_space<vmem>> -> memref<50x32xf32, #tpu.memory_space<vmem>>
      %dma_wait3A_1674 = arith.constant 0 : i32
      %dma_wait3A_1675 = tpu.memref_slice %arg5[%add3A_1668, %dma_wait3A_1674] : memref<512x50xi32, #tpu.memory_space<vmem>> -> memref<1x50xi32, #tpu.memory_space<vmem>>
      %dma_wait3A_1676 = tpu.memref_squeeze %dma_wait3A_1675 : memref<1x50xi32, #tpu.memory_space<vmem>> -> memref<50xi32, #tpu.memory_space<vmem>>
      %dma_wait3A_1677 = arith.constant 0 : i32
      %dma_wait3A_1678 = arith.constant 0 : i32
      %dma_wait3A_1679 = tpu.memref_slice %arg3[%dma_wait3A_1677, %dma_wait3A_1678] : memref<1000000x32xf32, #tpu.memory_space<hbm>> -> memref<1000000x32xf32, #tpu.memory_space<hbm>>
      tpu.wait_indirect_dma semaphore(%arg8 : memref<!tpu.dma_semaphore, #tpu.memory_space<semaphore_mem>>) src(%dma_wait3A_1679 : memref<1000000x32xf32, #tpu.memory_space<hbm>>) dst(%dma_wait3A_1673 : memref<50x32xf32, #tpu.memory_space<vmem>>)
      %mul3A_1680 = arith.constant 32 : i32
      %mul3A_1681 = arith.muli %add3A_999, %mul3A_1680 : i32
      %add3A_1682 = arith.constant 13 : i32
      %add3A_1683 = arith.addi %mul3A_1681, %add3A_1682 : i32
      %dma_wait3A_1684 = arith.constant 13 : i32
      %dma_wait3A_1685 = arith.constant 0 : i32
      %dma_wait3A_1686 = arith.constant 0 : i32
      %dma_wait3A_1687 = tpu.memref_slice %arg7[%dma_wait3A_1684, %dma_wait3A_1685, %dma_wait3A_1686] : memref<32x50x32xf32, #tpu.memory_space<vmem>> -> memref<1x50x32xf32, #tpu.memory_space<vmem>>
      %dma_wait3A_1688 = tpu.memref_squeeze %dma_wait3A_1687 : memref<1x50x32xf32, #tpu.memory_space<vmem>> -> memref<50x32xf32, #tpu.memory_space<vmem>>
      %dma_wait3A_1689 = arith.constant 0 : i32
      %dma_wait3A_1690 = tpu.memref_slice %arg5[%add3A_1683, %dma_wait3A_1689] : memref<512x50xi32, #tpu.memory_space<vmem>> -> memref<1x50xi32, #tpu.memory_space<vmem>>
      %dma_wait3A_1691 = tpu.memref_squeeze %dma_wait3A_1690 : memref<1x50xi32, #tpu.memory_space<vmem>> -> memref<50xi32, #tpu.memory_space<vmem>>
      %dma_wait3A_1692 = arith.constant 0 : i32
      %dma_wait3A_1693 = arith.constant 0 : i32
      %dma_wait3A_1694 = tpu.memref_slice %arg3[%dma_wait3A_1692, %dma_wait3A_1693] : memref<1000000x32xf32, #tpu.memory_space<hbm>> -> memref<1000000x32xf32, #tpu.memory_space<hbm>>
      tpu.wait_indirect_dma semaphore(%arg8 : memref<!tpu.dma_semaphore, #tpu.memory_space<semaphore_mem>>) src(%dma_wait3A_1694 : memref<1000000x32xf32, #tpu.memory_space<hbm>>) dst(%dma_wait3A_1688 : memref<50x32xf32, #tpu.memory_space<vmem>>)
      %mul3A_1695 = arith.constant 32 : i32
      %mul3A_1696 = arith.muli %add3A_999, %mul3A_1695 : i32
      %add3A_1697 = arith.constant 14 : i32
      %add3A_1698 = arith.addi %mul3A_1696, %add3A_1697 : i32
      %dma_wait3A_1699 = arith.constant 14 : i32
      %dma_wait3A_1700 = arith.constant 0 : i32
      %dma_wait3A_1701 = arith.constant 0 : i32
      %dma_wait3A_1702 = tpu.memref_slice %arg7[%dma_wait3A_1699, %dma_wait3A_1700, %dma_wait3A_1701] : memref<32x50x32xf32, #tpu.memory_space<vmem>> -> memref<1x50x32xf32, #tpu.memory_space<vmem>>
      %dma_wait3A_1703 = tpu.memref_squeeze %dma_wait3A_1702 : memref<1x50x32xf32, #tpu.memory_space<vmem>> -> memref<50x32xf32, #tpu.memory_space<vmem>>
      %dma_wait3A_1704 = arith.constant 0 : i32
      %dma_wait3A_1705 = tpu.memref_slice %arg5[%add3A_1698, %dma_wait3A_1704] : memref<512x50xi32, #tpu.memory_space<vmem>> -> memref<1x50xi32, #tpu.memory_space<vmem>>
      %dma_wait3A_1706 = tpu.memref_squeeze %dma_wait3A_1705 : memref<1x50xi32, #tpu.memory_space<vmem>> -> memref<50xi32, #tpu.memory_space<vmem>>
      %dma_wait3A_1707 = arith.constant 0 : i32
      %dma_wait3A_1708 = arith.constant 0 : i32
      %dma_wait3A_1709 = tpu.memref_slice %arg3[%dma_wait3A_1707, %dma_wait3A_1708] : memref<1000000x32xf32, #tpu.memory_space<hbm>> -> memref<1000000x32xf32, #tpu.memory_space<hbm>>
      tpu.wait_indirect_dma semaphore(%arg8 : memref<!tpu.dma_semaphore, #tpu.memory_space<semaphore_mem>>) src(%dma_wait3A_1709 : memref<1000000x32xf32, #tpu.memory_space<hbm>>) dst(%dma_wait3A_1703 : memref<50x32xf32, #tpu.memory_space<vmem>>)
      %mul3A_1710 = arith.constant 32 : i32
      %mul3A_1711 = arith.muli %add3A_999, %mul3A_1710 : i32
      %add3A_1712 = arith.constant 15 : i32
      %add3A_1713 = arith.addi %mul3A_1711, %add3A_1712 : i32
      %dma_wait3A_1714 = arith.constant 15 : i32
      %dma_wait3A_1715 = arith.constant 0 : i32
      %dma_wait3A_1716 = arith.constant 0 : i32
      %dma_wait3A_1717 = tpu.memref_slice %arg7[%dma_wait3A_1714, %dma_wait3A_1715, %dma_wait3A_1716] : memref<32x50x32xf32, #tpu.memory_space<vmem>> -> memref<1x50x32xf32, #tpu.memory_space<vmem>>
      %dma_wait3A_1718 = tpu.memref_squeeze %dma_wait3A_1717 : memref<1x50x32xf32, #tpu.memory_space<vmem>> -> memref<50x32xf32, #tpu.memory_space<vmem>>
      %dma_wait3A_1719 = arith.constant 0 : i32
      %dma_wait3A_1720 = tpu.memref_slice %arg5[%add3A_1713, %dma_wait3A_1719] : memref<512x50xi32, #tpu.memory_space<vmem>> -> memref<1x50xi32, #tpu.memory_space<vmem>>
      %dma_wait3A_1721 = tpu.memref_squeeze %dma_wait3A_1720 : memref<1x50xi32, #tpu.memory_space<vmem>> -> memref<50xi32, #tpu.memory_space<vmem>>
      %dma_wait3A_1722 = arith.constant 0 : i32
      %dma_wait3A_1723 = arith.constant 0 : i32
      %dma_wait3A_1724 = tpu.memref_slice %arg3[%dma_wait3A_1722, %dma_wait3A_1723] : memref<1000000x32xf32, #tpu.memory_space<hbm>> -> memref<1000000x32xf32, #tpu.memory_space<hbm>>
      tpu.wait_indirect_dma semaphore(%arg8 : memref<!tpu.dma_semaphore, #tpu.memory_space<semaphore_mem>>) src(%dma_wait3A_1724 : memref<1000000x32xf32, #tpu.memory_space<hbm>>) dst(%dma_wait3A_1718 : memref<50x32xf32, #tpu.memory_space<vmem>>)
      %mul3A_1725 = arith.constant 32 : i32
      %mul3A_1726 = arith.muli %add3A_999, %mul3A_1725 : i32
      %add3A_1727 = arith.constant 16 : i32
      %add3A_1728 = arith.addi %mul3A_1726, %add3A_1727 : i32
      %dma_wait3A_1729 = arith.constant 16 : i32
      %dma_wait3A_1730 = arith.constant 0 : i32
      %dma_wait3A_1731 = arith.constant 0 : i32
      %dma_wait3A_1732 = tpu.memref_slice %arg7[%dma_wait3A_1729, %dma_wait3A_1730, %dma_wait3A_1731] : memref<32x50x32xf32, #tpu.memory_space<vmem>> -> memref<1x50x32xf32, #tpu.memory_space<vmem>>
      %dma_wait3A_1733 = tpu.memref_squeeze %dma_wait3A_1732 : memref<1x50x32xf32, #tpu.memory_space<vmem>> -> memref<50x32xf32, #tpu.memory_space<vmem>>
      %dma_wait3A_1734 = arith.constant 0 : i32
      %dma_wait3A_1735 = tpu.memref_slice %arg5[%add3A_1728, %dma_wait3A_1734] : memref<512x50xi32, #tpu.memory_space<vmem>> -> memref<1x50xi32, #tpu.memory_space<vmem>>
      %dma_wait3A_1736 = tpu.memref_squeeze %dma_wait3A_1735 : memref<1x50xi32, #tpu.memory_space<vmem>> -> memref<50xi32, #tpu.memory_space<vmem>>
      %dma_wait3A_1737 = arith.constant 0 : i32
      %dma_wait3A_1738 = arith.constant 0 : i32
      %dma_wait3A_1739 = tpu.memref_slice %arg3[%dma_wait3A_1737, %dma_wait3A_1738] : memref<1000000x32xf32, #tpu.memory_space<hbm>> -> memref<1000000x32xf32, #tpu.memory_space<hbm>>
      tpu.wait_indirect_dma semaphore(%arg8 : memref<!tpu.dma_semaphore, #tpu.memory_space<semaphore_mem>>) src(%dma_wait3A_1739 : memref<1000000x32xf32, #tpu.memory_space<hbm>>) dst(%dma_wait3A_1733 : memref<50x32xf32, #tpu.memory_space<vmem>>)
      %mul3A_1740 = arith.constant 32 : i32
      %mul3A_1741 = arith.muli %add3A_999, %mul3A_1740 : i32
      %add3A_1742 = arith.constant 17 : i32
      %add3A_1743 = arith.addi %mul3A_1741, %add3A_1742 : i32
      %dma_wait3A_1744 = arith.constant 17 : i32
      %dma_wait3A_1745 = arith.constant 0 : i32
      %dma_wait3A_1746 = arith.constant 0 : i32
      %dma_wait3A_1747 = tpu.memref_slice %arg7[%dma_wait3A_1744, %dma_wait3A_1745, %dma_wait3A_1746] : memref<32x50x32xf32, #tpu.memory_space<vmem>> -> memref<1x50x32xf32, #tpu.memory_space<vmem>>
      %dma_wait3A_1748 = tpu.memref_squeeze %dma_wait3A_1747 : memref<1x50x32xf32, #tpu.memory_space<vmem>> -> memref<50x32xf32, #tpu.memory_space<vmem>>
      %dma_wait3A_1749 = arith.constant 0 : i32
      %dma_wait3A_1750 = tpu.memref_slice %arg5[%add3A_1743, %dma_wait3A_1749] : memref<512x50xi32, #tpu.memory_space<vmem>> -> memref<1x50xi32, #tpu.memory_space<vmem>>
      %dma_wait3A_1751 = tpu.memref_squeeze %dma_wait3A_1750 : memref<1x50xi32, #tpu.memory_space<vmem>> -> memref<50xi32, #tpu.memory_space<vmem>>
      %dma_wait3A_1752 = arith.constant 0 : i32
      %dma_wait3A_1753 = arith.constant 0 : i32
      %dma_wait3A_1754 = tpu.memref_slice %arg3[%dma_wait3A_1752, %dma_wait3A_1753] : memref<1000000x32xf32, #tpu.memory_space<hbm>> -> memref<1000000x32xf32, #tpu.memory_space<hbm>>
      tpu.wait_indirect_dma semaphore(%arg8 : memref<!tpu.dma_semaphore, #tpu.memory_space<semaphore_mem>>) src(%dma_wait3A_1754 : memref<1000000x32xf32, #tpu.memory_space<hbm>>) dst(%dma_wait3A_1748 : memref<50x32xf32, #tpu.memory_space<vmem>>)
      %mul3A_1755 = arith.constant 32 : i32
      %mul3A_1756 = arith.muli %add3A_999, %mul3A_1755 : i32
      %add3A_1757 = arith.constant 18 : i32
      %add3A_1758 = arith.addi %mul3A_1756, %add3A_1757 : i32
      %dma_wait3A_1759 = arith.constant 18 : i32
      %dma_wait3A_1760 = arith.constant 0 : i32
      %dma_wait3A_1761 = arith.constant 0 : i32
      %dma_wait3A_1762 = tpu.memref_slice %arg7[%dma_wait3A_1759, %dma_wait3A_1760, %dma_wait3A_1761] : memref<32x50x32xf32, #tpu.memory_space<vmem>> -> memref<1x50x32xf32, #tpu.memory_space<vmem>>
      %dma_wait3A_1763 = tpu.memref_squeeze %dma_wait3A_1762 : memref<1x50x32xf32, #tpu.memory_space<vmem>> -> memref<50x32xf32, #tpu.memory_space<vmem>>
      %dma_wait3A_1764 = arith.constant 0 : i32
      %dma_wait3A_1765 = tpu.memref_slice %arg5[%add3A_1758, %dma_wait3A_1764] : memref<512x50xi32, #tpu.memory_space<vmem>> -> memref<1x50xi32, #tpu.memory_space<vmem>>
      %dma_wait3A_1766 = tpu.memref_squeeze %dma_wait3A_1765 : memref<1x50xi32, #tpu.memory_space<vmem>> -> memref<50xi32, #tpu.memory_space<vmem>>
      %dma_wait3A_1767 = arith.constant 0 : i32
      %dma_wait3A_1768 = arith.constant 0 : i32
      %dma_wait3A_1769 = tpu.memref_slice %arg3[%dma_wait3A_1767, %dma_wait3A_1768] : memref<1000000x32xf32, #tpu.memory_space<hbm>> -> memref<1000000x32xf32, #tpu.memory_space<hbm>>
      tpu.wait_indirect_dma semaphore(%arg8 : memref<!tpu.dma_semaphore, #tpu.memory_space<semaphore_mem>>) src(%dma_wait3A_1769 : memref<1000000x32xf32, #tpu.memory_space<hbm>>) dst(%dma_wait3A_1763 : memref<50x32xf32, #tpu.memory_space<vmem>>)
      %mul3A_1770 = arith.constant 32 : i32
      %mul3A_1771 = arith.muli %add3A_999, %mul3A_1770 : i32
      %add3A_1772 = arith.constant 19 : i32
      %add3A_1773 = arith.addi %mul3A_1771, %add3A_1772 : i32
      %dma_wait3A_1774 = arith.constant 19 : i32
      %dma_wait3A_1775 = arith.constant 0 : i32
      %dma_wait3A_1776 = arith.constant 0 : i32
      %dma_wait3A_1777 = tpu.memref_slice %arg7[%dma_wait3A_1774, %dma_wait3A_1775, %dma_wait3A_1776] : memref<32x50x32xf32, #tpu.memory_space<vmem>> -> memref<1x50x32xf32, #tpu.memory_space<vmem>>
      %dma_wait3A_1778 = tpu.memref_squeeze %dma_wait3A_1777 : memref<1x50x32xf32, #tpu.memory_space<vmem>> -> memref<50x32xf32, #tpu.memory_space<vmem>>
      %dma_wait3A_1779 = arith.constant 0 : i32
      %dma_wait3A_1780 = tpu.memref_slice %arg5[%add3A_1773, %dma_wait3A_1779] : memref<512x50xi32, #tpu.memory_space<vmem>> -> memref<1x50xi32, #tpu.memory_space<vmem>>
      %dma_wait3A_1781 = tpu.memref_squeeze %dma_wait3A_1780 : memref<1x50xi32, #tpu.memory_space<vmem>> -> memref<50xi32, #tpu.memory_space<vmem>>
      %dma_wait3A_1782 = arith.constant 0 : i32
      %dma_wait3A_1783 = arith.constant 0 : i32
      %dma_wait3A_1784 = tpu.memref_slice %arg3[%dma_wait3A_1782, %dma_wait3A_1783] : memref<1000000x32xf32, #tpu.memory_space<hbm>> -> memref<1000000x32xf32, #tpu.memory_space<hbm>>
      tpu.wait_indirect_dma semaphore(%arg8 : memref<!tpu.dma_semaphore, #tpu.memory_space<semaphore_mem>>) src(%dma_wait3A_1784 : memref<1000000x32xf32, #tpu.memory_space<hbm>>) dst(%dma_wait3A_1778 : memref<50x32xf32, #tpu.memory_space<vmem>>)
      %mul3A_1785 = arith.constant 32 : i32
      %mul3A_1786 = arith.muli %add3A_999, %mul3A_1785 : i32
      %add3A_1787 = arith.constant 20 : i32
      %add3A_1788 = arith.addi %mul3A_1786, %add3A_1787 : i32
      %dma_wait3A_1789 = arith.constant 20 : i32
      %dma_wait3A_1790 = arith.constant 0 : i32
      %dma_wait3A_1791 = arith.constant 0 : i32
      %dma_wait3A_1792 = tpu.memref_slice %arg7[%dma_wait3A_1789, %dma_wait3A_1790, %dma_wait3A_1791] : memref<32x50x32xf32, #tpu.memory_space<vmem>> -> memref<1x50x32xf32, #tpu.memory_space<vmem>>
      %dma_wait3A_1793 = tpu.memref_squeeze %dma_wait3A_1792 : memref<1x50x32xf32, #tpu.memory_space<vmem>> -> memref<50x32xf32, #tpu.memory_space<vmem>>
      %dma_wait3A_1794 = arith.constant 0 : i32
      %dma_wait3A_1795 = tpu.memref_slice %arg5[%add3A_1788, %dma_wait3A_1794] : memref<512x50xi32, #tpu.memory_space<vmem>> -> memref<1x50xi32, #tpu.memory_space<vmem>>
      %dma_wait3A_1796 = tpu.memref_squeeze %dma_wait3A_1795 : memref<1x50xi32, #tpu.memory_space<vmem>> -> memref<50xi32, #tpu.memory_space<vmem>>
      %dma_wait3A_1797 = arith.constant 0 : i32
      %dma_wait3A_1798 = arith.constant 0 : i32
      %dma_wait3A_1799 = tpu.memref_slice %arg3[%dma_wait3A_1797, %dma_wait3A_1798] : memref<1000000x32xf32, #tpu.memory_space<hbm>> -> memref<1000000x32xf32, #tpu.memory_space<hbm>>
      tpu.wait_indirect_dma semaphore(%arg8 : memref<!tpu.dma_semaphore, #tpu.memory_space<semaphore_mem>>) src(%dma_wait3A_1799 : memref<1000000x32xf32, #tpu.memory_space<hbm>>) dst(%dma_wait3A_1793 : memref<50x32xf32, #tpu.memory_space<vmem>>)
      %mul3A_1800 = arith.constant 32 : i32
      %mul3A_1801 = arith.muli %add3A_999, %mul3A_1800 : i32
      %add3A_1802 = arith.constant 21 : i32
      %add3A_1803 = arith.addi %mul3A_1801, %add3A_1802 : i32
      %dma_wait3A_1804 = arith.constant 21 : i32
      %dma_wait3A_1805 = arith.constant 0 : i32
      %dma_wait3A_1806 = arith.constant 0 : i32
      %dma_wait3A_1807 = tpu.memref_slice %arg7[%dma_wait3A_1804, %dma_wait3A_1805, %dma_wait3A_1806] : memref<32x50x32xf32, #tpu.memory_space<vmem>> -> memref<1x50x32xf32, #tpu.memory_space<vmem>>
      %dma_wait3A_1808 = tpu.memref_squeeze %dma_wait3A_1807 : memref<1x50x32xf32, #tpu.memory_space<vmem>> -> memref<50x32xf32, #tpu.memory_space<vmem>>
      %dma_wait3A_1809 = arith.constant 0 : i32
      %dma_wait3A_1810 = tpu.memref_slice %arg5[%add3A_1803, %dma_wait3A_1809] : memref<512x50xi32, #tpu.memory_space<vmem>> -> memref<1x50xi32, #tpu.memory_space<vmem>>
      %dma_wait3A_1811 = tpu.memref_squeeze %dma_wait3A_1810 : memref<1x50xi32, #tpu.memory_space<vmem>> -> memref<50xi32, #tpu.memory_space<vmem>>
      %dma_wait3A_1812 = arith.constant 0 : i32
      %dma_wait3A_1813 = arith.constant 0 : i32
      %dma_wait3A_1814 = tpu.memref_slice %arg3[%dma_wait3A_1812, %dma_wait3A_1813] : memref<1000000x32xf32, #tpu.memory_space<hbm>> -> memref<1000000x32xf32, #tpu.memory_space<hbm>>
      tpu.wait_indirect_dma semaphore(%arg8 : memref<!tpu.dma_semaphore, #tpu.memory_space<semaphore_mem>>) src(%dma_wait3A_1814 : memref<1000000x32xf32, #tpu.memory_space<hbm>>) dst(%dma_wait3A_1808 : memref<50x32xf32, #tpu.memory_space<vmem>>)
      %mul3A_1815 = arith.constant 32 : i32
      %mul3A_1816 = arith.muli %add3A_999, %mul3A_1815 : i32
      %add3A_1817 = arith.constant 22 : i32
      %add3A_1818 = arith.addi %mul3A_1816, %add3A_1817 : i32
      %dma_wait3A_1819 = arith.constant 22 : i32
      %dma_wait3A_1820 = arith.constant 0 : i32
      %dma_wait3A_1821 = arith.constant 0 : i32
      %dma_wait3A_1822 = tpu.memref_slice %arg7[%dma_wait3A_1819, %dma_wait3A_1820, %dma_wait3A_1821] : memref<32x50x32xf32, #tpu.memory_space<vmem>> -> memref<1x50x32xf32, #tpu.memory_space<vmem>>
      %dma_wait3A_1823 = tpu.memref_squeeze %dma_wait3A_1822 : memref<1x50x32xf32, #tpu.memory_space<vmem>> -> memref<50x32xf32, #tpu.memory_space<vmem>>
      %dma_wait3A_1824 = arith.constant 0 : i32
      %dma_wait3A_1825 = tpu.memref_slice %arg5[%add3A_1818, %dma_wait3A_1824] : memref<512x50xi32, #tpu.memory_space<vmem>> -> memref<1x50xi32, #tpu.memory_space<vmem>>
      %dma_wait3A_1826 = tpu.memref_squeeze %dma_wait3A_1825 : memref<1x50xi32, #tpu.memory_space<vmem>> -> memref<50xi32, #tpu.memory_space<vmem>>
      %dma_wait3A_1827 = arith.constant 0 : i32
      %dma_wait3A_1828 = arith.constant 0 : i32
      %dma_wait3A_1829 = tpu.memref_slice %arg3[%dma_wait3A_1827, %dma_wait3A_1828] : memref<1000000x32xf32, #tpu.memory_space<hbm>> -> memref<1000000x32xf32, #tpu.memory_space<hbm>>
      tpu.wait_indirect_dma semaphore(%arg8 : memref<!tpu.dma_semaphore, #tpu.memory_space<semaphore_mem>>) src(%dma_wait3A_1829 : memref<1000000x32xf32, #tpu.memory_space<hbm>>) dst(%dma_wait3A_1823 : memref<50x32xf32, #tpu.memory_space<vmem>>)
      %mul3A_1830 = arith.constant 32 : i32
      %mul3A_1831 = arith.muli %add3A_999, %mul3A_1830 : i32
      %add3A_1832 = arith.constant 23 : i32
      %add3A_1833 = arith.addi %mul3A_1831, %add3A_1832 : i32
      %dma_wait3A_1834 = arith.constant 23 : i32
      %dma_wait3A_1835 = arith.constant 0 : i32
      %dma_wait3A_1836 = arith.constant 0 : i32
      %dma_wait3A_1837 = tpu.memref_slice %arg7[%dma_wait3A_1834, %dma_wait3A_1835, %dma_wait3A_1836] : memref<32x50x32xf32, #tpu.memory_space<vmem>> -> memref<1x50x32xf32, #tpu.memory_space<vmem>>
      %dma_wait3A_1838 = tpu.memref_squeeze %dma_wait3A_1837 : memref<1x50x32xf32, #tpu.memory_space<vmem>> -> memref<50x32xf32, #tpu.memory_space<vmem>>
      %dma_wait3A_1839 = arith.constant 0 : i32
      %dma_wait3A_1840 = tpu.memref_slice %arg5[%add3A_1833, %dma_wait3A_1839] : memref<512x50xi32, #tpu.memory_space<vmem>> -> memref<1x50xi32, #tpu.memory_space<vmem>>
      %dma_wait3A_1841 = tpu.memref_squeeze %dma_wait3A_1840 : memref<1x50xi32, #tpu.memory_space<vmem>> -> memref<50xi32, #tpu.memory_space<vmem>>
      %dma_wait3A_1842 = arith.constant 0 : i32
      %dma_wait3A_1843 = arith.constant 0 : i32
      %dma_wait3A_1844 = tpu.memref_slice %arg3[%dma_wait3A_1842, %dma_wait3A_1843] : memref<1000000x32xf32, #tpu.memory_space<hbm>> -> memref<1000000x32xf32, #tpu.memory_space<hbm>>
      tpu.wait_indirect_dma semaphore(%arg8 : memref<!tpu.dma_semaphore, #tpu.memory_space<semaphore_mem>>) src(%dma_wait3A_1844 : memref<1000000x32xf32, #tpu.memory_space<hbm>>) dst(%dma_wait3A_1838 : memref<50x32xf32, #tpu.memory_space<vmem>>)
      %mul3A_1845 = arith.constant 32 : i32
      %mul3A_1846 = arith.muli %add3A_999, %mul3A_1845 : i32
      %add3A_1847 = arith.constant 24 : i32
      %add3A_1848 = arith.addi %mul3A_1846, %add3A_1847 : i32
      %dma_wait3A_1849 = arith.constant 24 : i32
      %dma_wait3A_1850 = arith.constant 0 : i32
      %dma_wait3A_1851 = arith.constant 0 : i32
      %dma_wait3A_1852 = tpu.memref_slice %arg7[%dma_wait3A_1849, %dma_wait3A_1850, %dma_wait3A_1851] : memref<32x50x32xf32, #tpu.memory_space<vmem>> -> memref<1x50x32xf32, #tpu.memory_space<vmem>>
      %dma_wait3A_1853 = tpu.memref_squeeze %dma_wait3A_1852 : memref<1x50x32xf32, #tpu.memory_space<vmem>> -> memref<50x32xf32, #tpu.memory_space<vmem>>
      %dma_wait3A_1854 = arith.constant 0 : i32
      %dma_wait3A_1855 = tpu.memref_slice %arg5[%add3A_1848, %dma_wait3A_1854] : memref<512x50xi32, #tpu.memory_space<vmem>> -> memref<1x50xi32, #tpu.memory_space<vmem>>
      %dma_wait3A_1856 = tpu.memref_squeeze %dma_wait3A_1855 : memref<1x50xi32, #tpu.memory_space<vmem>> -> memref<50xi32, #tpu.memory_space<vmem>>
      %dma_wait3A_1857 = arith.constant 0 : i32
      %dma_wait3A_1858 = arith.constant 0 : i32
      %dma_wait3A_1859 = tpu.memref_slice %arg3[%dma_wait3A_1857, %dma_wait3A_1858] : memref<1000000x32xf32, #tpu.memory_space<hbm>> -> memref<1000000x32xf32, #tpu.memory_space<hbm>>
      tpu.wait_indirect_dma semaphore(%arg8 : memref<!tpu.dma_semaphore, #tpu.memory_space<semaphore_mem>>) src(%dma_wait3A_1859 : memref<1000000x32xf32, #tpu.memory_space<hbm>>) dst(%dma_wait3A_1853 : memref<50x32xf32, #tpu.memory_space<vmem>>)
      %mul3A_1860 = arith.constant 32 : i32
      %mul3A_1861 = arith.muli %add3A_999, %mul3A_1860 : i32
      %add3A_1862 = arith.constant 25 : i32
      %add3A_1863 = arith.addi %mul3A_1861, %add3A_1862 : i32
      %dma_wait3A_1864 = arith.constant 25 : i32
      %dma_wait3A_1865 = arith.constant 0 : i32
      %dma_wait3A_1866 = arith.constant 0 : i32
      %dma_wait3A_1867 = tpu.memref_slice %arg7[%dma_wait3A_1864, %dma_wait3A_1865, %dma_wait3A_1866] : memref<32x50x32xf32, #tpu.memory_space<vmem>> -> memref<1x50x32xf32, #tpu.memory_space<vmem>>
      %dma_wait3A_1868 = tpu.memref_squeeze %dma_wait3A_1867 : memref<1x50x32xf32, #tpu.memory_space<vmem>> -> memref<50x32xf32, #tpu.memory_space<vmem>>
      %dma_wait3A_1869 = arith.constant 0 : i32
      %dma_wait3A_1870 = tpu.memref_slice %arg5[%add3A_1863, %dma_wait3A_1869] : memref<512x50xi32, #tpu.memory_space<vmem>> -> memref<1x50xi32, #tpu.memory_space<vmem>>
      %dma_wait3A_1871 = tpu.memref_squeeze %dma_wait3A_1870 : memref<1x50xi32, #tpu.memory_space<vmem>> -> memref<50xi32, #tpu.memory_space<vmem>>
      %dma_wait3A_1872 = arith.constant 0 : i32
      %dma_wait3A_1873 = arith.constant 0 : i32
      %dma_wait3A_1874 = tpu.memref_slice %arg3[%dma_wait3A_1872, %dma_wait3A_1873] : memref<1000000x32xf32, #tpu.memory_space<hbm>> -> memref<1000000x32xf32, #tpu.memory_space<hbm>>
      tpu.wait_indirect_dma semaphore(%arg8 : memref<!tpu.dma_semaphore, #tpu.memory_space<semaphore_mem>>) src(%dma_wait3A_1874 : memref<1000000x32xf32, #tpu.memory_space<hbm>>) dst(%dma_wait3A_1868 : memref<50x32xf32, #tpu.memory_space<vmem>>)
      %mul3A_1875 = arith.constant 32 : i32
      %mul3A_1876 = arith.muli %add3A_999, %mul3A_1875 : i32
      %add3A_1877 = arith.constant 26 : i32
      %add3A_1878 = arith.addi %mul3A_1876, %add3A_1877 : i32
      %dma_wait3A_1879 = arith.constant 26 : i32
      %dma_wait3A_1880 = arith.constant 0 : i32
      %dma_wait3A_1881 = arith.constant 0 : i32
      %dma_wait3A_1882 = tpu.memref_slice %arg7[%dma_wait3A_1879, %dma_wait3A_1880, %dma_wait3A_1881] : memref<32x50x32xf32, #tpu.memory_space<vmem>> -> memref<1x50x32xf32, #tpu.memory_space<vmem>>
      %dma_wait3A_1883 = tpu.memref_squeeze %dma_wait3A_1882 : memref<1x50x32xf32, #tpu.memory_space<vmem>> -> memref<50x32xf32, #tpu.memory_space<vmem>>
      %dma_wait3A_1884 = arith.constant 0 : i32
      %dma_wait3A_1885 = tpu.memref_slice %arg5[%add3A_1878, %dma_wait3A_1884] : memref<512x50xi32, #tpu.memory_space<vmem>> -> memref<1x50xi32, #tpu.memory_space<vmem>>
      %dma_wait3A_1886 = tpu.memref_squeeze %dma_wait3A_1885 : memref<1x50xi32, #tpu.memory_space<vmem>> -> memref<50xi32, #tpu.memory_space<vmem>>
      %dma_wait3A_1887 = arith.constant 0 : i32
      %dma_wait3A_1888 = arith.constant 0 : i32
      %dma_wait3A_1889 = tpu.memref_slice %arg3[%dma_wait3A_1887, %dma_wait3A_1888] : memref<1000000x32xf32, #tpu.memory_space<hbm>> -> memref<1000000x32xf32, #tpu.memory_space<hbm>>
      tpu.wait_indirect_dma semaphore(%arg8 : memref<!tpu.dma_semaphore, #tpu.memory_space<semaphore_mem>>) src(%dma_wait3A_1889 : memref<1000000x32xf32, #tpu.memory_space<hbm>>) dst(%dma_wait3A_1883 : memref<50x32xf32, #tpu.memory_space<vmem>>)
      %mul3A_1890 = arith.constant 32 : i32
      %mul3A_1891 = arith.muli %add3A_999, %mul3A_1890 : i32
      %add3A_1892 = arith.constant 27 : i32
      %add3A_1893 = arith.addi %mul3A_1891, %add3A_1892 : i32
      %dma_wait3A_1894 = arith.constant 27 : i32
      %dma_wait3A_1895 = arith.constant 0 : i32
      %dma_wait3A_1896 = arith.constant 0 : i32
      %dma_wait3A_1897 = tpu.memref_slice %arg7[%dma_wait3A_1894, %dma_wait3A_1895, %dma_wait3A_1896] : memref<32x50x32xf32, #tpu.memory_space<vmem>> -> memref<1x50x32xf32, #tpu.memory_space<vmem>>
      %dma_wait3A_1898 = tpu.memref_squeeze %dma_wait3A_1897 : memref<1x50x32xf32, #tpu.memory_space<vmem>> -> memref<50x32xf32, #tpu.memory_space<vmem>>
      %dma_wait3A_1899 = arith.constant 0 : i32
      %dma_wait3A_1900 = tpu.memref_slice %arg5[%add3A_1893, %dma_wait3A_1899] : memref<512x50xi32, #tpu.memory_space<vmem>> -> memref<1x50xi32, #tpu.memory_space<vmem>>
      %dma_wait3A_1901 = tpu.memref_squeeze %dma_wait3A_1900 : memref<1x50xi32, #tpu.memory_space<vmem>> -> memref<50xi32, #tpu.memory_space<vmem>>
      %dma_wait3A_1902 = arith.constant 0 : i32
      %dma_wait3A_1903 = arith.constant 0 : i32
      %dma_wait3A_1904 = tpu.memref_slice %arg3[%dma_wait3A_1902, %dma_wait3A_1903] : memref<1000000x32xf32, #tpu.memory_space<hbm>> -> memref<1000000x32xf32, #tpu.memory_space<hbm>>
      tpu.wait_indirect_dma semaphore(%arg8 : memref<!tpu.dma_semaphore, #tpu.memory_space<semaphore_mem>>) src(%dma_wait3A_1904 : memref<1000000x32xf32, #tpu.memory_space<hbm>>) dst(%dma_wait3A_1898 : memref<50x32xf32, #tpu.memory_space<vmem>>)
      %mul3A_1905 = arith.constant 32 : i32
      %mul3A_1906 = arith.muli %add3A_999, %mul3A_1905 : i32
      %add3A_1907 = arith.constant 28 : i32
      %add3A_1908 = arith.addi %mul3A_1906, %add3A_1907 : i32
      %dma_wait3A_1909 = arith.constant 28 : i32
      %dma_wait3A_1910 = arith.constant 0 : i32
      %dma_wait3A_1911 = arith.constant 0 : i32
      %dma_wait3A_1912 = tpu.memref_slice %arg7[%dma_wait3A_1909, %dma_wait3A_1910, %dma_wait3A_1911] : memref<32x50x32xf32, #tpu.memory_space<vmem>> -> memref<1x50x32xf32, #tpu.memory_space<vmem>>
      %dma_wait3A_1913 = tpu.memref_squeeze %dma_wait3A_1912 : memref<1x50x32xf32, #tpu.memory_space<vmem>> -> memref<50x32xf32, #tpu.memory_space<vmem>>
      %dma_wait3A_1914 = arith.constant 0 : i32
      %dma_wait3A_1915 = tpu.memref_slice %arg5[%add3A_1908, %dma_wait3A_1914] : memref<512x50xi32, #tpu.memory_space<vmem>> -> memref<1x50xi32, #tpu.memory_space<vmem>>
      %dma_wait3A_1916 = tpu.memref_squeeze %dma_wait3A_1915 : memref<1x50xi32, #tpu.memory_space<vmem>> -> memref<50xi32, #tpu.memory_space<vmem>>
      %dma_wait3A_1917 = arith.constant 0 : i32
      %dma_wait3A_1918 = arith.constant 0 : i32
      %dma_wait3A_1919 = tpu.memref_slice %arg3[%dma_wait3A_1917, %dma_wait3A_1918] : memref<1000000x32xf32, #tpu.memory_space<hbm>> -> memref<1000000x32xf32, #tpu.memory_space<hbm>>
      tpu.wait_indirect_dma semaphore(%arg8 : memref<!tpu.dma_semaphore, #tpu.memory_space<semaphore_mem>>) src(%dma_wait3A_1919 : memref<1000000x32xf32, #tpu.memory_space<hbm>>) dst(%dma_wait3A_1913 : memref<50x32xf32, #tpu.memory_space<vmem>>)
      %mul3A_1920 = arith.constant 32 : i32
      %mul3A_1921 = arith.muli %add3A_999, %mul3A_1920 : i32
      %add3A_1922 = arith.constant 29 : i32
      %add3A_1923 = arith.addi %mul3A_1921, %add3A_1922 : i32
      %dma_wait3A_1924 = arith.constant 29 : i32
      %dma_wait3A_1925 = arith.constant 0 : i32
      %dma_wait3A_1926 = arith.constant 0 : i32
      %dma_wait3A_1927 = tpu.memref_slice %arg7[%dma_wait3A_1924, %dma_wait3A_1925, %dma_wait3A_1926] : memref<32x50x32xf32, #tpu.memory_space<vmem>> -> memref<1x50x32xf32, #tpu.memory_space<vmem>>
      %dma_wait3A_1928 = tpu.memref_squeeze %dma_wait3A_1927 : memref<1x50x32xf32, #tpu.memory_space<vmem>> -> memref<50x32xf32, #tpu.memory_space<vmem>>
      %dma_wait3A_1929 = arith.constant 0 : i32
      %dma_wait3A_1930 = tpu.memref_slice %arg5[%add3A_1923, %dma_wait3A_1929] : memref<512x50xi32, #tpu.memory_space<vmem>> -> memref<1x50xi32, #tpu.memory_space<vmem>>
      %dma_wait3A_1931 = tpu.memref_squeeze %dma_wait3A_1930 : memref<1x50xi32, #tpu.memory_space<vmem>> -> memref<50xi32, #tpu.memory_space<vmem>>
      %dma_wait3A_1932 = arith.constant 0 : i32
      %dma_wait3A_1933 = arith.constant 0 : i32
      %dma_wait3A_1934 = tpu.memref_slice %arg3[%dma_wait3A_1932, %dma_wait3A_1933] : memref<1000000x32xf32, #tpu.memory_space<hbm>> -> memref<1000000x32xf32, #tpu.memory_space<hbm>>
      tpu.wait_indirect_dma semaphore(%arg8 : memref<!tpu.dma_semaphore, #tpu.memory_space<semaphore_mem>>) src(%dma_wait3A_1934 : memref<1000000x32xf32, #tpu.memory_space<hbm>>) dst(%dma_wait3A_1928 : memref<50x32xf32, #tpu.memory_space<vmem>>)
      %mul3A_1935 = arith.constant 32 : i32
      %mul3A_1936 = arith.muli %add3A_999, %mul3A_1935 : i32
      %add3A_1937 = arith.constant 30 : i32
      %add3A_1938 = arith.addi %mul3A_1936, %add3A_1937 : i32
      %dma_wait3A_1939 = arith.constant 30 : i32
      %dma_wait3A_1940 = arith.constant 0 : i32
      %dma_wait3A_1941 = arith.constant 0 : i32
      %dma_wait3A_1942 = tpu.memref_slice %arg7[%dma_wait3A_1939, %dma_wait3A_1940, %dma_wait3A_1941] : memref<32x50x32xf32, #tpu.memory_space<vmem>> -> memref<1x50x32xf32, #tpu.memory_space<vmem>>
      %dma_wait3A_1943 = tpu.memref_squeeze %dma_wait3A_1942 : memref<1x50x32xf32, #tpu.memory_space<vmem>> -> memref<50x32xf32, #tpu.memory_space<vmem>>
      %dma_wait3A_1944 = arith.constant 0 : i32
      %dma_wait3A_1945 = tpu.memref_slice %arg5[%add3A_1938, %dma_wait3A_1944] : memref<512x50xi32, #tpu.memory_space<vmem>> -> memref<1x50xi32, #tpu.memory_space<vmem>>
      %dma_wait3A_1946 = tpu.memref_squeeze %dma_wait3A_1945 : memref<1x50xi32, #tpu.memory_space<vmem>> -> memref<50xi32, #tpu.memory_space<vmem>>
      %dma_wait3A_1947 = arith.constant 0 : i32
      %dma_wait3A_1948 = arith.constant 0 : i32
      %dma_wait3A_1949 = tpu.memref_slice %arg3[%dma_wait3A_1947, %dma_wait3A_1948] : memref<1000000x32xf32, #tpu.memory_space<hbm>> -> memref<1000000x32xf32, #tpu.memory_space<hbm>>
      tpu.wait_indirect_dma semaphore(%arg8 : memref<!tpu.dma_semaphore, #tpu.memory_space<semaphore_mem>>) src(%dma_wait3A_1949 : memref<1000000x32xf32, #tpu.memory_space<hbm>>) dst(%dma_wait3A_1943 : memref<50x32xf32, #tpu.memory_space<vmem>>)
      %mul3A_1950 = arith.constant 32 : i32
      %mul3A_1951 = arith.muli %add3A_999, %mul3A_1950 : i32
      %add3A_1952 = arith.constant 31 : i32
      %add3A_1953 = arith.addi %mul3A_1951, %add3A_1952 : i32
      %dma_wait3A_1954 = arith.constant 31 : i32
      %dma_wait3A_1955 = arith.constant 0 : i32
      %dma_wait3A_1956 = arith.constant 0 : i32
      %dma_wait3A_1957 = tpu.memref_slice %arg7[%dma_wait3A_1954, %dma_wait3A_1955, %dma_wait3A_1956] : memref<32x50x32xf32, #tpu.memory_space<vmem>> -> memref<1x50x32xf32, #tpu.memory_space<vmem>>
      %dma_wait3A_1958 = tpu.memref_squeeze %dma_wait3A_1957 : memref<1x50x32xf32, #tpu.memory_space<vmem>> -> memref<50x32xf32, #tpu.memory_space<vmem>>
      %dma_wait3A_1959 = arith.constant 0 : i32
      %dma_wait3A_1960 = tpu.memref_slice %arg5[%add3A_1953, %dma_wait3A_1959] : memref<512x50xi32, #tpu.memory_space<vmem>> -> memref<1x50xi32, #tpu.memory_space<vmem>>
      %dma_wait3A_1961 = tpu.memref_squeeze %dma_wait3A_1960 : memref<1x50xi32, #tpu.memory_space<vmem>> -> memref<50xi32, #tpu.memory_space<vmem>>
      %dma_wait3A_1962 = arith.constant 0 : i32
      %dma_wait3A_1963 = arith.constant 0 : i32
      %dma_wait3A_1964 = tpu.memref_slice %arg3[%dma_wait3A_1962, %dma_wait3A_1963] : memref<1000000x32xf32, #tpu.memory_space<hbm>> -> memref<1000000x32xf32, #tpu.memory_space<hbm>>
      tpu.wait_indirect_dma semaphore(%arg8 : memref<!tpu.dma_semaphore, #tpu.memory_space<semaphore_mem>>) src(%dma_wait3A_1964 : memref<1000000x32xf32, #tpu.memory_space<hbm>>) dst(%dma_wait3A_1958 : memref<50x32xf32, #tpu.memory_space<vmem>>)
      %mul3A_1965 = arith.constant 32 : i32
      %mul3A_1966 = arith.muli %add3A_999, %mul3A_1965 : i32
      %add3A_1967 = arith.addi %mul3A_2, %mul3A_1966 : i32
      %dma_start3A_1968 = arith.constant 0 : i32
      %dma_start3A_1969 = arith.constant 0 : i32
      %dma_start3A_1970 = tpu.memref_slice %arg4[%add3A_1967, %dma_start3A_1968, %dma_start3A_1969] : memref<16384x50x32xf32, #tpu.memory_space<hbm>> -> memref<32x50x32xf32, #tpu.memory_space<hbm>>
      %dma_start3A_1971 = arith.constant 0 : i32
      %dma_start3A_1972 = arith.constant 0 : i32
      %dma_start3A_1973 = tpu.memref_slice %arg4[%add3A_1967, %dma_start3A_1971, %dma_start3A_1972] : memref<16384x50x32xf32, #tpu.memory_space<hbm>> -> memref<32x50x32xf32, #tpu.memory_space<hbm>>
      tpu.enqueue_dma source(%arg7 : memref<32x50x32xf32, #tpu.memory_space<vmem>>) target(%dma_start3A_1973 : memref<32x50x32xf32, #tpu.memory_space<hbm>>) target_semaphore(%arg10 : memref<!tpu.dma_semaphore, #tpu.memory_space<semaphore_mem>>)
    }
    %scan3A_7 = arith.constant 8 : i32
    %add3A_8 = arith.constant 448 : i32
    %add3A_9 = arith.addi %mul3A_2, %add3A_8 : i32
    %dma_wait3A = arith.constant 0 : i32
    %dma_wait3A_10 = arith.constant 0 : i32
    %dma_wait3A_11 = tpu.memref_slice %arg4[%add3A_9, %dma_wait3A, %dma_wait3A_10] : memref<16384x50x32xf32, #tpu.memory_space<hbm>> -> memref<32x50x32xf32, #tpu.memory_space<hbm>>
    %dma_wait3A_12 = arith.constant 0 : i32
    %dma_wait3A_13 = arith.constant 0 : i32
    %dma_wait3A_14 = tpu.memref_slice %arg4[%add3A_9, %dma_wait3A_12, %dma_wait3A_13] : memref<16384x50x32xf32, #tpu.memory_space<hbm>> -> memref<32x50x32xf32, #tpu.memory_space<hbm>>
    tpu.wait_dma2 semaphore(%arg9 : memref<!tpu.dma_semaphore, #tpu.memory_space<semaphore_mem>>) src(%arg6 : memref<32x50x32xf32, #tpu.memory_space<vmem>>) dst(%dma_wait3A_14 : memref<32x50x32xf32, #tpu.memory_space<hbm>>)
    %add3A_15 = arith.constant 480 : i32
    %add3A_16 = arith.addi %mul3A_2, %add3A_15 : i32
    %dma_wait3A_17 = arith.constant 0 : i32
    %dma_wait3A_18 = arith.constant 0 : i32
    %dma_wait3A_19 = tpu.memref_slice %arg4[%add3A_16, %dma_wait3A_17, %dma_wait3A_18] : memref<16384x50x32xf32, #tpu.memory_space<hbm>> -> memref<32x50x32xf32, #tpu.memory_space<hbm>>
    %dma_wait3A_20 = arith.constant 0 : i32
    %dma_wait3A_21 = arith.constant 0 : i32
    %dma_wait3A_22 = tpu.memref_slice %arg4[%add3A_16, %dma_wait3A_20, %dma_wait3A_21] : memref<16384x50x32xf32, #tpu.memory_space<hbm>> -> memref<32x50x32xf32, #tpu.memory_space<hbm>>
    tpu.wait_dma2 semaphore(%arg10 : memref<!tpu.dma_semaphore, #tpu.memory_space<semaphore_mem>>) src(%arg7 : memref<32x50x32xf32, #tpu.memory_space<vmem>>) dst(%dma_wait3A_22 : memref<32x50x32xf32, #tpu.memory_space<hbm>>)
    return
  }
}

</mosaic_0001>

<sc_bundles>
// kernel: kernel.3.cloned.1.call-start
scs
__scs_entry_jumppad:
0x0: {  	(pc) =	sbr.rel $0x88, $3  }
0x1: {  	(tag) =	ssettag $0x0;
	lr =	simm.s32 $0x1  }
0x2: {  	[smem:$0x3F9F] =	sst lr;
	_ =	strace $0xD0000000  }
0x3: {  	_ = 	snop  }
0x4: {  	_ = 	snop  }
0x5: {  	_ = 	snop  }
0x6: {  	_ = 	snop  }
0x7: {  	_ = 	snop  }
__scs_overlays_trampoline_lowered:
0x8: {  	[smem:$0x3FAE] =	sst s0  }
0x9: {  	[smem:$0x3FAF] =	sst s1  }
0xa: {  	[smem:$0x3FB0] =	sst s2  }
0xb: {  	[smem:$0x3FB1] =	sst s3  }
0xc: {  	[smem:$0x3FB2] =	sst s4  }
0xd: {  	[smem:$0x3FB3] =	sst s5  }
0xe: {  	[smem:$0x3FB4] =	sst s6  }
0xf: {  	[smem:$0x3FB5] =	sst s7  }
0x10: {  	[smem:$0x3FB6] =	sst s8  }
0x11: {  	[smem:$0x3FB7] =	sst s9;
	s0 =	simm.s32 @!p0 $0x0  }
0x12: {  	s1 =	sld [smem:$0x3F9D];
	s0 =	simm.s32 @p0 $0x1  }
0x13: {  	[smem:$0x3FB8] =	sst s0;
	s0 =	simm.s32 @!p1 $0x0  }
0x14: {  	s2 =	sld [smem:$0x3F9C];
	s0 =	simm.s32 @p1 $0x1  }
0x15: {  	[smem:$0x3FB9] =	sst s0;
	s0 =	simm.s32 @!p2 $0x0  }
0x16: {  	s3 =	sld [smem:$0x3FDB];
	s0 =	simm.s32 @p2 $0x1  }
0x17: {  	s4 =	simm.s32 $0x1BF5;
	[smem:$0x3FBB] =	sst s0  }
0x18: {  	s0 =	sld [smem:$0x3F9E];
	_ =	swait.ge [sflag:s4], $0x0  }
0x19: {  	s7 =	sld [smem:$0x3F9F]  }
0x1a: {  	s8 =	sadd.s32 $0xFFFFE003, lr  }
0x1b: {  	s9 =	sadd.s32 $0xFFFFFEF7, lr;
	s5 =	simm.s32 $0xFFFFFFFF;
	p2 =	slt.u32 s8, $0xFFFFF086  }
0x1c: {  	p1 =	slt.u32 s9, $0xF7A;
	s5 =	simm.s32 @!p2 $0x0  }
0x1d: {  	s5 =	simm.s32 @p1 $0x1;
	p0 =	seq.s32 s7, s2  }
0x1e: {  	s7 =	smul.u32 @!p0 $0xF7A, s2;
	p2 =	seq.s32 @!p0 s5, $0x0  }
0x1f: {  	s9 =	smul.u32 $0xF7A, s1;
	s8 =	simm.s32 @!p0 $0x1BF5;
	p2 =	por !p2, p0  }
0x20: {  	[sflag:s8] =	ssyncset.s32 @!p0 $0xFFFFF086;
	s6 =	sadd.s32 @!p0 s3, s7;
	s7 =	simm.s32 @!p0 $0x108  }
0x21: {  	s3 =	sadd.s32 s3, s9;
	s6 =	sadd.s32 @!p0 $0x88, s6;
	s7 =	simm.s32 @p2 $0x1082  }
0x22: {  	[simem:s7], [sflag:s8] =	dma.local @!p0 [hbm:s6], $0xF7A  }
0x23: {  	s9 =	sor.u32 $0xD0000000, s2;
	s6 =	simm.s32 $0x108;
	_ =	swait.ge @!p0 [sflag:s8], $0x0  }
0x24: {  	s3 =	sadd.s32 $0x88, s3;
	s6 =	simm.s32 @!p1 $0x1082;
	[sflag:s4] =	ssyncset.s32 $0xFFFFF086  }
0x25: {  	[simem:s6], [sflag:s4] =	dma.local [hbm:s3], $0xF7A  }
0x26: {  	[smem:$0x3F9F] =	sst s1;
	(tag) =	ssettag s2;
	_ =	strace s9  }
0x27: {  	s1 =	sld [smem:$0x3FAF]  }
0x28: {  	s2 =	sld [smem:$0x3FB0]  }
0x29: {  	s4 =	sld [smem:$0x3FB2]  }
0x2a: {  	p0 =	seq.s32 s5, $0x0;
	s5 =	sld [smem:$0x3FB3]  }
0x2b: {  	s6 =	sld [smem:$0x3FB4]  }
0x2c: {  	s7 =	sld [smem:$0x3FB5]  }
0x2d: {  	s3 =	simm.s32 $0x108;
	s8 =	sld [smem:$0x3FB6]  }
0x2e: {  	s3 =	simm.s32 @!p0 $0x1082;
	s9 =	sld [smem:$0x3FB7]  }
0x2f: {  	lr =	sadd.s32 s0, s3;
	s0 =	sld [smem:$0x3FAE]  }
0x30: {  	s3 =	sld [smem:$0x3FB1]  }
0x31: {  	[smem:$0x3FBA] =	sst s10  }
0x32: {  	s10 =	sld [smem:$0x3FB8];
	_ =	sdelay $0x3  }
0x33: {  	p0 =	seq.s32 s10, $0x1;
	s10 =	sld [smem:$0x3FBA];
	_ =	sdelay $0x3  }
0x34: {  	[smem:$0x3FBA] =	sst s10  }
0x35: {  	s10 =	sld [smem:$0x3FB9];
	_ =	sdelay $0x3  }
0x36: {  	p1 =	seq.s32 s10, $0x1;
	s10 =	sld [smem:$0x3FBA];
	_ =	sdelay $0x3  }
0x37: {  	[smem:$0x3FBA] =	sst s10  }
0x38: {  	s10 =	sld [smem:$0x3FBB]  }
0x39: {  	_ = 	snop;
	(pc) =	sbr.ind lr, $3  }
0x3a: {  	_ = 	snop  }
0x3b: {  	_ = 	snop  }
0x3c: {  	p2 =	seq.s32 s10, $0x1;
	s10 =	sld [smem:$0x3FBA]  }
0x3d: {  	_ =	shalt  }
0x3e: {  	_ =	shalt  }
0x3f: {  	_ =	shalt  }
0x40: {  	_ =	shalt  }
0x41: {  	_ =	shalt  }
0x42: {  	_ =	shalt  }
0x43: {  	_ =	shalt  }
0x44: {  	_ =	shalt  }
0x45: {  	_ =	shalt  }
0x46: {  	_ =	shalt  }
0x47: {  	_ =	shalt  }
0x48: {  	_ =	shalt  }
0x49: {  	_ =	shalt  }
0x4a: {  	_ =	shalt  }
0x4b: {  	_ =	shalt  }
0x4c: {  	_ =	shalt  }
0x4d: {  	_ =	shalt  }
0x4e: {  	_ =	shalt  }
0x4f: {  	_ =	shalt  }
0x50: {  	_ =	shalt  }
0x51: {  	_ =	shalt  }
0x52: {  	_ =	shalt  }
0x53: {  	_ =	shalt  }
0x54: {  	_ =	shalt  }
0x55: {  	_ =	shalt  }
0x56: {  	_ =	shalt  }
0x57: {  	_ =	shalt  }
0x58: {  	_ =	shalt  }
0x59: {  	_ =	shalt  }
0x5a: {  	_ =	shalt  }
0x5b: {  	_ =	shalt  }
0x5c: {  	_ =	shalt  }
0x5d: {  	_ =	shalt  }
0x5e: {  	_ =	shalt  }
0x5f: {  	_ =	shalt  }
0x60: {  	_ =	shalt  }
0x61: {  	_ =	shalt  }
0x62: {  	_ =	shalt  }
0x63: {  	_ =	shalt  }
0x64: {  	_ =	shalt  }
0x65: {  	_ =	shalt  }
0x66: {  	_ =	shalt  }
0x67: {  	_ =	shalt  }
0x68: {  	_ =	shalt  }
0x69: {  	_ =	shalt  }
0x6a: {  	_ =	shalt  }
0x6b: {  	_ =	shalt  }
0x6c: {  	_ =	shalt  }
0x6d: {  	_ =	shalt  }
0x6e: {  	_ =	shalt  }
0x6f: {  	_ =	shalt  }
0x70: {  	_ =	shalt  }
0x71: {  	_ =	shalt  }
0x72: {  	_ =	shalt  }
0x73: {  	_ =	shalt  }
0x74: {  	_ =	shalt  }
0x75: {  	_ =	shalt  }
0x76: {  	_ =	shalt  }
0x77: {  	_ =	shalt  }
0x78: {  	_ =	shalt  }
0x79: {  	_ =	shalt  }
0x7a: {  	_ =	shalt  }
0x7b: {  	_ =	shalt  }
0x7c: {  	_ =	shalt  }
0x7d: {  	_ =	shalt  }
0x7e: {  	_ =	shalt  }
0x7f: {  	_ =	shalt  }
0x80: {  	_ =	shalt  }
0x81: {  	_ =	shalt  }
0x82: {  	_ =	shalt  }
0x83: {  	_ =	shalt  }
0x84: {  	_ =	shalt  }
0x85: {  	_ =	shalt  }
0x86: {  	_ =	shalt  }
0x87: {  	_ =	shalt  }
.Lfunc_end0:
.L_simem_size_0:
called_computation.1_lowered:
.L_overlay_start_0:
0x88: {  	s2 =	sld [smem:$0x3FD9]  }
0x89: {  	s3 =	sld [smem:$0x3FFE];
	_ =	sdelay $0x1  }
0x8a: {  	s1 =	srdreg.scid  }
0x8b: {  	s0 =	sand.u32 $0x1, s1  }
0x8c: {  	s17 =	sshll.u32 s0, $0xA;
	s2 =	sadd.s32 s3, s2  }
0x8d: {  	s2 =	sadd.s32 s2, s17  }
0x8e: {  	[smem:$0x3FC6] =	sst s2  }
0x8f: {  	_ = 	snop  }
0x90: {  	s2 =	sld [smem:$0x3FD0];
	(tm) =	ssettm $0x1  }
0x91: {  	s18 =	sld [smem:$0x3FFB];
	_ =	sdelay $0x3  }
0x92: {  	_ =	strace s18  }
0x93: {  	s3 =	sld [smem:$0x3FFC];
	_ =	sdelay $0x3  }
0x94: {  	_ =	strace s3  }
0x95: {  	s3 =	sld [smem:$0x3FFD];
	_ =	sdelay $0x3  }
0x96: {  	_ =	strace s3  }
0x97: {  	_ =	strace $0x8FFFFFFF  }
0x98: {  	s19 =	sld [smem:$0x3FDB];
	_ =	sdelay $0x1  }
0x99: {  	s4 =	simm.s32 $_scs_section_size  }
0x9a: {  	s5 =	simm.s32 $_size__tile_overlayer_lowered;
	s6 =	simm.s32 $_tile_overlayer_lowered  }
0x9b: {  	s22 =	simm.s32 $0x1BFF;
	s21 =	sshll.u32 s6, $0x1;
	s3 =	sadd.s32 s4, s19  }
0x9c: {  	s7 =	simm.s32 $0x0;
	s20 =	sshll.u32 s5, $0x1;
	s5 =	sadd.s32 s21, s3  }
0x9d: {  	[timem:s7], [sflag:s22] =	dma.local [hbm:s5], s20  }
0x9e: {  	_ =	swait.ge [sflag:s22], s20  }
0x9f: {  	s4 =	ssub.s32 $0x0, s20;
	[sflag:s22] =	ssyncset.done $0x0  }
0xa0: {  	[sflag:s22] =	ssyncadd.s32 s4;
	_ =	sdelay $0x1  }
0xa1: {  	s23 =	simm.s32 $0x1B8B  }
0xa2: {  	_ =	swait.ge [sflag:s23], $0x1  }
0xa3: {  	[sflag:s23] =	ssyncset.done $0x0  }
0xa4: {  	s25 =	simm.s32 $0x1B8E;
	s24 =	sld [smem:$0x3FFE];
	[sflag:s23] =	ssyncadd.s32 $0xFFFFFFFF  }
0xa5: {  	s26 =	simm.s32 $execute0_lowered;
	[smem:$0x3FD2] =	sst s25  }
0xa6: {  	s5 =	sshll.u32 s26, $0x1;
	_ =	strace $0x80000046;
	[dreg:$0x1] =	wrdreg $0xFFFFFFFF  }
0xa7: {  	s28 =	simm.s32 $_size_execute0_lowered;
	s3 =	sadd.s32 s3, s5;
	[dreg:$0x0] =	wrdreg $0x0  }
0xa8: {  	s5 =	sshll.u32 s28, $0x1;
	[dreg:$0x2] =	wrdreg s3  }
0xa9: {  	[dreg:$0x3] =	wrdreg s5  }
0xaa: {  	[dreg:$0x4] =	wrdreg $0xC0  }
0xab: {  	_ =	task [dreg:s7], $0x5FFFF  }
0xac: {  	[dreg:$0x1] =	wrdreg $0xFFFFFFFF  }
0xad: {  	[dreg:$0x0] =	wrdreg $0x60  }
0xae: {  	[dreg:$0x2] =	wrdreg s24  }
0xaf: {  	[dreg:$0x3] =	wrdreg s2  }
0xb0: {  	[dreg:$0x4] =	wrdreg $0x9  }
0xb1: {  	_ =	task.clear_ibuf [dreg:s7], $0x5FFFF;
	_ =	strace $0x90000046  }
0xb2: {  	s29 =	simm.s32 $0x9;
	_ =	strace $0x80000048  }
0xb3: {  	_ =	swait.ge [sflag:s29], $0x1  }
0xb4: {  	[sflag:s29] =	ssyncadd.s32 $0xFFFFFFFF  }
0xb5: {  	_ =	strace $0x90000048  }
0xb6: {  	_ =	sfence  }
0xb7: {  	s30 =	sld [smem:$0x0];
	_ =	sdelay $0x2  }
0xb8: {  	s31 =	sshll.u32 s1, $0xD;
	s1 =	sshrl.u32 s1, $0x2  }
0xb9: {  	s3 =	sand.u32 $0x4000, s31;
	s1 =	sadd.s32 s1, s30  }
0xba: {  	s0 =	sor.u32 s3, s0;
	s1 =	sshll.u32 s1, $0x11  }
0xbb: {  	s0 =	sor.u32 s1, s0  }
0xbc: {  	s0 =	sadd.s32 $0x8F2B, s0  }
0xbd: {  	[sflag:s0] =	ssyncadd.remote.s32 $0x1  }
0xbe: {  	_ =	sfence.sel $0xFFFF  }
0xbf: {  	[dreg:$0x0] =	wrdreg $0xFFFFFFFF;
	(pc) =	sbr.abs _section_cstart, $3  }
0xc0: {  	[dreg:$0x1] =	wrdreg $0xFFFFFFFF  }
0xc1: {  	_ =	task.clear_ibuf [dreg:s7], $0x2FFFF;
	_ =	strace $0x9FFFFFFF  }
0xc2: {  	(tm) =	ssettm $0x7FFFFFFF  }
0xc3: {  	_ =	shalt  }
tec
execute0_lowered:
.L_overlay_start_1:
0x0: {  	(tag) =	ssettag $0x1  }
0x1: {  	s3 =	rddreg [dreg:$0x0]  }
0x2: {  	s6 =	rddreg [dreg:$0x1]  }
0x3: {  	s0 =	rddreg [dreg:$0x2];
	s1 =	simm.s32 $0x0  }
0x4: {  	s2 =	simm.s32 $0x7640;
	[smem:$0x7FF] =	sst s1  }
0x5: {  	s22 =	simm.s32 $0x7C80;
	_ =	strace $0x80000047;
	[dreg:$0x3] =	wrdreg s2  }
0x6: {  	s23 =	simm.s32 $0x82C0;
	[dreg:$0x4] =	wrdreg s22  }
0x7: {  	s24 =	simm.s32 $0x8900;
	[dreg:$0x5] =	wrdreg s23  }
0x8: {  	s25 =	simm.s32 $0x8F40;
	[dreg:$0x6] =	wrdreg s24  }
0x9: {  	s26 =	simm.s32 $0x9580;
	[dreg:$0x7] =	wrdreg s25  }
0xa: {  	s28 =	simm.s32 $0x9BC0;
	[dreg:$0x8] =	wrdreg s26  }
0xb: {  	s29 =	simm.s32 $0xA200;
	[dreg:$0x9] =	wrdreg s28  }
0xc: {  	s30 =	simm.s32 $0xA840;
	[dreg:$0xa] =	wrdreg s29  }
0xd: {  	s31 =	simm.s32 $0xAE80;
	[dreg:$0xb] =	wrdreg s30  }
0xe: {  	s4 =	simm.s32 $0xB4C0;
	[dreg:$0xc] =	wrdreg s31  }
0xf: {  	s5 =	simm.s32 $0xBB00;
	[dreg:$0xd] =	wrdreg s4  }
0x10: {  	s7 =	simm.s32 $0xC140;
	[dreg:$0xe] =	wrdreg s5  }
0x11: {  	s8 =	simm.s32 $0xC780;
	[dreg:$0xf] =	wrdreg s7  }
0x12: {  	s9 =	simm.s32 $0xCDC0;
	[dreg:$0x10] =	wrdreg s8  }
0x13: {  	s10 =	simm.s32 $0xD400;
	[dreg:$0x11] =	wrdreg s9  }
0x14: {  	s11 =	simm.s32 $0xDA40;
	[dreg:$0x12] =	wrdreg s10  }
0x15: {  	s12 =	simm.s32 $0xE080;
	[dreg:$0x13] =	wrdreg s11  }
0x16: {  	s13 =	simm.s32 $0xE6C0;
	[dreg:$0x14] =	wrdreg s12  }
0x17: {  	s14 =	simm.s32 $0xED00;
	[dreg:$0x15] =	wrdreg s13  }
0x18: {  	s15 =	simm.s32 $0xF340;
	[dreg:$0x16] =	wrdreg s14  }
0x19: {  	s16 =	simm.s32 $0xF980;
	[dreg:$0x17] =	wrdreg s15  }
0x1a: {  	s17 =	simm.s32 $0xFFC0;
	[dreg:$0x18] =	wrdreg s16  }
0x1b: {  	s18 =	simm.s32 $0x10600;
	[dreg:$0x19] =	wrdreg s17  }
0x1c: {  	s19 =	simm.s32 $0x10C40;
	[dreg:$0x1a] =	wrdreg s18  }
0x1d: {  	s20 =	simm.s32 $0x11280;
	[dreg:$0x1b] =	wrdreg s19  }
0x1e: {  	s21 =	simm.s32 $0x118C0;
	[dreg:$0x1c] =	wrdreg s20  }
0x1f: {  	[dreg:$0x1d] =	wrdreg s21;
	s22 =	simm.s32 $0x11F00  }
0x20: {  	s23 =	simm.s32 $0x12540;
	[dreg:$0x1e] =	wrdreg s22  }
0x21: {  	s24 =	simm.s32 $0x12B80;
	[dreg:$0x1f] =	wrdreg s23  }
0x22: {  	s25 =	simm.s32 $0x131C0;
	[smem:$0x7DD] =	sst s24  }
0x23: {  	s26 =	simm.s32 $0x13E40;
	[smem:$0x7DE] =	sst s25  }
0x24: {  	s28 =	simm.s32 $0x14480;
	[smem:$0x7DF] =	sst s26  }
0x25: {  	s29 =	simm.s32 $0x14AC0;
	[smem:$0x7E0] =	sst s28  }
0x26: {  	s30 =	simm.s32 $0x15100;
	[smem:$0x7E1] =	sst s29  }
0x27: {  	s31 =	simm.s32 $0x15740;
	[smem:$0x7E2] =	sst s30  }
0x28: {  	s4 =	simm.s32 $0x15D80;
	[smem:$0x7E3] =	sst s31  }
0x29: {  	s5 =	simm.s32 $0x163C0;
	[smem:$0x7E4] =	sst s4  }
0x2a: {  	s7 =	simm.s32 $0x16A00;
	[smem:$0x7E5] =	sst s5  }
0x2b: {  	s8 =	simm.s32 $0x17040;
	[smem:$0x7E6] =	sst s7  }
0x2c: {  	s9 =	simm.s32 $0x17CC0;
	[smem:$0x7E7] =	sst s8  }
0x2d: {  	s10 =	simm.s32 $0x18300;
	[smem:$0x7E9] =	sst s9  }
0x2e: {  	s12 =	simm.s32 $0x18940;
	[smem:$0x7EA] =	sst s10  }
0x2f: {  	s13 =	simm.s32 $0x18F80;
	[smem:$0x7EB] =	sst s12  }
0x30: {  	s14 =	simm.s32 $0x195C0;
	[smem:$0x7EC] =	sst s13  }
0x31: {  	s15 =	simm.s32 $0x19C00;
	[smem:$0x7ED] =	sst s14  }
0x32: {  	s16 =	simm.s32 $0x1A240;
	[smem:$0x7EE] =	sst s15  }
0x33: {  	s17 =	simm.s32 $0x1A880;
	[smem:$0x7EF] =	sst s16  }
0x34: {  	s18 =	simm.s32 $0x1AEC0;
	[smem:$0x7F0] =	sst s17  }
0x35: {  	s20 =	simm.s32 $0x1B500;
	[smem:$0x7F1] =	sst s18  }
0x36: {  	s21 =	simm.s32 $0x1BB40;
	[smem:$0x7F2] =	sst s20  }
0x37: {  	s5 =	simm.s32 $0x17680;
	[smem:$0x7F3] =	sst s21  }
0x38: {  	s22 =	simm.s32 $0x1C180;
	[smem:$0x7E8] =	sst s5  }
0x39: {  	s23 =	simm.s32 $0x1C7C0;
	[smem:$0x7F4] =	sst s22  }
0x3a: {  	s24 =	simm.s32 $0x1CE00;
	[smem:$0x7F5] =	sst s23  }
0x3b: {  	s26 =	simm.s32 $0x1D440;
	[smem:$0x7F6] =	sst s24  }
0x3c: {  	s2 =	stileid.u32;
	s28 =	simm.s32 $0x1DA80;
	[smem:$0x7F7] =	sst s26  }
0x3d: {  	s4 =	srdreg.scid;
	s29 =	simm.s32 $0x1E0C0;
	[smem:$0x7F8] =	sst s28  }
0x3e: {  	s11 =	sshll.u32 s2, $0xA;
	s30 =	simm.s32 $0x1E700;
	[smem:$0x7F9] =	sst s29  }
0x3f: {  	s25 =	smul.u32 $0x32000, s2;
	s31 =	simm.s32 $0x1ED40;
	[smem:$0x7FA] =	sst s30  }
0x40: {  	s10 =	simm.s32 $0x1F380;
	s12 =	simm.s32 $0x1F9C0;
	[smem:$0x7FB] =	sst s31  }
0x41: {  	s13 =	simm.s32 $0x3;
	s14 =	simm.s32 $0x0;
	[smem:$0x7FC] =	sst s10  }
0x42: {  	s7 =	sand.u32 $0x1, s4;
	s10 =	simm.s32 $0x1;
	[smem:$0x7FD] =	sst s12  }
0x43: {  	s12 =	simm.s32 $0x2;
	s8 =	sshll.u32 s7, $0x9;
	s19 =	ssub.s32 $0x2, s7  }
0x44: {  	s7 =	smul.u32 $0x19000, s7;
	s6 =	sadd.s32 s25, s6;
	s5 =	sor.u32 s8, s11  }
0x45: {  	s9 =	sshrl.u32 s19, $0x1;
	s11 =	simm.s32 $0x13800;
	s5 =	smul.u32 $0x7, s5  }
0x46: {  	s8 =	ssub.s32 s19, s9;
	s6 =	sadd.s32 s7, s6;
	s7 =	simm.s32 $0x4  }
0x47: {  	s9 =	simm.s32 $0x7000;
	s5 =	sadd.s32 s5, s3;
	s3 =	sadd.s32 $0xF42E00, s3  }
0x48: {  	s4 =	sadd.s32 $0xA00, s5;
	s5 =	smax.u32 s8, $0x1;
	s8 =	simm.s32 $0x32  }
.LBB2_1:
0x49: {  	[tilespmem:s1], [sflag:$0x4] =	stream.linear.gather [hbm4b:s4+s1], $0x7000, $0x38;
	v63 =	vld [tilespmem:$0x0]  }
0x4a: {  	_ =	swait.ge [sflag:s7], $0x7000  }
0x4b: {  	p0 =	por $0x1, $0x1;
	[sflag:s7] =	ssyncset.done $0x0  }
0x4c: {  	s15 =	simm.s32 @!p0 $0x2;
	[sflag:s7] =	ssyncadd.s32 $0xFFFF9000  }
0x4d: {  	_ =	swait.ge @!p0 [sflag:s15], $0xC800  }
0x4e: {  	[sflag:s15] =	ssyncset.done @!p0 $0x0  }
0x4f: {  	s17 =	simm.s32 $0x0;
	s16 =	rddreg [dreg:$0x3];
	[sflag:s15] =	ssyncadd.s32 @!p0 $0xFFFF3800  }
0x50: {  	[tilespmem:s9], [sflag:$0x1] =	stream.indirect.gather [hbm4b:s3+s8], $0x20, s17, s8, $0xb8;
	v63 =	vld [tilespmem:$0x0]  }
0x51: {  	s18 =	simm.s32 $0x38;
	s20 =	rddreg [dreg:$0x5]  }
0x52: {  	[tilespmem:s16], [sflag:$0x1] =	stream.indirect.gather [hbm4b:s3+s8], $0x20, s18, s8, $0xb8;
	v63 =	vld [tilespmem:$0x0]  }
0x53: {  	s19 =	simm.s32 $0x70;
	s17 =	rddreg [dreg:$0x4]  }
0x54: {  	[tilespmem:s17], [sflag:$0x1] =	stream.indirect.gather [hbm4b:s3+s8], $0x20, s19, s8, $0xb8;
	v63 =	vld [tilespmem:$0x0]  }
0x55: {  	s21 =	simm.s32 $0xA8;
	s22 =	rddreg [dreg:$0x6]  }
0x56: {  	[tilespmem:s20], [sflag:$0x1] =	stream.indirect.gather [hbm4b:s3+s8], $0x20, s21, s8, $0xb8;
	v63 =	vld [tilespmem:$0x0]  }
0x57: {  	s23 =	simm.s32 $0xE0;
	s24 =	rddreg [dreg:$0x7]  }
0x58: {  	[tilespmem:s22], [sflag:$0x1] =	stream.indirect.gather [hbm4b:s3+s8], $0x20, s23, s8, $0xb8;
	v63 =	vld [tilespmem:$0x0]  }
0x59: {  	s25 =	simm.s32 $0x118;
	s26 =	rddreg [dreg:$0x8]  }
0x5a: {  	[tilespmem:s24], [sflag:$0x1] =	stream.indirect.gather [hbm4b:s3+s8], $0x20, s25, s8, $0xb8;
	v63 =	vld [tilespmem:$0x0]  }
0x5b: {  	s28 =	simm.s32 $0x150;
	s29 =	rddreg [dreg:$0x9]  }
0x5c: {  	[tilespmem:s26], [sflag:$0x1] =	stream.indirect.gather [hbm4b:s3+s8], $0x20, s28, s8, $0xb8;
	v63 =	vld [tilespmem:$0x0]  }
0x5d: {  	s30 =	simm.s32 $0x188;
	s31 =	rddreg [dreg:$0xa]  }
0x5e: {  	[tilespmem:s29], [sflag:$0x1] =	stream.indirect.gather [hbm4b:s3+s8], $0x20, s30, s8, $0xb8;
	v63 =	vld [tilespmem:$0x0]  }
0x5f: {  	s16 =	simm.s32 $0x1C0;
	s18 =	rddreg [dreg:$0xb]  }
0x60: {  	[tilespmem:s31], [sflag:$0x1] =	stream.indirect.gather [hbm4b:s3+s8], $0x20, s16, s8, $0xb8;
	v63 =	vld [tilespmem:$0x0]  }
0x61: {  	s19 =	simm.s32 $0x1F8;
	s20 =	rddreg [dreg:$0xc]  }
0x62: {  	[tilespmem:s18], [sflag:$0x1] =	stream.indirect.gather [hbm4b:s3+s8], $0x20, s19, s8, $0xb8;
	v63 =	vld [tilespmem:$0x0]  }
0x63: {  	s21 =	simm.s32 $0x230;
	s22 =	rddreg [dreg:$0xd]  }
0x64: {  	[tilespmem:s20], [sflag:$0x1] =	stream.indirect.gather [hbm4b:s3+s8], $0x20, s21, s8, $0xb8;
	v63 =	vld [tilespmem:$0x0]  }
0x65: {  	s23 =	simm.s32 $0x268;
	s24 =	rddreg [dreg:$0xe]  }
0x66: {  	[tilespmem:s22], [sflag:$0x1] =	stream.indirect.gather [hbm4b:s3+s8], $0x20, s23, s8, $0xb8;
	v63 =	vld [tilespmem:$0x0]  }
0x67: {  	s25 =	simm.s32 $0x2A0;
	s26 =	rddreg [dreg:$0xf]  }
0x68: {  	[tilespmem:s24], [sflag:$0x1] =	stream.indirect.gather [hbm4b:s3+s8], $0x20, s25, s8, $0xb8;
	v63 =	vld [tilespmem:$0x0]  }
0x69: {  	s28 =	simm.s32 $0x2D8;
	s29 =	rddreg [dreg:$0x10]  }
0x6a: {  	[tilespmem:s26], [sflag:$0x1] =	stream.indirect.gather [hbm4b:s3+s8], $0x20, s28, s8, $0xb8;
	v63 =	vld [tilespmem:$0x0]  }
0x6b: {  	s30 =	simm.s32 $0x310;
	s31 =	rddreg [dreg:$0x11]  }
0x6c: {  	[tilespmem:s29], [sflag:$0x1] =	stream.indirect.gather [hbm4b:s3+s8], $0x20, s30, s8, $0xb8;
	v63 =	vld [tilespmem:$0x0]  }
0x6d: {  	s17 =	simm.s32 $0x348;
	s18 =	rddreg [dreg:$0x12]  }
0x6e: {  	[tilespmem:s31], [sflag:$0x1] =	stream.indirect.gather [hbm4b:s3+s8], $0x20, s17, s8, $0xb8;
	v63 =	vld [tilespmem:$0x0]  }
0x6f: {  	s19 =	simm.s32 $0x380;
	s20 =	rddreg [dreg:$0x13]  }
0x70: {  	[tilespmem:s18], [sflag:$0x1] =	stream.indirect.gather [hbm4b:s3+s8], $0x20, s19, s8, $0xb8;
	v63 =	vld [tilespmem:$0x0]  }
0x71: {  	s21 =	simm.s32 $0x3B8;
	s22 =	rddreg [dreg:$0x14]  }
0x72: {  	[tilespmem:s20], [sflag:$0x1] =	stream.indirect.gather [hbm4b:s3+s8], $0x20, s21, s8, $0xb8;
	v63 =	vld [tilespmem:$0x0]  }
0x73: {  	s23 =	simm.s32 $0x3F0;
	s24 =	rddreg [dreg:$0x15]  }
0x74: {  	[tilespmem:s22], [sflag:$0x1] =	stream.indirect.gather [hbm4b:s3+s8], $0x20, s23, s8, $0xb8;
	v63 =	vld [tilespmem:$0x0]  }
0x75: {  	s25 =	simm.s32 $0x428;
	s26 =	rddreg [dreg:$0x16]  }
0x76: {  	[tilespmem:s24], [sflag:$0x1] =	stream.indirect.gather [hbm4b:s3+s8], $0x20, s25, s8, $0xb8;
	v63 =	vld [tilespmem:$0x0]  }
0x77: {  	s28 =	simm.s32 $0x460;
	s29 =	rddreg [dreg:$0x17]  }
0x78: {  	[tilespmem:s26], [sflag:$0x1] =	stream.indirect.gather [hbm4b:s3+s8], $0x20, s28, s8, $0xb8;
	v63 =	vld [tilespmem:$0x0]  }
0x79: {  	s30 =	simm.s32 $0x498;
	s31 =	rddreg [dreg:$0x18]  }
0x7a: {  	[tilespmem:s29], [sflag:$0x1] =	stream.indirect.gather [hbm4b:s3+s8], $0x20, s30, s8, $0xb8;
	v63 =	vld [tilespmem:$0x0]  }
0x7b: {  	s16 =	simm.s32 $0x4D0;
	s18 =	rddreg [dreg:$0x19]  }
0x7c: {  	[tilespmem:s31], [sflag:$0x1] =	stream.indirect.gather [hbm4b:s3+s8], $0x20, s16, s8, $0xb8;
	v63 =	vld [tilespmem:$0x0]  }
0x7d: {  	s19 =	simm.s32 $0x508;
	s20 =	rddreg [dreg:$0x1a]  }
0x7e: {  	[tilespmem:s18], [sflag:$0x1] =	stream.indirect.gather [hbm4b:s3+s8], $0x20, s19, s8, $0xb8;
	v63 =	vld [tilespmem:$0x0]  }
0x7f: {  	s21 =	simm.s32 $0x540;
	s22 =	rddreg [dreg:$0x1b]  }
0x80: {  	[tilespmem:s20], [sflag:$0x1] =	stream.indirect.gather [hbm4b:s3+s8], $0x20, s21, s8, $0xb8;
	v63 =	vld [tilespmem:$0x0]  }
0x81: {  	s23 =	simm.s32 $0x578;
	s24 =	rddreg [dreg:$0x1c]  }
0x82: {  	[tilespmem:s22], [sflag:$0x1] =	stream.indirect.gather [hbm4b:s3+s8], $0x20, s23, s8, $0xb8;
	v63 =	vld [tilespmem:$0x0]  }
0x83: {  	s25 =	simm.s32 $0x5B0;
	s26 =	rddreg [dreg:$0x1d]  }
0x84: {  	[tilespmem:s24], [sflag:$0x1] =	stream.indirect.gather [hbm4b:s3+s8], $0x20, s25, s8, $0xb8;
	v63 =	vld [tilespmem:$0x0]  }
0x85: {  	s28 =	simm.s32 $0x5E8;
	s29 =	rddreg [dreg:$0x1e]  }
0x86: {  	[tilespmem:s26], [sflag:$0x1] =	stream.indirect.gather [hbm4b:s3+s8], $0x20, s28, s8, $0xb8;
	v63 =	vld [tilespmem:$0x0]  }
0x87: {  	s30 =	simm.s32 $0x620;
	s31 =	rddreg [dreg:$0x1f]  }
0x88: {  	[tilespmem:s29], [sflag:$0x1] =	stream.indirect.gather [hbm4b:s3+s8], $0x20, s30, s8, $0xb8;
	v63 =	vld [tilespmem:$0x0]  }
0x89: {  	s18 =	simm.s32 $0x658;
	s19 =	sld [smem:$0x7DD]  }
0x8a: {  	[tilespmem:s31], [sflag:$0x1] =	stream.indirect.gather [hbm4b:s3+s8], $0x20, s18, s8, $0xb8;
	v63 =	vld [tilespmem:$0x0]  }
0x8b: {  	s20 =	simm.s32 $0x690;
	s21 =	sld [smem:$0x7DE]  }
0x8c: {  	[tilespmem:s19], [sflag:$0x1] =	stream.indirect.gather [hbm4b:s3+s8], $0x20, s20, s8, $0xb8;
	v63 =	vld [tilespmem:$0x0]  }
0x8d: {  	s22 =	simm.s32 $0x6C8  }
0x8e: {  	[tilespmem:s21], [sflag:$0x1] =	stream.indirect.gather [hbm4b:s3+s8], $0x20, s22, s8, $0xb8;
	v63 =	vld [tilespmem:$0x0]  }
0x8f: {  	_ =	swait.ge [sflag:s10], $0x640  }
0x90: {  	[sflag:s10] =	ssyncset.done $0x0  }
0x91: {  	[sflag:s10] =	ssyncadd.s32 $0xFFFFF9C0  }
0x92: {  	_ =	swait.ge [sflag:s10], $0x640  }
0x93: {  	[sflag:s10] =	ssyncset.done $0x0  }
0x94: {  	[sflag:s10] =	ssyncadd.s32 $0xFFFFF9C0  }
0x95: {  	_ =	swait.ge [sflag:s10], $0x640  }
0x96: {  	[sflag:s10] =	ssyncset.done $0x0  }
0x97: {  	[sflag:s10] =	ssyncadd.s32 $0xFFFFF9C0  }
0x98: {  	_ =	swait.ge [sflag:s10], $0x640  }
0x99: {  	[sflag:s10] =	ssyncset.done $0x0  }
0x9a: {  	[sflag:s10] =	ssyncadd.s32 $0xFFFFF9C0  }
0x9b: {  	_ =	swait.ge [sflag:s10], $0x640  }
0x9c: {  	[sflag:s10] =	ssyncset.done $0x0  }
0x9d: {  	[sflag:s10] =	ssyncadd.s32 $0xFFFFF9C0  }
0x9e: {  	_ =	swait.ge [sflag:s10], $0x640  }
0x9f: {  	[sflag:s10] =	ssyncset.done $0x0  }
0xa0: {  	[sflag:s10] =	ssyncadd.s32 $0xFFFFF9C0  }
0xa1: {  	_ =	swait.ge [sflag:s10], $0x640  }
0xa2: {  	[sflag:s10] =	ssyncset.done $0x0  }
0xa3: {  	[sflag:s10] =	ssyncadd.s32 $0xFFFFF9C0  }
0xa4: {  	_ =	swait.ge [sflag:s10], $0x640  }
0xa5: {  	[sflag:s10] =	ssyncset.done $0x0  }
0xa6: {  	[sflag:s10] =	ssyncadd.s32 $0xFFFFF9C0  }
0xa7: {  	_ =	swait.ge [sflag:s10], $0x640  }
0xa8: {  	[sflag:s10] =	ssyncset.done $0x0  }
0xa9: {  	[sflag:s10] =	ssyncadd.s32 $0xFFFFF9C0  }
0xaa: {  	_ =	swait.ge [sflag:s10], $0x640  }
0xab: {  	[sflag:s10] =	ssyncset.done $0x0  }
0xac: {  	[sflag:s10] =	ssyncadd.s32 $0xFFFFF9C0  }
0xad: {  	_ =	swait.ge [sflag:s10], $0x640  }
0xae: {  	[sflag:s10] =	ssyncset.done $0x0  }
0xaf: {  	[sflag:s10] =	ssyncadd.s32 $0xFFFFF9C0  }
0xb0: {  	_ =	swait.ge [sflag:s10], $0x640  }
0xb1: {  	[sflag:s10] =	ssyncset.done $0x0  }
0xb2: {  	[sflag:s10] =	ssyncadd.s32 $0xFFFFF9C0  }
0xb3: {  	_ =	swait.ge [sflag:s10], $0x640  }
0xb4: {  	[sflag:s10] =	ssyncset.done $0x0  }
0xb5: {  	[sflag:s10] =	ssyncadd.s32 $0xFFFFF9C0  }
0xb6: {  	_ =	swait.ge [sflag:s10], $0x640  }
0xb7: {  	[sflag:s10] =	ssyncset.done $0x0  }
0xb8: {  	[sflag:s10] =	ssyncadd.s32 $0xFFFFF9C0  }
0xb9: {  	_ =	swait.ge [sflag:s10], $0x640  }
0xba: {  	[sflag:s10] =	ssyncset.done $0x0  }
0xbb: {  	[sflag:s10] =	ssyncadd.s32 $0xFFFFF9C0  }
0xbc: {  	_ =	swait.ge [sflag:s10], $0x640  }
0xbd: {  	[sflag:s10] =	ssyncset.done $0x0  }
0xbe: {  	[sflag:s10] =	ssyncadd.s32 $0xFFFFF9C0  }
0xbf: {  	_ =	swait.ge [sflag:s10], $0x640  }
0xc0: {  	[sflag:s10] =	ssyncset.done $0x0  }
0xc1: {  	[sflag:s10] =	ssyncadd.s32 $0xFFFFF9C0  }
0xc2: {  	_ =	swait.ge [sflag:s10], $0x640  }
0xc3: {  	[sflag:s10] =	ssyncset.done $0x0  }
0xc4: {  	[sflag:s10] =	ssyncadd.s32 $0xFFFFF9C0  }
0xc5: {  	_ =	swait.ge [sflag:s10], $0x640  }
0xc6: {  	[sflag:s10] =	ssyncset.done $0x0  }
0xc7: {  	[sflag:s10] =	ssyncadd.s32 $0xFFFFF9C0  }
0xc8: {  	_ =	swait.ge [sflag:s10], $0x640  }
0xc9: {  	[sflag:s10] =	ssyncset.done $0x0  }
0xca: {  	[sflag:s10] =	ssyncadd.s32 $0xFFFFF9C0  }
0xcb: {  	_ =	swait.ge [sflag:s10], $0x640  }
0xcc: {  	[sflag:s10] =	ssyncset.done $0x0  }
0xcd: {  	[sflag:s10] =	ssyncadd.s32 $0xFFFFF9C0  }
0xce: {  	_ =	swait.ge [sflag:s10], $0x640  }
0xcf: {  	[sflag:s10] =	ssyncset.done $0x0  }
0xd0: {  	[sflag:s10] =	ssyncadd.s32 $0xFFFFF9C0  }
0xd1: {  	_ =	swait.ge [sflag:s10], $0x640  }
0xd2: {  	[sflag:s10] =	ssyncset.done $0x0  }
0xd3: {  	[sflag:s10] =	ssyncadd.s32 $0xFFFFF9C0  }
0xd4: {  	_ =	swait.ge [sflag:s10], $0x640  }
0xd5: {  	[sflag:s10] =	ssyncset.done $0x0  }
0xd6: {  	[sflag:s10] =	ssyncadd.s32 $0xFFFFF9C0  }
0xd7: {  	_ =	swait.ge [sflag:s10], $0x640  }
0xd8: {  	[sflag:s10] =	ssyncset.done $0x0  }
0xd9: {  	[sflag:s10] =	ssyncadd.s32 $0xFFFFF9C0  }
0xda: {  	_ =	swait.ge [sflag:s10], $0x640  }
0xdb: {  	[sflag:s10] =	ssyncset.done $0x0  }
0xdc: {  	[sflag:s10] =	ssyncadd.s32 $0xFFFFF9C0  }
0xdd: {  	_ =	swait.ge [sflag:s10], $0x640  }
0xde: {  	[sflag:s10] =	ssyncset.done $0x0  }
0xdf: {  	[sflag:s10] =	ssyncadd.s32 $0xFFFFF9C0  }
0xe0: {  	_ =	swait.ge [sflag:s10], $0x640  }
0xe1: {  	[sflag:s10] =	ssyncset.done $0x0  }
0xe2: {  	[sflag:s10] =	ssyncadd.s32 $0xFFFFF9C0  }
0xe3: {  	_ =	swait.ge [sflag:s10], $0x640  }
0xe4: {  	[sflag:s10] =	ssyncset.done $0x0  }
0xe5: {  	[sflag:s10] =	ssyncadd.s32 $0xFFFFF9C0  }
0xe6: {  	_ =	swait.ge [sflag:s10], $0x640  }
0xe7: {  	[sflag:s10] =	ssyncset.done $0x0  }
0xe8: {  	[sflag:s10] =	ssyncadd.s32 $0xFFFFF9C0  }
0xe9: {  	_ =	swait.ge [sflag:s10], $0x640  }
0xea: {  	[sflag:s10] =	ssyncset.done $0x0  }
0xeb: {  	[sflag:s10] =	ssyncadd.s32 $0xFFFFF9C0  }
0xec: {  	_ =	swait.ge [sflag:s10], $0x640  }
0xed: {  	[sflag:s10] =	ssyncset.done $0x0  }
0xee: {  	s15 =	simm.s32 @!p0 $0x3;
	[sflag:s10] =	ssyncadd.s32 $0xFFFFF9C0  }
0xef: {  	[hbm4b:s6+s1] =	stream.linear.scatter [tilespmem:s9], [sflag:$0x2], $0xC800, $0x38;
	v63 =	vld [tilespmem:$0x0]  }
0xf0: {  	_ =	swait.ge @!p0 [sflag:s15], $0xC800  }
0xf1: {  	[sflag:s15] =	ssyncset.done @!p0 $0x0  }
0xf2: {  	s23 =	simm.s32 $0x700;
	s24 =	sld [smem:$0x7DF];
	[sflag:s15] =	ssyncadd.s32 @!p0 $0xFFFF3800  }
0xf3: {  	[tilespmem:s11], [sflag:$0x1] =	stream.indirect.gather [hbm4b:s3+s8], $0x20, s23, s8, $0xb8;
	v63 =	vld [tilespmem:$0x0]  }
0xf4: {  	s25 =	simm.s32 $0x738;
	s26 =	sld [smem:$0x7E0]  }
0xf5: {  	[tilespmem:s24], [sflag:$0x1] =	stream.indirect.gather [hbm4b:s3+s8], $0x20, s25, s8, $0xb8;
	v63 =	vld [tilespmem:$0x0]  }
0xf6: {  	s28 =	simm.s32 $0x770;
	s29 =	sld [smem:$0x7E1]  }
0xf7: {  	[tilespmem:s26], [sflag:$0x1] =	stream.indirect.gather [hbm4b:s3+s8], $0x20, s28, s8, $0xb8;
	v63 =	vld [tilespmem:$0x0]  }
0xf8: {  	s30 =	simm.s32 $0x7A8;
	s31 =	sld [smem:$0x7E2]  }
0xf9: {  	[tilespmem:s29], [sflag:$0x1] =	stream.indirect.gather [hbm4b:s3+s8], $0x20, s30, s8, $0xb8;
	v63 =	vld [tilespmem:$0x0]  }
0xfa: {  	s16 =	simm.s32 $0x7E0;
	s18 =	sld [smem:$0x7E3]  }
0xfb: {  	[tilespmem:s31], [sflag:$0x1] =	stream.indirect.gather [hbm4b:s3+s8], $0x20, s16, s8, $0xb8;
	v63 =	vld [tilespmem:$0x0]  }
0xfc: {  	s19 =	simm.s32 $0x818;
	s20 =	sld [smem:$0x7E4]  }
0xfd: {  	[tilespmem:s18], [sflag:$0x1] =	stream.indirect.gather [hbm4b:s3+s8], $0x20, s19, s8, $0xb8;
	v63 =	vld [tilespmem:$0x0]  }
0xfe: {  	s21 =	simm.s32 $0x850;
	s22 =	sld [smem:$0x7E5]  }
0xff: {  	[tilespmem:s20], [sflag:$0x1] =	stream.indirect.gather [hbm4b:s3+s8], $0x20, s21, s8, $0xb8;
	v63 =	vld [tilespmem:$0x0]  }
0x100: {  	s23 =	simm.s32 $0x888;
	s24 =	sld [smem:$0x7E6]  }
0x101: {  	[tilespmem:s22], [sflag:$0x1] =	stream.indirect.gather [hbm4b:s3+s8], $0x20, s23, s8, $0xb8;
	v63 =	vld [tilespmem:$0x0]  }
0x102: {  	s25 =	simm.s32 $0x8C0;
	s26 =	sld [smem:$0x7E7]  }
0x103: {  	[tilespmem:s24], [sflag:$0x1] =	stream.indirect.gather [hbm4b:s3+s8], $0x20, s25, s8, $0xb8;
	v63 =	vld [tilespmem:$0x0]  }
0x104: {  	s28 =	simm.s32 $0x8F8;
	s29 =	sld [smem:$0x7E8]  }
0x105: {  	[tilespmem:s26], [sflag:$0x1] =	stream.indirect.gather [hbm4b:s3+s8], $0x20, s28, s8, $0xb8;
	v63 =	vld [tilespmem:$0x0]  }
0x106: {  	s30 =	simm.s32 $0x930;
	s31 =	sld [smem:$0x7E9]  }
0x107: {  	[tilespmem:s29], [sflag:$0x1] =	stream.indirect.gather [hbm4b:s3+s8], $0x20, s30, s8, $0xb8;
	v63 =	vld [tilespmem:$0x0]  }
0x108: {  	s17 =	simm.s32 $0x968;
	s18 =	sld [smem:$0x7EA]  }
0x109: {  	[tilespmem:s31], [sflag:$0x1] =	stream.indirect.gather [hbm4b:s3+s8], $0x20, s17, s8, $0xb8;
	v63 =	vld [tilespmem:$0x0]  }
0x10a: {  	s19 =	simm.s32 $0x9A0;
	s20 =	sld [smem:$0x7EB]  }
0x10b: {  	[tilespmem:s18], [sflag:$0x1] =	stream.indirect.gather [hbm4b:s3+s8], $0x20, s19, s8, $0xb8;
	v63 =	vld [tilespmem:$0x0]  }
0x10c: {  	s21 =	simm.s32 $0x9D8;
	s22 =	sld [smem:$0x7EC]  }
0x10d: {  	[tilespmem:s20], [sflag:$0x1] =	stream.indirect.gather [hbm4b:s3+s8], $0x20, s21, s8, $0xb8;
	v63 =	vld [tilespmem:$0x0]  }
0x10e: {  	s23 =	simm.s32 $0xA10;
	s24 =	sld [smem:$0x7ED]  }
0x10f: {  	[tilespmem:s22], [sflag:$0x1] =	stream.indirect.gather [hbm4b:s3+s8], $0x20, s23, s8, $0xb8;
	v63 =	vld [tilespmem:$0x0]  }
0x110: {  	s25 =	simm.s32 $0xA48;
	s26 =	sld [smem:$0x7EE]  }
0x111: {  	[tilespmem:s24], [sflag:$0x1] =	stream.indirect.gather [hbm4b:s3+s8], $0x20, s25, s8, $0xb8;
	v63 =	vld [tilespmem:$0x0]  }
0x112: {  	s28 =	simm.s32 $0xA80;
	s29 =	sld [smem:$0x7EF]  }
0x113: {  	[tilespmem:s26], [sflag:$0x1] =	stream.indirect.gather [hbm4b:s3+s8], $0x20, s28, s8, $0xb8;
	v63 =	vld [tilespmem:$0x0]  }
0x114: {  	s30 =	simm.s32 $0xAB8;
	s31 =	sld [smem:$0x7F0]  }
0x115: {  	[tilespmem:s29], [sflag:$0x1] =	stream.indirect.gather [hbm4b:s3+s8], $0x20, s30, s8, $0xb8;
	v63 =	vld [tilespmem:$0x0]  }
0x116: {  	s16 =	simm.s32 $0xAF0;
	s18 =	sld [smem:$0x7F1]  }
0x117: {  	[tilespmem:s31], [sflag:$0x1] =	stream.indirect.gather [hbm4b:s3+s8], $0x20, s16, s8, $0xb8;
	v63 =	vld [tilespmem:$0x0]  }
0x118: {  	s19 =	simm.s32 $0xB28;
	s20 =	sld [smem:$0x7F2]  }
0x119: {  	[tilespmem:s18], [sflag:$0x1] =	stream.indirect.gather [hbm4b:s3+s8], $0x20, s19, s8, $0xb8;
	v63 =	vld [tilespmem:$0x0]  }
0x11a: {  	s21 =	simm.s32 $0xB60;
	s22 =	sld [smem:$0x7F3]  }
0x11b: {  	[tilespmem:s20], [sflag:$0x1] =	stream.indirect.gather [hbm4b:s3+s8], $0x20, s21, s8, $0xb8;
	v63 =	vld [tilespmem:$0x0]  }
0x11c: {  	s23 =	simm.s32 $0xB98;
	s24 =	sld [smem:$0x7F4]  }
0x11d: {  	[tilespmem:s22], [sflag:$0x1] =	stream.indirect.gather [hbm4b:s3+s8], $0x20, s23, s8, $0xb8;
	v63 =	vld [tilespmem:$0x0]  }
0x11e: {  	s25 =	simm.s32 $0xBD0;
	s26 =	sld [smem:$0x7F5]  }
0x11f: {  	[tilespmem:s24], [sflag:$0x1] =	stream.indirect.gather [hbm4b:s3+s8], $0x20, s25, s8, $0xb8;
	v63 =	vld [tilespmem:$0x0]  }
0x120: {  	s28 =	simm.s32 $0xC08;
	s29 =	sld [smem:$0x7F6]  }
0x121: {  	[tilespmem:s26], [sflag:$0x1] =	stream.indirect.gather [hbm4b:s3+s8], $0x20, s28, s8, $0xb8;
	v63 =	vld [tilespmem:$0x0]  }
0x122: {  	s30 =	simm.s32 $0xC40;
	s31 =	sld [smem:$0x7F7]  }
0x123: {  	[tilespmem:s29], [sflag:$0x1] =	stream.indirect.gather [hbm4b:s3+s8], $0x20, s30, s8, $0xb8;
	v63 =	vld [tilespmem:$0x0]  }
0x124: {  	s18 =	simm.s32 $0xC78;
	s19 =	sld [smem:$0x7F8]  }
0x125: {  	[tilespmem:s31], [sflag:$0x1] =	stream.indirect.gather [hbm4b:s3+s8], $0x20, s18, s8, $0xb8;
	v63 =	vld [tilespmem:$0x0]  }
0x126: {  	s20 =	simm.s32 $0xCB0;
	s21 =	sld [smem:$0x7F9]  }
0x127: {  	[tilespmem:s19], [sflag:$0x1] =	stream.indirect.gather [hbm4b:s3+s8], $0x20, s20, s8, $0xb8;
	v63 =	vld [tilespmem:$0x0]  }
0x128: {  	s22 =	simm.s32 $0xCE8;
	s23 =	sld [smem:$0x7FA]  }
0x129: {  	[tilespmem:s21], [sflag:$0x1] =	stream.indirect.gather [hbm4b:s3+s8], $0x20, s22, s8, $0xb8;
	v63 =	vld [tilespmem:$0x0]  }
0x12a: {  	s24 =	simm.s32 $0xD20;
	s25 =	sld [smem:$0x7FB]  }
0x12b: {  	[tilespmem:s23], [sflag:$0x1] =	stream.indirect.gather [hbm4b:s3+s8], $0x20, s24, s8, $0xb8;
	v63 =	vld [tilespmem:$0x0]  }
0x12c: {  	s26 =	simm.s32 $0xD58;
	s28 =	sld [smem:$0x7FC]  }
0x12d: {  	[tilespmem:s25], [sflag:$0x1] =	stream.indirect.gather [hbm4b:s3+s8], $0x20, s26, s8, $0xb8;
	v63 =	vld [tilespmem:$0x0]  }
0x12e: {  	s29 =	simm.s32 $0xD90;
	s30 =	sld [smem:$0x7FD]  }
0x12f: {  	[tilespmem:s28], [sflag:$0x1] =	stream.indirect.gather [hbm4b:s3+s8], $0x20, s29, s8, $0xb8;
	v63 =	vld [tilespmem:$0x0]  }
0x130: {  	s31 =	simm.s32 $0xDC8  }
0x131: {  	[tilespmem:s30], [sflag:$0x1] =	stream.indirect.gather [hbm4b:s3+s8], $0x20, s31, s8, $0xb8;
	v63 =	vld [tilespmem:$0x0]  }
0x132: {  	_ =	swait.ge [sflag:s10], $0x640  }
0x133: {  	[sflag:s10] =	ssyncset.done $0x0  }
0x134: {  	[sflag:s10] =	ssyncadd.s32 $0xFFFFF9C0  }
0x135: {  	_ =	swait.ge [sflag:s10], $0x640  }
0x136: {  	[sflag:s10] =	ssyncset.done $0x0  }
0x137: {  	[sflag:s10] =	ssyncadd.s32 $0xFFFFF9C0  }
0x138: {  	_ =	swait.ge [sflag:s10], $0x640  }
0x139: {  	[sflag:s10] =	ssyncset.done $0x0  }
0x13a: {  	[sflag:s10] =	ssyncadd.s32 $0xFFFFF9C0  }
0x13b: {  	_ =	swait.ge [sflag:s10], $0x640  }
0x13c: {  	[sflag:s10] =	ssyncset.done $0x0  }
0x13d: {  	[sflag:s10] =	ssyncadd.s32 $0xFFFFF9C0  }
0x13e: {  	_ =	swait.ge [sflag:s10], $0x640  }
0x13f: {  	[sflag:s10] =	ssyncset.done $0x0  }
0x140: {  	[sflag:s10] =	ssyncadd.s32 $0xFFFFF9C0  }
0x141: {  	_ =	swait.ge [sflag:s10], $0x640  }
0x142: {  	[sflag:s10] =	ssyncset.done $0x0  }
0x143: {  	[sflag:s10] =	ssyncadd.s32 $0xFFFFF9C0  }
0x144: {  	_ =	swait.ge [sflag:s10], $0x640  }
0x145: {  	[sflag:s10] =	ssyncset.done $0x0  }
0x146: {  	[sflag:s10] =	ssyncadd.s32 $0xFFFFF9C0  }
0x147: {  	_ =	swait.ge [sflag:s10], $0x640  }
0x148: {  	[sflag:s10] =	ssyncset.done $0x0  }
0x149: {  	[sflag:s10] =	ssyncadd.s32 $0xFFFFF9C0  }
0x14a: {  	_ =	swait.ge [sflag:s10], $0x640  }
0x14b: {  	[sflag:s10] =	ssyncset.done $0x0  }
0x14c: {  	[sflag:s10] =	ssyncadd.s32 $0xFFFFF9C0  }
0x14d: {  	_ =	swait.ge [sflag:s10], $0x640  }
0x14e: {  	[sflag:s10] =	ssyncset.done $0x0  }
0x14f: {  	[sflag:s10] =	ssyncadd.s32 $0xFFFFF9C0  }
0x150: {  	_ =	swait.ge [sflag:s10], $0x640  }
0x151: {  	[sflag:s10] =	ssyncset.done $0x0  }
0x152: {  	[sflag:s10] =	ssyncadd.s32 $0xFFFFF9C0  }
0x153: {  	_ =	swait.ge [sflag:s10], $0x640  }
0x154: {  	[sflag:s10] =	ssyncset.done $0x0  }
0x155: {  	[sflag:s10] =	ssyncadd.s32 $0xFFFFF9C0  }
0x156: {  	_ =	swait.ge [sflag:s10], $0x640  }
0x157: {  	[sflag:s10] =	ssyncset.done $0x0  }
0x158: {  	[sflag:s10] =	ssyncadd.s32 $0xFFFFF9C0  }
0x159: {  	_ =	swait.ge [sflag:s10], $0x640  }
0x15a: {  	[sflag:s10] =	ssyncset.done $0x0  }
0x15b: {  	[sflag:s10] =	ssyncadd.s32 $0xFFFFF9C0  }
0x15c: {  	_ =	swait.ge [sflag:s10], $0x640  }
0x15d: {  	[sflag:s10] =	ssyncset.done $0x0  }
0x15e: {  	[sflag:s10] =	ssyncadd.s32 $0xFFFFF9C0  }
0x15f: {  	_ =	swait.ge [sflag:s10], $0x640  }
0x160: {  	[sflag:s10] =	ssyncset.done $0x0  }
0x161: {  	[sflag:s10] =	ssyncadd.s32 $0xFFFFF9C0  }
0x162: {  	_ =	swait.ge [sflag:s10], $0x640  }
0x163: {  	[sflag:s10] =	ssyncset.done $0x0  }
0x164: {  	[sflag:s10] =	ssyncadd.s32 $0xFFFFF9C0  }
0x165: {  	_ =	swait.ge [sflag:s10], $0x640  }
0x166: {  	[sflag:s10] =	ssyncset.done $0x0  }
0x167: {  	[sflag:s10] =	ssyncadd.s32 $0xFFFFF9C0  }
0x168: {  	_ =	swait.ge [sflag:s10], $0x640  }
0x169: {  	[sflag:s10] =	ssyncset.done $0x0  }
0x16a: {  	[sflag:s10] =	ssyncadd.s32 $0xFFFFF9C0  }
0x16b: {  	_ =	swait.ge [sflag:s10], $0x640  }
0x16c: {  	[sflag:s10] =	ssyncset.done $0x0  }
0x16d: {  	[sflag:s10] =	ssyncadd.s32 $0xFFFFF9C0  }
0x16e: {  	_ =	swait.ge [sflag:s10], $0x640  }
0x16f: {  	[sflag:s10] =	ssyncset.done $0x0  }
0x170: {  	[sflag:s10] =	ssyncadd.s32 $0xFFFFF9C0  }
0x171: {  	_ =	swait.ge [sflag:s10], $0x640  }
0x172: {  	[sflag:s10] =	ssyncset.done $0x0  }
0x173: {  	[sflag:s10] =	ssyncadd.s32 $0xFFFFF9C0  }
0x174: {  	_ =	swait.ge [sflag:s10], $0x640  }
0x175: {  	[sflag:s10] =	ssyncset.done $0x0  }
0x176: {  	[sflag:s10] =	ssyncadd.s32 $0xFFFFF9C0  }
0x177: {  	_ =	swait.ge [sflag:s10], $0x640  }
0x178: {  	[sflag:s10] =	ssyncset.done $0x0  }
0x179: {  	[sflag:s10] =	ssyncadd.s32 $0xFFFFF9C0  }
0x17a: {  	_ =	swait.ge [sflag:s10], $0x640  }
0x17b: {  	[sflag:s10] =	ssyncset.done $0x0  }
0x17c: {  	[sflag:s10] =	ssyncadd.s32 $0xFFFFF9C0  }
0x17d: {  	_ =	swait.ge [sflag:s10], $0x640  }
0x17e: {  	[sflag:s10] =	ssyncset.done $0x0  }
0x17f: {  	[sflag:s10] =	ssyncadd.s32 $0xFFFFF9C0  }
0x180: {  	_ =	swait.ge [sflag:s10], $0x640  }
0x181: {  	[sflag:s10] =	ssyncset.done $0x0  }
0x182: {  	[sflag:s10] =	ssyncadd.s32 $0xFFFFF9C0  }
0x183: {  	_ =	swait.ge [sflag:s10], $0x640  }
0x184: {  	[sflag:s10] =	ssyncset.done $0x0  }
0x185: {  	[sflag:s10] =	ssyncadd.s32 $0xFFFFF9C0  }
0x186: {  	_ =	swait.ge [sflag:s10], $0x640  }
0x187: {  	[sflag:s10] =	ssyncset.done $0x0  }
0x188: {  	[sflag:s10] =	ssyncadd.s32 $0xFFFFF9C0  }
0x189: {  	_ =	swait.ge [sflag:s10], $0x640  }
0x18a: {  	[sflag:s10] =	ssyncset.done $0x0  }
0x18b: {  	[sflag:s10] =	ssyncadd.s32 $0xFFFFF9C0  }
0x18c: {  	_ =	swait.ge [sflag:s10], $0x640  }
0x18d: {  	[sflag:s10] =	ssyncset.done $0x0  }
0x18e: {  	p1 =	por $0x0, $0x0;
	[sflag:s10] =	ssyncadd.s32 $0xFFFFF9C0  }
0x18f: {  	s15 =	sadd.s32 $0x3200, s6;
	s17 =	simm.s32 $0x7000;
	_ =	swait.ge [sflag:s10], $0x640  }
0x190: {  	s16 =	simm.s32 $0x3800;
	s19 =	sadd.s32 $0x1900, s6;
	[sflag:s10] =	ssyncset.done $0x0  }
.LBB2_2:
0x191: {  	s20 =	simm.s32 @!p1 $0x2;
	[sflag:s10] =	ssyncadd.s32 $0xFFFFF9C0  }
0x192: {  	[hbm4b:s19+s1] =	stream.linear.scatter [tilespmem:s11], [sflag:$0x3], $0xC800, $0x38;
	v63 =	vld [tilespmem:$0x0]  }
0x193: {  	_ =	swait.ge @!p1 [sflag:s20], $0xC800  }
0x194: {  	[sflag:s20] =	ssyncset.done @!p1 $0x0  }
0x195: {  	s19 =	sshra.s32 s16, $0x2;
	s31 =	rddreg [dreg:$0x3];
	[sflag:s20] =	ssyncadd.s32 @!p1 $0xFFFF3800  }
0x196: {  	[tilespmem:s9], [sflag:$0x1] =	stream.indirect.gather [hbm4b:s3+s8], $0x20, s19, s8, $0xb8;
	v63 =	vld [tilespmem:$0x0]  }
0x197: {  	s22 =	sadd.s32 $0x38, s19;
	s23 =	rddreg [dreg:$0x4]  }
0x198: {  	[tilespmem:s31], [sflag:$0x1] =	stream.indirect.gather [hbm4b:s3+s8], $0x20, s22, s8, $0xb8;
	v63 =	vld [tilespmem:$0x0]  }
0x199: {  	s24 =	rddreg [dreg:$0x5];
	s22 =	sadd.s32 $0x70, s19  }
0x19a: {  	[tilespmem:s23], [sflag:$0x1] =	stream.indirect.gather [hbm4b:s3+s8], $0x20, s22, s8, $0xb8;
	v63 =	vld [tilespmem:$0x0]  }
0x19b: {  	s25 =	sadd.s32 $0xA8, s19;
	s26 =	rddreg [dreg:$0x6]  }
0x19c: {  	[tilespmem:s24], [sflag:$0x1] =	stream.indirect.gather [hbm4b:s3+s8], $0x20, s25, s8, $0xb8;
	v63 =	vld [tilespmem:$0x0]  }
0x19d: {  	s28 =	sadd.s32 $0xE0, s19;
	s29 =	rddreg [dreg:$0x7]  }
0x19e: {  	[tilespmem:s26], [sflag:$0x1] =	stream.indirect.gather [hbm4b:s3+s8], $0x20, s28, s8, $0xb8;
	v63 =	vld [tilespmem:$0x0]  }
0x19f: {  	s30 =	sadd.s32 $0x118, s19;
	s31 =	rddreg [dreg:$0x8]  }
0x1a0: {  	[tilespmem:s29], [sflag:$0x1] =	stream.indirect.gather [hbm4b:s3+s8], $0x20, s30, s8, $0xb8;
	v63 =	vld [tilespmem:$0x0]  }
0x1a1: {  	s23 =	sadd.s32 $0x150, s19;
	s24 =	rddreg [dreg:$0x9]  }
0x1a2: {  	[tilespmem:s31], [sflag:$0x1] =	stream.indirect.gather [hbm4b:s3+s8], $0x20, s23, s8, $0xb8;
	v63 =	vld [tilespmem:$0x0]  }
0x1a3: {  	s25 =	sadd.s32 $0x188, s19;
	s26 =	rddreg [dreg:$0xa]  }
0x1a4: {  	[tilespmem:s24], [sflag:$0x1] =	stream.indirect.gather [hbm4b:s3+s8], $0x20, s25, s8, $0xb8;
	v63 =	vld [tilespmem:$0x0]  }
0x1a5: {  	s28 =	sadd.s32 $0x1C0, s19;
	s29 =	rddreg [dreg:$0xb]  }
0x1a6: {  	[tilespmem:s26], [sflag:$0x1] =	stream.indirect.gather [hbm4b:s3+s8], $0x20, s28, s8, $0xb8;
	v63 =	vld [tilespmem:$0x0]  }
0x1a7: {  	s30 =	sadd.s32 $0x1F8, s19;
	s31 =	rddreg [dreg:$0xc]  }
0x1a8: {  	[tilespmem:s29], [sflag:$0x1] =	stream.indirect.gather [hbm4b:s3+s8], $0x20, s30, s8, $0xb8;
	v63 =	vld [tilespmem:$0x0]  }
0x1a9: {  	s23 =	sadd.s32 $0x230, s19;
	s24 =	rddreg [dreg:$0xd]  }
0x1aa: {  	[tilespmem:s31], [sflag:$0x1] =	stream.indirect.gather [hbm4b:s3+s8], $0x20, s23, s8, $0xb8;
	v63 =	vld [tilespmem:$0x0]  }
0x1ab: {  	s25 =	sadd.s32 $0x268, s19;
	s26 =	rddreg [dreg:$0xe]  }
0x1ac: {  	[tilespmem:s24], [sflag:$0x1] =	stream.indirect.gather [hbm4b:s3+s8], $0x20, s25, s8, $0xb8;
	v63 =	vld [tilespmem:$0x0]  }
0x1ad: {  	s28 =	sadd.s32 $0x2A0, s19;
	s29 =	rddreg [dreg:$0xf]  }
0x1ae: {  	[tilespmem:s26], [sflag:$0x1] =	stream.indirect.gather [hbm4b:s3+s8], $0x20, s28, s8, $0xb8;
	v63 =	vld [tilespmem:$0x0]  }
0x1af: {  	s30 =	sadd.s32 $0x2D8, s19;
	s31 =	rddreg [dreg:$0x10]  }
0x1b0: {  	[tilespmem:s29], [sflag:$0x1] =	stream.indirect.gather [hbm4b:s3+s8], $0x20, s30, s8, $0xb8;
	v63 =	vld [tilespmem:$0x0]  }
0x1b1: {  	s23 =	sadd.s32 $0x310, s19;
	s24 =	rddreg [dreg:$0x11]  }
0x1b2: {  	[tilespmem:s31], [sflag:$0x1] =	stream.indirect.gather [hbm4b:s3+s8], $0x20, s23, s8, $0xb8;
	v63 =	vld [tilespmem:$0x0]  }
0x1b3: {  	s25 =	sadd.s32 $0x348, s19;
	s26 =	rddreg [dreg:$0x12]  }
0x1b4: {  	[tilespmem:s24], [sflag:$0x1] =	stream.indirect.gather [hbm4b:s3+s8], $0x20, s25, s8, $0xb8;
	v63 =	vld [tilespmem:$0x0]  }
0x1b5: {  	s28 =	sadd.s32 $0x380, s19;
	s29 =	rddreg [dreg:$0x13]  }
0x1b6: {  	[tilespmem:s26], [sflag:$0x1] =	stream.indirect.gather [hbm4b:s3+s8], $0x20, s28, s8, $0xb8;
	v63 =	vld [tilespmem:$0x0]  }
0x1b7: {  	s30 =	sadd.s32 $0x3B8, s19;
	s31 =	rddreg [dreg:$0x14]  }
0x1b8: {  	[tilespmem:s29], [sflag:$0x1] =	stream.indirect.gather [hbm4b:s3+s8], $0x20, s30, s8, $0xb8;
	v63 =	vld [tilespmem:$0x0]  }
0x1b9: {  	s23 =	sadd.s32 $0x3F0, s19;
	s24 =	rddreg [dreg:$0x15]  }
0x1ba: {  	[tilespmem:s31], [sflag:$0x1] =	stream.indirect.gather [hbm4b:s3+s8], $0x20, s23, s8, $0xb8;
	v63 =	vld [tilespmem:$0x0]  }
0x1bb: {  	s25 =	sadd.s32 $0x428, s19;
	s26 =	rddreg [dreg:$0x16]  }
0x1bc: {  	[tilespmem:s24], [sflag:$0x1] =	stream.indirect.gather [hbm4b:s3+s8], $0x20, s25, s8, $0xb8;
	v63 =	vld [tilespmem:$0x0]  }
0x1bd: {  	s28 =	sadd.s32 $0x460, s19;
	s29 =	rddreg [dreg:$0x17]  }
0x1be: {  	[tilespmem:s26], [sflag:$0x1] =	stream.indirect.gather [hbm4b:s3+s8], $0x20, s28, s8, $0xb8;
	v63 =	vld [tilespmem:$0x0]  }
0x1bf: {  	s30 =	sadd.s32 $0x498, s19;
	s31 =	rddreg [dreg:$0x18]  }
0x1c0: {  	[tilespmem:s29], [sflag:$0x1] =	stream.indirect.gather [hbm4b:s3+s8], $0x20, s30, s8, $0xb8;
	v63 =	vld [tilespmem:$0x0]  }
0x1c1: {  	s23 =	sadd.s32 $0x4D0, s19;
	s24 =	rddreg [dreg:$0x19]  }
0x1c2: {  	[tilespmem:s31], [sflag:$0x1] =	stream.indirect.gather [hbm4b:s3+s8], $0x20, s23, s8, $0xb8;
	v63 =	vld [tilespmem:$0x0]  }
0x1c3: {  	s25 =	sadd.s32 $0x508, s19;
	s26 =	rddreg [dreg:$0x1a]  }
0x1c4: {  	[tilespmem:s24], [sflag:$0x1] =	stream.indirect.gather [hbm4b:s3+s8], $0x20, s25, s8, $0xb8;
	v63 =	vld [tilespmem:$0x0]  }
0x1c5: {  	s28 =	sadd.s32 $0x540, s19;
	s29 =	rddreg [dreg:$0x1b]  }
0x1c6: {  	[tilespmem:s26], [sflag:$0x1] =	stream.indirect.gather [hbm4b:s3+s8], $0x20, s28, s8, $0xb8;
	v63 =	vld [tilespmem:$0x0]  }
0x1c7: {  	s30 =	sadd.s32 $0x578, s19;
	s31 =	rddreg [dreg:$0x1c]  }
0x1c8: {  	[tilespmem:s29], [sflag:$0x1] =	stream.indirect.gather [hbm4b:s3+s8], $0x20, s30, s8, $0xb8;
	v63 =	vld [tilespmem:$0x0]  }
0x1c9: {  	s23 =	sadd.s32 $0x5B0, s19;
	s24 =	rddreg [dreg:$0x1d]  }
0x1ca: {  	[tilespmem:s31], [sflag:$0x1] =	stream.indirect.gather [hbm4b:s3+s8], $0x20, s23, s8, $0xb8;
	v63 =	vld [tilespmem:$0x0]  }
0x1cb: {  	s25 =	sadd.s32 $0x5E8, s19;
	s26 =	rddreg [dreg:$0x1e]  }
0x1cc: {  	[tilespmem:s24], [sflag:$0x1] =	stream.indirect.gather [hbm4b:s3+s8], $0x20, s25, s8, $0xb8;
	v63 =	vld [tilespmem:$0x0]  }
0x1cd: {  	s28 =	sadd.s32 $0x620, s19;
	s29 =	rddreg [dreg:$0x1f]  }
0x1ce: {  	[tilespmem:s26], [sflag:$0x1] =	stream.indirect.gather [hbm4b:s3+s8], $0x20, s28, s8, $0xb8;
	v63 =	vld [tilespmem:$0x0]  }
0x1cf: {  	s21 =	smov.u32 s17;
	s30 =	sadd.s32 $0x658, s19;
	s31 =	sld [smem:$0x7DD]  }
0x1d0: {  	[tilespmem:s29], [sflag:$0x1] =	stream.indirect.gather [hbm4b:s3+s8], $0x20, s30, s8, $0xb8;
	v63 =	vld [tilespmem:$0x0]  }
0x1d1: {  	s16 =	smov.u32 s21;
	s21 =	sadd.s32 $0x690, s19;
	s23 =	sld [smem:$0x7DE]  }
0x1d2: {  	[tilespmem:s31], [sflag:$0x1] =	stream.indirect.gather [hbm4b:s3+s8], $0x20, s21, s8, $0xb8;
	v63 =	vld [tilespmem:$0x0]  }
0x1d3: {  	s24 =	sadd.s32 $0x6C8, s19  }
0x1d4: {  	[tilespmem:s23], [sflag:$0x1] =	stream.indirect.gather [hbm4b:s3+s8], $0x20, s24, s8, $0xb8;
	v63 =	vld [tilespmem:$0x0]  }
0x1d5: {  	_ =	swait.ge [sflag:s10], $0x640  }
0x1d6: {  	[sflag:s10] =	ssyncset.done $0x0  }
0x1d7: {  	[sflag:s10] =	ssyncadd.s32 $0xFFFFF9C0  }
0x1d8: {  	_ =	swait.ge [sflag:s10], $0x640  }
0x1d9: {  	[sflag:s10] =	ssyncset.done $0x0  }
0x1da: {  	[sflag:s10] =	ssyncadd.s32 $0xFFFFF9C0  }
0x1db: {  	_ =	swait.ge [sflag:s10], $0x640  }
0x1dc: {  	[sflag:s10] =	ssyncset.done $0x0  }
0x1dd: {  	[sflag:s10] =	ssyncadd.s32 $0xFFFFF9C0  }
0x1de: {  	_ =	swait.ge [sflag:s10], $0x640  }
0x1df: {  	[sflag:s10] =	ssyncset.done $0x0  }
0x1e0: {  	[sflag:s10] =	ssyncadd.s32 $0xFFFFF9C0  }
0x1e1: {  	_ =	swait.ge [sflag:s10], $0x640  }
0x1e2: {  	[sflag:s10] =	ssyncset.done $0x0  }
0x1e3: {  	[sflag:s10] =	ssyncadd.s32 $0xFFFFF9C0  }
0x1e4: {  	_ =	swait.ge [sflag:s10], $0x640  }
0x1e5: {  	[sflag:s10] =	ssyncset.done $0x0  }
0x1e6: {  	[sflag:s10] =	ssyncadd.s32 $0xFFFFF9C0  }
0x1e7: {  	_ =	swait.ge [sflag:s10], $0x640  }
0x1e8: {  	[sflag:s10] =	ssyncset.done $0x0  }
0x1e9: {  	[sflag:s10] =	ssyncadd.s32 $0xFFFFF9C0  }
0x1ea: {  	_ =	swait.ge [sflag:s10], $0x640  }
0x1eb: {  	[sflag:s10] =	ssyncset.done $0x0  }
0x1ec: {  	[sflag:s10] =	ssyncadd.s32 $0xFFFFF9C0  }
0x1ed: {  	_ =	swait.ge [sflag:s10], $0x640  }
0x1ee: {  	[sflag:s10] =	ssyncset.done $0x0  }
0x1ef: {  	[sflag:s10] =	ssyncadd.s32 $0xFFFFF9C0  }
0x1f0: {  	_ =	swait.ge [sflag:s10], $0x640  }
0x1f1: {  	[sflag:s10] =	ssyncset.done $0x0  }
0x1f2: {  	[sflag:s10] =	ssyncadd.s32 $0xFFFFF9C0  }
0x1f3: {  	_ =	swait.ge [sflag:s10], $0x640  }
0x1f4: {  	[sflag:s10] =	ssyncset.done $0x0  }
0x1f5: {  	[sflag:s10] =	ssyncadd.s32 $0xFFFFF9C0  }
0x1f6: {  	_ =	swait.ge [sflag:s10], $0x640  }
0x1f7: {  	[sflag:s10] =	ssyncset.done $0x0  }
0x1f8: {  	[sflag:s10] =	ssyncadd.s32 $0xFFFFF9C0  }
0x1f9: {  	_ =	swait.ge [sflag:s10], $0x640  }
0x1fa: {  	[sflag:s10] =	ssyncset.done $0x0  }
0x1fb: {  	[sflag:s10] =	ssyncadd.s32 $0xFFFFF9C0  }
0x1fc: {  	_ =	swait.ge [sflag:s10], $0x640  }
0x1fd: {  	[sflag:s10] =	ssyncset.done $0x0  }
0x1fe: {  	[sflag:s10] =	ssyncadd.s32 $0xFFFFF9C0  }
0x1ff: {  	_ =	swait.ge [sflag:s10], $0x640  }
0x200: {  	[sflag:s10] =	ssyncset.done $0x0  }
0x201: {  	[sflag:s10] =	ssyncadd.s32 $0xFFFFF9C0  }
0x202: {  	_ =	swait.ge [sflag:s10], $0x640  }
0x203: {  	[sflag:s10] =	ssyncset.done $0x0  }
0x204: {  	[sflag:s10] =	ssyncadd.s32 $0xFFFFF9C0  }
0x205: {  	_ =	swait.ge [sflag:s10], $0x640  }
0x206: {  	[sflag:s10] =	ssyncset.done $0x0  }
0x207: {  	[sflag:s10] =	ssyncadd.s32 $0xFFFFF9C0  }
0x208: {  	_ =	swait.ge [sflag:s10], $0x640  }
0x209: {  	[sflag:s10] =	ssyncset.done $0x0  }
0x20a: {  	[sflag:s10] =	ssyncadd.s32 $0xFFFFF9C0  }
0x20b: {  	_ =	swait.ge [sflag:s10], $0x640  }
0x20c: {  	[sflag:s10] =	ssyncset.done $0x0  }
0x20d: {  	[sflag:s10] =	ssyncadd.s32 $0xFFFFF9C0  }
0x20e: {  	_ =	swait.ge [sflag:s10], $0x640  }
0x20f: {  	[sflag:s10] =	ssyncset.done $0x0  }
0x210: {  	[sflag:s10] =	ssyncadd.s32 $0xFFFFF9C0  }
0x211: {  	_ =	swait.ge [sflag:s10], $0x640  }
0x212: {  	[sflag:s10] =	ssyncset.done $0x0  }
0x213: {  	[sflag:s10] =	ssyncadd.s32 $0xFFFFF9C0  }
0x214: {  	_ =	swait.ge [sflag:s10], $0x640  }
0x215: {  	[sflag:s10] =	ssyncset.done $0x0  }
0x216: {  	[sflag:s10] =	ssyncadd.s32 $0xFFFFF9C0  }
0x217: {  	_ =	swait.ge [sflag:s10], $0x640  }
0x218: {  	[sflag:s10] =	ssyncset.done $0x0  }
0x219: {  	[sflag:s10] =	ssyncadd.s32 $0xFFFFF9C0  }
0x21a: {  	_ =	swait.ge [sflag:s10], $0x640  }
0x21b: {  	[sflag:s10] =	ssyncset.done $0x0  }
0x21c: {  	[sflag:s10] =	ssyncadd.s32 $0xFFFFF9C0  }
0x21d: {  	_ =	swait.ge [sflag:s10], $0x640  }
0x21e: {  	[sflag:s10] =	ssyncset.done $0x0  }
0x21f: {  	[sflag:s10] =	ssyncadd.s32 $0xFFFFF9C0  }
0x220: {  	_ =	swait.ge [sflag:s10], $0x640  }
0x221: {  	[sflag:s10] =	ssyncset.done $0x0  }
0x222: {  	[sflag:s10] =	ssyncadd.s32 $0xFFFFF9C0  }
0x223: {  	_ =	swait.ge [sflag:s10], $0x640  }
0x224: {  	[sflag:s10] =	ssyncset.done $0x0  }
0x225: {  	[sflag:s10] =	ssyncadd.s32 $0xFFFFF9C0  }
0x226: {  	_ =	swait.ge [sflag:s10], $0x640  }
0x227: {  	[sflag:s10] =	ssyncset.done $0x0  }
0x228: {  	[sflag:s10] =	ssyncadd.s32 $0xFFFFF9C0  }
0x229: {  	_ =	swait.ge [sflag:s10], $0x640  }
0x22a: {  	[sflag:s10] =	ssyncset.done $0x0  }
0x22b: {  	[sflag:s10] =	ssyncadd.s32 $0xFFFFF9C0  }
0x22c: {  	_ =	swait.ge [sflag:s10], $0x640  }
0x22d: {  	[sflag:s10] =	ssyncset.done $0x0  }
0x22e: {  	[sflag:s10] =	ssyncadd.s32 $0xFFFFF9C0  }
0x22f: {  	_ =	swait.ge [sflag:s10], $0x640  }
0x230: {  	[sflag:s10] =	ssyncset.done $0x0  }
0x231: {  	[sflag:s10] =	ssyncadd.s32 $0xFFFFF9C0  }
0x232: {  	_ =	swait.ge [sflag:s10], $0x640  }
0x233: {  	[sflag:s10] =	ssyncset.done $0x0  }
0x234: {  	s20 =	simm.s32 @!p1 $0x3;
	[sflag:s10] =	ssyncadd.s32 $0xFFFFF9C0  }
0x235: {  	[hbm4b:s15+s1] =	stream.linear.scatter [tilespmem:s9], [sflag:$0x2], $0xC800, $0x38;
	v63 =	vld [tilespmem:$0x0]  }
0x236: {  	_ =	swait.ge @!p1 [sflag:s20], $0xC800  }
0x237: {  	[sflag:s20] =	ssyncset.done @!p1 $0x0  }
0x238: {  	s25 =	sadd.s32 $0x700, s19;
	s26 =	sld [smem:$0x7DF];
	[sflag:s20] =	ssyncadd.s32 @!p1 $0xFFFF3800  }
0x239: {  	[tilespmem:s11], [sflag:$0x1] =	stream.indirect.gather [hbm4b:s3+s8], $0x20, s25, s8, $0xb8;
	v63 =	vld [tilespmem:$0x0]  }
0x23a: {  	s28 =	sadd.s32 $0x738, s19;
	s29 =	sld [smem:$0x7E0]  }
0x23b: {  	[tilespmem:s26], [sflag:$0x1] =	stream.indirect.gather [hbm4b:s3+s8], $0x20, s28, s8, $0xb8;
	v63 =	vld [tilespmem:$0x0]  }
0x23c: {  	s30 =	sadd.s32 $0x770, s19;
	s31 =	sld [smem:$0x7E1]  }
0x23d: {  	[tilespmem:s29], [sflag:$0x1] =	stream.indirect.gather [hbm4b:s3+s8], $0x20, s30, s8, $0xb8;
	v63 =	vld [tilespmem:$0x0]  }
0x23e: {  	s23 =	sadd.s32 $0x7A8, s19;
	s24 =	sld [smem:$0x7E2]  }
0x23f: {  	[tilespmem:s31], [sflag:$0x1] =	stream.indirect.gather [hbm4b:s3+s8], $0x20, s23, s8, $0xb8;
	v63 =	vld [tilespmem:$0x0]  }
0x240: {  	s25 =	sadd.s32 $0x7E0, s19;
	s26 =	sld [smem:$0x7E3]  }
0x241: {  	[tilespmem:s24], [sflag:$0x1] =	stream.indirect.gather [hbm4b:s3+s8], $0x20, s25, s8, $0xb8;
	v63 =	vld [tilespmem:$0x0]  }
0x242: {  	s28 =	sadd.s32 $0x818, s19;
	s29 =	sld [smem:$0x7E4]  }
0x243: {  	[tilespmem:s26], [sflag:$0x1] =	stream.indirect.gather [hbm4b:s3+s8], $0x20, s28, s8, $0xb8;
	v63 =	vld [tilespmem:$0x0]  }
0x244: {  	s30 =	sadd.s32 $0x850, s19;
	s31 =	sld [smem:$0x7E5]  }
0x245: {  	[tilespmem:s29], [sflag:$0x1] =	stream.indirect.gather [hbm4b:s3+s8], $0x20, s30, s8, $0xb8;
	v63 =	vld [tilespmem:$0x0]  }
0x246: {  	s23 =	sadd.s32 $0x888, s19;
	s24 =	sld [smem:$0x7E6]  }
0x247: {  	[tilespmem:s31], [sflag:$0x1] =	stream.indirect.gather [hbm4b:s3+s8], $0x20, s23, s8, $0xb8;
	v63 =	vld [tilespmem:$0x0]  }
0x248: {  	s25 =	sadd.s32 $0x8C0, s19;
	s26 =	sld [smem:$0x7E7]  }
0x249: {  	[tilespmem:s24], [sflag:$0x1] =	stream.indirect.gather [hbm4b:s3+s8], $0x20, s25, s8, $0xb8;
	v63 =	vld [tilespmem:$0x0]  }
0x24a: {  	s28 =	sadd.s32 $0x8F8, s19;
	s29 =	sld [smem:$0x7E8]  }
0x24b: {  	[tilespmem:s26], [sflag:$0x1] =	stream.indirect.gather [hbm4b:s3+s8], $0x20, s28, s8, $0xb8;
	v63 =	vld [tilespmem:$0x0]  }
0x24c: {  	s30 =	sadd.s32 $0x930, s19;
	s31 =	sld [smem:$0x7E9]  }
0x24d: {  	[tilespmem:s29], [sflag:$0x1] =	stream.indirect.gather [hbm4b:s3+s8], $0x20, s30, s8, $0xb8;
	v63 =	vld [tilespmem:$0x0]  }
0x24e: {  	s23 =	sadd.s32 $0x968, s19;
	s24 =	sld [smem:$0x7EA]  }
0x24f: {  	[tilespmem:s31], [sflag:$0x1] =	stream.indirect.gather [hbm4b:s3+s8], $0x20, s23, s8, $0xb8;
	v63 =	vld [tilespmem:$0x0]  }
0x250: {  	s25 =	sadd.s32 $0x9A0, s19;
	s26 =	sld [smem:$0x7EB]  }
0x251: {  	[tilespmem:s24], [sflag:$0x1] =	stream.indirect.gather [hbm4b:s3+s8], $0x20, s25, s8, $0xb8;
	v63 =	vld [tilespmem:$0x0]  }
0x252: {  	s28 =	sadd.s32 $0x9D8, s19;
	s29 =	sld [smem:$0x7EC]  }
0x253: {  	[tilespmem:s26], [sflag:$0x1] =	stream.indirect.gather [hbm4b:s3+s8], $0x20, s28, s8, $0xb8;
	v63 =	vld [tilespmem:$0x0]  }
0x254: {  	s30 =	sadd.s32 $0xA10, s19;
	s31 =	sld [smem:$0x7ED]  }
0x255: {  	[tilespmem:s29], [sflag:$0x1] =	stream.indirect.gather [hbm4b:s3+s8], $0x20, s30, s8, $0xb8;
	v63 =	vld [tilespmem:$0x0]  }
0x256: {  	s23 =	sadd.s32 $0xA48, s19;
	s24 =	sld [smem:$0x7EE]  }
0x257: {  	[tilespmem:s31], [sflag:$0x1] =	stream.indirect.gather [hbm4b:s3+s8], $0x20, s23, s8, $0xb8;
	v63 =	vld [tilespmem:$0x0]  }
0x258: {  	s25 =	sadd.s32 $0xA80, s19;
	s26 =	sld [smem:$0x7EF]  }
0x259: {  	[tilespmem:s24], [sflag:$0x1] =	stream.indirect.gather [hbm4b:s3+s8], $0x20, s25, s8, $0xb8;
	v63 =	vld [tilespmem:$0x0]  }
0x25a: {  	s28 =	sadd.s32 $0xAB8, s19;
	s29 =	sld [smem:$0x7F0]  }
0x25b: {  	[tilespmem:s26], [sflag:$0x1] =	stream.indirect.gather [hbm4b:s3+s8], $0x20, s28, s8, $0xb8;
	v63 =	vld [tilespmem:$0x0]  }
0x25c: {  	s30 =	sadd.s32 $0xAF0, s19;
	s31 =	sld [smem:$0x7F1]  }
0x25d: {  	[tilespmem:s29], [sflag:$0x1] =	stream.indirect.gather [hbm4b:s3+s8], $0x20, s30, s8, $0xb8;
	v63 =	vld [tilespmem:$0x0]  }
0x25e: {  	s23 =	sadd.s32 $0xB28, s19;
	s24 =	sld [smem:$0x7F2]  }
0x25f: {  	[tilespmem:s31], [sflag:$0x1] =	stream.indirect.gather [hbm4b:s3+s8], $0x20, s23, s8, $0xb8;
	v63 =	vld [tilespmem:$0x0]  }
0x260: {  	s25 =	sadd.s32 $0xB60, s19;
	s26 =	sld [smem:$0x7F3]  }
0x261: {  	[tilespmem:s24], [sflag:$0x1] =	stream.indirect.gather [hbm4b:s3+s8], $0x20, s25, s8, $0xb8;
	v63 =	vld [tilespmem:$0x0]  }
0x262: {  	s28 =	sadd.s32 $0xB98, s19;
	s29 =	sld [smem:$0x7F4]  }
0x263: {  	[tilespmem:s26], [sflag:$0x1] =	stream.indirect.gather [hbm4b:s3+s8], $0x20, s28, s8, $0xb8;
	v63 =	vld [tilespmem:$0x0]  }
0x264: {  	s30 =	sadd.s32 $0xBD0, s19;
	s31 =	sld [smem:$0x7F5]  }
0x265: {  	[tilespmem:s29], [sflag:$0x1] =	stream.indirect.gather [hbm4b:s3+s8], $0x20, s30, s8, $0xb8;
	v63 =	vld [tilespmem:$0x0]  }
0x266: {  	s23 =	sadd.s32 $0xC08, s19;
	s24 =	sld [smem:$0x7F6]  }
0x267: {  	[tilespmem:s31], [sflag:$0x1] =	stream.indirect.gather [hbm4b:s3+s8], $0x20, s23, s8, $0xb8;
	v63 =	vld [tilespmem:$0x0]  }
0x268: {  	s25 =	sadd.s32 $0xC40, s19;
	s26 =	sld [smem:$0x7F7]  }
0x269: {  	[tilespmem:s24], [sflag:$0x1] =	stream.indirect.gather [hbm4b:s3+s8], $0x20, s25, s8, $0xb8;
	v63 =	vld [tilespmem:$0x0]  }
0x26a: {  	s28 =	sadd.s32 $0xC78, s19;
	s29 =	sld [smem:$0x7F8]  }
0x26b: {  	[tilespmem:s26], [sflag:$0x1] =	stream.indirect.gather [hbm4b:s3+s8], $0x20, s28, s8, $0xb8;
	v63 =	vld [tilespmem:$0x0]  }
0x26c: {  	s30 =	sadd.s32 $0xCB0, s19;
	s31 =	sld [smem:$0x7F9]  }
0x26d: {  	[tilespmem:s29], [sflag:$0x1] =	stream.indirect.gather [hbm4b:s3+s8], $0x20, s30, s8, $0xb8;
	v63 =	vld [tilespmem:$0x0]  }
0x26e: {  	s23 =	sadd.s32 $0xCE8, s19;
	s24 =	sld [smem:$0x7FA]  }
0x26f: {  	[tilespmem:s31], [sflag:$0x1] =	stream.indirect.gather [hbm4b:s3+s8], $0x20, s23, s8, $0xb8;
	v63 =	vld [tilespmem:$0x0]  }
0x270: {  	s25 =	sadd.s32 $0xD20, s19;
	s26 =	sld [smem:$0x7FB]  }
0x271: {  	[tilespmem:s24], [sflag:$0x1] =	stream.indirect.gather [hbm4b:s3+s8], $0x20, s25, s8, $0xb8;
	v63 =	vld [tilespmem:$0x0]  }
0x272: {  	s28 =	sadd.s32 $0xD58, s19;
	s29 =	sld [smem:$0x7FC]  }
0x273: {  	[tilespmem:s26], [sflag:$0x1] =	stream.indirect.gather [hbm4b:s3+s8], $0x20, s28, s8, $0xb8;
	v63 =	vld [tilespmem:$0x0]  }
0x274: {  	s30 =	sadd.s32 $0xD90, s19;
	s31 =	sld [smem:$0x7FD]  }
0x275: {  	[tilespmem:s29], [sflag:$0x1] =	stream.indirect.gather [hbm4b:s3+s8], $0x20, s30, s8, $0xb8;
	v63 =	vld [tilespmem:$0x0]  }
0x276: {  	s19 =	sadd.s32 $0xDC8, s19  }
0x277: {  	[tilespmem:s31], [sflag:$0x1] =	stream.indirect.gather [hbm4b:s3+s8], $0x20, s19, s8, $0xb8;
	v63 =	vld [tilespmem:$0x0]  }
0x278: {  	_ =	swait.ge [sflag:s10], $0x640  }
0x279: {  	[sflag:s10] =	ssyncset.done $0x0  }
0x27a: {  	[sflag:s10] =	ssyncadd.s32 $0xFFFFF9C0  }
0x27b: {  	_ =	swait.ge [sflag:s10], $0x640  }
0x27c: {  	[sflag:s10] =	ssyncset.done $0x0  }
0x27d: {  	[sflag:s10] =	ssyncadd.s32 $0xFFFFF9C0  }
0x27e: {  	_ =	swait.ge [sflag:s10], $0x640  }
0x27f: {  	[sflag:s10] =	ssyncset.done $0x0  }
0x280: {  	[sflag:s10] =	ssyncadd.s32 $0xFFFFF9C0  }
0x281: {  	_ =	swait.ge [sflag:s10], $0x640  }
0x282: {  	[sflag:s10] =	ssyncset.done $0x0  }
0x283: {  	[sflag:s10] =	ssyncadd.s32 $0xFFFFF9C0  }
0x284: {  	_ =	swait.ge [sflag:s10], $0x640  }
0x285: {  	[sflag:s10] =	ssyncset.done $0x0  }
0x286: {  	[sflag:s10] =	ssyncadd.s32 $0xFFFFF9C0  }
0x287: {  	_ =	swait.ge [sflag:s10], $0x640  }
0x288: {  	[sflag:s10] =	ssyncset.done $0x0  }
0x289: {  	[sflag:s10] =	ssyncadd.s32 $0xFFFFF9C0  }
0x28a: {  	_ =	swait.ge [sflag:s10], $0x640  }
0x28b: {  	[sflag:s10] =	ssyncset.done $0x0  }
0x28c: {  	[sflag:s10] =	ssyncadd.s32 $0xFFFFF9C0  }
0x28d: {  	_ =	swait.ge [sflag:s10], $0x640  }
0x28e: {  	[sflag:s10] =	ssyncset.done $0x0  }
0x28f: {  	[sflag:s10] =	ssyncadd.s32 $0xFFFFF9C0  }
0x290: {  	_ =	swait.ge [sflag:s10], $0x640  }
0x291: {  	[sflag:s10] =	ssyncset.done $0x0  }
0x292: {  	[sflag:s10] =	ssyncadd.s32 $0xFFFFF9C0  }
0x293: {  	_ =	swait.ge [sflag:s10], $0x640  }
0x294: {  	[sflag:s10] =	ssyncset.done $0x0  }
0x295: {  	[sflag:s10] =	ssyncadd.s32 $0xFFFFF9C0  }
0x296: {  	_ =	swait.ge [sflag:s10], $0x640  }
0x297: {  	[sflag:s10] =	ssyncset.done $0x0  }
0x298: {  	[sflag:s10] =	ssyncadd.s32 $0xFFFFF9C0  }
0x299: {  	_ =	swait.ge [sflag:s10], $0x640  }
0x29a: {  	[sflag:s10] =	ssyncset.done $0x0  }
0x29b: {  	[sflag:s10] =	ssyncadd.s32 $0xFFFFF9C0  }
0x29c: {  	_ =	swait.ge [sflag:s10], $0x640  }
0x29d: {  	[sflag:s10] =	ssyncset.done $0x0  }
0x29e: {  	[sflag:s10] =	ssyncadd.s32 $0xFFFFF9C0  }
0x29f: {  	_ =	swait.ge [sflag:s10], $0x640  }
0x2a0: {  	[sflag:s10] =	ssyncset.done $0x0  }
0x2a1: {  	[sflag:s10] =	ssyncadd.s32 $0xFFFFF9C0  }
0x2a2: {  	_ =	swait.ge [sflag:s10], $0x640  }
0x2a3: {  	[sflag:s10] =	ssyncset.done $0x0  }
0x2a4: {  	[sflag:s10] =	ssyncadd.s32 $0xFFFFF9C0  }
0x2a5: {  	_ =	swait.ge [sflag:s10], $0x640  }
0x2a6: {  	[sflag:s10] =	ssyncset.done $0x0  }
0x2a7: {  	[sflag:s10] =	ssyncadd.s32 $0xFFFFF9C0  }
0x2a8: {  	_ =	swait.ge [sflag:s10], $0x640  }
0x2a9: {  	[sflag:s10] =	ssyncset.done $0x0  }
0x2aa: {  	[sflag:s10] =	ssyncadd.s32 $0xFFFFF9C0  }
0x2ab: {  	_ =	swait.ge [sflag:s10], $0x640  }
0x2ac: {  	[sflag:s10] =	ssyncset.done $0x0  }
0x2ad: {  	[sflag:s10] =	ssyncadd.s32 $0xFFFFF9C0  }
0x2ae: {  	_ =	swait.ge [sflag:s10], $0x640  }
0x2af: {  	[sflag:s10] =	ssyncset.done $0x0  }
0x2b0: {  	[sflag:s10] =	ssyncadd.s32 $0xFFFFF9C0  }
0x2b1: {  	_ =	swait.ge [sflag:s10], $0x640  }
0x2b2: {  	[sflag:s10] =	ssyncset.done $0x0  }
0x2b3: {  	[sflag:s10] =	ssyncadd.s32 $0xFFFFF9C0  }
0x2b4: {  	_ =	swait.ge [sflag:s10], $0x640  }
0x2b5: {  	[sflag:s10] =	ssyncset.done $0x0  }
0x2b6: {  	[sflag:s10] =	ssyncadd.s32 $0xFFFFF9C0  }
0x2b7: {  	_ =	swait.ge [sflag:s10], $0x640  }
0x2b8: {  	[sflag:s10] =	ssyncset.done $0x0  }
0x2b9: {  	[sflag:s10] =	ssyncadd.s32 $0xFFFFF9C0  }
0x2ba: {  	_ =	swait.ge [sflag:s10], $0x640  }
0x2bb: {  	[sflag:s10] =	ssyncset.done $0x0  }
0x2bc: {  	[sflag:s10] =	ssyncadd.s32 $0xFFFFF9C0  }
0x2bd: {  	_ =	swait.ge [sflag:s10], $0x640  }
0x2be: {  	[sflag:s10] =	ssyncset.done $0x0  }
0x2bf: {  	[sflag:s10] =	ssyncadd.s32 $0xFFFFF9C0  }
0x2c0: {  	_ =	swait.ge [sflag:s10], $0x640  }
0x2c1: {  	[sflag:s10] =	ssyncset.done $0x0  }
0x2c2: {  	[sflag:s10] =	ssyncadd.s32 $0xFFFFF9C0  }
0x2c3: {  	_ =	swait.ge [sflag:s10], $0x640  }
0x2c4: {  	[sflag:s10] =	ssyncset.done $0x0  }
0x2c5: {  	[sflag:s10] =	ssyncadd.s32 $0xFFFFF9C0  }
0x2c6: {  	_ =	swait.ge [sflag:s10], $0x640  }
0x2c7: {  	[sflag:s10] =	ssyncset.done $0x0  }
0x2c8: {  	[sflag:s10] =	ssyncadd.s32 $0xFFFFF9C0  }
0x2c9: {  	_ =	swait.ge [sflag:s10], $0x640  }
0x2ca: {  	[sflag:s10] =	ssyncset.done $0x0  }
0x2cb: {  	[sflag:s10] =	ssyncadd.s32 $0xFFFFF9C0  }
0x2cc: {  	_ =	swait.ge [sflag:s10], $0x640  }
0x2cd: {  	[sflag:s10] =	ssyncset.done $0x0  }
0x2ce: {  	[sflag:s10] =	ssyncadd.s32 $0xFFFFF9C0  }
0x2cf: {  	_ =	swait.ge [sflag:s10], $0x640  }
0x2d0: {  	s17 =	sadd.s32 $0x3800, s17;
	[sflag:s10] =	ssyncset.done $0x0  }
0x2d1: {  	p0 =	sne.s32 s17, $0x1C000;
	[sflag:s10] =	ssyncadd.s32 $0xFFFFF9C0  }
.Ltmp0:
0x2d2: {  	_ =	swait.ge [sflag:s10], $0x640;
	(pc) =	sbr.rel @p0 .LBB2_2-.Ltmp0, $4  }
0x2d3: {  	[sflag:s10] =	ssyncset.done $0x0  }
0x2d4: {  	[sflag:s10] =	ssyncadd.s32 $0xFFFFF9C0  }
0x2d5: {  	s18 =	smov.u32 s15;
	s15 =	sadd.s32 $0x3200, s15;
	_ =	swait.ge [sflag:s10], $0x640  }
0x2d6: {  	p1 =	seq.s32 s16, $0x0;
	s19 =	sadd.s32 $0x1900, s18;
	[sflag:s10] =	ssyncset.done $0x0  }
0x2d7: {  	s17 =	simm.s32 @!p1 $0x2;
	[sflag:s10] =	ssyncadd.s32 $0xFFFFF9C0  }
0x2d8: {  	[hbm4b:s19+s1] =	stream.linear.scatter [tilespmem:s11], [sflag:$0x3], $0xC800, $0x38;
	v63 =	vld [tilespmem:$0x0]  }
0x2d9: {  	_ =	swait.ge @!p1 [sflag:s17], $0xC800  }
0x2da: {  	[sflag:s17] =	ssyncset.done @!p1 $0x0  }
0x2db: {  	s16 =	sshra.s32 s16, $0x2;
	s25 =	rddreg [dreg:$0x3];
	[sflag:s17] =	ssyncadd.s32 @!p1 $0xFFFF3800  }
0x2dc: {  	[tilespmem:s9], [sflag:$0x1] =	stream.indirect.gather [hbm4b:s3+s8], $0x20, s16, s8, $0xb8;
	v63 =	vld [tilespmem:$0x0]  }
0x2dd: {  	s18 =	sadd.s32 $0x38, s16;
	s26 =	rddreg [dreg:$0x4]  }
0x2de: {  	[tilespmem:s25], [sflag:$0x1] =	stream.indirect.gather [hbm4b:s3+s8], $0x20, s18, s8, $0xb8;
	v63 =	vld [tilespmem:$0x0]  }
0x2df: {  	s28 =	sadd.s32 $0x70, s16;
	s29 =	rddreg [dreg:$0x5]  }
0x2e0: {  	[tilespmem:s26], [sflag:$0x1] =	stream.indirect.gather [hbm4b:s3+s8], $0x20, s28, s8, $0xb8;
	v63 =	vld [tilespmem:$0x0]  }
0x2e1: {  	s30 =	sadd.s32 $0xA8, s16;
	s31 =	rddreg [dreg:$0x6]  }
0x2e2: {  	[tilespmem:s29], [sflag:$0x1] =	stream.indirect.gather [hbm4b:s3+s8], $0x20, s30, s8, $0xb8;
	v63 =	vld [tilespmem:$0x0]  }
0x2e3: {  	s20 =	rddreg [dreg:$0x7];
	s18 =	sadd.s32 $0xE0, s16  }
0x2e4: {  	[tilespmem:s31], [sflag:$0x1] =	stream.indirect.gather [hbm4b:s3+s8], $0x20, s18, s8, $0xb8;
	v63 =	vld [tilespmem:$0x0]  }
0x2e5: {  	s21 =	sadd.s32 $0x118, s16;
	s22 =	rddreg [dreg:$0x8]  }
0x2e6: {  	[tilespmem:s20], [sflag:$0x1] =	stream.indirect.gather [hbm4b:s3+s8], $0x20, s21, s8, $0xb8;
	v63 =	vld [tilespmem:$0x0]  }
0x2e7: {  	s23 =	sadd.s32 $0x150, s16;
	s24 =	rddreg [dreg:$0x9]  }
0x2e8: {  	[tilespmem:s22], [sflag:$0x1] =	stream.indirect.gather [hbm4b:s3+s8], $0x20, s23, s8, $0xb8;
	v63 =	vld [tilespmem:$0x0]  }
0x2e9: {  	s25 =	sadd.s32 $0x188, s16;
	s26 =	rddreg [dreg:$0xa]  }
0x2ea: {  	[tilespmem:s24], [sflag:$0x1] =	stream.indirect.gather [hbm4b:s3+s8], $0x20, s25, s8, $0xb8;
	v63 =	vld [tilespmem:$0x0]  }
0x2eb: {  	s28 =	sadd.s32 $0x1C0, s16;
	s29 =	rddreg [dreg:$0xb]  }
0x2ec: {  	[tilespmem:s26], [sflag:$0x1] =	stream.indirect.gather [hbm4b:s3+s8], $0x20, s28, s8, $0xb8;
	v63 =	vld [tilespmem:$0x0]  }
0x2ed: {  	s30 =	sadd.s32 $0x1F8, s16;
	s31 =	rddreg [dreg:$0xc]  }
0x2ee: {  	[tilespmem:s29], [sflag:$0x1] =	stream.indirect.gather [hbm4b:s3+s8], $0x20, s30, s8, $0xb8;
	v63 =	vld [tilespmem:$0x0]  }
0x2ef: {  	s18 =	sadd.s32 $0x230, s16;
	s20 =	rddreg [dreg:$0xd]  }
0x2f0: {  	[tilespmem:s31], [sflag:$0x1] =	stream.indirect.gather [hbm4b:s3+s8], $0x20, s18, s8, $0xb8;
	v63 =	vld [tilespmem:$0x0]  }
0x2f1: {  	s21 =	sadd.s32 $0x268, s16;
	s22 =	rddreg [dreg:$0xe]  }
0x2f2: {  	[tilespmem:s20], [sflag:$0x1] =	stream.indirect.gather [hbm4b:s3+s8], $0x20, s21, s8, $0xb8;
	v63 =	vld [tilespmem:$0x0]  }
0x2f3: {  	s23 =	sadd.s32 $0x2A0, s16;
	s24 =	rddreg [dreg:$0xf]  }
0x2f4: {  	[tilespmem:s22], [sflag:$0x1] =	stream.indirect.gather [hbm4b:s3+s8], $0x20, s23, s8, $0xb8;
	v63 =	vld [tilespmem:$0x0]  }
0x2f5: {  	s25 =	sadd.s32 $0x2D8, s16;
	s26 =	rddreg [dreg:$0x10]  }
0x2f6: {  	[tilespmem:s24], [sflag:$0x1] =	stream.indirect.gather [hbm4b:s3+s8], $0x20, s25, s8, $0xb8;
	v63 =	vld [tilespmem:$0x0]  }
0x2f7: {  	s28 =	sadd.s32 $0x310, s16;
	s29 =	rddreg [dreg:$0x11]  }
0x2f8: {  	[tilespmem:s26], [sflag:$0x1] =	stream.indirect.gather [hbm4b:s3+s8], $0x20, s28, s8, $0xb8;
	v63 =	vld [tilespmem:$0x0]  }
0x2f9: {  	s30 =	sadd.s32 $0x348, s16;
	s31 =	rddreg [dreg:$0x12]  }
0x2fa: {  	[tilespmem:s29], [sflag:$0x1] =	stream.indirect.gather [hbm4b:s3+s8], $0x20, s30, s8, $0xb8;
	v63 =	vld [tilespmem:$0x0]  }
0x2fb: {  	s18 =	sadd.s32 $0x380, s16;
	s20 =	rddreg [dreg:$0x13]  }
0x2fc: {  	[tilespmem:s31], [sflag:$0x1] =	stream.indirect.gather [hbm4b:s3+s8], $0x20, s18, s8, $0xb8;
	v63 =	vld [tilespmem:$0x0]  }
0x2fd: {  	s21 =	sadd.s32 $0x3B8, s16;
	s22 =	rddreg [dreg:$0x14]  }
0x2fe: {  	[tilespmem:s20], [sflag:$0x1] =	stream.indirect.gather [hbm4b:s3+s8], $0x20, s21, s8, $0xb8;
	v63 =	vld [tilespmem:$0x0]  }
0x2ff: {  	s23 =	sadd.s32 $0x3F0, s16;
	s24 =	rddreg [dreg:$0x15]  }
0x300: {  	[tilespmem:s22], [sflag:$0x1] =	stream.indirect.gather [hbm4b:s3+s8], $0x20, s23, s8, $0xb8;
	v63 =	vld [tilespmem:$0x0]  }
0x301: {  	s25 =	sadd.s32 $0x428, s16;
	s26 =	rddreg [dreg:$0x16]  }
0x302: {  	[tilespmem:s24], [sflag:$0x1] =	stream.indirect.gather [hbm4b:s3+s8], $0x20, s25, s8, $0xb8;
	v63 =	vld [tilespmem:$0x0]  }
0x303: {  	s28 =	sadd.s32 $0x460, s16;
	s29 =	rddreg [dreg:$0x17]  }
0x304: {  	[tilespmem:s26], [sflag:$0x1] =	stream.indirect.gather [hbm4b:s3+s8], $0x20, s28, s8, $0xb8;
	v63 =	vld [tilespmem:$0x0]  }
0x305: {  	s30 =	sadd.s32 $0x498, s16;
	s31 =	rddreg [dreg:$0x18]  }
0x306: {  	[tilespmem:s29], [sflag:$0x1] =	stream.indirect.gather [hbm4b:s3+s8], $0x20, s30, s8, $0xb8;
	v63 =	vld [tilespmem:$0x0]  }
0x307: {  	s18 =	sadd.s32 $0x4D0, s16;
	s20 =	rddreg [dreg:$0x19]  }
0x308: {  	[tilespmem:s31], [sflag:$0x1] =	stream.indirect.gather [hbm4b:s3+s8], $0x20, s18, s8, $0xb8;
	v63 =	vld [tilespmem:$0x0]  }
0x309: {  	s21 =	sadd.s32 $0x508, s16;
	s22 =	rddreg [dreg:$0x1a]  }
0x30a: {  	[tilespmem:s20], [sflag:$0x1] =	stream.indirect.gather [hbm4b:s3+s8], $0x20, s21, s8, $0xb8;
	v63 =	vld [tilespmem:$0x0]  }
0x30b: {  	s23 =	sadd.s32 $0x540, s16;
	s24 =	rddreg [dreg:$0x1b]  }
0x30c: {  	[tilespmem:s22], [sflag:$0x1] =	stream.indirect.gather [hbm4b:s3+s8], $0x20, s23, s8, $0xb8;
	v63 =	vld [tilespmem:$0x0]  }
0x30d: {  	s25 =	sadd.s32 $0x578, s16;
	s26 =	rddreg [dreg:$0x1c]  }
0x30e: {  	[tilespmem:s24], [sflag:$0x1] =	stream.indirect.gather [hbm4b:s3+s8], $0x20, s25, s8, $0xb8;
	v63 =	vld [tilespmem:$0x0]  }
0x30f: {  	s28 =	sadd.s32 $0x5B0, s16;
	s29 =	rddreg [dreg:$0x1d]  }
0x310: {  	[tilespmem:s26], [sflag:$0x1] =	stream.indirect.gather [hbm4b:s3+s8], $0x20, s28, s8, $0xb8;
	v63 =	vld [tilespmem:$0x0]  }
0x311: {  	s30 =	sadd.s32 $0x5E8, s16;
	s31 =	rddreg [dreg:$0x1e]  }
0x312: {  	[tilespmem:s29], [sflag:$0x1] =	stream.indirect.gather [hbm4b:s3+s8], $0x20, s30, s8, $0xb8;
	v63 =	vld [tilespmem:$0x0]  }
0x313: {  	s20 =	sadd.s32 $0x620, s16;
	s21 =	rddreg [dreg:$0x1f]  }
0x314: {  	[tilespmem:s31], [sflag:$0x1] =	stream.indirect.gather [hbm4b:s3+s8], $0x20, s20, s8, $0xb8;
	v63 =	vld [tilespmem:$0x0]  }
0x315: {  	s22 =	sadd.s32 $0x658, s16;
	s23 =	sld [smem:$0x7DD]  }
0x316: {  	[tilespmem:s21], [sflag:$0x1] =	stream.indirect.gather [hbm4b:s3+s8], $0x20, s22, s8, $0xb8;
	v63 =	vld [tilespmem:$0x0]  }
0x317: {  	s24 =	sadd.s32 $0x690, s16;
	s25 =	sld [smem:$0x7DE]  }
0x318: {  	[tilespmem:s23], [sflag:$0x1] =	stream.indirect.gather [hbm4b:s3+s8], $0x20, s24, s8, $0xb8;
	v63 =	vld [tilespmem:$0x0]  }
0x319: {  	s26 =	sadd.s32 $0x6C8, s16  }
0x31a: {  	[tilespmem:s25], [sflag:$0x1] =	stream.indirect.gather [hbm4b:s3+s8], $0x20, s26, s8, $0xb8;
	v63 =	vld [tilespmem:$0x0]  }
0x31b: {  	_ =	swait.ge [sflag:s10], $0x640  }
0x31c: {  	[sflag:s10] =	ssyncset.done $0x0  }
0x31d: {  	[sflag:s10] =	ssyncadd.s32 $0xFFFFF9C0  }
0x31e: {  	_ =	swait.ge [sflag:s10], $0x640  }
0x31f: {  	[sflag:s10] =	ssyncset.done $0x0  }
0x320: {  	[sflag:s10] =	ssyncadd.s32 $0xFFFFF9C0  }
0x321: {  	_ =	swait.ge [sflag:s10], $0x640  }
0x322: {  	[sflag:s10] =	ssyncset.done $0x0  }
0x323: {  	[sflag:s10] =	ssyncadd.s32 $0xFFFFF9C0  }
0x324: {  	_ =	swait.ge [sflag:s10], $0x640  }
0x325: {  	[sflag:s10] =	ssyncset.done $0x0  }
0x326: {  	[sflag:s10] =	ssyncadd.s32 $0xFFFFF9C0  }
0x327: {  	_ =	swait.ge [sflag:s10], $0x640  }
0x328: {  	[sflag:s10] =	ssyncset.done $0x0  }
0x329: {  	[sflag:s10] =	ssyncadd.s32 $0xFFFFF9C0  }
0x32a: {  	_ =	swait.ge [sflag:s10], $0x640  }
0x32b: {  	[sflag:s10] =	ssyncset.done $0x0  }
0x32c: {  	[sflag:s10] =	ssyncadd.s32 $0xFFFFF9C0  }
0x32d: {  	_ =	swait.ge [sflag:s10], $0x640  }
0x32e: {  	[sflag:s10] =	ssyncset.done $0x0  }
0x32f: {  	[sflag:s10] =	ssyncadd.s32 $0xFFFFF9C0  }
0x330: {  	_ =	swait.ge [sflag:s10], $0x640  }
0x331: {  	[sflag:s10] =	ssyncset.done $0x0  }
0x332: {  	[sflag:s10] =	ssyncadd.s32 $0xFFFFF9C0  }
0x333: {  	_ =	swait.ge [sflag:s10], $0x640  }
0x334: {  	[sflag:s10] =	ssyncset.done $0x0  }
0x335: {  	[sflag:s10] =	ssyncadd.s32 $0xFFFFF9C0  }
0x336: {  	_ =	swait.ge [sflag:s10], $0x640  }
0x337: {  	[sflag:s10] =	ssyncset.done $0x0  }
0x338: {  	[sflag:s10] =	ssyncadd.s32 $0xFFFFF9C0  }
0x339: {  	_ =	swait.ge [sflag:s10], $0x640  }
0x33a: {  	[sflag:s10] =	ssyncset.done $0x0  }
0x33b: {  	[sflag:s10] =	ssyncadd.s32 $0xFFFFF9C0  }
0x33c: {  	_ =	swait.ge [sflag:s10], $0x640  }
0x33d: {  	[sflag:s10] =	ssyncset.done $0x0  }
0x33e: {  	[sflag:s10] =	ssyncadd.s32 $0xFFFFF9C0  }
0x33f: {  	_ =	swait.ge [sflag:s10], $0x640  }
0x340: {  	[sflag:s10] =	ssyncset.done $0x0  }
0x341: {  	[sflag:s10] =	ssyncadd.s32 $0xFFFFF9C0  }
0x342: {  	_ =	swait.ge [sflag:s10], $0x640  }
0x343: {  	[sflag:s10] =	ssyncset.done $0x0  }
0x344: {  	[sflag:s10] =	ssyncadd.s32 $0xFFFFF9C0  }
0x345: {  	_ =	swait.ge [sflag:s10], $0x640  }
0x346: {  	[sflag:s10] =	ssyncset.done $0x0  }
0x347: {  	[sflag:s10] =	ssyncadd.s32 $0xFFFFF9C0  }
0x348: {  	_ =	swait.ge [sflag:s10], $0x640  }
0x349: {  	[sflag:s10] =	ssyncset.done $0x0  }
0x34a: {  	[sflag:s10] =	ssyncadd.s32 $0xFFFFF9C0  }
0x34b: {  	_ =	swait.ge [sflag:s10], $0x640  }
0x34c: {  	[sflag:s10] =	ssyncset.done $0x0  }
0x34d: {  	[sflag:s10] =	ssyncadd.s32 $0xFFFFF9C0  }
0x34e: {  	_ =	swait.ge [sflag:s10], $0x640  }
0x34f: {  	[sflag:s10] =	ssyncset.done $0x0  }
0x350: {  	[sflag:s10] =	ssyncadd.s32 $0xFFFFF9C0  }
0x351: {  	_ =	swait.ge [sflag:s10], $0x640  }
0x352: {  	[sflag:s10] =	ssyncset.done $0x0  }
0x353: {  	[sflag:s10] =	ssyncadd.s32 $0xFFFFF9C0  }
0x354: {  	_ =	swait.ge [sflag:s10], $0x640  }
0x355: {  	[sflag:s10] =	ssyncset.done $0x0  }
0x356: {  	[sflag:s10] =	ssyncadd.s32 $0xFFFFF9C0  }
0x357: {  	_ =	swait.ge [sflag:s10], $0x640  }
0x358: {  	[sflag:s10] =	ssyncset.done $0x0  }
0x359: {  	[sflag:s10] =	ssyncadd.s32 $0xFFFFF9C0  }
0x35a: {  	_ =	swait.ge [sflag:s10], $0x640  }
0x35b: {  	[sflag:s10] =	ssyncset.done $0x0  }
0x35c: {  	[sflag:s10] =	ssyncadd.s32 $0xFFFFF9C0  }
0x35d: {  	_ =	swait.ge [sflag:s10], $0x640  }
0x35e: {  	[sflag:s10] =	ssyncset.done $0x0  }
0x35f: {  	[sflag:s10] =	ssyncadd.s32 $0xFFFFF9C0  }
0x360: {  	_ =	swait.ge [sflag:s10], $0x640  }
0x361: {  	[sflag:s10] =	ssyncset.done $0x0  }
0x362: {  	[sflag:s10] =	ssyncadd.s32 $0xFFFFF9C0  }
0x363: {  	_ =	swait.ge [sflag:s10], $0x640  }
0x364: {  	[sflag:s10] =	ssyncset.done $0x0  }
0x365: {  	[sflag:s10] =	ssyncadd.s32 $0xFFFFF9C0  }
0x366: {  	_ =	swait.ge [sflag:s10], $0x640  }
0x367: {  	[sflag:s10] =	ssyncset.done $0x0  }
0x368: {  	[sflag:s10] =	ssyncadd.s32 $0xFFFFF9C0  }
0x369: {  	_ =	swait.ge [sflag:s10], $0x640  }
0x36a: {  	[sflag:s10] =	ssyncset.done $0x0  }
0x36b: {  	[sflag:s10] =	ssyncadd.s32 $0xFFFFF9C0  }
0x36c: {  	_ =	swait.ge [sflag:s10], $0x640  }
0x36d: {  	[sflag:s10] =	ssyncset.done $0x0  }
0x36e: {  	[sflag:s10] =	ssyncadd.s32 $0xFFFFF9C0  }
0x36f: {  	_ =	swait.ge [sflag:s10], $0x640  }
0x370: {  	[sflag:s10] =	ssyncset.done $0x0  }
0x371: {  	[sflag:s10] =	ssyncadd.s32 $0xFFFFF9C0  }
0x372: {  	_ =	swait.ge [sflag:s10], $0x640  }
0x373: {  	[sflag:s10] =	ssyncset.done $0x0  }
0x374: {  	[sflag:s10] =	ssyncadd.s32 $0xFFFFF9C0  }
0x375: {  	_ =	swait.ge [sflag:s10], $0x640  }
0x376: {  	[sflag:s10] =	ssyncset.done $0x0  }
0x377: {  	[sflag:s10] =	ssyncadd.s32 $0xFFFFF9C0  }
0x378: {  	_ =	swait.ge [sflag:s10], $0x640  }
0x379: {  	[sflag:s10] =	ssyncset.done $0x0  }
0x37a: {  	s17 =	simm.s32 @!p1 $0x3;
	[sflag:s10] =	ssyncadd.s32 $0xFFFFF9C0  }
0x37b: {  	[hbm4b:s15+s1] =	stream.linear.scatter [tilespmem:s9], [sflag:$0x2], $0xC800, $0x38;
	v63 =	vld [tilespmem:$0x0]  }
0x37c: {  	_ =	swait.ge @!p1 [sflag:s17], $0xC800  }
0x37d: {  	[sflag:s17] =	ssyncset.done @!p1 $0x0  }
0x37e: {  	s28 =	sadd.s32 $0x700, s16;
	s29 =	sld [smem:$0x7DF];
	[sflag:s17] =	ssyncadd.s32 @!p1 $0xFFFF3800  }
0x37f: {  	[tilespmem:s11], [sflag:$0x1] =	stream.indirect.gather [hbm4b:s3+s8], $0x20, s28, s8, $0xb8;
	v63 =	vld [tilespmem:$0x0]  }
0x380: {  	s30 =	sadd.s32 $0x738, s16;
	s31 =	sld [smem:$0x7E0]  }
0x381: {  	[tilespmem:s29], [sflag:$0x1] =	stream.indirect.gather [hbm4b:s3+s8], $0x20, s30, s8, $0xb8;
	v63 =	vld [tilespmem:$0x0]  }
0x382: {  	s18 =	sadd.s32 $0x770, s16;
	s20 =	sld [smem:$0x7E1]  }
0x383: {  	[tilespmem:s31], [sflag:$0x1] =	stream.indirect.gather [hbm4b:s3+s8], $0x20, s18, s8, $0xb8;
	v63 =	vld [tilespmem:$0x0]  }
0x384: {  	s21 =	sadd.s32 $0x7A8, s16;
	s22 =	sld [smem:$0x7E2]  }
0x385: {  	[tilespmem:s20], [sflag:$0x1] =	stream.indirect.gather [hbm4b:s3+s8], $0x20, s21, s8, $0xb8;
	v63 =	vld [tilespmem:$0x0]  }
0x386: {  	s23 =	sadd.s32 $0x7E0, s16;
	s24 =	sld [smem:$0x7E3]  }
0x387: {  	[tilespmem:s22], [sflag:$0x1] =	stream.indirect.gather [hbm4b:s3+s8], $0x20, s23, s8, $0xb8;
	v63 =	vld [tilespmem:$0x0]  }
0x388: {  	s25 =	sadd.s32 $0x818, s16;
	s26 =	sld [smem:$0x7E4]  }
0x389: {  	[tilespmem:s24], [sflag:$0x1] =	stream.indirect.gather [hbm4b:s3+s8], $0x20, s25, s8, $0xb8;
	v63 =	vld [tilespmem:$0x0]  }
0x38a: {  	s28 =	sadd.s32 $0x850, s16;
	s29 =	sld [smem:$0x7E5]  }
0x38b: {  	[tilespmem:s26], [sflag:$0x1] =	stream.indirect.gather [hbm4b:s3+s8], $0x20, s28, s8, $0xb8;
	v63 =	vld [tilespmem:$0x0]  }
0x38c: {  	s30 =	sadd.s32 $0x888, s16;
	s31 =	sld [smem:$0x7E6]  }
0x38d: {  	[tilespmem:s29], [sflag:$0x1] =	stream.indirect.gather [hbm4b:s3+s8], $0x20, s30, s8, $0xb8;
	v63 =	vld [tilespmem:$0x0]  }
0x38e: {  	s18 =	sadd.s32 $0x8C0, s16;
	s20 =	sld [smem:$0x7E7]  }
0x38f: {  	[tilespmem:s31], [sflag:$0x1] =	stream.indirect.gather [hbm4b:s3+s8], $0x20, s18, s8, $0xb8;
	v63 =	vld [tilespmem:$0x0]  }
0x390: {  	s21 =	sadd.s32 $0x8F8, s16;
	s22 =	sld [smem:$0x7E8]  }
0x391: {  	[tilespmem:s20], [sflag:$0x1] =	stream.indirect.gather [hbm4b:s3+s8], $0x20, s21, s8, $0xb8;
	v63 =	vld [tilespmem:$0x0]  }
0x392: {  	s23 =	sadd.s32 $0x930, s16;
	s24 =	sld [smem:$0x7E9]  }
0x393: {  	[tilespmem:s22], [sflag:$0x1] =	stream.indirect.gather [hbm4b:s3+s8], $0x20, s23, s8, $0xb8;
	v63 =	vld [tilespmem:$0x0]  }
0x394: {  	s25 =	sadd.s32 $0x968, s16;
	s26 =	sld [smem:$0x7EA]  }
0x395: {  	[tilespmem:s24], [sflag:$0x1] =	stream.indirect.gather [hbm4b:s3+s8], $0x20, s25, s8, $0xb8;
	v63 =	vld [tilespmem:$0x0]  }
0x396: {  	s28 =	sadd.s32 $0x9A0, s16;
	s29 =	sld [smem:$0x7EB]  }
0x397: {  	[tilespmem:s26], [sflag:$0x1] =	stream.indirect.gather [hbm4b:s3+s8], $0x20, s28, s8, $0xb8;
	v63 =	vld [tilespmem:$0x0]  }
0x398: {  	s30 =	sadd.s32 $0x9D8, s16;
	s31 =	sld [smem:$0x7EC]  }
0x399: {  	[tilespmem:s29], [sflag:$0x1] =	stream.indirect.gather [hbm4b:s3+s8], $0x20, s30, s8, $0xb8;
	v63 =	vld [tilespmem:$0x0]  }
0x39a: {  	s18 =	sadd.s32 $0xA10, s16;
	s20 =	sld [smem:$0x7ED]  }
0x39b: {  	[tilespmem:s31], [sflag:$0x1] =	stream.indirect.gather [hbm4b:s3+s8], $0x20, s18, s8, $0xb8;
	v63 =	vld [tilespmem:$0x0]  }
0x39c: {  	s21 =	sadd.s32 $0xA48, s16;
	s22 =	sld [smem:$0x7EE]  }
0x39d: {  	[tilespmem:s20], [sflag:$0x1] =	stream.indirect.gather [hbm4b:s3+s8], $0x20, s21, s8, $0xb8;
	v63 =	vld [tilespmem:$0x0]  }
0x39e: {  	s23 =	sadd.s32 $0xA80, s16;
	s24 =	sld [smem:$0x7EF]  }
0x39f: {  	[tilespmem:s22], [sflag:$0x1] =	stream.indirect.gather [hbm4b:s3+s8], $0x20, s23, s8, $0xb8;
	v63 =	vld [tilespmem:$0x0]  }
0x3a0: {  	s25 =	sadd.s32 $0xAB8, s16;
	s26 =	sld [smem:$0x7F0]  }
0x3a1: {  	[tilespmem:s24], [sflag:$0x1] =	stream.indirect.gather [hbm4b:s3+s8], $0x20, s25, s8, $0xb8;
	v63 =	vld [tilespmem:$0x0]  }
0x3a2: {  	s28 =	sadd.s32 $0xAF0, s16;
	s29 =	sld [smem:$0x7F1]  }
0x3a3: {  	[tilespmem:s26], [sflag:$0x1] =	stream.indirect.gather [hbm4b:s3+s8], $0x20, s28, s8, $0xb8;
	v63 =	vld [tilespmem:$0x0]  }
0x3a4: {  	s30 =	sadd.s32 $0xB28, s16;
	s31 =	sld [smem:$0x7F2]  }
0x3a5: {  	[tilespmem:s29], [sflag:$0x1] =	stream.indirect.gather [hbm4b:s3+s8], $0x20, s30, s8, $0xb8;
	v63 =	vld [tilespmem:$0x0]  }
0x3a6: {  	s18 =	sadd.s32 $0xB60, s16;
	s20 =	sld [smem:$0x7F3]  }
0x3a7: {  	[tilespmem:s31], [sflag:$0x1] =	stream.indirect.gather [hbm4b:s3+s8], $0x20, s18, s8, $0xb8;
	v63 =	vld [tilespmem:$0x0]  }
0x3a8: {  	s21 =	sadd.s32 $0xB98, s16;
	s22 =	sld [smem:$0x7F4]  }
0x3a9: {  	[tilespmem:s20], [sflag:$0x1] =	stream.indirect.gather [hbm4b:s3+s8], $0x20, s21, s8, $0xb8;
	v63 =	vld [tilespmem:$0x0]  }
0x3aa: {  	s23 =	sadd.s32 $0xBD0, s16;
	s24 =	sld [smem:$0x7F5]  }
0x3ab: {  	[tilespmem:s22], [sflag:$0x1] =	stream.indirect.gather [hbm4b:s3+s8], $0x20, s23, s8, $0xb8;
	v63 =	vld [tilespmem:$0x0]  }
0x3ac: {  	s25 =	sadd.s32 $0xC08, s16;
	s26 =	sld [smem:$0x7F6]  }
0x3ad: {  	[tilespmem:s24], [sflag:$0x1] =	stream.indirect.gather [hbm4b:s3+s8], $0x20, s25, s8, $0xb8;
	v63 =	vld [tilespmem:$0x0]  }
0x3ae: {  	s28 =	sadd.s32 $0xC40, s16;
	s29 =	sld [smem:$0x7F7]  }
0x3af: {  	[tilespmem:s26], [sflag:$0x1] =	stream.indirect.gather [hbm4b:s3+s8], $0x20, s28, s8, $0xb8;
	v63 =	vld [tilespmem:$0x0]  }
0x3b0: {  	s30 =	sadd.s32 $0xC78, s16;
	s31 =	sld [smem:$0x7F8]  }
0x3b1: {  	[tilespmem:s29], [sflag:$0x1] =	stream.indirect.gather [hbm4b:s3+s8], $0x20, s30, s8, $0xb8;
	v63 =	vld [tilespmem:$0x0]  }
0x3b2: {  	s20 =	sadd.s32 $0xCB0, s16;
	s21 =	sld [smem:$0x7F9]  }
0x3b3: {  	[tilespmem:s31], [sflag:$0x1] =	stream.indirect.gather [hbm4b:s3+s8], $0x20, s20, s8, $0xb8;
	v63 =	vld [tilespmem:$0x0]  }
0x3b4: {  	s22 =	sadd.s32 $0xCE8, s16;
	s23 =	sld [smem:$0x7FA]  }
0x3b5: {  	[tilespmem:s21], [sflag:$0x1] =	stream.indirect.gather [hbm4b:s3+s8], $0x20, s22, s8, $0xb8;
	v63 =	vld [tilespmem:$0x0]  }
0x3b6: {  	s24 =	sadd.s32 $0xD20, s16;
	s25 =	sld [smem:$0x7FB]  }
0x3b7: {  	[tilespmem:s23], [sflag:$0x1] =	stream.indirect.gather [hbm4b:s3+s8], $0x20, s24, s8, $0xb8;
	v63 =	vld [tilespmem:$0x0]  }
0x3b8: {  	s26 =	sadd.s32 $0xD58, s16;
	s28 =	sld [smem:$0x7FC]  }
0x3b9: {  	[tilespmem:s25], [sflag:$0x1] =	stream.indirect.gather [hbm4b:s3+s8], $0x20, s26, s8, $0xb8;
	v63 =	vld [tilespmem:$0x0]  }
0x3ba: {  	s29 =	sadd.s32 $0xD90, s16;
	s30 =	sld [smem:$0x7FD]  }
0x3bb: {  	[tilespmem:s28], [sflag:$0x1] =	stream.indirect.gather [hbm4b:s3+s8], $0x20, s29, s8, $0xb8;
	v63 =	vld [tilespmem:$0x0]  }
0x3bc: {  	s16 =	sadd.s32 $0xDC8, s16  }
0x3bd: {  	[tilespmem:s30], [sflag:$0x1] =	stream.indirect.gather [hbm4b:s3+s8], $0x20, s16, s8, $0xb8;
	v63 =	vld [tilespmem:$0x0]  }
0x3be: {  	_ =	swait.ge [sflag:s10], $0x640  }
0x3bf: {  	[sflag:s10] =	ssyncset.done $0x0  }
0x3c0: {  	[sflag:s10] =	ssyncadd.s32 $0xFFFFF9C0  }
0x3c1: {  	_ =	swait.ge [sflag:s10], $0x640  }
0x3c2: {  	[sflag:s10] =	ssyncset.done $0x0  }
0x3c3: {  	[sflag:s10] =	ssyncadd.s32 $0xFFFFF9C0  }
0x3c4: {  	_ =	swait.ge [sflag:s10], $0x640  }
0x3c5: {  	[sflag:s10] =	ssyncset.done $0x0  }
0x3c6: {  	[sflag:s10] =	ssyncadd.s32 $0xFFFFF9C0  }
0x3c7: {  	_ =	swait.ge [sflag:s10], $0x640  }
0x3c8: {  	[sflag:s10] =	ssyncset.done $0x0  }
0x3c9: {  	[sflag:s10] =	ssyncadd.s32 $0xFFFFF9C0  }
0x3ca: {  	_ =	swait.ge [sflag:s10], $0x640  }
0x3cb: {  	[sflag:s10] =	ssyncset.done $0x0  }
0x3cc: {  	[sflag:s10] =	ssyncadd.s32 $0xFFFFF9C0  }
0x3cd: {  	_ =	swait.ge [sflag:s10], $0x640  }
0x3ce: {  	[sflag:s10] =	ssyncset.done $0x0  }
0x3cf: {  	[sflag:s10] =	ssyncadd.s32 $0xFFFFF9C0  }
0x3d0: {  	_ =	swait.ge [sflag:s10], $0x640  }
0x3d1: {  	[sflag:s10] =	ssyncset.done $0x0  }
0x3d2: {  	[sflag:s10] =	ssyncadd.s32 $0xFFFFF9C0  }
0x3d3: {  	_ =	swait.ge [sflag:s10], $0x640  }
0x3d4: {  	[sflag:s10] =	ssyncset.done $0x0  }
0x3d5: {  	[sflag:s10] =	ssyncadd.s32 $0xFFFFF9C0  }
0x3d6: {  	_ =	swait.ge [sflag:s10], $0x640  }
0x3d7: {  	[sflag:s10] =	ssyncset.done $0x0  }
0x3d8: {  	[sflag:s10] =	ssyncadd.s32 $0xFFFFF9C0  }
0x3d9: {  	_ =	swait.ge [sflag:s10], $0x640  }
0x3da: {  	[sflag:s10] =	ssyncset.done $0x0  }
0x3db: {  	[sflag:s10] =	ssyncadd.s32 $0xFFFFF9C0  }
0x3dc: {  	_ =	swait.ge [sflag:s10], $0x640  }
0x3dd: {  	[sflag:s10] =	ssyncset.done $0x0  }
0x3de: {  	[sflag:s10] =	ssyncadd.s32 $0xFFFFF9C0  }
0x3df: {  	_ =	swait.ge [sflag:s10], $0x640  }
0x3e0: {  	[sflag:s10] =	ssyncset.done $0x0  }
0x3e1: {  	[sflag:s10] =	ssyncadd.s32 $0xFFFFF9C0  }
0x3e2: {  	_ =	swait.ge [sflag:s10], $0x640  }
0x3e3: {  	[sflag:s10] =	ssyncset.done $0x0  }
0x3e4: {  	[sflag:s10] =	ssyncadd.s32 $0xFFFFF9C0  }
0x3e5: {  	_ =	swait.ge [sflag:s10], $0x640  }
0x3e6: {  	[sflag:s10] =	ssyncset.done $0x0  }
0x3e7: {  	[sflag:s10] =	ssyncadd.s32 $0xFFFFF9C0  }
0x3e8: {  	_ =	swait.ge [sflag:s10], $0x640  }
0x3e9: {  	[sflag:s10] =	ssyncset.done $0x0  }
0x3ea: {  	[sflag:s10] =	ssyncadd.s32 $0xFFFFF9C0  }
0x3eb: {  	_ =	swait.ge [sflag:s10], $0x640  }
0x3ec: {  	[sflag:s10] =	ssyncset.done $0x0  }
0x3ed: {  	[sflag:s10] =	ssyncadd.s32 $0xFFFFF9C0  }
0x3ee: {  	_ =	swait.ge [sflag:s10], $0x640  }
0x3ef: {  	[sflag:s10] =	ssyncset.done $0x0  }
0x3f0: {  	[sflag:s10] =	ssyncadd.s32 $0xFFFFF9C0  }
0x3f1: {  	_ =	swait.ge [sflag:s10], $0x640  }
0x3f2: {  	[sflag:s10] =	ssyncset.done $0x0  }
0x3f3: {  	[sflag:s10] =	ssyncadd.s32 $0xFFFFF9C0  }
0x3f4: {  	_ =	swait.ge [sflag:s10], $0x640  }
0x3f5: {  	[sflag:s10] =	ssyncset.done $0x0  }
0x3f6: {  	[sflag:s10] =	ssyncadd.s32 $0xFFFFF9C0  }
0x3f7: {  	_ =	swait.ge [sflag:s10], $0x640  }
0x3f8: {  	[sflag:s10] =	ssyncset.done $0x0  }
0x3f9: {  	[sflag:s10] =	ssyncadd.s32 $0xFFFFF9C0  }
0x3fa: {  	_ =	swait.ge [sflag:s10], $0x640  }
0x3fb: {  	[sflag:s10] =	ssyncset.done $0x0  }
0x3fc: {  	[sflag:s10] =	ssyncadd.s32 $0xFFFFF9C0  }
0x3fd: {  	_ =	swait.ge [sflag:s10], $0x640  }
0x3fe: {  	[sflag:s10] =	ssyncset.done $0x0  }
0x3ff: {  	[sflag:s10] =	ssyncadd.s32 $0xFFFFF9C0  }
0x400: {  	_ =	swait.ge [sflag:s10], $0x640  }
0x401: {  	[sflag:s10] =	ssyncset.done $0x0  }
0x402: {  	[sflag:s10] =	ssyncadd.s32 $0xFFFFF9C0  }
0x403: {  	_ =	swait.ge [sflag:s10], $0x640  }
0x404: {  	[sflag:s10] =	ssyncset.done $0x0  }
0x405: {  	[sflag:s10] =	ssyncadd.s32 $0xFFFFF9C0  }
0x406: {  	_ =	swait.ge [sflag:s10], $0x640  }
0x407: {  	[sflag:s10] =	ssyncset.done $0x0  }
0x408: {  	[sflag:s10] =	ssyncadd.s32 $0xFFFFF9C0  }
0x409: {  	_ =	swait.ge [sflag:s10], $0x640  }
0x40a: {  	[sflag:s10] =	ssyncset.done $0x0  }
0x40b: {  	[sflag:s10] =	ssyncadd.s32 $0xFFFFF9C0  }
0x40c: {  	_ =	swait.ge [sflag:s10], $0x640  }
0x40d: {  	[sflag:s10] =	ssyncset.done $0x0  }
0x40e: {  	[sflag:s10] =	ssyncadd.s32 $0xFFFFF9C0  }
0x40f: {  	_ =	swait.ge [sflag:s10], $0x640  }
0x410: {  	[sflag:s10] =	ssyncset.done $0x0  }
0x411: {  	[sflag:s10] =	ssyncadd.s32 $0xFFFFF9C0  }
0x412: {  	_ =	swait.ge [sflag:s10], $0x640  }
0x413: {  	[sflag:s10] =	ssyncset.done $0x0  }
0x414: {  	[sflag:s10] =	ssyncadd.s32 $0xFFFFF9C0  }
0x415: {  	_ =	swait.ge [sflag:s10], $0x640  }
0x416: {  	[sflag:s10] =	ssyncset.done $0x0  }
0x417: {  	[sflag:s10] =	ssyncadd.s32 $0xFFFFF9C0  }
0x418: {  	_ =	swait.ge [sflag:s10], $0x640  }
0x419: {  	[sflag:s10] =	ssyncset.done $0x0  }
0x41a: {  	[sflag:s10] =	ssyncadd.s32 $0xFFFFF9C0  }
0x41b: {  	_ =	swait.ge [sflag:s10], $0x640  }
0x41c: {  	[sflag:s10] =	ssyncset.done $0x0  }
0x41d: {  	s14 =	sadd.s32 $0x1, s14;
	s31 =	sadd.s32 $0x1900, s15;
	[sflag:s10] =	ssyncadd.s32 $0xFFFFF9C0  }
0x41e: {  	[hbm4b:s31+s1] =	stream.linear.scatter [tilespmem:s11], [sflag:$0x3], $0xC800, $0x38;
	v63 =	vld [tilespmem:$0x0]  }
0x41f: {  	p0 =	sne.s32 s14, s5;
	_ =	swait.ge [sflag:s12], $0xC800  }
.Ltmp1:
0x420: {  	[sflag:s12] =	ssyncset.done $0x0;
	(pc) =	sbr.rel @p0 .LBB2_1-.Ltmp1, $4  }
0x421: {  	[sflag:s12] =	ssyncadd.s32 $0xFFFF3800  }
0x422: {  	_ =	swait.ge [sflag:s13], $0xC800  }
0x423: {  	[sflag:s13] =	ssyncset.done $0x0  }
0x424: {  	[sflag:s13] =	ssyncadd.s32 $0xFFFF3800  }
0x425: {  	_ =	sfence.sel $0x180000  }
0x426: {  	[bflag:$0x0] =	sbarrier.arrive $0xFFFF  }
0x427: {  	p0 =	sne.s32 s2, $0x0;
	_ =	strace $0x90000047  }
0x428: {  	s0 =	sadd.s32 @!p0 $0x100000, s0;
	[bflag:$0x2] =	sbarrier.arrive $0xFFFF  }
0x429: {  	[sflag:s0] =	ssyncadd.tile.s32 @!p0 $0x1;
	_ =	shalt  }
.Lfunc_end2:
_tile_overlayer_lowered:
.L_overlay_start_2:
0x42a: {  	(tag) =	ssettag $0x2  }
0x42b: {  	s0 =	rddreg [dreg:$0x0];
	s2 =	stileid.u32  }
0x42c: {  	s1 =	rddreg [dreg:$0x1];
	p0 =	sne.s32 s2, $0x0  }
0x42d: {  	s3 =	rddreg [dreg:$0x2];
	[bflag:$0x3] =	sbarrier.arrive $0xFFFF;
	s2 =	simm.s32 @!p0 $0x1C04  }
0x42e: {  	[timem:s3], [sflag:s2] =	dma.local @!p0 [hbm:s0], s1  }
0x42f: {  	s0 =	simm.s32 @!p0 $0x4  }
0x430: {  	_ =	swait.ge @!p0 [sflag:s0], s1  }
0x431: {  	s1 =	ssub.s32 @!p0 $0x0, s1;
	[sflag:s0] =	ssyncset.done @!p0 $0x0  }
0x432: {  	[sflag:s0] =	ssyncadd.s32 @!p0 s1  }
0x433: {  	[bflag:$0x3] =	sbarrier.arrive $0xFFFF  }
0x434: {  	_ =	shalt  }

// kernel: sparse-core-data-format-call.cloned.1.call-start
scs
called_computation_lowered:
.L_overlay_start_0:
0x0: {  	s2 =	sld [smem:$0x3FD9]  }
0x1: {  	s3 =	sld [smem:$0x3FFE];
	_ =	sdelay $0x1  }
0x2: {  	s1 =	srdreg.scid  }
0x3: {  	s0 =	sand.u32 $0x1, s1  }
0x4: {  	s18 =	sshll.u32 s0, $0xA;
	s2 =	sadd.s32 s3, s2  }
0x5: {  	s2 =	sadd.s32 s2, s18  }
0x6: {  	[smem:$0x3FC6] =	sst s2  }
0x7: {  	_ = 	snop  }
0x8: {  	s2 =	sld [smem:$0x3FD0];
	(tm) =	ssettm $0x1  }
0x9: {  	s19 =	sld [smem:$0x3FFB];
	_ =	sdelay $0x3  }
0xa: {  	_ =	strace s19  }
0xb: {  	s3 =	sld [smem:$0x3FFC];
	_ =	sdelay $0x3  }
0xc: {  	_ =	strace s3  }
0xd: {  	s3 =	sld [smem:$0x3FFD];
	_ =	sdelay $0x3  }
0xe: {  	_ =	strace s3  }
0xf: {  	_ =	strace $0x8FFFFFFF  }
0x10: {  	s20 =	sld [smem:$0x3FDB];
	_ =	sdelay $0x1  }
0x11: {  	s4 =	simm.s32 $_scs_section_size  }
0x12: {  	s5 =	simm.s32 $_size__tile_overlayer_lowered;
	s6 =	simm.s32 $_tile_overlayer_lowered  }
0x13: {  	s23 =	simm.s32 $0x1BFF;
	s22 =	sshll.u32 s6, $0x1;
	s3 =	sadd.s32 s4, s20  }
0x14: {  	s7 =	simm.s32 $0x0;
	s21 =	sshll.u32 s5, $0x1;
	s5 =	sadd.s32 s22, s3  }
0x15: {  	[timem:s7], [sflag:s23] =	dma.local [hbm:s5], s21  }
0x16: {  	_ =	swait.ge [sflag:s23], s21  }
0x17: {  	s4 =	ssub.s32 $0x0, s21;
	[sflag:s23] =	ssyncset.done $0x0  }
0x18: {  	[sflag:s23] =	ssyncadd.s32 s4;
	_ =	sdelay $0x1  }
0x19: {  	s24 =	simm.s32 $0x1B8B  }
0x1a: {  	_ =	swait.ge [sflag:s24], $0x1  }
0x1b: {  	[sflag:s24] =	ssyncset.done $0x0  }
0x1c: {  	s26 =	simm.s32 $0x1B8E;
	s25 =	sld [smem:$0x3FFE];
	[sflag:s24] =	ssyncadd.s32 $0xFFFFFFFF  }
0x1d: {  	s27 =	simm.s32 $execute0_lowered;
	[smem:$0x3FD2] =	sst s26  }
0x1e: {  	s5 =	sshll.u32 s27, $0x1;
	_ =	strace $0x80000049;
	[dreg:$0x1] =	wrdreg $0xFFFFFFFF  }
0x1f: {  	s28 =	simm.s32 $_size_execute0_lowered;
	s3 =	sadd.s32 s3, s5;
	[dreg:$0x0] =	wrdreg $0x0  }
0x20: {  	s5 =	sshll.u32 s28, $0x1;
	[dreg:$0x2] =	wrdreg s3  }
0x21: {  	[dreg:$0x3] =	wrdreg s5  }
0x22: {  	[dreg:$0x4] =	wrdreg $0xC0  }
0x23: {  	_ =	task [dreg:s7], $0x5FFFF  }
0x24: {  	[dreg:$0x1] =	wrdreg $0xFFFFFFFF  }
0x25: {  	[dreg:$0x0] =	wrdreg $0x60  }
0x26: {  	[dreg:$0x2] =	wrdreg s25  }
0x27: {  	[dreg:$0x3] =	wrdreg s2  }
0x28: {  	[dreg:$0x4] =	wrdreg $0x9  }
0x29: {  	_ =	task.clear_ibuf [dreg:s7], $0x5FFFF;
	_ =	strace $0x90000049  }
0x2a: {  	s29 =	simm.s32 $0x9;
	_ =	strace $0x8000004B  }
0x2b: {  	_ =	swait.ge [sflag:s29], $0x1  }
0x2c: {  	[sflag:s29] =	ssyncadd.s32 $0xFFFFFFFF  }
0x2d: {  	_ =	strace $0x9000004B  }
0x2e: {  	_ =	sfence  }
0x2f: {  	s30 =	sld [smem:$0x0];
	_ =	sdelay $0x2  }
0x30: {  	s31 =	sshll.u32 s1, $0xD;
	s1 =	sshrl.u32 s1, $0x2  }
0x31: {  	s3 =	sand.u32 $0x4000, s31;
	s1 =	sadd.s32 s1, s30  }
0x32: {  	s0 =	sor.u32 s3, s0;
	s1 =	sshll.u32 s1, $0x11  }
0x33: {  	s0 =	sor.u32 s1, s0  }
0x34: {  	s0 =	sadd.s32 $0x8F2B, s0  }
0x35: {  	[sflag:s0] =	ssyncadd.remote.s32 $0x1  }
0x36: {  	_ =	sfence.sel $0xFFFF  }
0x37: {  	[dreg:$0x0] =	wrdreg $0xFFFFFFFF;
	(pc) =	sbr.abs _section_cstart, $3  }
0x38: {  	[dreg:$0x1] =	wrdreg $0xFFFFFFFF  }
0x39: {  	_ =	task.clear_ibuf [dreg:s7], $0x2FFFF;
	_ =	strace $0x9FFFFFFF  }
0x3a: {  	(tm) =	ssettm $0x7FFFFFFF  }
0x3b: {  	_ =	shalt  }
tec
execute0_lowered:
.L_overlay_start_1:
0x0: {  	(tag) =	ssettag $0x1  }
0x1: {  	s0 =	srdreg.scid  }
0x2: {  	s1 =	sshll.u32 s0, $0x4  }
0x3: {  	s0 =	stileid.u32;
	s1 =	sand.u32 $0x10, s1  }
0x4: {  	s1 =	sor.u32 s0, s1  }
0x5: {  	s6 =	rddreg [dreg:$0x0];
	s4 =	simm.s32 $0x1;
	s2 =	sshll.u32 s1, $0x7  }
0x6: {  	s7 =	simm.s32 $0x2;
	s12 =	simm.s32 $0x0;
	s1 =	ssub.s32 $0x4000, s2  }
0x7: {  	s8 =	simm.s32 $0x20000;
	s13 =	simm.s32 $0x0;
	s3 =	sand.u32 $0xF80, s1  }
0x8: {  	s9 =	simm.s32 $0x0;
	s5 =	sshrl.u32 s1, $0xC;
	p0 =	sne.s32 s3, $0x0  }
.Ltmp0:
0x9: {  	s1 =	rddreg [dreg:$0x2];
	s4 =	simm.s32 @!p0 $0x0;
	(pc) =	sbr.rel .LBB1_1-.Ltmp0, $4  }
0xa: {  	s11 =	simm.s32 $0x0;
	s3 =	rddreg [dreg:$0x1];
	s5 =	sadd.s32 s4, s5  }
0xb: {  	_ =	strace $0x8000004A;
	s4 =	simm.s32 $0x1;
	s5 =	smul.u32 $0x32, s5  }
0xc: {  	s6 =	sadd.s32 $0xA00, s6;
	s10 =	smov.u32 s2;
	[sflag:s4] =	ssyncpa.u1 $0x0  }
0xd: {  	p0 =	por $0x0, $0x0;
	[sflag:s7] =	ssyncpa.u1 $0x0;
	s7 =	sor.u32 $0x1, s5  }
.LBB1_4:
0xe: {  	s16 =	sshll.u32 s13, $0x3;
	s17 =	sand.u32 $0x78, s13  }
0xf: {  	s30 =	sand.u32 $0xF800, s13;
	s12 =	sshll.u32 s12, $0x10;
	s16 =	sand.u32 $0x3C00, s16  }
0x10: {  	s31 =	sand.u32 $0x7, s13;
	s16 =	sor.u32 s17, s16;
	s17 =	sadd.s32 s3, s30  }
0x11: {  	s13 =	sshll.u32 s31, $0x12;
	s16 =	sshrl.u32 s16, $0x3;
	s12 =	sadd.s32 s12, s17  }
0x12: {  	[tilespmem:s15+$0x0 ss:$0x81] =	vst.msk $0xffff, v0;
	s13 =	sor.u32 $0x400, s13;
	s12 =	sadd.s32 s16, s12  }
0x13: {  	[hbm4b:s12+s13] =	stream.strided.scatter [tilespmem:s14], [sflag:$0x2], $0x1000, s8, s13, $0x20;
	[tilespmem:$0x4040] =	vst v63  }
.LBB1_5:
0x14: {  	s14 =	sadd.s32 $0x1, s9  }
0x15: {  	s12 =	sadd.s32 $0x1000, s10;
	s16 =	smov.u32 s10;
	p2 =	sgt.s32 s14, $0x31  }
0x16: {  	s16 =	smov.u32 @p2 s12  }
0x17: {  	s14 =	simm.s32 @p2 $0x0;
	p2 =	sgt.s32 s16, $0x3FFF  }
0x18: {  	s16 =	smov.u32 @p2 s2;
	p2 =	sne.s32 s11, s7  }
.Ltmp1:
0x19: {  	p1 =	slt.u32 s11, $0x2;
	(pc) =	sbr.rel @!p2 .LBB1_6-.Ltmp1, $4  }
0x1a: {  	s15 =	simm.s32 @!p1 $0x2  }
0x1b: {  	s13 =	smov.u32 s10;
	p0 =	por !p0, !p0;
	_ =	swait.ge @!p1 [sflag:s15], $0x1000  }
0x1c: {  	s12 =	smov.u32 s9;
	[sflag:s15] =	ssyncset.done @!p1 $0x0;
	s9 =	smov.u32 s14  }
0x1d: {  	s11 =	sadd.s32 $0x1, s11;
	[sflag:s15] =	ssyncadd.s32 @!p1 $0xFFFFF000;
	s10 =	smov.u32 s16  }
.LBB1_1:
0x1e: {  	p1 =	sge.u32 s11, s5  }
0x1f: {  	s14 =	sand.u32 @!p1 $0x1FFFFFF, s9  }
0x20: {  	s15 =	smulhi.u32 @!p1 $0x4924925, s14;
	_ =	sdelay $0x1  }
0x21: {  	s15 =	smul.u32 @!p1 $0x38, s15  }
0x22: {  	s16 =	sxor.u32 @!p1 $0xFFFFFFFF, s11;
	s17 =	smul.u32 @!p1 $0x380, s10  }
0x23: {  	s31 =	sadd.s32 $0xFFFFFFFF, s11;
	s16 =	sshll.u32 @!p1 s16, $0xC;
	s14 =	ssub.s32 @!p1 s14, s15  }
0x24: {  	s15 =	sand.u32 @!p1 $0x1000, s16;
	s16 =	sadd.s32 @!p1 s6, s17;
	s14 =	sshll.u32 @!p1 s14, $0x4  }
0x25: {  	s17 =	simm.s32 @!p1 $0x1C00;
	s14 =	sadd.s32 @!p1 s14, s16;
	s16 =	simm.s32 @!p1 $0x20  }
0x26: {  	[tilespmem:s15], [sflag:$0x1] =	stream.strided.gather @!p1 [hbm4b:s14+s16], $0x1000, s17, s16, $0x38;
	[tilespmem:$0x4040] =	vst v63  }
0x27: {  	p1 =	sge.u32 s31, s5  }
.Ltmp2:
0x28: {  	_ = 	snop;
	(pc) =	sbr.rel @p1 .LBB1_5-.Ltmp2, $1  }
0x29: {  	_ =	sdelay $0x3  }
0x2a: {  	s14 =	simm.s32 $0x1  }
0x2b: {  	_ =	swait.ge [sflag:s4], $0x1000;
	s14 =	simm.s32 @!p0 $0x0  }
0x2c: {  	[sflag:s4] =	ssyncset.done $0x0;
	s15 =	sshll.u32 s14, $0xC  }
0x2d: {  	[sflag:s4] =	ssyncadd.s32 $0xFFFFF000;
	s18 =	sor.u32 $0x10, s15  }
0x2e: {  	s14 =	smul.u32 $0x4080, s14;
	v1 =	vld [tilespmem:s18+$0x0]  }
0x2f: {  	s30 =	sand.u32 $0x1, s11;
	v0 =	vld [tilespmem:s18+$0xFFFFFFF0]  }
0x30: {  	s15 =	smul.u32 $0x4080, s30;
	s14 =	sshrl.u32 s14, $0x2  }
0x31: {  	s16 =	sor.u32 $0x2000, s14  }
0x32: {  	s31 =	sshrl.u32 s15, $0x2;
	s15 =	sadd.s32 $0x0, s16  }
0x33: {  	s17 =	simm.s32 $0x4;
	s18 =	sadd.s32 $0x20, s18;
	s14 =	sor.u32 $0x2000, s31;
	[tilespmem:s15+$0x810 ss:$0x81] =	vst.msk $0xffff, v1  }
.LBB1_3:
0x34: {  	v1 =	vld [tilespmem:s18+$0x0];
	p1 =	sne.s32 s17, $0x1FC;
	[tilespmem:s15+$0x0 ss:$0x81] =	vst.msk $0xffff, v0;
	s15 =	smov.u32 s17;
	s17 =	sadd.s32 $0x4, s17  }
.Ltmp3:
0x35: {  	v0 =	vld [tilespmem:s18+$0xFFFFFFF0];
	(pc) =	sbr.rel @p1 .LBB1_3-.Ltmp3, $4  }
0x36: {  	_ = 	snop  }
0x37: {  	s15 =	sshra.s32 s15, $0x2  }
0x38: {  	s15 =	sadd.s32 s15, s16  }
0x39: {  	s18 =	sadd.s32 $0x20, s18;
	[tilespmem:s15+$0x810 ss:$0x81] =	vst.msk $0xffff, v1  }
.Ltmp4:
0x3a: {  	_ = 	snop;
	(pc) =	sbr.rel .LBB1_4-.Ltmp4, $1  }
0x3b: {  	_ =	sdelay $0x3  }
.LBB1_6:
0x3c: {  	_ =	sfence.sel $0x180000  }
0x3d: {  	s2 =	simm.s32 $0x1;
	[bflag:$0x0] =	sbarrier.arrive $0xFFFF  }
0x3e: {  	s31 =	simm.s32 $0x2;
	[sflag:s2] =	ssyncpa.u1 $0x1  }
0x3f: {  	[sflag:s31] =	ssyncpa.u1 $0x1  }
0x40: {  	p0 =	sne.s32 s0, $0x0;
	_ =	strace $0x9000004A  }
0x41: {  	s0 =	sadd.s32 @!p0 $0x100000, s1;
	[bflag:$0x2] =	sbarrier.arrive $0xFFFF  }
0x42: {  	[sflag:s0] =	ssyncadd.tile.s32 @!p0 $0x1;
	_ =	shalt  }
.Lfunc_end1:
_tile_overlayer_lowered:
.L_overlay_start_2:
0x43: {  	(tag) =	ssettag $0x2  }
0x44: {  	s0 =	rddreg [dreg:$0x0];
	s2 =	stileid.u32  }
0x45: {  	s1 =	rddreg [dreg:$0x1];
	p0 =	sne.s32 s2, $0x0  }
0x46: {  	s3 =	rddreg [dreg:$0x2];
	[bflag:$0x3] =	sbarrier.arrive $0xFFFF;
	s2 =	simm.s32 @!p0 $0x1C01  }
0x47: {  	[timem:s3], [sflag:s2] =	dma.local @!p0 [hbm:s0], s1  }
0x48: {  	s0 =	simm.s32 @!p0 $0x1  }
0x49: {  	_ =	swait.ge @!p0 [sflag:s0], s1  }
0x4a: {  	s1 =	ssub.s32 @!p0 $0x0, s1;
	[sflag:s0] =	ssyncset.done @!p0 $0x0  }
0x4b: {  	[sflag:s0] =	ssyncadd.s32 @!p0 s1  }
0x4c: {  	[bflag:$0x3] =	sbarrier.arrive $0xFFFF  }
0x4d: {  	_ =	shalt  }

</sc_bundles>
